<compile_context>
chip_gen: v7x
topology: tpu7x:2x2x1
jax: 0.10.2.dev20260603
libtpu: 0.0.44.dev20260713+nightly
codegen_flags: <defaults>
</compile_context>

<pallas_src>
import functools

import jax
from jax import lax
import jax.numpy as jnp
from jax.experimental import pallas as pl
from jax.experimental.pallas import tpu as pltpu
from jax.experimental.pallas import tpu_sc as plsc

_D_MODEL = 1024
_D_FFN = 2048
_N_EXP = 8
_NELT = _D_FFN * _D_MODEL
_K1 = _NELT // 2 - 1


def _f2i(x):
    return jax.lax.bitcast_convert_type(x, jnp.int32)


def _i2f(x):
    return jax.lax.bitcast_convert_type(x, jnp.float32)


def _median_body(warm_ref, w_ref, a_ref, ab_ref, prev_ref):
    e = pl.program_id(0)
    ab_ref[...] = jnp.abs(w_ref[0])
    nchain = 8
    rows = _D_FFN // nchain
    k = jnp.int32(_K1)

    def parts():
        return [ab_ref[pl.ds(j * rows, rows), :] for j in range(nchain)]

    def _tree(vals, op):
        while len(vals) > 1:
            vals = [op(vals[i], vals[i + 1]) if i + 1 < len(vals) else vals[i]
                    for i in range(0, len(vals), 2)]
        return vals[0]

    def _treemap(fns, ps):
        outs = []
        for fn, comb in fns:
            outs.append(_tree([fn(p) for p in ps], comb))
        return outs

    def count_lt(tf):
        return _tree([jnp.sum((p < tf).astype(jnp.int32)) for p in parts()],
                     jnp.add)

    warm = jnp.where(e == 0, warm_ref[0], prev_ref[0])
    mn, mx, c0 = _treemap(
        [(jnp.min, jnp.minimum), (jnp.max, jnp.maximum),
         (lambda p: jnp.sum((p < warm).astype(jnp.int32)), jnp.add)],
        parts())
    t0 = _f2i(warm)
    take0 = c0 <= k
    lo = jnp.where(take0, t0, _f2i(mn))
    cl = jnp.where(take0, c0, jnp.int32(0))
    hi = jnp.where(take0, _f2i(mx) + 1, t0)
    ch = jnp.where(take0, jnp.int32(_NELT), c0)
    sig = mx * jnp.float32(1.0 / 5.2)

    def cond(carry):
        lo_, hi_, cl_, ch_, _, _, _ = carry
        return (hi_ - lo_ > 1) & (cl_ != k) & (ch_ != k + 1)

    def body(carry):
        lo_, hi_, cl_, ch_, tp, cp, it = carry
        t_newton = _f2i(_i2f(tp) + (k.astype(jnp.float32) + 0.5
                                    - cp.astype(jnp.float32))
                        * sig * jnp.float32(1.0 / (0.635 * _NELT)))
        fl = _i2f(lo_)
        fh = _i2f(hi_)
        frac = (k.astype(jnp.float32) + 0.5 - cl_.astype(jnp.float32)) / (
            ch_.astype(jnp.float32) - cl_.astype(jnp.float32))
        t_interp = _f2i(fl + (fh - fl) * frac)
        t_bisect = lo_ + (hi_ - lo_) // 2
        t = jnp.where(it == 1, t_newton,
                      jnp.where((it < 12) | (it % 2 == 0),
                                t_interp, t_bisect))
        t = jnp.clip(t, lo_ + 1, hi_ - 1)
        c = count_lt(_i2f(t))
        take = c <= k
        return (jnp.where(take, t, lo_), jnp.where(take, hi_, t),
                jnp.where(take, c, cl_), jnp.where(take, ch_, c),
                t, c, it + 1)

    lo, hi, cl, ch, _, _, _ = jax.lax.while_loop(
        cond, body, (lo, hi, cl, ch, t0, c0, jnp.int32(1)))

    def eqcnt_min2(fa):
        return _treemap(
            [(lambda p: jnp.sum((p == fa).astype(jnp.int32)), jnp.add),
             (lambda p: jnp.min(jnp.where(p > fa, p, jnp.inf)), jnp.minimum)],
            parts())

    def case_a():
        m1 = _tree([jnp.min(jnp.where(p >= _i2f(lo), p, jnp.inf))
                    for p in parts()], jnp.minimum)
        cnt_eq, m2 = eqcnt_min2(m1)
        return m1, jnp.where(cnt_eq >= 2, m1, m2)

    def case_b():
        fh = _i2f(hi)
        m_lt, m_ge = _treemap(
            [(lambda p: jnp.max(jnp.where(p < fh, p, -jnp.inf)), jnp.maximum),
             (lambda p: jnp.min(jnp.where(p >= fh, p, jnp.inf)), jnp.minimum)],
            parts())
        return m_lt, m_ge

    def case_c():
        fa = _i2f(lo)
        cnt_eq, m2 = eqcnt_min2(fa)
        c_le = cl + cnt_eq
        return fa, jnp.where(c_le >= k + 2, fa, m2)

    fa, fb = jax.lax.cond(
        cl == k, case_a, lambda: jax.lax.cond(ch == k + 1, case_b, case_c))
    prev_ref[0] = fa
    a_ref[e] = (fa + fb) * 0.5


def _alphas(w, warm):
    return pl.pallas_call(
        _median_body,
        grid=(_N_EXP,),
        in_specs=[
            pl.BlockSpec(memory_space=pltpu.SMEM),
            pl.BlockSpec((1, _D_FFN, _D_MODEL), lambda e: (e, 0, 0)),
        ],
        out_specs=pl.BlockSpec((_N_EXP,), lambda e: (0,),
                               memory_space=pltpu.SMEM),
        out_shape=jax.ShapeDtypeStruct((_N_EXP,), jnp.float32),
        scratch_shapes=[pltpu.VMEM((_D_FFN, _D_MODEL), jnp.float32),
                        pltpu.SMEM((1,), jnp.float32)],
    )(jnp.reshape(warm, (1,)).astype(jnp.float32), w)


def _quant(w, a):
    return jnp.where(w > a, 1.0, jnp.where(w < -a, -1.0, 0.0))


def _logits_body(x_ref, wr_ref, out_ref):
    out_ref[...] = jax.lax.dot_general(
        wr_ref[...], x_ref[...], (((1,), (1,)), ((), ())),
        preferred_element_type=jnp.float32)


def _logitsT(xf, Wr):
    s = xf.shape[0]
    return pl.pallas_call(
        _logits_body,
        out_shape=jax.ShapeDtypeStruct((_N_EXP, s), jnp.float32),
    )(xf, Wr)


_SC_NC = 2
_SC_NS = 16
_SC_L = 16


def _router_sc(logitsT):
    s = logitsT.shape[1]
    per = s // (_SC_NC * _SC_NS)
    mesh = plsc.VectorSubcoreMesh(core_axis_name="c", subcore_axis_name="s")

    @functools.partial(
        pl.kernel, mesh=mesh,
        out_type=jax.ShapeDtypeStruct((_N_EXP, s), jnp.float32),
        scratch_types=[pltpu.VMEM((_N_EXP, per), jnp.float32),
                       pltpu.VMEM((_N_EXP, per), jnp.float32)],
    )
    def body(l_hbm, o_hbm, lv, cv):
        wid = lax.axis_index("s") * _SC_NC + lax.axis_index("c")
        base = wid * per
        for e in range(_N_EXP):
            pltpu.sync_copy(l_hbm.at[e, pl.ds(base, per)], lv.at[e])
        v = [lv[e] for e in range(_N_EXP)]
        m1 = v[0]
        for e in range(1, _N_EXP):
            m1 = jnp.maximum(m1, v[e])
        i1 = jnp.full((_SC_L,), _N_EXP - 1, jnp.int32)
        for e in range(_N_EXP - 2, -1, -1):
            i1 = jnp.where(v[e] == m1, jnp.int32(e), i1)
        neg = jnp.full((_SC_L,), -jnp.inf, jnp.float32)
        rest = [jnp.where(i1 == e, neg, v[e]) for e in range(_N_EXP)]
        m2 = rest[0]
        for e in range(1, _N_EXP):
            m2 = jnp.maximum(m2, rest[e])
        i2 = jnp.full((_SC_L,), _N_EXP - 1, jnp.int32)
        for e in range(_N_EXP - 2, -1, -1):
            i2 = jnp.where(rest[e] == m2, jnp.int32(e), i2)
        r = jnp.exp(m2 - m1)
        s1 = 1.0 / (1.0 + r)
        s2 = r * s1
        zero = jnp.zeros((_SC_L,), jnp.float32)
        for e in range(_N_EXP):
            cv[e] = jnp.where(i1 == e, s1, jnp.where(i2 == e, s2, zero))
        for e in range(_N_EXP):
            pltpu.sync_copy(cv.at[e], o_hbm.at[e, pl.ds(base, per)])

    return body(logitsT)


def _ffn_body(alpha_ref, x_ref, coef_ref, wg_ref, wu_ref, wd_ref, out_ref):
    e = pl.program_id(0)
    f = pl.program_id(1)
    xv = x_ref[...]
    s = xv.shape[0]

    ag = alpha_ref[0, e]
    au = alpha_ref[1, e]
    ad = alpha_ref[2, e]
    qg = _quant(wg_ref[0], ag)
    qu = _quant(wu_ref[0], au)
    qd = _quant(wd_ref[0], ad)
    g = jax.lax.dot_general(xv, qg, (((1,), (1,)), ((), ())),
                            preferred_element_type=jnp.float32)
    u = jax.lax.dot_general(xv, qu, (((1,), (1,)), ((), ())),
                            preferred_element_type=jnp.float32)
    h = g * jax.nn.sigmoid(g) * u
    o = jax.lax.dot_general(h, qd, (((1,), (1,)), ((), ())),
                            preferred_element_type=jnp.float32)
    ids8 = jax.lax.broadcasted_iota(jnp.int32, (s, _N_EXP), 1)
    ce = jnp.sum(jnp.where(ids8 == e, coef_ref[...], 0.0), axis=1,
                 keepdims=True)

    @pl.when((e == 0) & (f == 0))
    def _init():
        out_ref[...] = jnp.zeros_like(out_ref)

    out_ref[...] += o * ce


def _moe_ffn(xf, coef, Wg, Wu, Wd, alphas):
    s = xf.shape[0]
    fsplit = 2
    fb = _D_FFN // fsplit
    return pl.pallas_call(
        _ffn_body,
        grid=(_N_EXP, fsplit),
        in_specs=[
            pl.BlockSpec(memory_space=pltpu.SMEM),
            pl.BlockSpec((s, _D_MODEL), lambda e, f: (0, 0)),
            pl.BlockSpec((s, _N_EXP), lambda e, f: (0, 0)),
            pl.BlockSpec((1, fb, _D_MODEL), lambda e, f: (e, f, 0)),
            pl.BlockSpec((1, fb, _D_MODEL), lambda e, f: (e, f, 0)),
            pl.BlockSpec((1, _D_MODEL, fb), lambda e, f: (e, 0, f)),
        ],
        out_specs=pl.BlockSpec((s, _D_MODEL), lambda e, f: (0, 0)),
        out_shape=jax.ShapeDtypeStruct((s, _D_MODEL), jnp.float32),
    )(alphas, xf, coef, Wg, Wu, Wd)


def kernel(x, Wr, Wg, Wu, Wd):
    B, T, D = x.shape
    xf = x.reshape(-1, D)
    coefT = _router_sc(_logitsT(xf, Wr))
    ag = _alphas(Wg, jnp.float32(0.6745 * 1.5 / 32.0))
    au = _alphas(Wu, ag[-1])
    ad = _alphas(Wd.reshape(_N_EXP, _D_FFN, _D_MODEL),
                 au[-1] * jnp.float32(0.70710678))
    alphas = jnp.stack([ag, au, ad])
    out = _moe_ffn(xf, coefT.T, Wg, Wu, Wd, alphas)
    return out.reshape(B, T, D)

# --- scband reference (transcript-rebuilt; emitter-appended) ---
"""Pipeline reference for scband-mo-effn-19241453486275 (READ-ONLY COPY).

The authoritative reference and input builder live on the scoring server;
editing this copy changes nothing except your own understanding.
"""

import jax, jax.numpy as jnp
import numpy as np

D_MODEL = 1024
D_FFN = 2048
N_EXPERTS = 8
TOP_K = 2

@jax.custom_vjp
def ternary_quantize(w):
    alpha = jnp.median(jnp.abs(w))
    return jnp.where(w > alpha, jnp.ones_like(w), jnp.where(w < -alpha, -jnp.ones_like(w), jnp.zeros_like(w)))

def _tq_fwd(w):
    alpha = jnp.median(jnp.abs(w))
    out = jnp.where(w > alpha, jnp.ones_like(w), jnp.where(w < -alpha, -jnp.ones_like(w), jnp.zeros_like(w)))
    return out, (w, alpha)

def _tq_bwd(res, g):
    w, alpha = res
    mask = (jnp.abs(w) < 1.5 * alpha).astype(g.dtype)
    return (g * mask,)

ternary_quantize.defvjp(_tq_fwd, _tq_bwd)

def silu(x):
    return x * jax.nn.sigmoid(x)

def ternary_glu(x, wg, wu, wd):
    g = x @ ternary_quantize(wg).T
    u = x @ ternary_quantize(wu).T
    return (silu(g) * u) @ ternary_quantize(wd).T

def setup_inputs(seed: int = 0):
    key = jax.random.key(seed)
    ks = jax.random.split(key, 6)
    x = jax.random.normal(ks[0], (32, 16, D_MODEL), dtype=jnp.float32)
    Wr = jax.random.normal(ks[1], (N_EXPERTS, D_MODEL), dtype=jnp.float32) * (1.0 / np.sqrt(D_MODEL))
    Wg = jax.random.normal(ks[2], (N_EXPERTS, D_FFN, D_MODEL), dtype=jnp.float32) * (1.5 / np.sqrt(D_MODEL))
    Wu = jax.random.normal(ks[3], (N_EXPERTS, D_FFN, D_MODEL), dtype=jnp.float32) * (1.5 / np.sqrt(D_MODEL))
    Wd = jax.random.normal(ks[4], (N_EXPERTS, D_MODEL, D_FFN), dtype=jnp.float32) * (1.5 / np.sqrt(D_FFN))
    return {"x": x, "Wr": Wr, "Wg": Wg, "Wu": Wu, "Wd": Wd}

def reference(x, Wr, Wg, Wu, Wd):
    B, T, D = x.shape
    x_flat = x.reshape(-1, D)
    logits = x_flat @ Wr.T
    scores = jax.nn.softmax(logits, axis=-1)
    topk_scores, topk_idx = jax.lax.top_k(scores, TOP_K)
    topk_scores = topk_scores / jnp.sum(topk_scores, axis=-1, keepdims=True)
    expert_outs = [ternary_glu(x_flat, Wg[e], Wu[e], Wd[e]) for e in range(N_EXPERTS)]
    output = jnp.zeros_like(x_flat)
    for k in range(TOP_K):
        eidx = topk_idx[:, k]
        w = topk_scores[:, k][:, None]
        for e in range(N_EXPERTS):
            mask = (eidx == e).astype(x.dtype)[:, None]
            output = output + mask * w * expert_outs[e]
    return output.reshape(B, T, D)

if __name__ == "__main__":
    import jax
    _d = setup_inputs()
    print(jax.jit(kernel)(*tuple(_d.values())))

</pallas_src>

<mosaic_0001>
#map = affine_map<(d0, d1) -> (0, 0)>
module attributes {stable_mosaic.version = 14 : i64} {
  func.func @body(%arg0: i32, %arg1: i32, %arg2: memref<8x512xf32, #tpu.memory_space<hbm>>, %arg3: memref<8x512xf32, #tpu.memory_space<hbm>>, %arg4: memref<8x16xf32, #tpu.memory_space<vmem>>, %arg5: memref<8x16xf32, #tpu.memory_space<vmem>>) attributes {dimension_semantics = [#tpu.dimension_semantics<core_parallel>, #tpu.dimension_semantics<subcore_parallel>], iteration_bounds = array<i64: 2, 16>, scalar_prefetch = 0 : i64, scratch_operands = 2 : i64, tpu.core_type = #tpu.core_type<sc_vector_subcore>, window_params = [{transform_indices = #map}, {transform_indices = #map}]} {
    %mul3A = arith.constant 2 : i32
    %mul3A_0 = arith.muli %arg1, %mul3A : i32
    %add3A = arith.addi %mul3A_0, %arg0 : i32
    %mul3A_1 = arith.constant 16 : i32
    %mul3A_2 = arith.muli %add3A, %mul3A_1 : i32
    %run_scoped3A = arith.constant 0 : i32
    %run_scoped3A_3 = arith.constant 0 : i32
    "tpu.region"() ({
      %run_scoped3A_295 = tpu.sem_alloc : memref<!tpu.dma_semaphore, #tpu.memory_space<semaphore_mem>>
      %dma_start3A = arith.constant 0 : i32
      %dma_start3A_296 = tpu.memref_slice %arg4[%run_scoped3A_3, %dma_start3A] : memref<8x16xf32, #tpu.memory_space<vmem>> -> memref<1x16xf32, #tpu.memory_space<vmem>>
      %dma_start3A_297 = tpu.memref_squeeze %dma_start3A_296 : memref<1x16xf32, #tpu.memory_space<vmem>> -> memref<16xf32, #tpu.memory_space<vmem>>
      %dma_start3A_298 = tpu.memref_slice %arg2[%run_scoped3A, %mul3A_2] : memref<8x512xf32, #tpu.memory_space<hbm>> -> memref<1x16xf32, #tpu.memory_space<hbm>>
      %dma_start3A_299 = tpu.memref_squeeze %dma_start3A_298 : memref<1x16xf32, #tpu.memory_space<hbm>> -> memref<16xf32, #tpu.memory_space<hbm>>
      %dma_start3A_300 = arith.constant 0 : i32
      %dma_start3A_301 = tpu.memref_slice %arg4[%run_scoped3A_3, %dma_start3A_300] : memref<8x16xf32, #tpu.memory_space<vmem>> -> memref<1x16xf32, #tpu.memory_space<vmem>>
      %dma_start3A_302 = tpu.memref_squeeze %dma_start3A_301 : memref<1x16xf32, #tpu.memory_space<vmem>> -> memref<16xf32, #tpu.memory_space<vmem>>
      %dma_start3A_303 = tpu.memref_slice %arg2[%run_scoped3A, %mul3A_2] : memref<8x512xf32, #tpu.memory_space<hbm>> -> memref<1x16xf32, #tpu.memory_space<hbm>>
      %dma_start3A_304 = tpu.memref_squeeze %dma_start3A_303 : memref<1x16xf32, #tpu.memory_space<hbm>> -> memref<16xf32, #tpu.memory_space<hbm>>
      tpu.enqueue_dma source(%dma_start3A_304 : memref<16xf32, #tpu.memory_space<hbm>>) target(%dma_start3A_302 : memref<16xf32, #tpu.memory_space<vmem>>) target_semaphore(%run_scoped3A_295 : memref<!tpu.dma_semaphore, #tpu.memory_space<semaphore_mem>>)
      %dma_wait3A = arith.constant 0 : i32
      %dma_wait3A_305 = tpu.memref_slice %arg4[%run_scoped3A_3, %dma_wait3A] : memref<8x16xf32, #tpu.memory_space<vmem>> -> memref<1x16xf32, #tpu.memory_space<vmem>>
      %dma_wait3A_306 = tpu.memref_squeeze %dma_wait3A_305 : memref<1x16xf32, #tpu.memory_space<vmem>> -> memref<16xf32, #tpu.memory_space<vmem>>
      %dma_wait3A_307 = tpu.memref_slice %arg2[%run_scoped3A, %mul3A_2] : memref<8x512xf32, #tpu.memory_space<hbm>> -> memref<1x16xf32, #tpu.memory_space<hbm>>
      %dma_wait3A_308 = tpu.memref_squeeze %dma_wait3A_307 : memref<1x16xf32, #tpu.memory_space<hbm>> -> memref<16xf32, #tpu.memory_space<hbm>>
      %dma_wait3A_309 = arith.constant 0 : i32
      %dma_wait3A_310 = tpu.memref_slice %arg4[%run_scoped3A_3, %dma_wait3A_309] : memref<8x16xf32, #tpu.memory_space<vmem>> -> memref<1x16xf32, #tpu.memory_space<vmem>>
      %dma_wait3A_311 = tpu.memref_squeeze %dma_wait3A_310 : memref<1x16xf32, #tpu.memory_space<vmem>> -> memref<16xf32, #tpu.memory_space<vmem>>
      %dma_wait3A_312 = tpu.memref_slice %arg2[%run_scoped3A, %mul3A_2] : memref<8x512xf32, #tpu.memory_space<hbm>> -> memref<1x16xf32, #tpu.memory_space<hbm>>
      %dma_wait3A_313 = tpu.memref_squeeze %dma_wait3A_312 : memref<1x16xf32, #tpu.memory_space<hbm>> -> memref<16xf32, #tpu.memory_space<hbm>>
      tpu.wait_dma2 semaphore(%run_scoped3A_295 : memref<!tpu.dma_semaphore, #tpu.memory_space<semaphore_mem>>) src(%dma_wait3A_313 : memref<16xf32, #tpu.memory_space<hbm>>) dst(%dma_wait3A_311 : memref<16xf32, #tpu.memory_space<vmem>>)
      tpu.yield
    }) : () -> ()
    %run_scoped3A_4 = arith.constant 1 : i32
    %run_scoped3A_5 = arith.constant 1 : i32
    "tpu.region"() ({
      %run_scoped3A_295 = tpu.sem_alloc : memref<!tpu.dma_semaphore, #tpu.memory_space<semaphore_mem>>
      %dma_start3A = arith.constant 0 : i32
      %dma_start3A_296 = tpu.memref_slice %arg4[%run_scoped3A_5, %dma_start3A] : memref<8x16xf32, #tpu.memory_space<vmem>> -> memref<1x16xf32, #tpu.memory_space<vmem>>
      %dma_start3A_297 = tpu.memref_squeeze %dma_start3A_296 : memref<1x16xf32, #tpu.memory_space<vmem>> -> memref<16xf32, #tpu.memory_space<vmem>>
      %dma_start3A_298 = tpu.memref_slice %arg2[%run_scoped3A_4, %mul3A_2] : memref<8x512xf32, #tpu.memory_space<hbm>> -> memref<1x16xf32, #tpu.memory_space<hbm>>
      %dma_start3A_299 = tpu.memref_squeeze %dma_start3A_298 : memref<1x16xf32, #tpu.memory_space<hbm>> -> memref<16xf32, #tpu.memory_space<hbm>>
      %dma_start3A_300 = arith.constant 0 : i32
      %dma_start3A_301 = tpu.memref_slice %arg4[%run_scoped3A_5, %dma_start3A_300] : memref<8x16xf32, #tpu.memory_space<vmem>> -> memref<1x16xf32, #tpu.memory_space<vmem>>
      %dma_start3A_302 = tpu.memref_squeeze %dma_start3A_301 : memref<1x16xf32, #tpu.memory_space<vmem>> -> memref<16xf32, #tpu.memory_space<vmem>>
      %dma_start3A_303 = tpu.memref_slice %arg2[%run_scoped3A_4, %mul3A_2] : memref<8x512xf32, #tpu.memory_space<hbm>> -> memref<1x16xf32, #tpu.memory_space<hbm>>
      %dma_start3A_304 = tpu.memref_squeeze %dma_start3A_303 : memref<1x16xf32, #tpu.memory_space<hbm>> -> memref<16xf32, #tpu.memory_space<hbm>>
      tpu.enqueue_dma source(%dma_start3A_304 : memref<16xf32, #tpu.memory_space<hbm>>) target(%dma_start3A_302 : memref<16xf32, #tpu.memory_space<vmem>>) target_semaphore(%run_scoped3A_295 : memref<!tpu.dma_semaphore, #tpu.memory_space<semaphore_mem>>)
      %dma_wait3A = arith.constant 0 : i32
      %dma_wait3A_305 = tpu.memref_slice %arg4[%run_scoped3A_5, %dma_wait3A] : memref<8x16xf32, #tpu.memory_space<vmem>> -> memref<1x16xf32, #tpu.memory_space<vmem>>
      %dma_wait3A_306 = tpu.memref_squeeze %dma_wait3A_305 : memref<1x16xf32, #tpu.memory_space<vmem>> -> memref<16xf32, #tpu.memory_space<vmem>>
      %dma_wait3A_307 = tpu.memref_slice %arg2[%run_scoped3A_4, %mul3A_2] : memref<8x512xf32, #tpu.memory_space<hbm>> -> memref<1x16xf32, #tpu.memory_space<hbm>>
      %dma_wait3A_308 = tpu.memref_squeeze %dma_wait3A_307 : memref<1x16xf32, #tpu.memory_space<hbm>> -> memref<16xf32, #tpu.memory_space<hbm>>
      %dma_wait3A_309 = arith.constant 0 : i32
      %dma_wait3A_310 = tpu.memref_slice %arg4[%run_scoped3A_5, %dma_wait3A_309] : memref<8x16xf32, #tpu.memory_space<vmem>> -> memref<1x16xf32, #tpu.memory_space<vmem>>
      %dma_wait3A_311 = tpu.memref_squeeze %dma_wait3A_310 : memref<1x16xf32, #tpu.memory_space<vmem>> -> memref<16xf32, #tpu.memory_space<vmem>>
      %dma_wait3A_312 = tpu.memref_slice %arg2[%run_scoped3A_4, %mul3A_2] : memref<8x512xf32, #tpu.memory_space<hbm>> -> memref<1x16xf32, #tpu.memory_space<hbm>>
      %dma_wait3A_313 = tpu.memref_squeeze %dma_wait3A_312 : memref<1x16xf32, #tpu.memory_space<hbm>> -> memref<16xf32, #tpu.memory_space<hbm>>
      tpu.wait_dma2 semaphore(%run_scoped3A_295 : memref<!tpu.dma_semaphore, #tpu.memory_space<semaphore_mem>>) src(%dma_wait3A_313 : memref<16xf32, #tpu.memory_space<hbm>>) dst(%dma_wait3A_311 : memref<16xf32, #tpu.memory_space<vmem>>)
      tpu.yield
    }) : () -> ()
    %run_scoped3A_6 = arith.constant 2 : i32
    %run_scoped3A_7 = arith.constant 2 : i32
    "tpu.region"() ({
      %run_scoped3A_295 = tpu.sem_alloc : memref<!tpu.dma_semaphore, #tpu.memory_space<semaphore_mem>>
      %dma_start3A = arith.constant 0 : i32
      %dma_start3A_296 = tpu.memref_slice %arg4[%run_scoped3A_7, %dma_start3A] : memref<8x16xf32, #tpu.memory_space<vmem>> -> memref<1x16xf32, #tpu.memory_space<vmem>>
      %dma_start3A_297 = tpu.memref_squeeze %dma_start3A_296 : memref<1x16xf32, #tpu.memory_space<vmem>> -> memref<16xf32, #tpu.memory_space<vmem>>
      %dma_start3A_298 = tpu.memref_slice %arg2[%run_scoped3A_6, %mul3A_2] : memref<8x512xf32, #tpu.memory_space<hbm>> -> memref<1x16xf32, #tpu.memory_space<hbm>>
      %dma_start3A_299 = tpu.memref_squeeze %dma_start3A_298 : memref<1x16xf32, #tpu.memory_space<hbm>> -> memref<16xf32, #tpu.memory_space<hbm>>
      %dma_start3A_300 = arith.constant 0 : i32
      %dma_start3A_301 = tpu.memref_slice %arg4[%run_scoped3A_7, %dma_start3A_300] : memref<8x16xf32, #tpu.memory_space<vmem>> -> memref<1x16xf32, #tpu.memory_space<vmem>>
      %dma_start3A_302 = tpu.memref_squeeze %dma_start3A_301 : memref<1x16xf32, #tpu.memory_space<vmem>> -> memref<16xf32, #tpu.memory_space<vmem>>
      %dma_start3A_303 = tpu.memref_slice %arg2[%run_scoped3A_6, %mul3A_2] : memref<8x512xf32, #tpu.memory_space<hbm>> -> memref<1x16xf32, #tpu.memory_space<hbm>>
      %dma_start3A_304 = tpu.memref_squeeze %dma_start3A_303 : memref<1x16xf32, #tpu.memory_space<hbm>> -> memref<16xf32, #tpu.memory_space<hbm>>
      tpu.enqueue_dma source(%dma_start3A_304 : memref<16xf32, #tpu.memory_space<hbm>>) target(%dma_start3A_302 : memref<16xf32, #tpu.memory_space<vmem>>) target_semaphore(%run_scoped3A_295 : memref<!tpu.dma_semaphore, #tpu.memory_space<semaphore_mem>>)
      %dma_wait3A = arith.constant 0 : i32
      %dma_wait3A_305 = tpu.memref_slice %arg4[%run_scoped3A_7, %dma_wait3A] : memref<8x16xf32, #tpu.memory_space<vmem>> -> memref<1x16xf32, #tpu.memory_space<vmem>>
      %dma_wait3A_306 = tpu.memref_squeeze %dma_wait3A_305 : memref<1x16xf32, #tpu.memory_space<vmem>> -> memref<16xf32, #tpu.memory_space<vmem>>
      %dma_wait3A_307 = tpu.memref_slice %arg2[%run_scoped3A_6, %mul3A_2] : memref<8x512xf32, #tpu.memory_space<hbm>> -> memref<1x16xf32, #tpu.memory_space<hbm>>
      %dma_wait3A_308 = tpu.memref_squeeze %dma_wait3A_307 : memref<1x16xf32, #tpu.memory_space<hbm>> -> memref<16xf32, #tpu.memory_space<hbm>>
      %dma_wait3A_309 = arith.constant 0 : i32
      %dma_wait3A_310 = tpu.memref_slice %arg4[%run_scoped3A_7, %dma_wait3A_309] : memref<8x16xf32, #tpu.memory_space<vmem>> -> memref<1x16xf32, #tpu.memory_space<vmem>>
      %dma_wait3A_311 = tpu.memref_squeeze %dma_wait3A_310 : memref<1x16xf32, #tpu.memory_space<vmem>> -> memref<16xf32, #tpu.memory_space<vmem>>
      %dma_wait3A_312 = tpu.memref_slice %arg2[%run_scoped3A_6, %mul3A_2] : memref<8x512xf32, #tpu.memory_space<hbm>> -> memref<1x16xf32, #tpu.memory_space<hbm>>
      %dma_wait3A_313 = tpu.memref_squeeze %dma_wait3A_312 : memref<1x16xf32, #tpu.memory_space<hbm>> -> memref<16xf32, #tpu.memory_space<hbm>>
      tpu.wait_dma2 semaphore(%run_scoped3A_295 : memref<!tpu.dma_semaphore, #tpu.memory_space<semaphore_mem>>) src(%dma_wait3A_313 : memref<16xf32, #tpu.memory_space<hbm>>) dst(%dma_wait3A_311 : memref<16xf32, #tpu.memory_space<vmem>>)
      tpu.yield
    }) : () -> ()
    %run_scoped3A_8 = arith.constant 3 : i32
    %run_scoped3A_9 = arith.constant 3 : i32
    "tpu.region"() ({
      %run_scoped3A_295 = tpu.sem_alloc : memref<!tpu.dma_semaphore, #tpu.memory_space<semaphore_mem>>
      %dma_start3A = arith.constant 0 : i32
      %dma_start3A_296 = tpu.memref_slice %arg4[%run_scoped3A_9, %dma_start3A] : memref<8x16xf32, #tpu.memory_space<vmem>> -> memref<1x16xf32, #tpu.memory_space<vmem>>
      %dma_start3A_297 = tpu.memref_squeeze %dma_start3A_296 : memref<1x16xf32, #tpu.memory_space<vmem>> -> memref<16xf32, #tpu.memory_space<vmem>>
      %dma_start3A_298 = tpu.memref_slice %arg2[%run_scoped3A_8, %mul3A_2] : memref<8x512xf32, #tpu.memory_space<hbm>> -> memref<1x16xf32, #tpu.memory_space<hbm>>
      %dma_start3A_299 = tpu.memref_squeeze %dma_start3A_298 : memref<1x16xf32, #tpu.memory_space<hbm>> -> memref<16xf32, #tpu.memory_space<hbm>>
      %dma_start3A_300 = arith.constant 0 : i32
      %dma_start3A_301 = tpu.memref_slice %arg4[%run_scoped3A_9, %dma_start3A_300] : memref<8x16xf32, #tpu.memory_space<vmem>> -> memref<1x16xf32, #tpu.memory_space<vmem>>
      %dma_start3A_302 = tpu.memref_squeeze %dma_start3A_301 : memref<1x16xf32, #tpu.memory_space<vmem>> -> memref<16xf32, #tpu.memory_space<vmem>>
      %dma_start3A_303 = tpu.memref_slice %arg2[%run_scoped3A_8, %mul3A_2] : memref<8x512xf32, #tpu.memory_space<hbm>> -> memref<1x16xf32, #tpu.memory_space<hbm>>
      %dma_start3A_304 = tpu.memref_squeeze %dma_start3A_303 : memref<1x16xf32, #tpu.memory_space<hbm>> -> memref<16xf32, #tpu.memory_space<hbm>>
      tpu.enqueue_dma source(%dma_start3A_304 : memref<16xf32, #tpu.memory_space<hbm>>) target(%dma_start3A_302 : memref<16xf32, #tpu.memory_space<vmem>>) target_semaphore(%run_scoped3A_295 : memref<!tpu.dma_semaphore, #tpu.memory_space<semaphore_mem>>)
      %dma_wait3A = arith.constant 0 : i32
      %dma_wait3A_305 = tpu.memref_slice %arg4[%run_scoped3A_9, %dma_wait3A] : memref<8x16xf32, #tpu.memory_space<vmem>> -> memref<1x16xf32, #tpu.memory_space<vmem>>
      %dma_wait3A_306 = tpu.memref_squeeze %dma_wait3A_305 : memref<1x16xf32, #tpu.memory_space<vmem>> -> memref<16xf32, #tpu.memory_space<vmem>>
      %dma_wait3A_307 = tpu.memref_slice %arg2[%run_scoped3A_8, %mul3A_2] : memref<8x512xf32, #tpu.memory_space<hbm>> -> memref<1x16xf32, #tpu.memory_space<hbm>>
      %dma_wait3A_308 = tpu.memref_squeeze %dma_wait3A_307 : memref<1x16xf32, #tpu.memory_space<hbm>> -> memref<16xf32, #tpu.memory_space<hbm>>
      %dma_wait3A_309 = arith.constant 0 : i32
      %dma_wait3A_310 = tpu.memref_slice %arg4[%run_scoped3A_9, %dma_wait3A_309] : memref<8x16xf32, #tpu.memory_space<vmem>> -> memref<1x16xf32, #tpu.memory_space<vmem>>
      %dma_wait3A_311 = tpu.memref_squeeze %dma_wait3A_310 : memref<1x16xf32, #tpu.memory_space<vmem>> -> memref<16xf32, #tpu.memory_space<vmem>>
      %dma_wait3A_312 = tpu.memref_slice %arg2[%run_scoped3A_8, %mul3A_2] : memref<8x512xf32, #tpu.memory_space<hbm>> -> memref<1x16xf32, #tpu.memory_space<hbm>>
      %dma_wait3A_313 = tpu.memref_squeeze %dma_wait3A_312 : memref<1x16xf32, #tpu.memory_space<hbm>> -> memref<16xf32, #tpu.memory_space<hbm>>
      tpu.wait_dma2 semaphore(%run_scoped3A_295 : memref<!tpu.dma_semaphore, #tpu.memory_space<semaphore_mem>>) src(%dma_wait3A_313 : memref<16xf32, #tpu.memory_space<hbm>>) dst(%dma_wait3A_311 : memref<16xf32, #tpu.memory_space<vmem>>)
      tpu.yield
    }) : () -> ()
    %run_scoped3A_10 = arith.constant 4 : i32
    %run_scoped3A_11 = arith.constant 4 : i32
    "tpu.region"() ({
      %run_scoped3A_295 = tpu.sem_alloc : memref<!tpu.dma_semaphore, #tpu.memory_space<semaphore_mem>>
      %dma_start3A = arith.constant 0 : i32
      %dma_start3A_296 = tpu.memref_slice %arg4[%run_scoped3A_11, %dma_start3A] : memref<8x16xf32, #tpu.memory_space<vmem>> -> memref<1x16xf32, #tpu.memory_space<vmem>>
      %dma_start3A_297 = tpu.memref_squeeze %dma_start3A_296 : memref<1x16xf32, #tpu.memory_space<vmem>> -> memref<16xf32, #tpu.memory_space<vmem>>
      %dma_start3A_298 = tpu.memref_slice %arg2[%run_scoped3A_10, %mul3A_2] : memref<8x512xf32, #tpu.memory_space<hbm>> -> memref<1x16xf32, #tpu.memory_space<hbm>>
      %dma_start3A_299 = tpu.memref_squeeze %dma_start3A_298 : memref<1x16xf32, #tpu.memory_space<hbm>> -> memref<16xf32, #tpu.memory_space<hbm>>
      %dma_start3A_300 = arith.constant 0 : i32
      %dma_start3A_301 = tpu.memref_slice %arg4[%run_scoped3A_11, %dma_start3A_300] : memref<8x16xf32, #tpu.memory_space<vmem>> -> memref<1x16xf32, #tpu.memory_space<vmem>>
      %dma_start3A_302 = tpu.memref_squeeze %dma_start3A_301 : memref<1x16xf32, #tpu.memory_space<vmem>> -> memref<16xf32, #tpu.memory_space<vmem>>
      %dma_start3A_303 = tpu.memref_slice %arg2[%run_scoped3A_10, %mul3A_2] : memref<8x512xf32, #tpu.memory_space<hbm>> -> memref<1x16xf32, #tpu.memory_space<hbm>>
      %dma_start3A_304 = tpu.memref_squeeze %dma_start3A_303 : memref<1x16xf32, #tpu.memory_space<hbm>> -> memref<16xf32, #tpu.memory_space<hbm>>
      tpu.enqueue_dma source(%dma_start3A_304 : memref<16xf32, #tpu.memory_space<hbm>>) target(%dma_start3A_302 : memref<16xf32, #tpu.memory_space<vmem>>) target_semaphore(%run_scoped3A_295 : memref<!tpu.dma_semaphore, #tpu.memory_space<semaphore_mem>>)
      %dma_wait3A = arith.constant 0 : i32
      %dma_wait3A_305 = tpu.memref_slice %arg4[%run_scoped3A_11, %dma_wait3A] : memref<8x16xf32, #tpu.memory_space<vmem>> -> memref<1x16xf32, #tpu.memory_space<vmem>>
      %dma_wait3A_306 = tpu.memref_squeeze %dma_wait3A_305 : memref<1x16xf32, #tpu.memory_space<vmem>> -> memref<16xf32, #tpu.memory_space<vmem>>
      %dma_wait3A_307 = tpu.memref_slice %arg2[%run_scoped3A_10, %mul3A_2] : memref<8x512xf32, #tpu.memory_space<hbm>> -> memref<1x16xf32, #tpu.memory_space<hbm>>
      %dma_wait3A_308 = tpu.memref_squeeze %dma_wait3A_307 : memref<1x16xf32, #tpu.memory_space<hbm>> -> memref<16xf32, #tpu.memory_space<hbm>>
      %dma_wait3A_309 = arith.constant 0 : i32
      %dma_wait3A_310 = tpu.memref_slice %arg4[%run_scoped3A_11, %dma_wait3A_309] : memref<8x16xf32, #tpu.memory_space<vmem>> -> memref<1x16xf32, #tpu.memory_space<vmem>>
      %dma_wait3A_311 = tpu.memref_squeeze %dma_wait3A_310 : memref<1x16xf32, #tpu.memory_space<vmem>> -> memref<16xf32, #tpu.memory_space<vmem>>
      %dma_wait3A_312 = tpu.memref_slice %arg2[%run_scoped3A_10, %mul3A_2] : memref<8x512xf32, #tpu.memory_space<hbm>> -> memref<1x16xf32, #tpu.memory_space<hbm>>
      %dma_wait3A_313 = tpu.memref_squeeze %dma_wait3A_312 : memref<1x16xf32, #tpu.memory_space<hbm>> -> memref<16xf32, #tpu.memory_space<hbm>>
      tpu.wait_dma2 semaphore(%run_scoped3A_295 : memref<!tpu.dma_semaphore, #tpu.memory_space<semaphore_mem>>) src(%dma_wait3A_313 : memref<16xf32, #tpu.memory_space<hbm>>) dst(%dma_wait3A_311 : memref<16xf32, #tpu.memory_space<vmem>>)
      tpu.yield
    }) : () -> ()
    %run_scoped3A_12 = arith.constant 5 : i32
    %run_scoped3A_13 = arith.constant 5 : i32
    "tpu.region"() ({
      %run_scoped3A_295 = tpu.sem_alloc : memref<!tpu.dma_semaphore, #tpu.memory_space<semaphore_mem>>
      %dma_start3A = arith.constant 0 : i32
      %dma_start3A_296 = tpu.memref_slice %arg4[%run_scoped3A_13, %dma_start3A] : memref<8x16xf32, #tpu.memory_space<vmem>> -> memref<1x16xf32, #tpu.memory_space<vmem>>
      %dma_start3A_297 = tpu.memref_squeeze %dma_start3A_296 : memref<1x16xf32, #tpu.memory_space<vmem>> -> memref<16xf32, #tpu.memory_space<vmem>>
      %dma_start3A_298 = tpu.memref_slice %arg2[%run_scoped3A_12, %mul3A_2] : memref<8x512xf32, #tpu.memory_space<hbm>> -> memref<1x16xf32, #tpu.memory_space<hbm>>
      %dma_start3A_299 = tpu.memref_squeeze %dma_start3A_298 : memref<1x16xf32, #tpu.memory_space<hbm>> -> memref<16xf32, #tpu.memory_space<hbm>>
      %dma_start3A_300 = arith.constant 0 : i32
      %dma_start3A_301 = tpu.memref_slice %arg4[%run_scoped3A_13, %dma_start3A_300] : memref<8x16xf32, #tpu.memory_space<vmem>> -> memref<1x16xf32, #tpu.memory_space<vmem>>
      %dma_start3A_302 = tpu.memref_squeeze %dma_start3A_301 : memref<1x16xf32, #tpu.memory_space<vmem>> -> memref<16xf32, #tpu.memory_space<vmem>>
      %dma_start3A_303 = tpu.memref_slice %arg2[%run_scoped3A_12, %mul3A_2] : memref<8x512xf32, #tpu.memory_space<hbm>> -> memref<1x16xf32, #tpu.memory_space<hbm>>
      %dma_start3A_304 = tpu.memref_squeeze %dma_start3A_303 : memref<1x16xf32, #tpu.memory_space<hbm>> -> memref<16xf32, #tpu.memory_space<hbm>>
      tpu.enqueue_dma source(%dma_start3A_304 : memref<16xf32, #tpu.memory_space<hbm>>) target(%dma_start3A_302 : memref<16xf32, #tpu.memory_space<vmem>>) target_semaphore(%run_scoped3A_295 : memref<!tpu.dma_semaphore, #tpu.memory_space<semaphore_mem>>)
      %dma_wait3A = arith.constant 0 : i32
      %dma_wait3A_305 = tpu.memref_slice %arg4[%run_scoped3A_13, %dma_wait3A] : memref<8x16xf32, #tpu.memory_space<vmem>> -> memref<1x16xf32, #tpu.memory_space<vmem>>
      %dma_wait3A_306 = tpu.memref_squeeze %dma_wait3A_305 : memref<1x16xf32, #tpu.memory_space<vmem>> -> memref<16xf32, #tpu.memory_space<vmem>>
      %dma_wait3A_307 = tpu.memref_slice %arg2[%run_scoped3A_12, %mul3A_2] : memref<8x512xf32, #tpu.memory_space<hbm>> -> memref<1x16xf32, #tpu.memory_space<hbm>>
      %dma_wait3A_308 = tpu.memref_squeeze %dma_wait3A_307 : memref<1x16xf32, #tpu.memory_space<hbm>> -> memref<16xf32, #tpu.memory_space<hbm>>
      %dma_wait3A_309 = arith.constant 0 : i32
      %dma_wait3A_310 = tpu.memref_slice %arg4[%run_scoped3A_13, %dma_wait3A_309] : memref<8x16xf32, #tpu.memory_space<vmem>> -> memref<1x16xf32, #tpu.memory_space<vmem>>
      %dma_wait3A_311 = tpu.memref_squeeze %dma_wait3A_310 : memref<1x16xf32, #tpu.memory_space<vmem>> -> memref<16xf32, #tpu.memory_space<vmem>>
      %dma_wait3A_312 = tpu.memref_slice %arg2[%run_scoped3A_12, %mul3A_2] : memref<8x512xf32, #tpu.memory_space<hbm>> -> memref<1x16xf32, #tpu.memory_space<hbm>>
      %dma_wait3A_313 = tpu.memref_squeeze %dma_wait3A_312 : memref<1x16xf32, #tpu.memory_space<hbm>> -> memref<16xf32, #tpu.memory_space<hbm>>
      tpu.wait_dma2 semaphore(%run_scoped3A_295 : memref<!tpu.dma_semaphore, #tpu.memory_space<semaphore_mem>>) src(%dma_wait3A_313 : memref<16xf32, #tpu.memory_space<hbm>>) dst(%dma_wait3A_311 : memref<16xf32, #tpu.memory_space<vmem>>)
      tpu.yield
    }) : () -> ()
    %run_scoped3A_14 = arith.constant 6 : i32
    %run_scoped3A_15 = arith.constant 6 : i32
    "tpu.region"() ({
      %run_scoped3A_295 = tpu.sem_alloc : memref<!tpu.dma_semaphore, #tpu.memory_space<semaphore_mem>>
      %dma_start3A = arith.constant 0 : i32
      %dma_start3A_296 = tpu.memref_slice %arg4[%run_scoped3A_15, %dma_start3A] : memref<8x16xf32, #tpu.memory_space<vmem>> -> memref<1x16xf32, #tpu.memory_space<vmem>>
      %dma_start3A_297 = tpu.memref_squeeze %dma_start3A_296 : memref<1x16xf32, #tpu.memory_space<vmem>> -> memref<16xf32, #tpu.memory_space<vmem>>
      %dma_start3A_298 = tpu.memref_slice %arg2[%run_scoped3A_14, %mul3A_2] : memref<8x512xf32, #tpu.memory_space<hbm>> -> memref<1x16xf32, #tpu.memory_space<hbm>>
      %dma_start3A_299 = tpu.memref_squeeze %dma_start3A_298 : memref<1x16xf32, #tpu.memory_space<hbm>> -> memref<16xf32, #tpu.memory_space<hbm>>
      %dma_start3A_300 = arith.constant 0 : i32
      %dma_start3A_301 = tpu.memref_slice %arg4[%run_scoped3A_15, %dma_start3A_300] : memref<8x16xf32, #tpu.memory_space<vmem>> -> memref<1x16xf32, #tpu.memory_space<vmem>>
      %dma_start3A_302 = tpu.memref_squeeze %dma_start3A_301 : memref<1x16xf32, #tpu.memory_space<vmem>> -> memref<16xf32, #tpu.memory_space<vmem>>
      %dma_start3A_303 = tpu.memref_slice %arg2[%run_scoped3A_14, %mul3A_2] : memref<8x512xf32, #tpu.memory_space<hbm>> -> memref<1x16xf32, #tpu.memory_space<hbm>>
      %dma_start3A_304 = tpu.memref_squeeze %dma_start3A_303 : memref<1x16xf32, #tpu.memory_space<hbm>> -> memref<16xf32, #tpu.memory_space<hbm>>
      tpu.enqueue_dma source(%dma_start3A_304 : memref<16xf32, #tpu.memory_space<hbm>>) target(%dma_start3A_302 : memref<16xf32, #tpu.memory_space<vmem>>) target_semaphore(%run_scoped3A_295 : memref<!tpu.dma_semaphore, #tpu.memory_space<semaphore_mem>>)
      %dma_wait3A = arith.constant 0 : i32
      %dma_wait3A_305 = tpu.memref_slice %arg4[%run_scoped3A_15, %dma_wait3A] : memref<8x16xf32, #tpu.memory_space<vmem>> -> memref<1x16xf32, #tpu.memory_space<vmem>>
      %dma_wait3A_306 = tpu.memref_squeeze %dma_wait3A_305 : memref<1x16xf32, #tpu.memory_space<vmem>> -> memref<16xf32, #tpu.memory_space<vmem>>
      %dma_wait3A_307 = tpu.memref_slice %arg2[%run_scoped3A_14, %mul3A_2] : memref<8x512xf32, #tpu.memory_space<hbm>> -> memref<1x16xf32, #tpu.memory_space<hbm>>
      %dma_wait3A_308 = tpu.memref_squeeze %dma_wait3A_307 : memref<1x16xf32, #tpu.memory_space<hbm>> -> memref<16xf32, #tpu.memory_space<hbm>>
      %dma_wait3A_309 = arith.constant 0 : i32
      %dma_wait3A_310 = tpu.memref_slice %arg4[%run_scoped3A_15, %dma_wait3A_309] : memref<8x16xf32, #tpu.memory_space<vmem>> -> memref<1x16xf32, #tpu.memory_space<vmem>>
      %dma_wait3A_311 = tpu.memref_squeeze %dma_wait3A_310 : memref<1x16xf32, #tpu.memory_space<vmem>> -> memref<16xf32, #tpu.memory_space<vmem>>
      %dma_wait3A_312 = tpu.memref_slice %arg2[%run_scoped3A_14, %mul3A_2] : memref<8x512xf32, #tpu.memory_space<hbm>> -> memref<1x16xf32, #tpu.memory_space<hbm>>
      %dma_wait3A_313 = tpu.memref_squeeze %dma_wait3A_312 : memref<1x16xf32, #tpu.memory_space<hbm>> -> memref<16xf32, #tpu.memory_space<hbm>>
      tpu.wait_dma2 semaphore(%run_scoped3A_295 : memref<!tpu.dma_semaphore, #tpu.memory_space<semaphore_mem>>) src(%dma_wait3A_313 : memref<16xf32, #tpu.memory_space<hbm>>) dst(%dma_wait3A_311 : memref<16xf32, #tpu.memory_space<vmem>>)
      tpu.yield
    }) : () -> ()
    %run_scoped3A_16 = arith.constant 7 : i32
    %run_scoped3A_17 = arith.constant 7 : i32
    "tpu.region"() ({
      %run_scoped3A_295 = tpu.sem_alloc : memref<!tpu.dma_semaphore, #tpu.memory_space<semaphore_mem>>
      %dma_start3A = arith.constant 0 : i32
      %dma_start3A_296 = tpu.memref_slice %arg4[%run_scoped3A_17, %dma_start3A] : memref<8x16xf32, #tpu.memory_space<vmem>> -> memref<1x16xf32, #tpu.memory_space<vmem>>
      %dma_start3A_297 = tpu.memref_squeeze %dma_start3A_296 : memref<1x16xf32, #tpu.memory_space<vmem>> -> memref<16xf32, #tpu.memory_space<vmem>>
      %dma_start3A_298 = tpu.memref_slice %arg2[%run_scoped3A_16, %mul3A_2] : memref<8x512xf32, #tpu.memory_space<hbm>> -> memref<1x16xf32, #tpu.memory_space<hbm>>
      %dma_start3A_299 = tpu.memref_squeeze %dma_start3A_298 : memref<1x16xf32, #tpu.memory_space<hbm>> -> memref<16xf32, #tpu.memory_space<hbm>>
      %dma_start3A_300 = arith.constant 0 : i32
      %dma_start3A_301 = tpu.memref_slice %arg4[%run_scoped3A_17, %dma_start3A_300] : memref<8x16xf32, #tpu.memory_space<vmem>> -> memref<1x16xf32, #tpu.memory_space<vmem>>
      %dma_start3A_302 = tpu.memref_squeeze %dma_start3A_301 : memref<1x16xf32, #tpu.memory_space<vmem>> -> memref<16xf32, #tpu.memory_space<vmem>>
      %dma_start3A_303 = tpu.memref_slice %arg2[%run_scoped3A_16, %mul3A_2] : memref<8x512xf32, #tpu.memory_space<hbm>> -> memref<1x16xf32, #tpu.memory_space<hbm>>
      %dma_start3A_304 = tpu.memref_squeeze %dma_start3A_303 : memref<1x16xf32, #tpu.memory_space<hbm>> -> memref<16xf32, #tpu.memory_space<hbm>>
      tpu.enqueue_dma source(%dma_start3A_304 : memref<16xf32, #tpu.memory_space<hbm>>) target(%dma_start3A_302 : memref<16xf32, #tpu.memory_space<vmem>>) target_semaphore(%run_scoped3A_295 : memref<!tpu.dma_semaphore, #tpu.memory_space<semaphore_mem>>)
      %dma_wait3A = arith.constant 0 : i32
      %dma_wait3A_305 = tpu.memref_slice %arg4[%run_scoped3A_17, %dma_wait3A] : memref<8x16xf32, #tpu.memory_space<vmem>> -> memref<1x16xf32, #tpu.memory_space<vmem>>
      %dma_wait3A_306 = tpu.memref_squeeze %dma_wait3A_305 : memref<1x16xf32, #tpu.memory_space<vmem>> -> memref<16xf32, #tpu.memory_space<vmem>>
      %dma_wait3A_307 = tpu.memref_slice %arg2[%run_scoped3A_16, %mul3A_2] : memref<8x512xf32, #tpu.memory_space<hbm>> -> memref<1x16xf32, #tpu.memory_space<hbm>>
      %dma_wait3A_308 = tpu.memref_squeeze %dma_wait3A_307 : memref<1x16xf32, #tpu.memory_space<hbm>> -> memref<16xf32, #tpu.memory_space<hbm>>
      %dma_wait3A_309 = arith.constant 0 : i32
      %dma_wait3A_310 = tpu.memref_slice %arg4[%run_scoped3A_17, %dma_wait3A_309] : memref<8x16xf32, #tpu.memory_space<vmem>> -> memref<1x16xf32, #tpu.memory_space<vmem>>
      %dma_wait3A_311 = tpu.memref_squeeze %dma_wait3A_310 : memref<1x16xf32, #tpu.memory_space<vmem>> -> memref<16xf32, #tpu.memory_space<vmem>>
      %dma_wait3A_312 = tpu.memref_slice %arg2[%run_scoped3A_16, %mul3A_2] : memref<8x512xf32, #tpu.memory_space<hbm>> -> memref<1x16xf32, #tpu.memory_space<hbm>>
      %dma_wait3A_313 = tpu.memref_squeeze %dma_wait3A_312 : memref<1x16xf32, #tpu.memory_space<hbm>> -> memref<16xf32, #tpu.memory_space<hbm>>
      tpu.wait_dma2 semaphore(%run_scoped3A_295 : memref<!tpu.dma_semaphore, #tpu.memory_space<semaphore_mem>>) src(%dma_wait3A_313 : memref<16xf32, #tpu.memory_space<hbm>>) dst(%dma_wait3A_311 : memref<16xf32, #tpu.memory_space<vmem>>)
      tpu.yield
    }) : () -> ()
    %get3A = arith.constant 0 : i32
    %get3A_18 = arith.index_cast %get3A : i32 to index
    %get3A_19 = arith.constant 0 : index
    %get3A_20 = tpu.vector_load %arg4[%get3A_18, %get3A_19] {strides = array<i32>} : memref<8x16xf32, #tpu.memory_space<vmem>>, vector<1x16xf32>,
    %get3A_21 = vector.shape_cast %get3A_20 : vector<1x16xf32> to vector<16xf32>
    %get3A_22 = arith.constant 1 : i32
    %get3A_23 = arith.index_cast %get3A_22 : i32 to index
    %get3A_24 = arith.constant 0 : index
    %get3A_25 = tpu.vector_load %arg4[%get3A_23, %get3A_24] {strides = array<i32>} : memref<8x16xf32, #tpu.memory_space<vmem>>, vector<1x16xf32>,
    %get3A_26 = vector.shape_cast %get3A_25 : vector<1x16xf32> to vector<16xf32>
    %get3A_27 = arith.constant 2 : i32
    %get3A_28 = arith.index_cast %get3A_27 : i32 to index
    %get3A_29 = arith.constant 0 : index
    %get3A_30 = tpu.vector_load %arg4[%get3A_28, %get3A_29] {strides = array<i32>} : memref<8x16xf32, #tpu.memory_space<vmem>>, vector<1x16xf32>,
    %get3A_31 = vector.shape_cast %get3A_30 : vector<1x16xf32> to vector<16xf32>
    %get3A_32 = arith.constant 3 : i32
    %get3A_33 = arith.index_cast %get3A_32 : i32 to index
    %get3A_34 = arith.constant 0 : index
    %get3A_35 = tpu.vector_load %arg4[%get3A_33, %get3A_34] {strides = array<i32>} : memref<8x16xf32, #tpu.memory_space<vmem>>, vector<1x16xf32>,
    %get3A_36 = vector.shape_cast %get3A_35 : vector<1x16xf32> to vector<16xf32>
    %get3A_37 = arith.constant 4 : i32
    %get3A_38 = arith.index_cast %get3A_37 : i32 to index
    %get3A_39 = arith.constant 0 : index
    %get3A_40 = tpu.vector_load %arg4[%get3A_38, %get3A_39] {strides = array<i32>} : memref<8x16xf32, #tpu.memory_space<vmem>>, vector<1x16xf32>,
    %get3A_41 = vector.shape_cast %get3A_40 : vector<1x16xf32> to vector<16xf32>
    %get3A_42 = arith.constant 5 : i32
    %get3A_43 = arith.index_cast %get3A_42 : i32 to index
    %get3A_44 = arith.constant 0 : index
    %get3A_45 = tpu.vector_load %arg4[%get3A_43, %get3A_44] {strides = array<i32>} : memref<8x16xf32, #tpu.memory_space<vmem>>, vector<1x16xf32>,
    %get3A_46 = vector.shape_cast %get3A_45 : vector<1x16xf32> to vector<16xf32>
    %get3A_47 = arith.constant 6 : i32
    %get3A_48 = arith.index_cast %get3A_47 : i32 to index
    %get3A_49 = arith.constant 0 : index
    %get3A_50 = tpu.vector_load %arg4[%get3A_48, %get3A_49] {strides = array<i32>} : memref<8x16xf32, #tpu.memory_space<vmem>>, vector<1x16xf32>,
    %get3A_51 = vector.shape_cast %get3A_50 : vector<1x16xf32> to vector<16xf32>
    %get3A_52 = arith.constant 7 : i32
    %get3A_53 = arith.index_cast %get3A_52 : i32 to index
    %get3A_54 = arith.constant 0 : index
    %get3A_55 = tpu.vector_load %arg4[%get3A_53, %get3A_54] {strides = array<i32>} : memref<8x16xf32, #tpu.memory_space<vmem>>, vector<1x16xf32>,
    %get3A_56 = vector.shape_cast %get3A_55 : vector<1x16xf32> to vector<16xf32>
    %max3A = arith.maximumf %get3A_21, %get3A_26 : vector<16xf32>
    %max3A_57 = arith.maximumf %max3A, %get3A_31 : vector<16xf32>
    %max3A_58 = arith.maximumf %max3A_57, %get3A_36 : vector<16xf32>
    %max3A_59 = arith.maximumf %max3A_58, %get3A_41 : vector<16xf32>
    %max3A_60 = arith.maximumf %max3A_59, %get3A_46 : vector<16xf32>
    %max3A_61 = arith.maximumf %max3A_60, %get3A_51 : vector<16xf32>
    %max3A_62 = arith.maximumf %max3A_61, %get3A_56 : vector<16xf32>
    %broadcast_in_dim3A = arith.constant 7 : i32
    %broadcast_in_dim3A_63 = vector.broadcast %broadcast_in_dim3A : i32 to vector<16xi32>
    %eq3A = arith.cmpf oeq, %get3A_51, %max3A_62 : vector<16xf32>
    %jit3A = arith.constant 6 : i32
    %broadcast_in_dim3A_64 = vector.broadcast %jit3A : i32 to vector<16xi32>
    %select_n3A = arith.select %eq3A, %broadcast_in_dim3A_64, %broadcast_in_dim3A_63 : vector<16xi1>, vector<16xi32>
    %eq3A_65 = arith.cmpf oeq, %get3A_46, %max3A_62 : vector<16xf32>
    %jit3A_66 = arith.constant 5 : i32
    %broadcast_in_dim3A_67 = vector.broadcast %jit3A_66 : i32 to vector<16xi32>
    %select_n3A_68 = arith.select %eq3A_65, %broadcast_in_dim3A_67, %select_n3A : vector<16xi1>, vector<16xi32>
    %eq3A_69 = arith.cmpf oeq, %get3A_41, %max3A_62 : vector<16xf32>
    %jit3A_70 = arith.constant 4 : i32
    %broadcast_in_dim3A_71 = vector.broadcast %jit3A_70 : i32 to vector<16xi32>
    %select_n3A_72 = arith.select %eq3A_69, %broadcast_in_dim3A_71, %select_n3A_68 : vector<16xi1>, vector<16xi32>
    %eq3A_73 = arith.cmpf oeq, %get3A_36, %max3A_62 : vector<16xf32>
    %jit3A_74 = arith.constant 3 : i32
    %broadcast_in_dim3A_75 = vector.broadcast %jit3A_74 : i32 to vector<16xi32>
    %select_n3A_76 = arith.select %eq3A_73, %broadcast_in_dim3A_75, %select_n3A_72 : vector<16xi1>, vector<16xi32>
    %eq3A_77 = arith.cmpf oeq, %get3A_31, %max3A_62 : vector<16xf32>
    %jit3A_78 = arith.constant 2 : i32
    %broadcast_in_dim3A_79 = vector.broadcast %jit3A_78 : i32 to vector<16xi32>
    %select_n3A_80 = arith.select %eq3A_77, %broadcast_in_dim3A_79, %select_n3A_76 : vector<16xi1>, vector<16xi32>
    %eq3A_81 = arith.cmpf oeq, %get3A_26, %max3A_62 : vector<16xf32>
    %jit3A_82 = arith.constant 1 : i32
    %broadcast_in_dim3A_83 = vector.broadcast %jit3A_82 : i32 to vector<16xi32>
    %select_n3A_84 = arith.select %eq3A_81, %broadcast_in_dim3A_83, %select_n3A_80 : vector<16xi1>, vector<16xi32>
    %eq3A_85 = arith.cmpf oeq, %get3A_21, %max3A_62 : vector<16xf32>
    %jit3A_86 = arith.constant 0 : i32
    %broadcast_in_dim3A_87 = vector.broadcast %jit3A_86 : i32 to vector<16xi32>
    %select_n3A_88 = arith.select %eq3A_85, %broadcast_in_dim3A_87, %select_n3A_84 : vector<16xi1>, vector<16xi32>
    %broadcast_in_dim3A_89 = arith.constant 0xFF800000 : f32
    %broadcast_in_dim3A_90 = vector.broadcast %broadcast_in_dim3A_89 : f32 to vector<16xf32>
    %eq3A_91 = arith.constant 0 : i32
    %eq3A_92 = vector.broadcast %eq3A_91 : i32 to vector<16xi32>
    %eq3A_93 = arith.cmpi eq, %select_n3A_88, %eq3A_92 : vector<16xi32>
    %select_n3A_94 = arith.select %eq3A_93, %broadcast_in_dim3A_90, %get3A_21 : vector<16xi1>, vector<16xf32>
    %eq3A_95 = arith.constant 1 : i32
    %eq3A_96 = vector.broadcast %eq3A_95 : i32 to vector<16xi32>
    %eq3A_97 = arith.cmpi eq, %select_n3A_88, %eq3A_96 : vector<16xi32>
    %select_n3A_98 = arith.select %eq3A_97, %broadcast_in_dim3A_90, %get3A_26 : vector<16xi1>, vector<16xf32>
    %eq3A_99 = arith.constant 2 : i32
    %eq3A_100 = vector.broadcast %eq3A_99 : i32 to vector<16xi32>
    %eq3A_101 = arith.cmpi eq, %select_n3A_88, %eq3A_100 : vector<16xi32>
    %select_n3A_102 = arith.select %eq3A_101, %broadcast_in_dim3A_90, %get3A_31 : vector<16xi1>, vector<16xf32>
    %eq3A_103 = arith.constant 3 : i32
    %eq3A_104 = vector.broadcast %eq3A_103 : i32 to vector<16xi32>
    %eq3A_105 = arith.cmpi eq, %select_n3A_88, %eq3A_104 : vector<16xi32>
    %select_n3A_106 = arith.select %eq3A_105, %broadcast_in_dim3A_90, %get3A_36 : vector<16xi1>, vector<16xf32>
    %eq3A_107 = arith.constant 4 : i32
    %eq3A_108 = vector.broadcast %eq3A_107 : i32 to vector<16xi32>
    %eq3A_109 = arith.cmpi eq, %select_n3A_88, %eq3A_108 : vector<16xi32>
    %select_n3A_110 = arith.select %eq3A_109, %broadcast_in_dim3A_90, %get3A_41 : vector<16xi1>, vector<16xf32>
    %eq3A_111 = arith.constant 5 : i32
    %eq3A_112 = vector.broadcast %eq3A_111 : i32 to vector<16xi32>
    %eq3A_113 = arith.cmpi eq, %select_n3A_88, %eq3A_112 : vector<16xi32>
    %select_n3A_114 = arith.select %eq3A_113, %broadcast_in_dim3A_90, %get3A_46 : vector<16xi1>, vector<16xf32>
    %eq3A_115 = arith.constant 6 : i32
    %eq3A_116 = vector.broadcast %eq3A_115 : i32 to vector<16xi32>
    %eq3A_117 = arith.cmpi eq, %select_n3A_88, %eq3A_116 : vector<16xi32>
    %select_n3A_118 = arith.select %eq3A_117, %broadcast_in_dim3A_90, %get3A_51 : vector<16xi1>, vector<16xf32>
    %eq3A_119 = arith.constant 7 : i32
    %eq3A_120 = vector.broadcast %eq3A_119 : i32 to vector<16xi32>
    %eq3A_121 = arith.cmpi eq, %select_n3A_88, %eq3A_120 : vector<16xi32>
    %select_n3A_122 = arith.select %eq3A_121, %broadcast_in_dim3A_90, %get3A_56 : vector<16xi1>, vector<16xf32>
    %max3A_123 = arith.maximumf %select_n3A_94, %select_n3A_98 : vector<16xf32>
    %max3A_124 = arith.maximumf %max3A_123, %select_n3A_102 : vector<16xf32>
    %max3A_125 = arith.maximumf %max3A_124, %select_n3A_106 : vector<16xf32>
    %max3A_126 = arith.maximumf %max3A_125, %select_n3A_110 : vector<16xf32>
    %max3A_127 = arith.maximumf %max3A_126, %select_n3A_114 : vector<16xf32>
    %max3A_128 = arith.maximumf %max3A_127, %select_n3A_118 : vector<16xf32>
    %max3A_129 = arith.maximumf %max3A_128, %select_n3A_122 : vector<16xf32>
    %broadcast_in_dim3A_130 = arith.constant 7 : i32
    %broadcast_in_dim3A_131 = vector.broadcast %broadcast_in_dim3A_130 : i32 to vector<16xi32>
    %eq3A_132 = arith.cmpf oeq, %select_n3A_118, %max3A_129 : vector<16xf32>
    %jit3A_133 = arith.constant 6 : i32
    %broadcast_in_dim3A_134 = vector.broadcast %jit3A_133 : i32 to vector<16xi32>
    %select_n3A_135 = arith.select %eq3A_132, %broadcast_in_dim3A_134, %broadcast_in_dim3A_131 : vector<16xi1>, vector<16xi32>
    %eq3A_136 = arith.cmpf oeq, %select_n3A_114, %max3A_129 : vector<16xf32>
    %jit3A_137 = arith.constant 5 : i32
    %broadcast_in_dim3A_138 = vector.broadcast %jit3A_137 : i32 to vector<16xi32>
    %select_n3A_139 = arith.select %eq3A_136, %broadcast_in_dim3A_138, %select_n3A_135 : vector<16xi1>, vector<16xi32>
    %eq3A_140 = arith.cmpf oeq, %select_n3A_110, %max3A_129 : vector<16xf32>
    %jit3A_141 = arith.constant 4 : i32
    %broadcast_in_dim3A_142 = vector.broadcast %jit3A_141 : i32 to vector<16xi32>
    %select_n3A_143 = arith.select %eq3A_140, %broadcast_in_dim3A_142, %select_n3A_139 : vector<16xi1>, vector<16xi32>
    %eq3A_144 = arith.cmpf oeq, %select_n3A_106, %max3A_129 : vector<16xf32>
    %jit3A_145 = arith.constant 3 : i32
    %broadcast_in_dim3A_146 = vector.broadcast %jit3A_145 : i32 to vector<16xi32>
    %select_n3A_147 = arith.select %eq3A_144, %broadcast_in_dim3A_146, %select_n3A_143 : vector<16xi1>, vector<16xi32>
    %eq3A_148 = arith.cmpf oeq, %select_n3A_102, %max3A_129 : vector<16xf32>
    %jit3A_149 = arith.constant 2 : i32
    %broadcast_in_dim3A_150 = vector.broadcast %jit3A_149 : i32 to vector<16xi32>
    %select_n3A_151 = arith.select %eq3A_148, %broadcast_in_dim3A_150, %select_n3A_147 : vector<16xi1>, vector<16xi32>
    %eq3A_152 = arith.cmpf oeq, %select_n3A_98, %max3A_129 : vector<16xf32>
    %jit3A_153 = arith.constant 1 : i32
    %broadcast_in_dim3A_154 = vector.broadcast %jit3A_153 : i32 to vector<16xi32>
    %select_n3A_155 = arith.select %eq3A_152, %broadcast_in_dim3A_154, %select_n3A_151 : vector<16xi1>, vector<16xi32>
    %eq3A_156 = arith.cmpf oeq, %select_n3A_94, %max3A_129 : vector<16xf32>
    %jit3A_157 = arith.constant 0 : i32
    %broadcast_in_dim3A_158 = vector.broadcast %jit3A_157 : i32 to vector<16xi32>
    %select_n3A_159 = arith.select %eq3A_156, %broadcast_in_dim3A_158, %select_n3A_155 : vector<16xi1>, vector<16xi32>
    %sub3A = arith.subf %max3A_129, %max3A_62 : vector<16xf32>
    %exp3A = math.exp %sub3A : vector<16xf32>
    %add3A_160 = arith.constant 1.000000e+00 : f32
    %add3A_161 = vector.broadcast %add3A_160 : f32 to vector<16xf32>
    %add3A_162 = arith.addf %add3A_161, %exp3A : vector<16xf32>
    %div3A = arith.constant 1.000000e+00 : f32
    %div3A_163 = vector.broadcast %div3A : f32 to vector<16xf32>
    %div3A_164 = arith.divf %div3A_163, %add3A_162 : vector<16xf32>
    %mul3A_165 = arith.mulf %exp3A, %div3A_164 : vector<16xf32>
    %broadcast_in_dim3A_166 = arith.constant 0.000000e+00 : f32
    %broadcast_in_dim3A_167 = vector.broadcast %broadcast_in_dim3A_166 : f32 to vector<16xf32>
    %eq3A_168 = arith.constant 0 : i32
    %eq3A_169 = vector.broadcast %eq3A_168 : i32 to vector<16xi32>
    %eq3A_170 = arith.cmpi eq, %select_n3A_88, %eq3A_169 : vector<16xi32>
    %eq3A_171 = arith.constant 0 : i32
    %eq3A_172 = vector.broadcast %eq3A_171 : i32 to vector<16xi32>
    %eq3A_173 = arith.cmpi eq, %select_n3A_159, %eq3A_172 : vector<16xi32>
    %select_n3A_174 = arith.select %eq3A_173, %mul3A_165, %broadcast_in_dim3A_167 : vector<16xi1>, vector<16xf32>
    %select_n3A_175 = arith.select %eq3A_170, %div3A_164, %select_n3A_174 : vector<16xi1>, vector<16xf32>
    %swap3A = arith.constant 0 : i32
    %swap3A_176 = arith.index_cast %swap3A : i32 to index
    %swap3A_177 = arith.constant 0 : index
    %swap3A_178 = tpu.vector_load %arg5[%swap3A_176, %swap3A_177] {strides = array<i32>} : memref<8x16xf32, #tpu.memory_space<vmem>>, vector<1x16xf32>,
    %swap3A_179 = vector.shape_cast %swap3A_178 : vector<1x16xf32> to vector<16xf32>
    %swap3A_180 = vector.shape_cast %select_n3A_175 : vector<16xf32> to vector<1x16xf32>
    tpu.vector_store %arg5[%swap3A_176, %swap3A_177], %swap3A_180 {strides = array<i32>} : memref<8x16xf32, #tpu.memory_space<vmem>>, vector<1x16xf32>,
    %eq3A_181 = arith.constant 1 : i32
    %eq3A_182 = vector.broadcast %eq3A_181 : i32 to vector<16xi32>
    %eq3A_183 = arith.cmpi eq, %select_n3A_88, %eq3A_182 : vector<16xi32>
    %eq3A_184 = arith.constant 1 : i32
    %eq3A_185 = vector.broadcast %eq3A_184 : i32 to vector<16xi32>
    %eq3A_186 = arith.cmpi eq, %select_n3A_159, %eq3A_185 : vector<16xi32>
    %select_n3A_187 = arith.select %eq3A_186, %mul3A_165, %broadcast_in_dim3A_167 : vector<16xi1>, vector<16xf32>
    %select_n3A_188 = arith.select %eq3A_183, %div3A_164, %select_n3A_187 : vector<16xi1>, vector<16xf32>
    %swap3A_189 = arith.constant 1 : i32
    %swap3A_190 = arith.index_cast %swap3A_189 : i32 to index
    %swap3A_191 = arith.constant 0 : index
    %swap3A_192 = tpu.vector_load %arg5[%swap3A_190, %swap3A_191] {strides = array<i32>} : memref<8x16xf32, #tpu.memory_space<vmem>>, vector<1x16xf32>,
    %swap3A_193 = vector.shape_cast %swap3A_192 : vector<1x16xf32> to vector<16xf32>
    %swap3A_194 = vector.shape_cast %select_n3A_188 : vector<16xf32> to vector<1x16xf32>
    tpu.vector_store %arg5[%swap3A_190, %swap3A_191], %swap3A_194 {strides = array<i32>} : memref<8x16xf32, #tpu.memory_space<vmem>>, vector<1x16xf32>,
    %eq3A_195 = arith.constant 2 : i32
    %eq3A_196 = vector.broadcast %eq3A_195 : i32 to vector<16xi32>
    %eq3A_197 = arith.cmpi eq, %select_n3A_88, %eq3A_196 : vector<16xi32>
    %eq3A_198 = arith.constant 2 : i32
    %eq3A_199 = vector.broadcast %eq3A_198 : i32 to vector<16xi32>
    %eq3A_200 = arith.cmpi eq, %select_n3A_159, %eq3A_199 : vector<16xi32>
    %select_n3A_201 = arith.select %eq3A_200, %mul3A_165, %broadcast_in_dim3A_167 : vector<16xi1>, vector<16xf32>
    %select_n3A_202 = arith.select %eq3A_197, %div3A_164, %select_n3A_201 : vector<16xi1>, vector<16xf32>
    %swap3A_203 = arith.constant 2 : i32
    %swap3A_204 = arith.index_cast %swap3A_203 : i32 to index
    %swap3A_205 = arith.constant 0 : index
    %swap3A_206 = tpu.vector_load %arg5[%swap3A_204, %swap3A_205] {strides = array<i32>} : memref<8x16xf32, #tpu.memory_space<vmem>>, vector<1x16xf32>,
    %swap3A_207 = vector.shape_cast %swap3A_206 : vector<1x16xf32> to vector<16xf32>
    %swap3A_208 = vector.shape_cast %select_n3A_202 : vector<16xf32> to vector<1x16xf32>
    tpu.vector_store %arg5[%swap3A_204, %swap3A_205], %swap3A_208 {strides = array<i32>} : memref<8x16xf32, #tpu.memory_space<vmem>>, vector<1x16xf32>,
    %eq3A_209 = arith.constant 3 : i32
    %eq3A_210 = vector.broadcast %eq3A_209 : i32 to vector<16xi32>
    %eq3A_211 = arith.cmpi eq, %select_n3A_88, %eq3A_210 : vector<16xi32>
    %eq3A_212 = arith.constant 3 : i32
    %eq3A_213 = vector.broadcast %eq3A_212 : i32 to vector<16xi32>
    %eq3A_214 = arith.cmpi eq, %select_n3A_159, %eq3A_213 : vector<16xi32>
    %select_n3A_215 = arith.select %eq3A_214, %mul3A_165, %broadcast_in_dim3A_167 : vector<16xi1>, vector<16xf32>
    %select_n3A_216 = arith.select %eq3A_211, %div3A_164, %select_n3A_215 : vector<16xi1>, vector<16xf32>
    %swap3A_217 = arith.constant 3 : i32
    %swap3A_218 = arith.index_cast %swap3A_217 : i32 to index
    %swap3A_219 = arith.constant 0 : index
    %swap3A_220 = tpu.vector_load %arg5[%swap3A_218, %swap3A_219] {strides = array<i32>} : memref<8x16xf32, #tpu.memory_space<vmem>>, vector<1x16xf32>,
    %swap3A_221 = vector.shape_cast %swap3A_220 : vector<1x16xf32> to vector<16xf32>
    %swap3A_222 = vector.shape_cast %select_n3A_216 : vector<16xf32> to vector<1x16xf32>
    tpu.vector_store %arg5[%swap3A_218, %swap3A_219], %swap3A_222 {strides = array<i32>} : memref<8x16xf32, #tpu.memory_space<vmem>>, vector<1x16xf32>,
    %eq3A_223 = arith.constant 4 : i32
    %eq3A_224 = vector.broadcast %eq3A_223 : i32 to vector<16xi32>
    %eq3A_225 = arith.cmpi eq, %select_n3A_88, %eq3A_224 : vector<16xi32>
    %eq3A_226 = arith.constant 4 : i32
    %eq3A_227 = vector.broadcast %eq3A_226 : i32 to vector<16xi32>
    %eq3A_228 = arith.cmpi eq, %select_n3A_159, %eq3A_227 : vector<16xi32>
    %select_n3A_229 = arith.select %eq3A_228, %mul3A_165, %broadcast_in_dim3A_167 : vector<16xi1>, vector<16xf32>
    %select_n3A_230 = arith.select %eq3A_225, %div3A_164, %select_n3A_229 : vector<16xi1>, vector<16xf32>
    %swap3A_231 = arith.constant 4 : i32
    %swap3A_232 = arith.index_cast %swap3A_231 : i32 to index
    %swap3A_233 = arith.constant 0 : index
    %swap3A_234 = tpu.vector_load %arg5[%swap3A_232, %swap3A_233] {strides = array<i32>} : memref<8x16xf32, #tpu.memory_space<vmem>>, vector<1x16xf32>,
    %swap3A_235 = vector.shape_cast %swap3A_234 : vector<1x16xf32> to vector<16xf32>
    %swap3A_236 = vector.shape_cast %select_n3A_230 : vector<16xf32> to vector<1x16xf32>
    tpu.vector_store %arg5[%swap3A_232, %swap3A_233], %swap3A_236 {strides = array<i32>} : memref<8x16xf32, #tpu.memory_space<vmem>>, vector<1x16xf32>,
    %eq3A_237 = arith.constant 5 : i32
    %eq3A_238 = vector.broadcast %eq3A_237 : i32 to vector<16xi32>
    %eq3A_239 = arith.cmpi eq, %select_n3A_88, %eq3A_238 : vector<16xi32>
    %eq3A_240 = arith.constant 5 : i32
    %eq3A_241 = vector.broadcast %eq3A_240 : i32 to vector<16xi32>
    %eq3A_242 = arith.cmpi eq, %select_n3A_159, %eq3A_241 : vector<16xi32>
    %select_n3A_243 = arith.select %eq3A_242, %mul3A_165, %broadcast_in_dim3A_167 : vector<16xi1>, vector<16xf32>
    %select_n3A_244 = arith.select %eq3A_239, %div3A_164, %select_n3A_243 : vector<16xi1>, vector<16xf32>
    %swap3A_245 = arith.constant 5 : i32
    %swap3A_246 = arith.index_cast %swap3A_245 : i32 to index
    %swap3A_247 = arith.constant 0 : index
    %swap3A_248 = tpu.vector_load %arg5[%swap3A_246, %swap3A_247] {strides = array<i32>} : memref<8x16xf32, #tpu.memory_space<vmem>>, vector<1x16xf32>,
    %swap3A_249 = vector.shape_cast %swap3A_248 : vector<1x16xf32> to vector<16xf32>
    %swap3A_250 = vector.shape_cast %select_n3A_244 : vector<16xf32> to vector<1x16xf32>
    tpu.vector_store %arg5[%swap3A_246, %swap3A_247], %swap3A_250 {strides = array<i32>} : memref<8x16xf32, #tpu.memory_space<vmem>>, vector<1x16xf32>,
    %eq3A_251 = arith.constant 6 : i32
    %eq3A_252 = vector.broadcast %eq3A_251 : i32 to vector<16xi32>
    %eq3A_253 = arith.cmpi eq, %select_n3A_88, %eq3A_252 : vector<16xi32>
    %eq3A_254 = arith.constant 6 : i32
    %eq3A_255 = vector.broadcast %eq3A_254 : i32 to vector<16xi32>
    %eq3A_256 = arith.cmpi eq, %select_n3A_159, %eq3A_255 : vector<16xi32>
    %select_n3A_257 = arith.select %eq3A_256, %mul3A_165, %broadcast_in_dim3A_167 : vector<16xi1>, vector<16xf32>
    %select_n3A_258 = arith.select %eq3A_253, %div3A_164, %select_n3A_257 : vector<16xi1>, vector<16xf32>
    %swap3A_259 = arith.constant 6 : i32
    %swap3A_260 = arith.index_cast %swap3A_259 : i32 to index
    %swap3A_261 = arith.constant 0 : index
    %swap3A_262 = tpu.vector_load %arg5[%swap3A_260, %swap3A_261] {strides = array<i32>} : memref<8x16xf32, #tpu.memory_space<vmem>>, vector<1x16xf32>,
    %swap3A_263 = vector.shape_cast %swap3A_262 : vector<1x16xf32> to vector<16xf32>
    %swap3A_264 = vector.shape_cast %select_n3A_258 : vector<16xf32> to vector<1x16xf32>
    tpu.vector_store %arg5[%swap3A_260, %swap3A_261], %swap3A_264 {strides = array<i32>} : memref<8x16xf32, #tpu.memory_space<vmem>>, vector<1x16xf32>,
    %eq3A_265 = arith.constant 7 : i32
    %eq3A_266 = vector.broadcast %eq3A_265 : i32 to vector<16xi32>
    %eq3A_267 = arith.cmpi eq, %select_n3A_88, %eq3A_266 : vector<16xi32>
    %eq3A_268 = arith.constant 7 : i32
    %eq3A_269 = vector.broadcast %eq3A_268 : i32 to vector<16xi32>
    %eq3A_270 = arith.cmpi eq, %select_n3A_159, %eq3A_269 : vector<16xi32>
    %select_n3A_271 = arith.select %eq3A_270, %mul3A_165, %broadcast_in_dim3A_167 : vector<16xi1>, vector<16xf32>
    %select_n3A_272 = arith.select %eq3A_267, %div3A_164, %select_n3A_271 : vector<16xi1>, vector<16xf32>
    %swap3A_273 = arith.constant 7 : i32
    %swap3A_274 = arith.index_cast %swap3A_273 : i32 to index
    %swap3A_275 = arith.constant 0 : index
    %swap3A_276 = tpu.vector_load %arg5[%swap3A_274, %swap3A_275] {strides = array<i32>} : memref<8x16xf32, #tpu.memory_space<vmem>>, vector<1x16xf32>,
    %swap3A_277 = vector.shape_cast %swap3A_276 : vector<1x16xf32> to vector<16xf32>
    %swap3A_278 = vector.shape_cast %select_n3A_272 : vector<16xf32> to vector<1x16xf32>
    tpu.vector_store %arg5[%swap3A_274, %swap3A_275], %swap3A_278 {strides = array<i32>} : memref<8x16xf32, #tpu.memory_space<vmem>>, vector<1x16xf32>,
    %run_scoped3A_279 = arith.constant 0 : i32
    %run_scoped3A_280 = arith.constant 0 : i32
    "tpu.region"() ({
      %run_scoped3A_295 = tpu.sem_alloc : memref<!tpu.dma_semaphore, #tpu.memory_space<semaphore_mem>>
      %dma_start3A = arith.constant 0 : i32
      %dma_start3A_296 = tpu.memref_slice %arg5[%run_scoped3A_279, %dma_start3A] : memref<8x16xf32, #tpu.memory_space<vmem>> -> memref<1x16xf32, #tpu.memory_space<vmem>>
      %dma_start3A_297 = tpu.memref_squeeze %dma_start3A_296 : memref<1x16xf32, #tpu.memory_space<vmem>> -> memref<16xf32, #tpu.memory_space<vmem>>
      %dma_start3A_298 = tpu.memref_slice %arg3[%run_scoped3A_280, %mul3A_2] : memref<8x512xf32, #tpu.memory_space<hbm>> -> memref<1x16xf32, #tpu.memory_space<hbm>>
      %dma_start3A_299 = tpu.memref_squeeze %dma_start3A_298 : memref<1x16xf32, #tpu.memory_space<hbm>> -> memref<16xf32, #tpu.memory_space<hbm>>
      %dma_start3A_300 = tpu.memref_slice %arg3[%run_scoped3A_280, %mul3A_2] : memref<8x512xf32, #tpu.memory_space<hbm>> -> memref<1x16xf32, #tpu.memory_space<hbm>>
      %dma_start3A_301 = tpu.memref_squeeze %dma_start3A_300 : memref<1x16xf32, #tpu.memory_space<hbm>> -> memref<16xf32, #tpu.memory_space<hbm>>
      %dma_start3A_302 = arith.constant 0 : i32
      %dma_start3A_303 = tpu.memref_slice %arg5[%run_scoped3A_279, %dma_start3A_302] : memref<8x16xf32, #tpu.memory_space<vmem>> -> memref<1x16xf32, #tpu.memory_space<vmem>>
      %dma_start3A_304 = tpu.memref_squeeze %dma_start3A_303 : memref<1x16xf32, #tpu.memory_space<vmem>> -> memref<16xf32, #tpu.memory_space<vmem>>
      tpu.enqueue_dma source(%dma_start3A_304 : memref<16xf32, #tpu.memory_space<vmem>>) target(%dma_start3A_301 : memref<16xf32, #tpu.memory_space<hbm>>) target_semaphore(%run_scoped3A_295 : memref<!tpu.dma_semaphore, #tpu.memory_space<semaphore_mem>>)
      %dma_wait3A = arith.constant 0 : i32
      %dma_wait3A_305 = tpu.memref_slice %arg5[%run_scoped3A_279, %dma_wait3A] : memref<8x16xf32, #tpu.memory_space<vmem>> -> memref<1x16xf32, #tpu.memory_space<vmem>>
      %dma_wait3A_306 = tpu.memref_squeeze %dma_wait3A_305 : memref<1x16xf32, #tpu.memory_space<vmem>> -> memref<16xf32, #tpu.memory_space<vmem>>
      %dma_wait3A_307 = tpu.memref_slice %arg3[%run_scoped3A_280, %mul3A_2] : memref<8x512xf32, #tpu.memory_space<hbm>> -> memref<1x16xf32, #tpu.memory_space<hbm>>
      %dma_wait3A_308 = tpu.memref_squeeze %dma_wait3A_307 : memref<1x16xf32, #tpu.memory_space<hbm>> -> memref<16xf32, #tpu.memory_space<hbm>>
      %dma_wait3A_309 = tpu.memref_slice %arg3[%run_scoped3A_280, %mul3A_2] : memref<8x512xf32, #tpu.memory_space<hbm>> -> memref<1x16xf32, #tpu.memory_space<hbm>>
      %dma_wait3A_310 = tpu.memref_squeeze %dma_wait3A_309 : memref<1x16xf32, #tpu.memory_space<hbm>> -> memref<16xf32, #tpu.memory_space<hbm>>
      %dma_wait3A_311 = arith.constant 0 : i32
      %dma_wait3A_312 = tpu.memref_slice %arg5[%run_scoped3A_279, %dma_wait3A_311] : memref<8x16xf32, #tpu.memory_space<vmem>> -> memref<1x16xf32, #tpu.memory_space<vmem>>
      %dma_wait3A_313 = tpu.memref_squeeze %dma_wait3A_312 : memref<1x16xf32, #tpu.memory_space<vmem>> -> memref<16xf32, #tpu.memory_space<vmem>>
      tpu.wait_dma2 semaphore(%run_scoped3A_295 : memref<!tpu.dma_semaphore, #tpu.memory_space<semaphore_mem>>) src(%dma_wait3A_313 : memref<16xf32, #tpu.memory_space<vmem>>) dst(%dma_wait3A_310 : memref<16xf32, #tpu.memory_space<hbm>>)
      tpu.yield
    }) : () -> ()
    %run_scoped3A_281 = arith.constant 1 : i32
    %run_scoped3A_282 = arith.constant 1 : i32
    "tpu.region"() ({
      %run_scoped3A_295 = tpu.sem_alloc : memref<!tpu.dma_semaphore, #tpu.memory_space<semaphore_mem>>
      %dma_start3A = arith.constant 0 : i32
      %dma_start3A_296 = tpu.memref_slice %arg5[%run_scoped3A_281, %dma_start3A] : memref<8x16xf32, #tpu.memory_space<vmem>> -> memref<1x16xf32, #tpu.memory_space<vmem>>
      %dma_start3A_297 = tpu.memref_squeeze %dma_start3A_296 : memref<1x16xf32, #tpu.memory_space<vmem>> -> memref<16xf32, #tpu.memory_space<vmem>>
      %dma_start3A_298 = tpu.memref_slice %arg3[%run_scoped3A_282, %mul3A_2] : memref<8x512xf32, #tpu.memory_space<hbm>> -> memref<1x16xf32, #tpu.memory_space<hbm>>
      %dma_start3A_299 = tpu.memref_squeeze %dma_start3A_298 : memref<1x16xf32, #tpu.memory_space<hbm>> -> memref<16xf32, #tpu.memory_space<hbm>>
      %dma_start3A_300 = tpu.memref_slice %arg3[%run_scoped3A_282, %mul3A_2] : memref<8x512xf32, #tpu.memory_space<hbm>> -> memref<1x16xf32, #tpu.memory_space<hbm>>
      %dma_start3A_301 = tpu.memref_squeeze %dma_start3A_300 : memref<1x16xf32, #tpu.memory_space<hbm>> -> memref<16xf32, #tpu.memory_space<hbm>>
      %dma_start3A_302 = arith.constant 0 : i32
      %dma_start3A_303 = tpu.memref_slice %arg5[%run_scoped3A_281, %dma_start3A_302] : memref<8x16xf32, #tpu.memory_space<vmem>> -> memref<1x16xf32, #tpu.memory_space<vmem>>
      %dma_start3A_304 = tpu.memref_squeeze %dma_start3A_303 : memref<1x16xf32, #tpu.memory_space<vmem>> -> memref<16xf32, #tpu.memory_space<vmem>>
      tpu.enqueue_dma source(%dma_start3A_304 : memref<16xf32, #tpu.memory_space<vmem>>) target(%dma_start3A_301 : memref<16xf32, #tpu.memory_space<hbm>>) target_semaphore(%run_scoped3A_295 : memref<!tpu.dma_semaphore, #tpu.memory_space<semaphore_mem>>)
      %dma_wait3A = arith.constant 0 : i32
      %dma_wait3A_305 = tpu.memref_slice %arg5[%run_scoped3A_281, %dma_wait3A] : memref<8x16xf32, #tpu.memory_space<vmem>> -> memref<1x16xf32, #tpu.memory_space<vmem>>
      %dma_wait3A_306 = tpu.memref_squeeze %dma_wait3A_305 : memref<1x16xf32, #tpu.memory_space<vmem>> -> memref<16xf32, #tpu.memory_space<vmem>>
      %dma_wait3A_307 = tpu.memref_slice %arg3[%run_scoped3A_282, %mul3A_2] : memref<8x512xf32, #tpu.memory_space<hbm>> -> memref<1x16xf32, #tpu.memory_space<hbm>>
      %dma_wait3A_308 = tpu.memref_squeeze %dma_wait3A_307 : memref<1x16xf32, #tpu.memory_space<hbm>> -> memref<16xf32, #tpu.memory_space<hbm>>
      %dma_wait3A_309 = tpu.memref_slice %arg3[%run_scoped3A_282, %mul3A_2] : memref<8x512xf32, #tpu.memory_space<hbm>> -> memref<1x16xf32, #tpu.memory_space<hbm>>
      %dma_wait3A_310 = tpu.memref_squeeze %dma_wait3A_309 : memref<1x16xf32, #tpu.memory_space<hbm>> -> memref<16xf32, #tpu.memory_space<hbm>>
      %dma_wait3A_311 = arith.constant 0 : i32
      %dma_wait3A_312 = tpu.memref_slice %arg5[%run_scoped3A_281, %dma_wait3A_311] : memref<8x16xf32, #tpu.memory_space<vmem>> -> memref<1x16xf32, #tpu.memory_space<vmem>>
      %dma_wait3A_313 = tpu.memref_squeeze %dma_wait3A_312 : memref<1x16xf32, #tpu.memory_space<vmem>> -> memref<16xf32, #tpu.memory_space<vmem>>
      tpu.wait_dma2 semaphore(%run_scoped3A_295 : memref<!tpu.dma_semaphore, #tpu.memory_space<semaphore_mem>>) src(%dma_wait3A_313 : memref<16xf32, #tpu.memory_space<vmem>>) dst(%dma_wait3A_310 : memref<16xf32, #tpu.memory_space<hbm>>)
      tpu.yield
    }) : () -> ()
    %run_scoped3A_283 = arith.constant 2 : i32
    %run_scoped3A_284 = arith.constant 2 : i32
    "tpu.region"() ({
      %run_scoped3A_295 = tpu.sem_alloc : memref<!tpu.dma_semaphore, #tpu.memory_space<semaphore_mem>>
      %dma_start3A = arith.constant 0 : i32
      %dma_start3A_296 = tpu.memref_slice %arg5[%run_scoped3A_283, %dma_start3A] : memref<8x16xf32, #tpu.memory_space<vmem>> -> memref<1x16xf32, #tpu.memory_space<vmem>>
      %dma_start3A_297 = tpu.memref_squeeze %dma_start3A_296 : memref<1x16xf32, #tpu.memory_space<vmem>> -> memref<16xf32, #tpu.memory_space<vmem>>
      %dma_start3A_298 = tpu.memref_slice %arg3[%run_scoped3A_284, %mul3A_2] : memref<8x512xf32, #tpu.memory_space<hbm>> -> memref<1x16xf32, #tpu.memory_space<hbm>>
      %dma_start3A_299 = tpu.memref_squeeze %dma_start3A_298 : memref<1x16xf32, #tpu.memory_space<hbm>> -> memref<16xf32, #tpu.memory_space<hbm>>
      %dma_start3A_300 = tpu.memref_slice %arg3[%run_scoped3A_284, %mul3A_2] : memref<8x512xf32, #tpu.memory_space<hbm>> -> memref<1x16xf32, #tpu.memory_space<hbm>>
      %dma_start3A_301 = tpu.memref_squeeze %dma_start3A_300 : memref<1x16xf32, #tpu.memory_space<hbm>> -> memref<16xf32, #tpu.memory_space<hbm>>
      %dma_start3A_302 = arith.constant 0 : i32
      %dma_start3A_303 = tpu.memref_slice %arg5[%run_scoped3A_283, %dma_start3A_302] : memref<8x16xf32, #tpu.memory_space<vmem>> -> memref<1x16xf32, #tpu.memory_space<vmem>>
      %dma_start3A_304 = tpu.memref_squeeze %dma_start3A_303 : memref<1x16xf32, #tpu.memory_space<vmem>> -> memref<16xf32, #tpu.memory_space<vmem>>
      tpu.enqueue_dma source(%dma_start3A_304 : memref<16xf32, #tpu.memory_space<vmem>>) target(%dma_start3A_301 : memref<16xf32, #tpu.memory_space<hbm>>) target_semaphore(%run_scoped3A_295 : memref<!tpu.dma_semaphore, #tpu.memory_space<semaphore_mem>>)
      %dma_wait3A = arith.constant 0 : i32
      %dma_wait3A_305 = tpu.memref_slice %arg5[%run_scoped3A_283, %dma_wait3A] : memref<8x16xf32, #tpu.memory_space<vmem>> -> memref<1x16xf32, #tpu.memory_space<vmem>>
      %dma_wait3A_306 = tpu.memref_squeeze %dma_wait3A_305 : memref<1x16xf32, #tpu.memory_space<vmem>> -> memref<16xf32, #tpu.memory_space<vmem>>
      %dma_wait3A_307 = tpu.memref_slice %arg3[%run_scoped3A_284, %mul3A_2] : memref<8x512xf32, #tpu.memory_space<hbm>> -> memref<1x16xf32, #tpu.memory_space<hbm>>
      %dma_wait3A_308 = tpu.memref_squeeze %dma_wait3A_307 : memref<1x16xf32, #tpu.memory_space<hbm>> -> memref<16xf32, #tpu.memory_space<hbm>>
      %dma_wait3A_309 = tpu.memref_slice %arg3[%run_scoped3A_284, %mul3A_2] : memref<8x512xf32, #tpu.memory_space<hbm>> -> memref<1x16xf32, #tpu.memory_space<hbm>>
      %dma_wait3A_310 = tpu.memref_squeeze %dma_wait3A_309 : memref<1x16xf32, #tpu.memory_space<hbm>> -> memref<16xf32, #tpu.memory_space<hbm>>
      %dma_wait3A_311 = arith.constant 0 : i32
      %dma_wait3A_312 = tpu.memref_slice %arg5[%run_scoped3A_283, %dma_wait3A_311] : memref<8x16xf32, #tpu.memory_space<vmem>> -> memref<1x16xf32, #tpu.memory_space<vmem>>
      %dma_wait3A_313 = tpu.memref_squeeze %dma_wait3A_312 : memref<1x16xf32, #tpu.memory_space<vmem>> -> memref<16xf32, #tpu.memory_space<vmem>>
      tpu.wait_dma2 semaphore(%run_scoped3A_295 : memref<!tpu.dma_semaphore, #tpu.memory_space<semaphore_mem>>) src(%dma_wait3A_313 : memref<16xf32, #tpu.memory_space<vmem>>) dst(%dma_wait3A_310 : memref<16xf32, #tpu.memory_space<hbm>>)
      tpu.yield
    }) : () -> ()
    %run_scoped3A_285 = arith.constant 3 : i32
    %run_scoped3A_286 = arith.constant 3 : i32
    "tpu.region"() ({
      %run_scoped3A_295 = tpu.sem_alloc : memref<!tpu.dma_semaphore, #tpu.memory_space<semaphore_mem>>
      %dma_start3A = arith.constant 0 : i32
      %dma_start3A_296 = tpu.memref_slice %arg5[%run_scoped3A_285, %dma_start3A] : memref<8x16xf32, #tpu.memory_space<vmem>> -> memref<1x16xf32, #tpu.memory_space<vmem>>
      %dma_start3A_297 = tpu.memref_squeeze %dma_start3A_296 : memref<1x16xf32, #tpu.memory_space<vmem>> -> memref<16xf32, #tpu.memory_space<vmem>>
      %dma_start3A_298 = tpu.memref_slice %arg3[%run_scoped3A_286, %mul3A_2] : memref<8x512xf32, #tpu.memory_space<hbm>> -> memref<1x16xf32, #tpu.memory_space<hbm>>
      %dma_start3A_299 = tpu.memref_squeeze %dma_start3A_298 : memref<1x16xf32, #tpu.memory_space<hbm>> -> memref<16xf32, #tpu.memory_space<hbm>>
      %dma_start3A_300 = tpu.memref_slice %arg3[%run_scoped3A_286, %mul3A_2] : memref<8x512xf32, #tpu.memory_space<hbm>> -> memref<1x16xf32, #tpu.memory_space<hbm>>
      %dma_start3A_301 = tpu.memref_squeeze %dma_start3A_300 : memref<1x16xf32, #tpu.memory_space<hbm>> -> memref<16xf32, #tpu.memory_space<hbm>>
      %dma_start3A_302 = arith.constant 0 : i32
      %dma_start3A_303 = tpu.memref_slice %arg5[%run_scoped3A_285, %dma_start3A_302] : memref<8x16xf32, #tpu.memory_space<vmem>> -> memref<1x16xf32, #tpu.memory_space<vmem>>
      %dma_start3A_304 = tpu.memref_squeeze %dma_start3A_303 : memref<1x16xf32, #tpu.memory_space<vmem>> -> memref<16xf32, #tpu.memory_space<vmem>>
      tpu.enqueue_dma source(%dma_start3A_304 : memref<16xf32, #tpu.memory_space<vmem>>) target(%dma_start3A_301 : memref<16xf32, #tpu.memory_space<hbm>>) target_semaphore(%run_scoped3A_295 : memref<!tpu.dma_semaphore, #tpu.memory_space<semaphore_mem>>)
      %dma_wait3A = arith.constant 0 : i32
      %dma_wait3A_305 = tpu.memref_slice %arg5[%run_scoped3A_285, %dma_wait3A] : memref<8x16xf32, #tpu.memory_space<vmem>> -> memref<1x16xf32, #tpu.memory_space<vmem>>
      %dma_wait3A_306 = tpu.memref_squeeze %dma_wait3A_305 : memref<1x16xf32, #tpu.memory_space<vmem>> -> memref<16xf32, #tpu.memory_space<vmem>>
      %dma_wait3A_307 = tpu.memref_slice %arg3[%run_scoped3A_286, %mul3A_2] : memref<8x512xf32, #tpu.memory_space<hbm>> -> memref<1x16xf32, #tpu.memory_space<hbm>>
      %dma_wait3A_308 = tpu.memref_squeeze %dma_wait3A_307 : memref<1x16xf32, #tpu.memory_space<hbm>> -> memref<16xf32, #tpu.memory_space<hbm>>
      %dma_wait3A_309 = tpu.memref_slice %arg3[%run_scoped3A_286, %mul3A_2] : memref<8x512xf32, #tpu.memory_space<hbm>> -> memref<1x16xf32, #tpu.memory_space<hbm>>
      %dma_wait3A_310 = tpu.memref_squeeze %dma_wait3A_309 : memref<1x16xf32, #tpu.memory_space<hbm>> -> memref<16xf32, #tpu.memory_space<hbm>>
      %dma_wait3A_311 = arith.constant 0 : i32
      %dma_wait3A_312 = tpu.memref_slice %arg5[%run_scoped3A_285, %dma_wait3A_311] : memref<8x16xf32, #tpu.memory_space<vmem>> -> memref<1x16xf32, #tpu.memory_space<vmem>>
      %dma_wait3A_313 = tpu.memref_squeeze %dma_wait3A_312 : memref<1x16xf32, #tpu.memory_space<vmem>> -> memref<16xf32, #tpu.memory_space<vmem>>
      tpu.wait_dma2 semaphore(%run_scoped3A_295 : memref<!tpu.dma_semaphore, #tpu.memory_space<semaphore_mem>>) src(%dma_wait3A_313 : memref<16xf32, #tpu.memory_space<vmem>>) dst(%dma_wait3A_310 : memref<16xf32, #tpu.memory_space<hbm>>)
      tpu.yield
    }) : () -> ()
    %run_scoped3A_287 = arith.constant 4 : i32
    %run_scoped3A_288 = arith.constant 4 : i32
    "tpu.region"() ({
      %run_scoped3A_295 = tpu.sem_alloc : memref<!tpu.dma_semaphore, #tpu.memory_space<semaphore_mem>>
      %dma_start3A = arith.constant 0 : i32
      %dma_start3A_296 = tpu.memref_slice %arg5[%run_scoped3A_287, %dma_start3A] : memref<8x16xf32, #tpu.memory_space<vmem>> -> memref<1x16xf32, #tpu.memory_space<vmem>>
      %dma_start3A_297 = tpu.memref_squeeze %dma_start3A_296 : memref<1x16xf32, #tpu.memory_space<vmem>> -> memref<16xf32, #tpu.memory_space<vmem>>
      %dma_start3A_298 = tpu.memref_slice %arg3[%run_scoped3A_288, %mul3A_2] : memref<8x512xf32, #tpu.memory_space<hbm>> -> memref<1x16xf32, #tpu.memory_space<hbm>>
      %dma_start3A_299 = tpu.memref_squeeze %dma_start3A_298 : memref<1x16xf32, #tpu.memory_space<hbm>> -> memref<16xf32, #tpu.memory_space<hbm>>
      %dma_start3A_300 = tpu.memref_slice %arg3[%run_scoped3A_288, %mul3A_2] : memref<8x512xf32, #tpu.memory_space<hbm>> -> memref<1x16xf32, #tpu.memory_space<hbm>>
      %dma_start3A_301 = tpu.memref_squeeze %dma_start3A_300 : memref<1x16xf32, #tpu.memory_space<hbm>> -> memref<16xf32, #tpu.memory_space<hbm>>
      %dma_start3A_302 = arith.constant 0 : i32
      %dma_start3A_303 = tpu.memref_slice %arg5[%run_scoped3A_287, %dma_start3A_302] : memref<8x16xf32, #tpu.memory_space<vmem>> -> memref<1x16xf32, #tpu.memory_space<vmem>>
      %dma_start3A_304 = tpu.memref_squeeze %dma_start3A_303 : memref<1x16xf32, #tpu.memory_space<vmem>> -> memref<16xf32, #tpu.memory_space<vmem>>
      tpu.enqueue_dma source(%dma_start3A_304 : memref<16xf32, #tpu.memory_space<vmem>>) target(%dma_start3A_301 : memref<16xf32, #tpu.memory_space<hbm>>) target_semaphore(%run_scoped3A_295 : memref<!tpu.dma_semaphore, #tpu.memory_space<semaphore_mem>>)
      %dma_wait3A = arith.constant 0 : i32
      %dma_wait3A_305 = tpu.memref_slice %arg5[%run_scoped3A_287, %dma_wait3A] : memref<8x16xf32, #tpu.memory_space<vmem>> -> memref<1x16xf32, #tpu.memory_space<vmem>>
      %dma_wait3A_306 = tpu.memref_squeeze %dma_wait3A_305 : memref<1x16xf32, #tpu.memory_space<vmem>> -> memref<16xf32, #tpu.memory_space<vmem>>
      %dma_wait3A_307 = tpu.memref_slice %arg3[%run_scoped3A_288, %mul3A_2] : memref<8x512xf32, #tpu.memory_space<hbm>> -> memref<1x16xf32, #tpu.memory_space<hbm>>
      %dma_wait3A_308 = tpu.memref_squeeze %dma_wait3A_307 : memref<1x16xf32, #tpu.memory_space<hbm>> -> memref<16xf32, #tpu.memory_space<hbm>>
      %dma_wait3A_309 = tpu.memref_slice %arg3[%run_scoped3A_288, %mul3A_2] : memref<8x512xf32, #tpu.memory_space<hbm>> -> memref<1x16xf32, #tpu.memory_space<hbm>>
      %dma_wait3A_310 = tpu.memref_squeeze %dma_wait3A_309 : memref<1x16xf32, #tpu.memory_space<hbm>> -> memref<16xf32, #tpu.memory_space<hbm>>
      %dma_wait3A_311 = arith.constant 0 : i32
      %dma_wait3A_312 = tpu.memref_slice %arg5[%run_scoped3A_287, %dma_wait3A_311] : memref<8x16xf32, #tpu.memory_space<vmem>> -> memref<1x16xf32, #tpu.memory_space<vmem>>
      %dma_wait3A_313 = tpu.memref_squeeze %dma_wait3A_312 : memref<1x16xf32, #tpu.memory_space<vmem>> -> memref<16xf32, #tpu.memory_space<vmem>>
      tpu.wait_dma2 semaphore(%run_scoped3A_295 : memref<!tpu.dma_semaphore, #tpu.memory_space<semaphore_mem>>) src(%dma_wait3A_313 : memref<16xf32, #tpu.memory_space<vmem>>) dst(%dma_wait3A_310 : memref<16xf32, #tpu.memory_space<hbm>>)
      tpu.yield
    }) : () -> ()
    %run_scoped3A_289 = arith.constant 5 : i32
    %run_scoped3A_290 = arith.constant 5 : i32
    "tpu.region"() ({
      %run_scoped3A_295 = tpu.sem_alloc : memref<!tpu.dma_semaphore, #tpu.memory_space<semaphore_mem>>
      %dma_start3A = arith.constant 0 : i32
      %dma_start3A_296 = tpu.memref_slice %arg5[%run_scoped3A_289, %dma_start3A] : memref<8x16xf32, #tpu.memory_space<vmem>> -> memref<1x16xf32, #tpu.memory_space<vmem>>
      %dma_start3A_297 = tpu.memref_squeeze %dma_start3A_296 : memref<1x16xf32, #tpu.memory_space<vmem>> -> memref<16xf32, #tpu.memory_space<vmem>>
      %dma_start3A_298 = tpu.memref_slice %arg3[%run_scoped3A_290, %mul3A_2] : memref<8x512xf32, #tpu.memory_space<hbm>> -> memref<1x16xf32, #tpu.memory_space<hbm>>
      %dma_start3A_299 = tpu.memref_squeeze %dma_start3A_298 : memref<1x16xf32, #tpu.memory_space<hbm>> -> memref<16xf32, #tpu.memory_space<hbm>>
      %dma_start3A_300 = tpu.memref_slice %arg3[%run_scoped3A_290, %mul3A_2] : memref<8x512xf32, #tpu.memory_space<hbm>> -> memref<1x16xf32, #tpu.memory_space<hbm>>
      %dma_start3A_301 = tpu.memref_squeeze %dma_start3A_300 : memref<1x16xf32, #tpu.memory_space<hbm>> -> memref<16xf32, #tpu.memory_space<hbm>>
      %dma_start3A_302 = arith.constant 0 : i32
      %dma_start3A_303 = tpu.memref_slice %arg5[%run_scoped3A_289, %dma_start3A_302] : memref<8x16xf32, #tpu.memory_space<vmem>> -> memref<1x16xf32, #tpu.memory_space<vmem>>
      %dma_start3A_304 = tpu.memref_squeeze %dma_start3A_303 : memref<1x16xf32, #tpu.memory_space<vmem>> -> memref<16xf32, #tpu.memory_space<vmem>>
      tpu.enqueue_dma source(%dma_start3A_304 : memref<16xf32, #tpu.memory_space<vmem>>) target(%dma_start3A_301 : memref<16xf32, #tpu.memory_space<hbm>>) target_semaphore(%run_scoped3A_295 : memref<!tpu.dma_semaphore, #tpu.memory_space<semaphore_mem>>)
      %dma_wait3A = arith.constant 0 : i32
      %dma_wait3A_305 = tpu.memref_slice %arg5[%run_scoped3A_289, %dma_wait3A] : memref<8x16xf32, #tpu.memory_space<vmem>> -> memref<1x16xf32, #tpu.memory_space<vmem>>
      %dma_wait3A_306 = tpu.memref_squeeze %dma_wait3A_305 : memref<1x16xf32, #tpu.memory_space<vmem>> -> memref<16xf32, #tpu.memory_space<vmem>>
      %dma_wait3A_307 = tpu.memref_slice %arg3[%run_scoped3A_290, %mul3A_2] : memref<8x512xf32, #tpu.memory_space<hbm>> -> memref<1x16xf32, #tpu.memory_space<hbm>>
      %dma_wait3A_308 = tpu.memref_squeeze %dma_wait3A_307 : memref<1x16xf32, #tpu.memory_space<hbm>> -> memref<16xf32, #tpu.memory_space<hbm>>
      %dma_wait3A_309 = tpu.memref_slice %arg3[%run_scoped3A_290, %mul3A_2] : memref<8x512xf32, #tpu.memory_space<hbm>> -> memref<1x16xf32, #tpu.memory_space<hbm>>
      %dma_wait3A_310 = tpu.memref_squeeze %dma_wait3A_309 : memref<1x16xf32, #tpu.memory_space<hbm>> -> memref<16xf32, #tpu.memory_space<hbm>>
      %dma_wait3A_311 = arith.constant 0 : i32
      %dma_wait3A_312 = tpu.memref_slice %arg5[%run_scoped3A_289, %dma_wait3A_311] : memref<8x16xf32, #tpu.memory_space<vmem>> -> memref<1x16xf32, #tpu.memory_space<vmem>>
      %dma_wait3A_313 = tpu.memref_squeeze %dma_wait3A_312 : memref<1x16xf32, #tpu.memory_space<vmem>> -> memref<16xf32, #tpu.memory_space<vmem>>
      tpu.wait_dma2 semaphore(%run_scoped3A_295 : memref<!tpu.dma_semaphore, #tpu.memory_space<semaphore_mem>>) src(%dma_wait3A_313 : memref<16xf32, #tpu.memory_space<vmem>>) dst(%dma_wait3A_310 : memref<16xf32, #tpu.memory_space<hbm>>)
      tpu.yield
    }) : () -> ()
    %run_scoped3A_291 = arith.constant 6 : i32
    %run_scoped3A_292 = arith.constant 6 : i32
    "tpu.region"() ({
      %run_scoped3A_295 = tpu.sem_alloc : memref<!tpu.dma_semaphore, #tpu.memory_space<semaphore_mem>>
      %dma_start3A = arith.constant 0 : i32
      %dma_start3A_296 = tpu.memref_slice %arg5[%run_scoped3A_291, %dma_start3A] : memref<8x16xf32, #tpu.memory_space<vmem>> -> memref<1x16xf32, #tpu.memory_space<vmem>>
      %dma_start3A_297 = tpu.memref_squeeze %dma_start3A_296 : memref<1x16xf32, #tpu.memory_space<vmem>> -> memref<16xf32, #tpu.memory_space<vmem>>
      %dma_start3A_298 = tpu.memref_slice %arg3[%run_scoped3A_292, %mul3A_2] : memref<8x512xf32, #tpu.memory_space<hbm>> -> memref<1x16xf32, #tpu.memory_space<hbm>>
      %dma_start3A_299 = tpu.memref_squeeze %dma_start3A_298 : memref<1x16xf32, #tpu.memory_space<hbm>> -> memref<16xf32, #tpu.memory_space<hbm>>
      %dma_start3A_300 = tpu.memref_slice %arg3[%run_scoped3A_292, %mul3A_2] : memref<8x512xf32, #tpu.memory_space<hbm>> -> memref<1x16xf32, #tpu.memory_space<hbm>>
      %dma_start3A_301 = tpu.memref_squeeze %dma_start3A_300 : memref<1x16xf32, #tpu.memory_space<hbm>> -> memref<16xf32, #tpu.memory_space<hbm>>
      %dma_start3A_302 = arith.constant 0 : i32
      %dma_start3A_303 = tpu.memref_slice %arg5[%run_scoped3A_291, %dma_start3A_302] : memref<8x16xf32, #tpu.memory_space<vmem>> -> memref<1x16xf32, #tpu.memory_space<vmem>>
      %dma_start3A_304 = tpu.memref_squeeze %dma_start3A_303 : memref<1x16xf32, #tpu.memory_space<vmem>> -> memref<16xf32, #tpu.memory_space<vmem>>
      tpu.enqueue_dma source(%dma_start3A_304 : memref<16xf32, #tpu.memory_space<vmem>>) target(%dma_start3A_301 : memref<16xf32, #tpu.memory_space<hbm>>) target_semaphore(%run_scoped3A_295 : memref<!tpu.dma_semaphore, #tpu.memory_space<semaphore_mem>>)
      %dma_wait3A = arith.constant 0 : i32
      %dma_wait3A_305 = tpu.memref_slice %arg5[%run_scoped3A_291, %dma_wait3A] : memref<8x16xf32, #tpu.memory_space<vmem>> -> memref<1x16xf32, #tpu.memory_space<vmem>>
      %dma_wait3A_306 = tpu.memref_squeeze %dma_wait3A_305 : memref<1x16xf32, #tpu.memory_space<vmem>> -> memref<16xf32, #tpu.memory_space<vmem>>
      %dma_wait3A_307 = tpu.memref_slice %arg3[%run_scoped3A_292, %mul3A_2] : memref<8x512xf32, #tpu.memory_space<hbm>> -> memref<1x16xf32, #tpu.memory_space<hbm>>
      %dma_wait3A_308 = tpu.memref_squeeze %dma_wait3A_307 : memref<1x16xf32, #tpu.memory_space<hbm>> -> memref<16xf32, #tpu.memory_space<hbm>>
      %dma_wait3A_309 = tpu.memref_slice %arg3[%run_scoped3A_292, %mul3A_2] : memref<8x512xf32, #tpu.memory_space<hbm>> -> memref<1x16xf32, #tpu.memory_space<hbm>>
      %dma_wait3A_310 = tpu.memref_squeeze %dma_wait3A_309 : memref<1x16xf32, #tpu.memory_space<hbm>> -> memref<16xf32, #tpu.memory_space<hbm>>
      %dma_wait3A_311 = arith.constant 0 : i32
      %dma_wait3A_312 = tpu.memref_slice %arg5[%run_scoped3A_291, %dma_wait3A_311] : memref<8x16xf32, #tpu.memory_space<vmem>> -> memref<1x16xf32, #tpu.memory_space<vmem>>
      %dma_wait3A_313 = tpu.memref_squeeze %dma_wait3A_312 : memref<1x16xf32, #tpu.memory_space<vmem>> -> memref<16xf32, #tpu.memory_space<vmem>>
      tpu.wait_dma2 semaphore(%run_scoped3A_295 : memref<!tpu.dma_semaphore, #tpu.memory_space<semaphore_mem>>) src(%dma_wait3A_313 : memref<16xf32, #tpu.memory_space<vmem>>) dst(%dma_wait3A_310 : memref<16xf32, #tpu.memory_space<hbm>>)
      tpu.yield
    }) : () -> ()
    %run_scoped3A_293 = arith.constant 7 : i32
    %run_scoped3A_294 = arith.constant 7 : i32
    "tpu.region"() ({
      %run_scoped3A_295 = tpu.sem_alloc : memref<!tpu.dma_semaphore, #tpu.memory_space<semaphore_mem>>
      %dma_start3A = arith.constant 0 : i32
      %dma_start3A_296 = tpu.memref_slice %arg5[%run_scoped3A_293, %dma_start3A] : memref<8x16xf32, #tpu.memory_space<vmem>> -> memref<1x16xf32, #tpu.memory_space<vmem>>
      %dma_start3A_297 = tpu.memref_squeeze %dma_start3A_296 : memref<1x16xf32, #tpu.memory_space<vmem>> -> memref<16xf32, #tpu.memory_space<vmem>>
      %dma_start3A_298 = tpu.memref_slice %arg3[%run_scoped3A_294, %mul3A_2] : memref<8x512xf32, #tpu.memory_space<hbm>> -> memref<1x16xf32, #tpu.memory_space<hbm>>
      %dma_start3A_299 = tpu.memref_squeeze %dma_start3A_298 : memref<1x16xf32, #tpu.memory_space<hbm>> -> memref<16xf32, #tpu.memory_space<hbm>>
      %dma_start3A_300 = tpu.memref_slice %arg3[%run_scoped3A_294, %mul3A_2] : memref<8x512xf32, #tpu.memory_space<hbm>> -> memref<1x16xf32, #tpu.memory_space<hbm>>
      %dma_start3A_301 = tpu.memref_squeeze %dma_start3A_300 : memref<1x16xf32, #tpu.memory_space<hbm>> -> memref<16xf32, #tpu.memory_space<hbm>>
      %dma_start3A_302 = arith.constant 0 : i32
      %dma_start3A_303 = tpu.memref_slice %arg5[%run_scoped3A_293, %dma_start3A_302] : memref<8x16xf32, #tpu.memory_space<vmem>> -> memref<1x16xf32, #tpu.memory_space<vmem>>
      %dma_start3A_304 = tpu.memref_squeeze %dma_start3A_303 : memref<1x16xf32, #tpu.memory_space<vmem>> -> memref<16xf32, #tpu.memory_space<vmem>>
      tpu.enqueue_dma source(%dma_start3A_304 : memref<16xf32, #tpu.memory_space<vmem>>) target(%dma_start3A_301 : memref<16xf32, #tpu.memory_space<hbm>>) target_semaphore(%run_scoped3A_295 : memref<!tpu.dma_semaphore, #tpu.memory_space<semaphore_mem>>)
      %dma_wait3A = arith.constant 0 : i32
      %dma_wait3A_305 = tpu.memref_slice %arg5[%run_scoped3A_293, %dma_wait3A] : memref<8x16xf32, #tpu.memory_space<vmem>> -> memref<1x16xf32, #tpu.memory_space<vmem>>
      %dma_wait3A_306 = tpu.memref_squeeze %dma_wait3A_305 : memref<1x16xf32, #tpu.memory_space<vmem>> -> memref<16xf32, #tpu.memory_space<vmem>>
      %dma_wait3A_307 = tpu.memref_slice %arg3[%run_scoped3A_294, %mul3A_2] : memref<8x512xf32, #tpu.memory_space<hbm>> -> memref<1x16xf32, #tpu.memory_space<hbm>>
      %dma_wait3A_308 = tpu.memref_squeeze %dma_wait3A_307 : memref<1x16xf32, #tpu.memory_space<hbm>> -> memref<16xf32, #tpu.memory_space<hbm>>
      %dma_wait3A_309 = tpu.memref_slice %arg3[%run_scoped3A_294, %mul3A_2] : memref<8x512xf32, #tpu.memory_space<hbm>> -> memref<1x16xf32, #tpu.memory_space<hbm>>
      %dma_wait3A_310 = tpu.memref_squeeze %dma_wait3A_309 : memref<1x16xf32, #tpu.memory_space<hbm>> -> memref<16xf32, #tpu.memory_space<hbm>>
      %dma_wait3A_311 = arith.constant 0 : i32
      %dma_wait3A_312 = tpu.memref_slice %arg5[%run_scoped3A_293, %dma_wait3A_311] : memref<8x16xf32, #tpu.memory_space<vmem>> -> memref<1x16xf32, #tpu.memory_space<vmem>>
      %dma_wait3A_313 = tpu.memref_squeeze %dma_wait3A_312 : memref<1x16xf32, #tpu.memory_space<vmem>> -> memref<16xf32, #tpu.memory_space<vmem>>
      tpu.wait_dma2 semaphore(%run_scoped3A_295 : memref<!tpu.dma_semaphore, #tpu.memory_space<semaphore_mem>>) src(%dma_wait3A_313 : memref<16xf32, #tpu.memory_space<vmem>>) dst(%dma_wait3A_310 : memref<16xf32, #tpu.memory_space<hbm>>)
      tpu.yield
    }) : () -> ()
    return
  }
}

module attributes {stable_mosaic.version = 14 : i64} {
  func.func @_logits_body(%arg0: memref<512x1024xf32, #tpu.memory_space<vmem>>, %arg1: memref<8x1024xf32, #tpu.memory_space<vmem>>, %arg2: memref<8x512xf32, #tpu.memory_space<vmem>>) attributes {dimension_semantics = [], scalar_prefetch = 0 : i64, scratch_operands = 0 : i64, tpu.core_type = #tpu.core_type<tc>} {
    %get3A = arith.constant 0 : index
    %get3A_0 = arith.constant 0 : index
    %get3A_1 = vector.load %arg1[%get3A, %get3A_0] : memref<8x1024xf32, #tpu.memory_space<vmem>>, vector<8x1024xf32>
    %get3A_2 = arith.constant 0 : index
    %get3A_3 = arith.constant 0 : index
    %get3A_4 = vector.load %arg0[%get3A_2, %get3A_3] : memref<512x1024xf32, #tpu.memory_space<vmem>>, vector<512x1024xf32>
    %dot_general3A = arith.constant dense<0.000000e+00> : vector<8x512xf32>
    %dot_general3A_5 = tpu.matmul %get3A_1, %get3A_4, %dot_general3A {dimension_numbers = #tpu.dot_dimension_numbers<[1], [1], [0], [0], [0, 0, 1, 0], [], []>, transpose_lhs_hint = false} : vector<8x1024xf32>, vector<512x1024xf32>, vector<8x512xf32> -> vector<8x512xf32>
    %swap3A = arith.constant 0 : index
    %swap3A_6 = arith.constant 0 : index
    %swap3A_7 = vector.load %arg2[%swap3A, %swap3A_6] : memref<8x512xf32, #tpu.memory_space<vmem>>, vector<8x512xf32>
    tpu.vector_store %arg2[%swap3A, %swap3A_6], %dot_general3A_5 {strides = array<i32>} : memref<8x512xf32, #tpu.memory_space<vmem>>, vector<8x512xf32>,
    return
  }
}

module attributes {stable_mosaic.version = 14 : i64} {
  func.func @_median_body(%arg0: i32, %arg1: memref<1xf32, #tpu.memory_space<smem>>, %arg2: memref<1x2048x1024xf32, #tpu.memory_space<vmem>>, %arg3: memref<8xf32, #tpu.memory_space<smem>>, %arg4: memref<2048x1024xf32, #tpu.memory_space<vmem>>, %arg5: memref<1xf32, #tpu.memory_space<smem>>) attributes {dimension_semantics = [#tpu.dimension_semantics<arbitrary>], iteration_bounds = array<i64: 8>, scalar_prefetch = 0 : i64, scratch_operands = 2 : i64, tpu.core_type = #tpu.core_type<tc>, window_params = [{transform_indices = @transform_0, window_bounds = array<i64: 1>}, {transform_indices = @transform_1, window_bounds = array<i64: 1, 2048, 1024>}, {transform_indices = @transform_2, window_bounds = array<i64: 8>}]} {
    %get3A = arith.constant 0 : index
    %get3A_0 = arith.constant 0 : index
    %get3A_1 = arith.constant 0 : index
    %get3A_2 = vector.load %arg2[%get3A, %get3A_0, %get3A_1] : memref<1x2048x1024xf32, #tpu.memory_space<vmem>>, vector<1x2048x1024xf32>
    %get3A_3 = vector.shape_cast %get3A_2 : vector<1x2048x1024xf32> to vector<2048x1024xf32>
    %abs3A = math.absf %get3A_3 : vector<2048x1024xf32>
    %swap3A = arith.constant 0 : index
    %swap3A_4 = arith.constant 0 : index
    %swap3A_5 = vector.load %arg4[%swap3A, %swap3A_4] : memref<2048x1024xf32, #tpu.memory_space<vmem>>, vector<2048x1024xf32>
    tpu.vector_store %arg4[%swap3A, %swap3A_4], %abs3A {strides = array<i32>} : memref<2048x1024xf32, #tpu.memory_space<vmem>>, vector<2048x1024xf32>,
    %eq3A = arith.constant 0 : i32
    %eq3A_6 = arith.cmpi eq, %arg0, %eq3A : i32
    %get3A_7 = arith.constant 0 : index
    %get3A_8 = memref.load %arg1[%get3A_7] : memref<1xf32, #tpu.memory_space<smem>>
    %get3A_9 = arith.constant 0 : index
    %get3A_10 = memref.load %arg5[%get3A_9] : memref<1xf32, #tpu.memory_space<smem>>
    %select_n3A = arith.select %eq3A_6, %get3A_8, %get3A_10 : f32
    %get3A_11 = arith.constant 0 : index
    %get3A_12 = arith.constant 0 : index
    %get3A_13 = vector.load %arg4[%get3A_11, %get3A_12] : memref<2048x1024xf32, #tpu.memory_space<vmem>>, vector<256x1024xf32>
    %get3A_14 = arith.constant 256 : index
    %get3A_15 = arith.constant 0 : index
    %get3A_16 = vector.load %arg4[%get3A_14, %get3A_15] : memref<2048x1024xf32, #tpu.memory_space<vmem>>, vector<256x1024xf32>
    %get3A_17 = arith.constant 512 : index
    %get3A_18 = arith.constant 0 : index
    %get3A_19 = vector.load %arg4[%get3A_17, %get3A_18] : memref<2048x1024xf32, #tpu.memory_space<vmem>>, vector<256x1024xf32>
    %get3A_20 = arith.constant 768 : index
    %get3A_21 = arith.constant 0 : index
    %get3A_22 = vector.load %arg4[%get3A_20, %get3A_21] : memref<2048x1024xf32, #tpu.memory_space<vmem>>, vector<256x1024xf32>
    %get3A_23 = arith.constant 1024 : index
    %get3A_24 = arith.constant 0 : index
    %get3A_25 = vector.load %arg4[%get3A_23, %get3A_24] : memref<2048x1024xf32, #tpu.memory_space<vmem>>, vector<256x1024xf32>
    %get3A_26 = arith.constant 1280 : index
    %get3A_27 = arith.constant 0 : index
    %get3A_28 = vector.load %arg4[%get3A_26, %get3A_27] : memref<2048x1024xf32, #tpu.memory_space<vmem>>, vector<256x1024xf32>
    %get3A_29 = arith.constant 1536 : index
    %get3A_30 = arith.constant 0 : index
    %get3A_31 = vector.load %arg4[%get3A_29, %get3A_30] : memref<2048x1024xf32, #tpu.memory_space<vmem>>, vector<256x1024xf32>
    %get3A_32 = arith.constant 1792 : index
    %get3A_33 = arith.constant 0 : index
    %get3A_34 = vector.load %arg4[%get3A_32, %get3A_33] : memref<2048x1024xf32, #tpu.memory_space<vmem>>, vector<256x1024xf32>
    %reduce_min3A = vector.shape_cast %get3A_13 : vector<256x1024xf32> to vector<1x256x1024xf32>
    %reduce_min3A_35 = arith.constant dense<0x7F800000> : vector<1xf32>
    %reduce_min3A_36 = vector.multi_reduction <minimumf>, %reduce_min3A, %reduce_min3A_35 [1, 2] : vector<1x256x1024xf32> to vector<1xf32>
    %reduce_min3A_37 = vector.shape_cast %reduce_min3A_36 : vector<1xf32> to vector<1x1x1xf32>
    %reduce_min3A_38 = vector.extract %reduce_min3A_37[0, 0, 0] : f32 from vector<1x1x1xf32>
    %reduce_min3A_39 = vector.shape_cast %get3A_16 : vector<256x1024xf32> to vector<1x256x1024xf32>
    %reduce_min3A_40 = arith.constant dense<0x7F800000> : vector<1xf32>
    %reduce_min3A_41 = vector.multi_reduction <minimumf>, %reduce_min3A_39, %reduce_min3A_40 [1, 2] : vector<1x256x1024xf32> to vector<1xf32>
    %reduce_min3A_42 = vector.shape_cast %reduce_min3A_41 : vector<1xf32> to vector<1x1x1xf32>
    %reduce_min3A_43 = vector.extract %reduce_min3A_42[0, 0, 0] : f32 from vector<1x1x1xf32>
    %reduce_min3A_44 = vector.shape_cast %get3A_19 : vector<256x1024xf32> to vector<1x256x1024xf32>
    %reduce_min3A_45 = arith.constant dense<0x7F800000> : vector<1xf32>
    %reduce_min3A_46 = vector.multi_reduction <minimumf>, %reduce_min3A_44, %reduce_min3A_45 [1, 2] : vector<1x256x1024xf32> to vector<1xf32>
    %reduce_min3A_47 = vector.shape_cast %reduce_min3A_46 : vector<1xf32> to vector<1x1x1xf32>
    %reduce_min3A_48 = vector.extract %reduce_min3A_47[0, 0, 0] : f32 from vector<1x1x1xf32>
    %reduce_min3A_49 = vector.shape_cast %get3A_22 : vector<256x1024xf32> to vector<1x256x1024xf32>
    %reduce_min3A_50 = arith.constant dense<0x7F800000> : vector<1xf32>
    %reduce_min3A_51 = vector.multi_reduction <minimumf>, %reduce_min3A_49, %reduce_min3A_50 [1, 2] : vector<1x256x1024xf32> to vector<1xf32>
    %reduce_min3A_52 = vector.shape_cast %reduce_min3A_51 : vector<1xf32> to vector<1x1x1xf32>
    %reduce_min3A_53 = vector.extract %reduce_min3A_52[0, 0, 0] : f32 from vector<1x1x1xf32>
    %reduce_min3A_54 = vector.shape_cast %get3A_25 : vector<256x1024xf32> to vector<1x256x1024xf32>
    %reduce_min3A_55 = arith.constant dense<0x7F800000> : vector<1xf32>
    %reduce_min3A_56 = vector.multi_reduction <minimumf>, %reduce_min3A_54, %reduce_min3A_55 [1, 2] : vector<1x256x1024xf32> to vector<1xf32>
    %reduce_min3A_57 = vector.shape_cast %reduce_min3A_56 : vector<1xf32> to vector<1x1x1xf32>
    %reduce_min3A_58 = vector.extract %reduce_min3A_57[0, 0, 0] : f32 from vector<1x1x1xf32>
    %reduce_min3A_59 = vector.shape_cast %get3A_28 : vector<256x1024xf32> to vector<1x256x1024xf32>
    %reduce_min3A_60 = arith.constant dense<0x7F800000> : vector<1xf32>
    %reduce_min3A_61 = vector.multi_reduction <minimumf>, %reduce_min3A_59, %reduce_min3A_60 [1, 2] : vector<1x256x1024xf32> to vector<1xf32>
    %reduce_min3A_62 = vector.shape_cast %reduce_min3A_61 : vector<1xf32> to vector<1x1x1xf32>
    %reduce_min3A_63 = vector.extract %reduce_min3A_62[0, 0, 0] : f32 from vector<1x1x1xf32>
    %reduce_min3A_64 = vector.shape_cast %get3A_31 : vector<256x1024xf32> to vector<1x256x1024xf32>
    %reduce_min3A_65 = arith.constant dense<0x7F800000> : vector<1xf32>
    %reduce_min3A_66 = vector.multi_reduction <minimumf>, %reduce_min3A_64, %reduce_min3A_65 [1, 2] : vector<1x256x1024xf32> to vector<1xf32>
    %reduce_min3A_67 = vector.shape_cast %reduce_min3A_66 : vector<1xf32> to vector<1x1x1xf32>
    %reduce_min3A_68 = vector.extract %reduce_min3A_67[0, 0, 0] : f32 from vector<1x1x1xf32>
    %reduce_min3A_69 = vector.shape_cast %get3A_34 : vector<256x1024xf32> to vector<1x256x1024xf32>
    %reduce_min3A_70 = arith.constant dense<0x7F800000> : vector<1xf32>
    %reduce_min3A_71 = vector.multi_reduction <minimumf>, %reduce_min3A_69, %reduce_min3A_70 [1, 2] : vector<1x256x1024xf32> to vector<1xf32>
    %reduce_min3A_72 = vector.shape_cast %reduce_min3A_71 : vector<1xf32> to vector<1x1x1xf32>
    %reduce_min3A_73 = vector.extract %reduce_min3A_72[0, 0, 0] : f32 from vector<1x1x1xf32>
    %min3A = arith.minimumf %reduce_min3A_38, %reduce_min3A_43 : f32
    %min3A_74 = arith.minimumf %reduce_min3A_48, %reduce_min3A_53 : f32
    %min3A_75 = arith.minimumf %reduce_min3A_58, %reduce_min3A_63 : f32
    %min3A_76 = arith.minimumf %reduce_min3A_68, %reduce_min3A_73 : f32
    %min3A_77 = arith.minimumf %min3A, %min3A_74 : f32
    %min3A_78 = arith.minimumf %min3A_75, %min3A_76 : f32
    %min3A_79 = arith.minimumf %min3A_77, %min3A_78 : f32
    %reduce_max3A = vector.shape_cast %get3A_13 : vector<256x1024xf32> to vector<1x256x1024xf32>
    %reduce_max3A_80 = arith.constant dense<0xFF800000> : vector<1xf32>
    %reduce_max3A_81 = vector.multi_reduction <maximumf>, %reduce_max3A, %reduce_max3A_80 [1, 2] : vector<1x256x1024xf32> to vector<1xf32>
    %reduce_max3A_82 = vector.shape_cast %reduce_max3A_81 : vector<1xf32> to vector<1x1x1xf32>
    %reduce_max3A_83 = vector.extract %reduce_max3A_82[0, 0, 0] : f32 from vector<1x1x1xf32>
    %reduce_max3A_84 = vector.shape_cast %get3A_16 : vector<256x1024xf32> to vector<1x256x1024xf32>
    %reduce_max3A_85 = arith.constant dense<0xFF800000> : vector<1xf32>
    %reduce_max3A_86 = vector.multi_reduction <maximumf>, %reduce_max3A_84, %reduce_max3A_85 [1, 2] : vector<1x256x1024xf32> to vector<1xf32>
    %reduce_max3A_87 = vector.shape_cast %reduce_max3A_86 : vector<1xf32> to vector<1x1x1xf32>
    %reduce_max3A_88 = vector.extract %reduce_max3A_87[0, 0, 0] : f32 from vector<1x1x1xf32>
    %reduce_max3A_89 = vector.shape_cast %get3A_19 : vector<256x1024xf32> to vector<1x256x1024xf32>
    %reduce_max3A_90 = arith.constant dense<0xFF800000> : vector<1xf32>
    %reduce_max3A_91 = vector.multi_reduction <maximumf>, %reduce_max3A_89, %reduce_max3A_90 [1, 2] : vector<1x256x1024xf32> to vector<1xf32>
    %reduce_max3A_92 = vector.shape_cast %reduce_max3A_91 : vector<1xf32> to vector<1x1x1xf32>
    %reduce_max3A_93 = vector.extract %reduce_max3A_92[0, 0, 0] : f32 from vector<1x1x1xf32>
    %reduce_max3A_94 = vector.shape_cast %get3A_22 : vector<256x1024xf32> to vector<1x256x1024xf32>
    %reduce_max3A_95 = arith.constant dense<0xFF800000> : vector<1xf32>
    %reduce_max3A_96 = vector.multi_reduction <maximumf>, %reduce_max3A_94, %reduce_max3A_95 [1, 2] : vector<1x256x1024xf32> to vector<1xf32>
    %reduce_max3A_97 = vector.shape_cast %reduce_max3A_96 : vector<1xf32> to vector<1x1x1xf32>
    %reduce_max3A_98 = vector.extract %reduce_max3A_97[0, 0, 0] : f32 from vector<1x1x1xf32>
    %reduce_max3A_99 = vector.shape_cast %get3A_25 : vector<256x1024xf32> to vector<1x256x1024xf32>
    %reduce_max3A_100 = arith.constant dense<0xFF800000> : vector<1xf32>
    %reduce_max3A_101 = vector.multi_reduction <maximumf>, %reduce_max3A_99, %reduce_max3A_100 [1, 2] : vector<1x256x1024xf32> to vector<1xf32>
    %reduce_max3A_102 = vector.shape_cast %reduce_max3A_101 : vector<1xf32> to vector<1x1x1xf32>
    %reduce_max3A_103 = vector.extract %reduce_max3A_102[0, 0, 0] : f32 from vector<1x1x1xf32>
    %reduce_max3A_104 = vector.shape_cast %get3A_28 : vector<256x1024xf32> to vector<1x256x1024xf32>
    %reduce_max3A_105 = arith.constant dense<0xFF800000> : vector<1xf32>
    %reduce_max3A_106 = vector.multi_reduction <maximumf>, %reduce_max3A_104, %reduce_max3A_105 [1, 2] : vector<1x256x1024xf32> to vector<1xf32>
    %reduce_max3A_107 = vector.shape_cast %reduce_max3A_106 : vector<1xf32> to vector<1x1x1xf32>
    %reduce_max3A_108 = vector.extract %reduce_max3A_107[0, 0, 0] : f32 from vector<1x1x1xf32>
    %reduce_max3A_109 = vector.shape_cast %get3A_31 : vector<256x1024xf32> to vector<1x256x1024xf32>
    %reduce_max3A_110 = arith.constant dense<0xFF800000> : vector<1xf32>
    %reduce_max3A_111 = vector.multi_reduction <maximumf>, %reduce_max3A_109, %reduce_max3A_110 [1, 2] : vector<1x256x1024xf32> to vector<1xf32>
    %reduce_max3A_112 = vector.shape_cast %reduce_max3A_111 : vector<1xf32> to vector<1x1x1xf32>
    %reduce_max3A_113 = vector.extract %reduce_max3A_112[0, 0, 0] : f32 from vector<1x1x1xf32>
    %reduce_max3A_114 = vector.shape_cast %get3A_34 : vector<256x1024xf32> to vector<1x256x1024xf32>
    %reduce_max3A_115 = arith.constant dense<0xFF800000> : vector<1xf32>
    %reduce_max3A_116 = vector.multi_reduction <maximumf>, %reduce_max3A_114, %reduce_max3A_115 [1, 2] : vector<1x256x1024xf32> to vector<1xf32>
    %reduce_max3A_117 = vector.shape_cast %reduce_max3A_116 : vector<1xf32> to vector<1x1x1xf32>
    %reduce_max3A_118 = vector.extract %reduce_max3A_117[0, 0, 0] : f32 from vector<1x1x1xf32>
    %max3A = arith.maximumf %reduce_max3A_83, %reduce_max3A_88 : f32
    %max3A_119 = arith.maximumf %reduce_max3A_93, %reduce_max3A_98 : f32
    %max3A_120 = arith.maximumf %reduce_max3A_103, %reduce_max3A_108 : f32
    %max3A_121 = arith.maximumf %reduce_max3A_113, %reduce_max3A_118 : f32
    %max3A_122 = arith.maximumf %max3A, %max3A_119 : f32
    %max3A_123 = arith.maximumf %max3A_120, %max3A_121 : f32
    %max3A_124 = arith.maximumf %max3A_122, %max3A_123 : f32
    %lt3A = vector.broadcast %select_n3A : f32 to vector<256x1024xf32>
    %lt3A_125 = arith.cmpf olt, %get3A_13, %lt3A : vector<256x1024xf32>
    %convert_element_type3A = arith.extui %lt3A_125 : vector<256x1024xi1> to vector<256x1024xi32>
    %reduce_sum3A = vector.shape_cast %convert_element_type3A : vector<256x1024xi32> to vector<1x256x1024xi32>
    %reduce_sum3A_126 = arith.constant dense<0> : vector<1xi32>
    %reduce_sum3A_127 = vector.multi_reduction <add>, %reduce_sum3A, %reduce_sum3A_126 [1, 2] : vector<1x256x1024xi32> to vector<1xi32>
    %reduce_sum3A_128 = vector.shape_cast %reduce_sum3A_127 : vector<1xi32> to vector<1x1x1xi32>
    %reduce_sum3A_129 = vector.extract %reduce_sum3A_128[0, 0, 0] : i32 from vector<1x1x1xi32>
    %lt3A_130 = vector.broadcast %select_n3A : f32 to vector<256x1024xf32>
    %lt3A_131 = arith.cmpf olt, %get3A_16, %lt3A_130 : vector<256x1024xf32>
    %convert_element_type3A_132 = arith.extui %lt3A_131 : vector<256x1024xi1> to vector<256x1024xi32>
    %reduce_sum3A_133 = vector.shape_cast %convert_element_type3A_132 : vector<256x1024xi32> to vector<1x256x1024xi32>
    %reduce_sum3A_134 = arith.constant dense<0> : vector<1xi32>
    %reduce_sum3A_135 = vector.multi_reduction <add>, %reduce_sum3A_133, %reduce_sum3A_134 [1, 2] : vector<1x256x1024xi32> to vector<1xi32>
    %reduce_sum3A_136 = vector.shape_cast %reduce_sum3A_135 : vector<1xi32> to vector<1x1x1xi32>
    %reduce_sum3A_137 = vector.extract %reduce_sum3A_136[0, 0, 0] : i32 from vector<1x1x1xi32>
    %lt3A_138 = vector.broadcast %select_n3A : f32 to vector<256x1024xf32>
    %lt3A_139 = arith.cmpf olt, %get3A_19, %lt3A_138 : vector<256x1024xf32>
    %convert_element_type3A_140 = arith.extui %lt3A_139 : vector<256x1024xi1> to vector<256x1024xi32>
    %reduce_sum3A_141 = vector.shape_cast %convert_element_type3A_140 : vector<256x1024xi32> to vector<1x256x1024xi32>
    %reduce_sum3A_142 = arith.constant dense<0> : vector<1xi32>
    %reduce_sum3A_143 = vector.multi_reduction <add>, %reduce_sum3A_141, %reduce_sum3A_142 [1, 2] : vector<1x256x1024xi32> to vector<1xi32>
    %reduce_sum3A_144 = vector.shape_cast %reduce_sum3A_143 : vector<1xi32> to vector<1x1x1xi32>
    %reduce_sum3A_145 = vector.extract %reduce_sum3A_144[0, 0, 0] : i32 from vector<1x1x1xi32>
    %lt3A_146 = vector.broadcast %select_n3A : f32 to vector<256x1024xf32>
    %lt3A_147 = arith.cmpf olt, %get3A_22, %lt3A_146 : vector<256x1024xf32>
    %convert_element_type3A_148 = arith.extui %lt3A_147 : vector<256x1024xi1> to vector<256x1024xi32>
    %reduce_sum3A_149 = vector.shape_cast %convert_element_type3A_148 : vector<256x1024xi32> to vector<1x256x1024xi32>
    %reduce_sum3A_150 = arith.constant dense<0> : vector<1xi32>
    %reduce_sum3A_151 = vector.multi_reduction <add>, %reduce_sum3A_149, %reduce_sum3A_150 [1, 2] : vector<1x256x1024xi32> to vector<1xi32>
    %reduce_sum3A_152 = vector.shape_cast %reduce_sum3A_151 : vector<1xi32> to vector<1x1x1xi32>
    %reduce_sum3A_153 = vector.extract %reduce_sum3A_152[0, 0, 0] : i32 from vector<1x1x1xi32>
    %lt3A_154 = vector.broadcast %select_n3A : f32 to vector<256x1024xf32>
    %lt3A_155 = arith.cmpf olt, %get3A_25, %lt3A_154 : vector<256x1024xf32>
    %convert_element_type3A_156 = arith.extui %lt3A_155 : vector<256x1024xi1> to vector<256x1024xi32>
    %reduce_sum3A_157 = vector.shape_cast %convert_element_type3A_156 : vector<256x1024xi32> to vector<1x256x1024xi32>
    %reduce_sum3A_158 = arith.constant dense<0> : vector<1xi32>
    %reduce_sum3A_159 = vector.multi_reduction <add>, %reduce_sum3A_157, %reduce_sum3A_158 [1, 2] : vector<1x256x1024xi32> to vector<1xi32>
    %reduce_sum3A_160 = vector.shape_cast %reduce_sum3A_159 : vector<1xi32> to vector<1x1x1xi32>
    %reduce_sum3A_161 = vector.extract %reduce_sum3A_160[0, 0, 0] : i32 from vector<1x1x1xi32>
    %lt3A_162 = vector.broadcast %select_n3A : f32 to vector<256x1024xf32>
    %lt3A_163 = arith.cmpf olt, %get3A_28, %lt3A_162 : vector<256x1024xf32>
    %convert_element_type3A_164 = arith.extui %lt3A_163 : vector<256x1024xi1> to vector<256x1024xi32>
    %reduce_sum3A_165 = vector.shape_cast %convert_element_type3A_164 : vector<256x1024xi32> to vector<1x256x1024xi32>
    %reduce_sum3A_166 = arith.constant dense<0> : vector<1xi32>
    %reduce_sum3A_167 = vector.multi_reduction <add>, %reduce_sum3A_165, %reduce_sum3A_166 [1, 2] : vector<1x256x1024xi32> to vector<1xi32>
    %reduce_sum3A_168 = vector.shape_cast %reduce_sum3A_167 : vector<1xi32> to vector<1x1x1xi32>
    %reduce_sum3A_169 = vector.extract %reduce_sum3A_168[0, 0, 0] : i32 from vector<1x1x1xi32>
    %lt3A_170 = vector.broadcast %select_n3A : f32 to vector<256x1024xf32>
    %lt3A_171 = arith.cmpf olt, %get3A_31, %lt3A_170 : vector<256x1024xf32>
    %convert_element_type3A_172 = arith.extui %lt3A_171 : vector<256x1024xi1> to vector<256x1024xi32>
    %reduce_sum3A_173 = vector.shape_cast %convert_element_type3A_172 : vector<256x1024xi32> to vector<1x256x1024xi32>
    %reduce_sum3A_174 = arith.constant dense<0> : vector<1xi32>
    %reduce_sum3A_175 = vector.multi_reduction <add>, %reduce_sum3A_173, %reduce_sum3A_174 [1, 2] : vector<1x256x1024xi32> to vector<1xi32>
    %reduce_sum3A_176 = vector.shape_cast %reduce_sum3A_175 : vector<1xi32> to vector<1x1x1xi32>
    %reduce_sum3A_177 = vector.extract %reduce_sum3A_176[0, 0, 0] : i32 from vector<1x1x1xi32>
    %lt3A_178 = vector.broadcast %select_n3A : f32 to vector<256x1024xf32>
    %lt3A_179 = arith.cmpf olt, %get3A_34, %lt3A_178 : vector<256x1024xf32>
    %convert_element_type3A_180 = arith.extui %lt3A_179 : vector<256x1024xi1> to vector<256x1024xi32>
    %reduce_sum3A_181 = vector.shape_cast %convert_element_type3A_180 : vector<256x1024xi32> to vector<1x256x1024xi32>
    %reduce_sum3A_182 = arith.constant dense<0> : vector<1xi32>
    %reduce_sum3A_183 = vector.multi_reduction <add>, %reduce_sum3A_181, %reduce_sum3A_182 [1, 2] : vector<1x256x1024xi32> to vector<1xi32>
    %reduce_sum3A_184 = vector.shape_cast %reduce_sum3A_183 : vector<1xi32> to vector<1x1x1xi32>
    %reduce_sum3A_185 = vector.extract %reduce_sum3A_184[0, 0, 0] : i32 from vector<1x1x1xi32>
    %add3A = arith.addi %reduce_sum3A_129, %reduce_sum3A_137 : i32
    %add3A_186 = arith.addi %reduce_sum3A_145, %reduce_sum3A_153 : i32
    %add3A_187 = arith.addi %reduce_sum3A_161, %reduce_sum3A_169 : i32
    %add3A_188 = arith.addi %reduce_sum3A_177, %reduce_sum3A_185 : i32
    %add3A_189 = arith.addi %add3A, %add3A_186 : i32
    %add3A_190 = arith.addi %add3A_187, %add3A_188 : i32
    %add3A_191 = arith.addi %add3A_189, %add3A_190 : i32
    %bitcast_convert_type3A = arith.bitcast %select_n3A : f32 to i32
    %le3A = arith.constant 1048575 : i32
    %le3A_192 = arith.cmpi sle, %add3A_191, %le3A : i32
    %bitcast_convert_type3A_193 = arith.bitcast %min3A_79 : f32 to i32
    %select_n3A_194 = arith.select %le3A_192, %bitcast_convert_type3A, %bitcast_convert_type3A_193 : i32
    %jit3A = arith.constant 0 : i32
    %select_n3A_195 = arith.select %le3A_192, %add3A_191, %jit3A : i32
    %bitcast_convert_type3A_196 = arith.bitcast %max3A_124 : f32 to i32
    %add3A_197 = arith.constant 1 : i32
    %add3A_198 = arith.addi %bitcast_convert_type3A_196, %add3A_197 : i32
    %select_n3A_199 = arith.select %le3A_192, %add3A_198, %bitcast_convert_type3A : i32
    %jit3A_200 = arith.constant 2097152 : i32
    %select_n3A_201 = arith.select %le3A_192, %jit3A_200, %add3A_191 : i32
    %mul3A = arith.constant 0.192307696 : f32
    %mul3A_202 = arith.mulf %max3A_124, %mul3A : f32
    %while3A = arith.constant 1048575 : i32
    %while3A_203 = arith.constant 1048575 : i32
    %while3A_204 = arith.constant 1 : i32
    %while3A_205:7 = scf.while (%while3A_219 = %select_n3A_194, %while3A_220 = %select_n3A_199, %while3A_221 = %select_n3A_195, %while3A_222 = %select_n3A_201, %while3A_223 = %bitcast_convert_type3A, %while3A_224 = %add3A_191, %while3A_225 = %while3A_204) : (i32, i32, i32, i32, i32, i32, i32) -> (i32, i32, i32, i32, i32, i32, i32) {
      %sub3A = arith.subi %while3A_220, %while3A_219 : i32
      %gt3A = arith.constant 1 : i32
      %gt3A_226 = arith.cmpi sgt, %sub3A, %gt3A : i32
      %ne3A = arith.cmpi ne, %while3A_221, %while3A : i32
      %and3A = arith.andi %gt3A_226, %ne3A : i1
      %add3A_227 = arith.constant 1 : i32
      %add3A_228 = arith.addi %while3A, %add3A_227 : i32
      %ne3A_229 = arith.cmpi ne, %while3A_222, %add3A_228 : i32
      %and3A_230 = arith.andi %and3A, %ne3A_229 : i1
      scf.condition(%and3A_230) %while3A_219, %while3A_220, %while3A_221, %while3A_222, %while3A_223, %while3A_224, %while3A_225 : i32, i32, i32, i32, i32, i32, i32
    } do {
    ^bb0(%while3A_219: i32, %while3A_220: i32, %while3A_221: i32, %while3A_222: i32, %while3A_223: i32, %while3A_224: i32, %while3A_225: i32):
      %bitcast_convert_type3A_226 = arith.bitcast %while3A_223 : i32 to f32
      %convert_element_type3A_227 = arith.sitofp %while3A_203 : i32 to f32
      %add3A_228 = arith.constant 5.000000e-01 : f32
      %add3A_229 = arith.addf %convert_element_type3A_227, %add3A_228 : f32
      %convert_element_type3A_230 = arith.sitofp %while3A_224 : i32 to f32
      %sub3A = arith.subf %add3A_229, %convert_element_type3A_230 : f32
      %mul3A_231 = arith.mulf %sub3A, %mul3A_202 : f32
      %mul3A_232 = arith.constant 7.50924642E-7 : f32
      %mul3A_233 = arith.mulf %mul3A_231, %mul3A_232 : f32
      %add3A_234 = arith.addf %bitcast_convert_type3A_226, %mul3A_233 : f32
      %bitcast_convert_type3A_235 = arith.bitcast %add3A_234 : f32 to i32
      %bitcast_convert_type3A_236 = arith.bitcast %while3A_219 : i32 to f32
      %bitcast_convert_type3A_237 = arith.bitcast %while3A_220 : i32 to f32
      %convert_element_type3A_238 = arith.sitofp %while3A_203 : i32 to f32
      %add3A_239 = arith.constant 5.000000e-01 : f32
      %add3A_240 = arith.addf %convert_element_type3A_238, %add3A_239 : f32
      %convert_element_type3A_241 = arith.sitofp %while3A_221 : i32 to f32
      %sub3A_242 = arith.subf %add3A_240, %convert_element_type3A_241 : f32
      %convert_element_type3A_243 = arith.sitofp %while3A_222 : i32 to f32
      %convert_element_type3A_244 = arith.sitofp %while3A_221 : i32 to f32
      %sub3A_245 = arith.subf %convert_element_type3A_243, %convert_element_type3A_244 : f32
      %div3A = arith.divf %sub3A_242, %sub3A_245 : f32
      %sub3A_246 = arith.subf %bitcast_convert_type3A_237, %bitcast_convert_type3A_236 : f32
      %mul3A_247 = arith.mulf %sub3A_246, %div3A : f32
      %add3A_248 = arith.addf %bitcast_convert_type3A_236, %mul3A_247 : f32
      %bitcast_convert_type3A_249 = arith.bitcast %add3A_248 : f32 to i32
      %sub3A_250 = arith.subi %while3A_220, %while3A_219 : i32
      %jit3A_251 = arith.constant 2 : i32
      %div3A_252 = arith.divsi %sub3A_250, %jit3A_251 : i32
      %sign3A = arith.constant 0 : i32
      %sign3A_253 = arith.cmpi sgt, %sub3A_250, %sign3A : i32
      %sign3A_254 = arith.extui %sign3A_253 : i1 to i32
      %sign3A_255 = arith.constant 0 : i32
      %sign3A_256 = arith.cmpi slt, %sub3A_250, %sign3A_255 : i32
      %sign3A_257 = arith.extui %sign3A_256 : i1 to i32
      %sign3A_258 = arith.subi %sign3A_254, %sign3A_257 : i32
      %sign3A_259 = arith.constant 0 : i32
      %sign3A_260 = arith.cmpi sgt, %jit3A_251, %sign3A_259 : i32
      %sign3A_261 = arith.extui %sign3A_260 : i1 to i32
      %sign3A_262 = arith.constant 0 : i32
      %sign3A_263 = arith.cmpi slt, %jit3A_251, %sign3A_262 : i32
      %sign3A_264 = arith.extui %sign3A_263 : i1 to i32
      %sign3A_265 = arith.subi %sign3A_261, %sign3A_264 : i32
      %ne3A = arith.cmpi ne, %sign3A_258, %sign3A_265 : i32
      %rem3A = arith.remsi %sub3A_250, %jit3A_251 : i32
      %ne3A_266 = arith.constant 0 : i32
      %ne3A_267 = arith.cmpi ne, %rem3A, %ne3A_266 : i32
      %and3A = arith.andi %ne3A, %ne3A_267 : i1
      %sub3A_268 = arith.constant 1 : i32
      %sub3A_269 = arith.subi %div3A_252, %sub3A_268 : i32
      %select_n3A_270 = arith.select %and3A, %sub3A_269, %div3A_252 : i32
      %add3A_271 = arith.addi %while3A_219, %select_n3A_270 : i32
      %eq3A_272 = arith.constant 1 : i32
      %eq3A_273 = arith.cmpi eq, %while3A_225, %eq3A_272 : i32
      %lt3A_274 = arith.constant 12 : i32
      %lt3A_275 = arith.cmpi slt, %while3A_225, %lt3A_274 : i32
      %jit3A_276 = arith.constant 2 : i32
      %eq3A_277 = arith.constant 0 : i32
      %eq3A_278 = arith.cmpi eq, %jit3A_276, %eq3A_277 : i32
      %jit3A_279 = arith.constant 1 : i32
      %select_n3A_280 = arith.select %eq3A_278, %jit3A_279, %jit3A_276 : i32
      %rem3A_281 = arith.remsi %while3A_225, %select_n3A_280 : i32
      %ne3A_282 = arith.constant 0 : i32
      %ne3A_283 = arith.cmpi ne, %rem3A_281, %ne3A_282 : i32
      %lt3A_284 = arith.constant 0 : i32
      %lt3A_285 = arith.cmpi slt, %rem3A_281, %lt3A_284 : i32
      %lt3A_286 = arith.constant 0 : i32
      %lt3A_287 = arith.cmpi slt, %select_n3A_280, %lt3A_286 : i32
      %ne3A_288 = arith.xori %lt3A_285, %lt3A_287 : i1
      %and3A_289 = arith.andi %ne3A_288, %ne3A_283 : i1
      %add3A_290 = arith.addi %rem3A_281, %select_n3A_280 : i32
      %select_n3A_291 = arith.select %and3A_289, %add3A_290, %rem3A_281 : i32
      %eq3A_292 = arith.constant 0 : i32
      %eq3A_293 = arith.cmpi eq, %select_n3A_291, %eq3A_292 : i32
      %or3A = arith.ori %lt3A_275, %eq3A_293 : i1
      %select_n3A_294 = arith.select %or3A, %bitcast_convert_type3A_249, %add3A_271 : i32
      %select_n3A_295 = arith.select %eq3A_273, %bitcast_convert_type3A_235, %select_n3A_294 : i32
      %add3A_296 = arith.constant 1 : i32
      %add3A_297 = arith.addi %while3A_219, %add3A_296 : i32
      %sub3A_298 = arith.constant 1 : i32
      %sub3A_299 = arith.subi %while3A_220, %sub3A_298 : i32
      %max3A_300 = arith.maxsi %add3A_297, %select_n3A_295 : i32
      %min3A_301 = arith.minsi %sub3A_299, %max3A_300 : i32
      %bitcast_convert_type3A_302 = arith.bitcast %min3A_301 : i32 to f32
      %get3A_303 = arith.constant 0 : index
      %get3A_304 = arith.constant 0 : index
      %get3A_305 = vector.load %arg4[%get3A_303, %get3A_304] : memref<2048x1024xf32, #tpu.memory_space<vmem>>, vector<256x1024xf32>
      %get3A_306 = arith.constant 256 : index
      %get3A_307 = arith.constant 0 : index
      %get3A_308 = vector.load %arg4[%get3A_306, %get3A_307] : memref<2048x1024xf32, #tpu.memory_space<vmem>>, vector<256x1024xf32>
      %get3A_309 = arith.constant 512 : index
      %get3A_310 = arith.constant 0 : index
      %get3A_311 = vector.load %arg4[%get3A_309, %get3A_310] : memref<2048x1024xf32, #tpu.memory_space<vmem>>, vector<256x1024xf32>
      %get3A_312 = arith.constant 768 : index
      %get3A_313 = arith.constant 0 : index
      %get3A_314 = vector.load %arg4[%get3A_312, %get3A_313] : memref<2048x1024xf32, #tpu.memory_space<vmem>>, vector<256x1024xf32>
      %get3A_315 = arith.constant 1024 : index
      %get3A_316 = arith.constant 0 : index
      %get3A_317 = vector.load %arg4[%get3A_315, %get3A_316] : memref<2048x1024xf32, #tpu.memory_space<vmem>>, vector<256x1024xf32>
      %get3A_318 = arith.constant 1280 : index
      %get3A_319 = arith.constant 0 : index
      %get3A_320 = vector.load %arg4[%get3A_318, %get3A_319] : memref<2048x1024xf32, #tpu.memory_space<vmem>>, vector<256x1024xf32>
      %get3A_321 = arith.constant 1536 : index
      %get3A_322 = arith.constant 0 : index
      %get3A_323 = vector.load %arg4[%get3A_321, %get3A_322] : memref<2048x1024xf32, #tpu.memory_space<vmem>>, vector<256x1024xf32>
      %get3A_324 = arith.constant 1792 : index
      %get3A_325 = arith.constant 0 : index
      %get3A_326 = vector.load %arg4[%get3A_324, %get3A_325] : memref<2048x1024xf32, #tpu.memory_space<vmem>>, vector<256x1024xf32>
      %lt3A_327 = vector.broadcast %bitcast_convert_type3A_302 : f32 to vector<256x1024xf32>
      %lt3A_328 = arith.cmpf olt, %get3A_305, %lt3A_327 : vector<256x1024xf32>
      %convert_element_type3A_329 = arith.extui %lt3A_328 : vector<256x1024xi1> to vector<256x1024xi32>
      %reduce_sum3A_330 = vector.shape_cast %convert_element_type3A_329 : vector<256x1024xi32> to vector<1x256x1024xi32>
      %reduce_sum3A_331 = arith.constant dense<0> : vector<1xi32>
      %reduce_sum3A_332 = vector.multi_reduction <add>, %reduce_sum3A_330, %reduce_sum3A_331 [1, 2] : vector<1x256x1024xi32> to vector<1xi32>
      %reduce_sum3A_333 = vector.shape_cast %reduce_sum3A_332 : vector<1xi32> to vector<1x1x1xi32>
      %reduce_sum3A_334 = vector.extract %reduce_sum3A_333[0, 0, 0] : i32 from vector<1x1x1xi32>
      %lt3A_335 = vector.broadcast %bitcast_convert_type3A_302 : f32 to vector<256x1024xf32>
      %lt3A_336 = arith.cmpf olt, %get3A_308, %lt3A_335 : vector<256x1024xf32>
      %convert_element_type3A_337 = arith.extui %lt3A_336 : vector<256x1024xi1> to vector<256x1024xi32>
      %reduce_sum3A_338 = vector.shape_cast %convert_element_type3A_337 : vector<256x1024xi32> to vector<1x256x1024xi32>
      %reduce_sum3A_339 = arith.constant dense<0> : vector<1xi32>
      %reduce_sum3A_340 = vector.multi_reduction <add>, %reduce_sum3A_338, %reduce_sum3A_339 [1, 2] : vector<1x256x1024xi32> to vector<1xi32>
      %reduce_sum3A_341 = vector.shape_cast %reduce_sum3A_340 : vector<1xi32> to vector<1x1x1xi32>
      %reduce_sum3A_342 = vector.extract %reduce_sum3A_341[0, 0, 0] : i32 from vector<1x1x1xi32>
      %lt3A_343 = vector.broadcast %bitcast_convert_type3A_302 : f32 to vector<256x1024xf32>
      %lt3A_344 = arith.cmpf olt, %get3A_311, %lt3A_343 : vector<256x1024xf32>
      %convert_element_type3A_345 = arith.extui %lt3A_344 : vector<256x1024xi1> to vector<256x1024xi32>
      %reduce_sum3A_346 = vector.shape_cast %convert_element_type3A_345 : vector<256x1024xi32> to vector<1x256x1024xi32>
      %reduce_sum3A_347 = arith.constant dense<0> : vector<1xi32>
      %reduce_sum3A_348 = vector.multi_reduction <add>, %reduce_sum3A_346, %reduce_sum3A_347 [1, 2] : vector<1x256x1024xi32> to vector<1xi32>
      %reduce_sum3A_349 = vector.shape_cast %reduce_sum3A_348 : vector<1xi32> to vector<1x1x1xi32>
      %reduce_sum3A_350 = vector.extract %reduce_sum3A_349[0, 0, 0] : i32 from vector<1x1x1xi32>
      %lt3A_351 = vector.broadcast %bitcast_convert_type3A_302 : f32 to vector<256x1024xf32>
      %lt3A_352 = arith.cmpf olt, %get3A_314, %lt3A_351 : vector<256x1024xf32>
      %convert_element_type3A_353 = arith.extui %lt3A_352 : vector<256x1024xi1> to vector<256x1024xi32>
      %reduce_sum3A_354 = vector.shape_cast %convert_element_type3A_353 : vector<256x1024xi32> to vector<1x256x1024xi32>
      %reduce_sum3A_355 = arith.constant dense<0> : vector<1xi32>
      %reduce_sum3A_356 = vector.multi_reduction <add>, %reduce_sum3A_354, %reduce_sum3A_355 [1, 2] : vector<1x256x1024xi32> to vector<1xi32>
      %reduce_sum3A_357 = vector.shape_cast %reduce_sum3A_356 : vector<1xi32> to vector<1x1x1xi32>
      %reduce_sum3A_358 = vector.extract %reduce_sum3A_357[0, 0, 0] : i32 from vector<1x1x1xi32>
      %lt3A_359 = vector.broadcast %bitcast_convert_type3A_302 : f32 to vector<256x1024xf32>
      %lt3A_360 = arith.cmpf olt, %get3A_317, %lt3A_359 : vector<256x1024xf32>
      %convert_element_type3A_361 = arith.extui %lt3A_360 : vector<256x1024xi1> to vector<256x1024xi32>
      %reduce_sum3A_362 = vector.shape_cast %convert_element_type3A_361 : vector<256x1024xi32> to vector<1x256x1024xi32>
      %reduce_sum3A_363 = arith.constant dense<0> : vector<1xi32>
      %reduce_sum3A_364 = vector.multi_reduction <add>, %reduce_sum3A_362, %reduce_sum3A_363 [1, 2] : vector<1x256x1024xi32> to vector<1xi32>
      %reduce_sum3A_365 = vector.shape_cast %reduce_sum3A_364 : vector<1xi32> to vector<1x1x1xi32>
      %reduce_sum3A_366 = vector.extract %reduce_sum3A_365[0, 0, 0] : i32 from vector<1x1x1xi32>
      %lt3A_367 = vector.broadcast %bitcast_convert_type3A_302 : f32 to vector<256x1024xf32>
      %lt3A_368 = arith.cmpf olt, %get3A_320, %lt3A_367 : vector<256x1024xf32>
      %convert_element_type3A_369 = arith.extui %lt3A_368 : vector<256x1024xi1> to vector<256x1024xi32>
      %reduce_sum3A_370 = vector.shape_cast %convert_element_type3A_369 : vector<256x1024xi32> to vector<1x256x1024xi32>
      %reduce_sum3A_371 = arith.constant dense<0> : vector<1xi32>
      %reduce_sum3A_372 = vector.multi_reduction <add>, %reduce_sum3A_370, %reduce_sum3A_371 [1, 2] : vector<1x256x1024xi32> to vector<1xi32>
      %reduce_sum3A_373 = vector.shape_cast %reduce_sum3A_372 : vector<1xi32> to vector<1x1x1xi32>
      %reduce_sum3A_374 = vector.extract %reduce_sum3A_373[0, 0, 0] : i32 from vector<1x1x1xi32>
      %lt3A_375 = vector.broadcast %bitcast_convert_type3A_302 : f32 to vector<256x1024xf32>
      %lt3A_376 = arith.cmpf olt, %get3A_323, %lt3A_375 : vector<256x1024xf32>
      %convert_element_type3A_377 = arith.extui %lt3A_376 : vector<256x1024xi1> to vector<256x1024xi32>
      %reduce_sum3A_378 = vector.shape_cast %convert_element_type3A_377 : vector<256x1024xi32> to vector<1x256x1024xi32>
      %reduce_sum3A_379 = arith.constant dense<0> : vector<1xi32>
      %reduce_sum3A_380 = vector.multi_reduction <add>, %reduce_sum3A_378, %reduce_sum3A_379 [1, 2] : vector<1x256x1024xi32> to vector<1xi32>
      %reduce_sum3A_381 = vector.shape_cast %reduce_sum3A_380 : vector<1xi32> to vector<1x1x1xi32>
      %reduce_sum3A_382 = vector.extract %reduce_sum3A_381[0, 0, 0] : i32 from vector<1x1x1xi32>
      %lt3A_383 = vector.broadcast %bitcast_convert_type3A_302 : f32 to vector<256x1024xf32>
      %lt3A_384 = arith.cmpf olt, %get3A_326, %lt3A_383 : vector<256x1024xf32>
      %convert_element_type3A_385 = arith.extui %lt3A_384 : vector<256x1024xi1> to vector<256x1024xi32>
      %reduce_sum3A_386 = vector.shape_cast %convert_element_type3A_385 : vector<256x1024xi32> to vector<1x256x1024xi32>
      %reduce_sum3A_387 = arith.constant dense<0> : vector<1xi32>
      %reduce_sum3A_388 = vector.multi_reduction <add>, %reduce_sum3A_386, %reduce_sum3A_387 [1, 2] : vector<1x256x1024xi32> to vector<1xi32>
      %reduce_sum3A_389 = vector.shape_cast %reduce_sum3A_388 : vector<1xi32> to vector<1x1x1xi32>
      %reduce_sum3A_390 = vector.extract %reduce_sum3A_389[0, 0, 0] : i32 from vector<1x1x1xi32>
      %add3A_391 = arith.addi %reduce_sum3A_334, %reduce_sum3A_342 : i32
      %add3A_392 = arith.addi %reduce_sum3A_350, %reduce_sum3A_358 : i32
      %add3A_393 = arith.addi %reduce_sum3A_366, %reduce_sum3A_374 : i32
      %add3A_394 = arith.addi %reduce_sum3A_382, %reduce_sum3A_390 : i32
      %add3A_395 = arith.addi %add3A_391, %add3A_392 : i32
      %add3A_396 = arith.addi %add3A_393, %add3A_394 : i32
      %add3A_397 = arith.addi %add3A_395, %add3A_396 : i32
      %le3A_398 = arith.cmpi sle, %add3A_397, %while3A_203 : i32
      %select_n3A_399 = arith.select %le3A_398, %min3A_301, %while3A_219 : i32
      %select_n3A_400 = arith.select %le3A_398, %while3A_220, %min3A_301 : i32
      %select_n3A_401 = arith.select %le3A_398, %add3A_397, %while3A_221 : i32
      %select_n3A_402 = arith.select %le3A_398, %while3A_222, %add3A_397 : i32
      %add3A_403 = arith.constant 1 : i32
      %add3A_404 = arith.addi %while3A_225, %add3A_403 : i32
      scf.yield %select_n3A_399, %select_n3A_400, %select_n3A_401, %select_n3A_402, %min3A_301, %add3A_397, %add3A_404 : i32, i32, i32, i32, i32, i32, i32
    }
    %eq3A_206 = arith.constant 1048575 : i32
    %eq3A_207 = arith.cmpi eq, %while3A_205#2, %eq3A_206 : i32
    %convert_element_type3A_208 = arith.extui %eq3A_207 : i1 to i32
    %cond3A = arith.constant 1048575 : i32
    %cond3A_209 = arith.constant 0 : i32
    %cond3A_210 = arith.cmpi ne, %convert_element_type3A_208, %cond3A_209 : i32
    %cond3A_211:2 = scf.if %cond3A_210 -> (f32, f32) {
      %get3A_219 = arith.constant 0 : index
      %get3A_220 = arith.constant 0 : index
      %get3A_221 = vector.load %arg4[%get3A_219, %get3A_220] : memref<2048x1024xf32, #tpu.memory_space<vmem>>, vector<256x1024xf32>
      %get3A_222 = arith.constant 256 : index
      %get3A_223 = arith.constant 0 : index
      %get3A_224 = vector.load %arg4[%get3A_222, %get3A_223] : memref<2048x1024xf32, #tpu.memory_space<vmem>>, vector<256x1024xf32>
      %get3A_225 = arith.constant 512 : index
      %get3A_226 = arith.constant 0 : index
      %get3A_227 = vector.load %arg4[%get3A_225, %get3A_226] : memref<2048x1024xf32, #tpu.memory_space<vmem>>, vector<256x1024xf32>
      %get3A_228 = arith.constant 768 : index
      %get3A_229 = arith.constant 0 : index
      %get3A_230 = vector.load %arg4[%get3A_228, %get3A_229] : memref<2048x1024xf32, #tpu.memory_space<vmem>>, vector<256x1024xf32>
      %get3A_231 = arith.constant 1024 : index
      %get3A_232 = arith.constant 0 : index
      %get3A_233 = vector.load %arg4[%get3A_231, %get3A_232] : memref<2048x1024xf32, #tpu.memory_space<vmem>>, vector<256x1024xf32>
      %get3A_234 = arith.constant 1280 : index
      %get3A_235 = arith.constant 0 : index
      %get3A_236 = vector.load %arg4[%get3A_234, %get3A_235] : memref<2048x1024xf32, #tpu.memory_space<vmem>>, vector<256x1024xf32>
      %get3A_237 = arith.constant 1536 : index
      %get3A_238 = arith.constant 0 : index
      %get3A_239 = vector.load %arg4[%get3A_237, %get3A_238] : memref<2048x1024xf32, #tpu.memory_space<vmem>>, vector<256x1024xf32>
      %get3A_240 = arith.constant 1792 : index
      %get3A_241 = arith.constant 0 : index
      %get3A_242 = vector.load %arg4[%get3A_240, %get3A_241] : memref<2048x1024xf32, #tpu.memory_space<vmem>>, vector<256x1024xf32>
      %bitcast_convert_type3A_243 = arith.bitcast %while3A_205#0 : i32 to f32
      %ge3A = vector.broadcast %bitcast_convert_type3A_243 : f32 to vector<256x1024xf32>
      %ge3A_244 = arith.cmpf oge, %get3A_221, %ge3A : vector<256x1024xf32>
      %jit3A_245 = arith.constant 0x7F800000 : f32
      %broadcast_in_dim3A = vector.broadcast %jit3A_245 : f32 to vector<256x1024xf32>
      %select_n3A_246 = arith.select %ge3A_244, %get3A_221, %broadcast_in_dim3A : vector<256x1024xi1>, vector<256x1024xf32>
      %reduce_min3A_247 = vector.shape_cast %select_n3A_246 : vector<256x1024xf32> to vector<1x256x1024xf32>
      %reduce_min3A_248 = arith.constant dense<0x7F800000> : vector<1xf32>
      %reduce_min3A_249 = vector.multi_reduction <minimumf>, %reduce_min3A_247, %reduce_min3A_248 [1, 2] : vector<1x256x1024xf32> to vector<1xf32>
      %reduce_min3A_250 = vector.shape_cast %reduce_min3A_249 : vector<1xf32> to vector<1x1x1xf32>
      %reduce_min3A_251 = vector.extract %reduce_min3A_250[0, 0, 0] : f32 from vector<1x1x1xf32>
      %bitcast_convert_type3A_252 = arith.bitcast %while3A_205#0 : i32 to f32
      %ge3A_253 = vector.broadcast %bitcast_convert_type3A_252 : f32 to vector<256x1024xf32>
      %ge3A_254 = arith.cmpf oge, %get3A_224, %ge3A_253 : vector<256x1024xf32>
      %jit3A_255 = arith.constant 0x7F800000 : f32
      %broadcast_in_dim3A_256 = vector.broadcast %jit3A_255 : f32 to vector<256x1024xf32>
      %select_n3A_257 = arith.select %ge3A_254, %get3A_224, %broadcast_in_dim3A_256 : vector<256x1024xi1>, vector<256x1024xf32>
      %reduce_min3A_258 = vector.shape_cast %select_n3A_257 : vector<256x1024xf32> to vector<1x256x1024xf32>
      %reduce_min3A_259 = arith.constant dense<0x7F800000> : vector<1xf32>
      %reduce_min3A_260 = vector.multi_reduction <minimumf>, %reduce_min3A_258, %reduce_min3A_259 [1, 2] : vector<1x256x1024xf32> to vector<1xf32>
      %reduce_min3A_261 = vector.shape_cast %reduce_min3A_260 : vector<1xf32> to vector<1x1x1xf32>
      %reduce_min3A_262 = vector.extract %reduce_min3A_261[0, 0, 0] : f32 from vector<1x1x1xf32>
      %bitcast_convert_type3A_263 = arith.bitcast %while3A_205#0 : i32 to f32
      %ge3A_264 = vector.broadcast %bitcast_convert_type3A_263 : f32 to vector<256x1024xf32>
      %ge3A_265 = arith.cmpf oge, %get3A_227, %ge3A_264 : vector<256x1024xf32>
      %jit3A_266 = arith.constant 0x7F800000 : f32
      %broadcast_in_dim3A_267 = vector.broadcast %jit3A_266 : f32 to vector<256x1024xf32>
      %select_n3A_268 = arith.select %ge3A_265, %get3A_227, %broadcast_in_dim3A_267 : vector<256x1024xi1>, vector<256x1024xf32>
      %reduce_min3A_269 = vector.shape_cast %select_n3A_268 : vector<256x1024xf32> to vector<1x256x1024xf32>
      %reduce_min3A_270 = arith.constant dense<0x7F800000> : vector<1xf32>
      %reduce_min3A_271 = vector.multi_reduction <minimumf>, %reduce_min3A_269, %reduce_min3A_270 [1, 2] : vector<1x256x1024xf32> to vector<1xf32>
      %reduce_min3A_272 = vector.shape_cast %reduce_min3A_271 : vector<1xf32> to vector<1x1x1xf32>
      %reduce_min3A_273 = vector.extract %reduce_min3A_272[0, 0, 0] : f32 from vector<1x1x1xf32>
      %bitcast_convert_type3A_274 = arith.bitcast %while3A_205#0 : i32 to f32
      %ge3A_275 = vector.broadcast %bitcast_convert_type3A_274 : f32 to vector<256x1024xf32>
      %ge3A_276 = arith.cmpf oge, %get3A_230, %ge3A_275 : vector<256x1024xf32>
      %jit3A_277 = arith.constant 0x7F800000 : f32
      %broadcast_in_dim3A_278 = vector.broadcast %jit3A_277 : f32 to vector<256x1024xf32>
      %select_n3A_279 = arith.select %ge3A_276, %get3A_230, %broadcast_in_dim3A_278 : vector<256x1024xi1>, vector<256x1024xf32>
      %reduce_min3A_280 = vector.shape_cast %select_n3A_279 : vector<256x1024xf32> to vector<1x256x1024xf32>
      %reduce_min3A_281 = arith.constant dense<0x7F800000> : vector<1xf32>
      %reduce_min3A_282 = vector.multi_reduction <minimumf>, %reduce_min3A_280, %reduce_min3A_281 [1, 2] : vector<1x256x1024xf32> to vector<1xf32>
      %reduce_min3A_283 = vector.shape_cast %reduce_min3A_282 : vector<1xf32> to vector<1x1x1xf32>
      %reduce_min3A_284 = vector.extract %reduce_min3A_283[0, 0, 0] : f32 from vector<1x1x1xf32>
      %bitcast_convert_type3A_285 = arith.bitcast %while3A_205#0 : i32 to f32
      %ge3A_286 = vector.broadcast %bitcast_convert_type3A_285 : f32 to vector<256x1024xf32>
      %ge3A_287 = arith.cmpf oge, %get3A_233, %ge3A_286 : vector<256x1024xf32>
      %jit3A_288 = arith.constant 0x7F800000 : f32
      %broadcast_in_dim3A_289 = vector.broadcast %jit3A_288 : f32 to vector<256x1024xf32>
      %select_n3A_290 = arith.select %ge3A_287, %get3A_233, %broadcast_in_dim3A_289 : vector<256x1024xi1>, vector<256x1024xf32>
      %reduce_min3A_291 = vector.shape_cast %select_n3A_290 : vector<256x1024xf32> to vector<1x256x1024xf32>
      %reduce_min3A_292 = arith.constant dense<0x7F800000> : vector<1xf32>
      %reduce_min3A_293 = vector.multi_reduction <minimumf>, %reduce_min3A_291, %reduce_min3A_292 [1, 2] : vector<1x256x1024xf32> to vector<1xf32>
      %reduce_min3A_294 = vector.shape_cast %reduce_min3A_293 : vector<1xf32> to vector<1x1x1xf32>
      %reduce_min3A_295 = vector.extract %reduce_min3A_294[0, 0, 0] : f32 from vector<1x1x1xf32>
      %bitcast_convert_type3A_296 = arith.bitcast %while3A_205#0 : i32 to f32
      %ge3A_297 = vector.broadcast %bitcast_convert_type3A_296 : f32 to vector<256x1024xf32>
      %ge3A_298 = arith.cmpf oge, %get3A_236, %ge3A_297 : vector<256x1024xf32>
      %jit3A_299 = arith.constant 0x7F800000 : f32
      %broadcast_in_dim3A_300 = vector.broadcast %jit3A_299 : f32 to vector<256x1024xf32>
      %select_n3A_301 = arith.select %ge3A_298, %get3A_236, %broadcast_in_dim3A_300 : vector<256x1024xi1>, vector<256x1024xf32>
      %reduce_min3A_302 = vector.shape_cast %select_n3A_301 : vector<256x1024xf32> to vector<1x256x1024xf32>
      %reduce_min3A_303 = arith.constant dense<0x7F800000> : vector<1xf32>
      %reduce_min3A_304 = vector.multi_reduction <minimumf>, %reduce_min3A_302, %reduce_min3A_303 [1, 2] : vector<1x256x1024xf32> to vector<1xf32>
      %reduce_min3A_305 = vector.shape_cast %reduce_min3A_304 : vector<1xf32> to vector<1x1x1xf32>
      %reduce_min3A_306 = vector.extract %reduce_min3A_305[0, 0, 0] : f32 from vector<1x1x1xf32>
      %bitcast_convert_type3A_307 = arith.bitcast %while3A_205#0 : i32 to f32
      %ge3A_308 = vector.broadcast %bitcast_convert_type3A_307 : f32 to vector<256x1024xf32>
      %ge3A_309 = arith.cmpf oge, %get3A_239, %ge3A_308 : vector<256x1024xf32>
      %jit3A_310 = arith.constant 0x7F800000 : f32
      %broadcast_in_dim3A_311 = vector.broadcast %jit3A_310 : f32 to vector<256x1024xf32>
      %select_n3A_312 = arith.select %ge3A_309, %get3A_239, %broadcast_in_dim3A_311 : vector<256x1024xi1>, vector<256x1024xf32>
      %reduce_min3A_313 = vector.shape_cast %select_n3A_312 : vector<256x1024xf32> to vector<1x256x1024xf32>
      %reduce_min3A_314 = arith.constant dense<0x7F800000> : vector<1xf32>
      %reduce_min3A_315 = vector.multi_reduction <minimumf>, %reduce_min3A_313, %reduce_min3A_314 [1, 2] : vector<1x256x1024xf32> to vector<1xf32>
      %reduce_min3A_316 = vector.shape_cast %reduce_min3A_315 : vector<1xf32> to vector<1x1x1xf32>
      %reduce_min3A_317 = vector.extract %reduce_min3A_316[0, 0, 0] : f32 from vector<1x1x1xf32>
      %bitcast_convert_type3A_318 = arith.bitcast %while3A_205#0 : i32 to f32
      %ge3A_319 = vector.broadcast %bitcast_convert_type3A_318 : f32 to vector<256x1024xf32>
      %ge3A_320 = arith.cmpf oge, %get3A_242, %ge3A_319 : vector<256x1024xf32>
      %jit3A_321 = arith.constant 0x7F800000 : f32
      %broadcast_in_dim3A_322 = vector.broadcast %jit3A_321 : f32 to vector<256x1024xf32>
      %select_n3A_323 = arith.select %ge3A_320, %get3A_242, %broadcast_in_dim3A_322 : vector<256x1024xi1>, vector<256x1024xf32>
      %reduce_min3A_324 = vector.shape_cast %select_n3A_323 : vector<256x1024xf32> to vector<1x256x1024xf32>
      %reduce_min3A_325 = arith.constant dense<0x7F800000> : vector<1xf32>
      %reduce_min3A_326 = vector.multi_reduction <minimumf>, %reduce_min3A_324, %reduce_min3A_325 [1, 2] : vector<1x256x1024xf32> to vector<1xf32>
      %reduce_min3A_327 = vector.shape_cast %reduce_min3A_326 : vector<1xf32> to vector<1x1x1xf32>
      %reduce_min3A_328 = vector.extract %reduce_min3A_327[0, 0, 0] : f32 from vector<1x1x1xf32>
      %min3A_329 = arith.minimumf %reduce_min3A_251, %reduce_min3A_262 : f32
      %min3A_330 = arith.minimumf %reduce_min3A_273, %reduce_min3A_284 : f32
      %min3A_331 = arith.minimumf %reduce_min3A_295, %reduce_min3A_306 : f32
      %min3A_332 = arith.minimumf %reduce_min3A_317, %reduce_min3A_328 : f32
      %min3A_333 = arith.minimumf %min3A_329, %min3A_330 : f32
      %min3A_334 = arith.minimumf %min3A_331, %min3A_332 : f32
      %min3A_335 = arith.minimumf %min3A_333, %min3A_334 : f32
      %get3A_336 = arith.constant 0 : index
      %get3A_337 = arith.constant 0 : index
      %get3A_338 = vector.load %arg4[%get3A_336, %get3A_337] : memref<2048x1024xf32, #tpu.memory_space<vmem>>, vector<256x1024xf32>
      %get3A_339 = arith.constant 256 : index
      %get3A_340 = arith.constant 0 : index
      %get3A_341 = vector.load %arg4[%get3A_339, %get3A_340] : memref<2048x1024xf32, #tpu.memory_space<vmem>>, vector<256x1024xf32>
      %get3A_342 = arith.constant 512 : index
      %get3A_343 = arith.constant 0 : index
      %get3A_344 = vector.load %arg4[%get3A_342, %get3A_343] : memref<2048x1024xf32, #tpu.memory_space<vmem>>, vector<256x1024xf32>
      %get3A_345 = arith.constant 768 : index
      %get3A_346 = arith.constant 0 : index
      %get3A_347 = vector.load %arg4[%get3A_345, %get3A_346] : memref<2048x1024xf32, #tpu.memory_space<vmem>>, vector<256x1024xf32>
      %get3A_348 = arith.constant 1024 : index
      %get3A_349 = arith.constant 0 : index
      %get3A_350 = vector.load %arg4[%get3A_348, %get3A_349] : memref<2048x1024xf32, #tpu.memory_space<vmem>>, vector<256x1024xf32>
      %get3A_351 = arith.constant 1280 : index
      %get3A_352 = arith.constant 0 : index
      %get3A_353 = vector.load %arg4[%get3A_351, %get3A_352] : memref<2048x1024xf32, #tpu.memory_space<vmem>>, vector<256x1024xf32>
      %get3A_354 = arith.constant 1536 : index
      %get3A_355 = arith.constant 0 : index
      %get3A_356 = vector.load %arg4[%get3A_354, %get3A_355] : memref<2048x1024xf32, #tpu.memory_space<vmem>>, vector<256x1024xf32>
      %get3A_357 = arith.constant 1792 : index
      %get3A_358 = arith.constant 0 : index
      %get3A_359 = vector.load %arg4[%get3A_357, %get3A_358] : memref<2048x1024xf32, #tpu.memory_space<vmem>>, vector<256x1024xf32>
      %eq3A_360 = vector.broadcast %min3A_335 : f32 to vector<256x1024xf32>
      %eq3A_361 = arith.cmpf oeq, %get3A_338, %eq3A_360 : vector<256x1024xf32>
      %convert_element_type3A_362 = arith.extui %eq3A_361 : vector<256x1024xi1> to vector<256x1024xi32>
      %reduce_sum3A_363 = vector.shape_cast %convert_element_type3A_362 : vector<256x1024xi32> to vector<1x256x1024xi32>
      %reduce_sum3A_364 = arith.constant dense<0> : vector<1xi32>
      %reduce_sum3A_365 = vector.multi_reduction <add>, %reduce_sum3A_363, %reduce_sum3A_364 [1, 2] : vector<1x256x1024xi32> to vector<1xi32>
      %reduce_sum3A_366 = vector.shape_cast %reduce_sum3A_365 : vector<1xi32> to vector<1x1x1xi32>
      %reduce_sum3A_367 = vector.extract %reduce_sum3A_366[0, 0, 0] : i32 from vector<1x1x1xi32>
      %eq3A_368 = vector.broadcast %min3A_335 : f32 to vector<256x1024xf32>
      %eq3A_369 = arith.cmpf oeq, %get3A_341, %eq3A_368 : vector<256x1024xf32>
      %convert_element_type3A_370 = arith.extui %eq3A_369 : vector<256x1024xi1> to vector<256x1024xi32>
      %reduce_sum3A_371 = vector.shape_cast %convert_element_type3A_370 : vector<256x1024xi32> to vector<1x256x1024xi32>
      %reduce_sum3A_372 = arith.constant dense<0> : vector<1xi32>
      %reduce_sum3A_373 = vector.multi_reduction <add>, %reduce_sum3A_371, %reduce_sum3A_372 [1, 2] : vector<1x256x1024xi32> to vector<1xi32>
      %reduce_sum3A_374 = vector.shape_cast %reduce_sum3A_373 : vector<1xi32> to vector<1x1x1xi32>
      %reduce_sum3A_375 = vector.extract %reduce_sum3A_374[0, 0, 0] : i32 from vector<1x1x1xi32>
      %eq3A_376 = vector.broadcast %min3A_335 : f32 to vector<256x1024xf32>
      %eq3A_377 = arith.cmpf oeq, %get3A_344, %eq3A_376 : vector<256x1024xf32>
      %convert_element_type3A_378 = arith.extui %eq3A_377 : vector<256x1024xi1> to vector<256x1024xi32>
      %reduce_sum3A_379 = vector.shape_cast %convert_element_type3A_378 : vector<256x1024xi32> to vector<1x256x1024xi32>
      %reduce_sum3A_380 = arith.constant dense<0> : vector<1xi32>
      %reduce_sum3A_381 = vector.multi_reduction <add>, %reduce_sum3A_379, %reduce_sum3A_380 [1, 2] : vector<1x256x1024xi32> to vector<1xi32>
      %reduce_sum3A_382 = vector.shape_cast %reduce_sum3A_381 : vector<1xi32> to vector<1x1x1xi32>
      %reduce_sum3A_383 = vector.extract %reduce_sum3A_382[0, 0, 0] : i32 from vector<1x1x1xi32>
      %eq3A_384 = vector.broadcast %min3A_335 : f32 to vector<256x1024xf32>
      %eq3A_385 = arith.cmpf oeq, %get3A_347, %eq3A_384 : vector<256x1024xf32>
      %convert_element_type3A_386 = arith.extui %eq3A_385 : vector<256x1024xi1> to vector<256x1024xi32>
      %reduce_sum3A_387 = vector.shape_cast %convert_element_type3A_386 : vector<256x1024xi32> to vector<1x256x1024xi32>
      %reduce_sum3A_388 = arith.constant dense<0> : vector<1xi32>
      %reduce_sum3A_389 = vector.multi_reduction <add>, %reduce_sum3A_387, %reduce_sum3A_388 [1, 2] : vector<1x256x1024xi32> to vector<1xi32>
      %reduce_sum3A_390 = vector.shape_cast %reduce_sum3A_389 : vector<1xi32> to vector<1x1x1xi32>
      %reduce_sum3A_391 = vector.extract %reduce_sum3A_390[0, 0, 0] : i32 from vector<1x1x1xi32>
      %eq3A_392 = vector.broadcast %min3A_335 : f32 to vector<256x1024xf32>
      %eq3A_393 = arith.cmpf oeq, %get3A_350, %eq3A_392 : vector<256x1024xf32>
      %convert_element_type3A_394 = arith.extui %eq3A_393 : vector<256x1024xi1> to vector<256x1024xi32>
      %reduce_sum3A_395 = vector.shape_cast %convert_element_type3A_394 : vector<256x1024xi32> to vector<1x256x1024xi32>
      %reduce_sum3A_396 = arith.constant dense<0> : vector<1xi32>
      %reduce_sum3A_397 = vector.multi_reduction <add>, %reduce_sum3A_395, %reduce_sum3A_396 [1, 2] : vector<1x256x1024xi32> to vector<1xi32>
      %reduce_sum3A_398 = vector.shape_cast %reduce_sum3A_397 : vector<1xi32> to vector<1x1x1xi32>
      %reduce_sum3A_399 = vector.extract %reduce_sum3A_398[0, 0, 0] : i32 from vector<1x1x1xi32>
      %eq3A_400 = vector.broadcast %min3A_335 : f32 to vector<256x1024xf32>
      %eq3A_401 = arith.cmpf oeq, %get3A_353, %eq3A_400 : vector<256x1024xf32>
      %convert_element_type3A_402 = arith.extui %eq3A_401 : vector<256x1024xi1> to vector<256x1024xi32>
      %reduce_sum3A_403 = vector.shape_cast %convert_element_type3A_402 : vector<256x1024xi32> to vector<1x256x1024xi32>
      %reduce_sum3A_404 = arith.constant dense<0> : vector<1xi32>
      %reduce_sum3A_405 = vector.multi_reduction <add>, %reduce_sum3A_403, %reduce_sum3A_404 [1, 2] : vector<1x256x1024xi32> to vector<1xi32>
      %reduce_sum3A_406 = vector.shape_cast %reduce_sum3A_405 : vector<1xi32> to vector<1x1x1xi32>
      %reduce_sum3A_407 = vector.extract %reduce_sum3A_406[0, 0, 0] : i32 from vector<1x1x1xi32>
      %eq3A_408 = vector.broadcast %min3A_335 : f32 to vector<256x1024xf32>
      %eq3A_409 = arith.cmpf oeq, %get3A_356, %eq3A_408 : vector<256x1024xf32>
      %convert_element_type3A_410 = arith.extui %eq3A_409 : vector<256x1024xi1> to vector<256x1024xi32>
      %reduce_sum3A_411 = vector.shape_cast %convert_element_type3A_410 : vector<256x1024xi32> to vector<1x256x1024xi32>
      %reduce_sum3A_412 = arith.constant dense<0> : vector<1xi32>
      %reduce_sum3A_413 = vector.multi_reduction <add>, %reduce_sum3A_411, %reduce_sum3A_412 [1, 2] : vector<1x256x1024xi32> to vector<1xi32>
      %reduce_sum3A_414 = vector.shape_cast %reduce_sum3A_413 : vector<1xi32> to vector<1x1x1xi32>
      %reduce_sum3A_415 = vector.extract %reduce_sum3A_414[0, 0, 0] : i32 from vector<1x1x1xi32>
      %eq3A_416 = vector.broadcast %min3A_335 : f32 to vector<256x1024xf32>
      %eq3A_417 = arith.cmpf oeq, %get3A_359, %eq3A_416 : vector<256x1024xf32>
      %convert_element_type3A_418 = arith.extui %eq3A_417 : vector<256x1024xi1> to vector<256x1024xi32>
      %reduce_sum3A_419 = vector.shape_cast %convert_element_type3A_418 : vector<256x1024xi32> to vector<1x256x1024xi32>
      %reduce_sum3A_420 = arith.constant dense<0> : vector<1xi32>
      %reduce_sum3A_421 = vector.multi_reduction <add>, %reduce_sum3A_419, %reduce_sum3A_420 [1, 2] : vector<1x256x1024xi32> to vector<1xi32>
      %reduce_sum3A_422 = vector.shape_cast %reduce_sum3A_421 : vector<1xi32> to vector<1x1x1xi32>
      %reduce_sum3A_423 = vector.extract %reduce_sum3A_422[0, 0, 0] : i32 from vector<1x1x1xi32>
      %add3A_424 = arith.addi %reduce_sum3A_367, %reduce_sum3A_375 : i32
      %add3A_425 = arith.addi %reduce_sum3A_383, %reduce_sum3A_391 : i32
      %add3A_426 = arith.addi %reduce_sum3A_399, %reduce_sum3A_407 : i32
      %add3A_427 = arith.addi %reduce_sum3A_415, %reduce_sum3A_423 : i32
      %add3A_428 = arith.addi %add3A_424, %add3A_425 : i32
      %add3A_429 = arith.addi %add3A_426, %add3A_427 : i32
      %add3A_430 = arith.addi %add3A_428, %add3A_429 : i32
      %gt3A = vector.broadcast %min3A_335 : f32 to vector<256x1024xf32>
      %gt3A_431 = arith.cmpf ogt, %get3A_338, %gt3A : vector<256x1024xf32>
      %jit3A_432 = arith.constant 0x7F800000 : f32
      %broadcast_in_dim3A_433 = vector.broadcast %jit3A_432 : f32 to vector<256x1024xf32>
      %select_n3A_434 = arith.select %gt3A_431, %get3A_338, %broadcast_in_dim3A_433 : vector<256x1024xi1>, vector<256x1024xf32>
      %reduce_min3A_435 = vector.shape_cast %select_n3A_434 : vector<256x1024xf32> to vector<1x256x1024xf32>
      %reduce_min3A_436 = arith.constant dense<0x7F800000> : vector<1xf32>
      %reduce_min3A_437 = vector.multi_reduction <minimumf>, %reduce_min3A_435, %reduce_min3A_436 [1, 2] : vector<1x256x1024xf32> to vector<1xf32>
      %reduce_min3A_438 = vector.shape_cast %reduce_min3A_437 : vector<1xf32> to vector<1x1x1xf32>
      %reduce_min3A_439 = vector.extract %reduce_min3A_438[0, 0, 0] : f32 from vector<1x1x1xf32>
      %gt3A_440 = vector.broadcast %min3A_335 : f32 to vector<256x1024xf32>
      %gt3A_441 = arith.cmpf ogt, %get3A_341, %gt3A_440 : vector<256x1024xf32>
      %jit3A_442 = arith.constant 0x7F800000 : f32
      %broadcast_in_dim3A_443 = vector.broadcast %jit3A_442 : f32 to vector<256x1024xf32>
      %select_n3A_444 = arith.select %gt3A_441, %get3A_341, %broadcast_in_dim3A_443 : vector<256x1024xi1>, vector<256x1024xf32>
      %reduce_min3A_445 = vector.shape_cast %select_n3A_444 : vector<256x1024xf32> to vector<1x256x1024xf32>
      %reduce_min3A_446 = arith.constant dense<0x7F800000> : vector<1xf32>
      %reduce_min3A_447 = vector.multi_reduction <minimumf>, %reduce_min3A_445, %reduce_min3A_446 [1, 2] : vector<1x256x1024xf32> to vector<1xf32>
      %reduce_min3A_448 = vector.shape_cast %reduce_min3A_447 : vector<1xf32> to vector<1x1x1xf32>
      %reduce_min3A_449 = vector.extract %reduce_min3A_448[0, 0, 0] : f32 from vector<1x1x1xf32>
      %gt3A_450 = vector.broadcast %min3A_335 : f32 to vector<256x1024xf32>
      %gt3A_451 = arith.cmpf ogt, %get3A_344, %gt3A_450 : vector<256x1024xf32>
      %jit3A_452 = arith.constant 0x7F800000 : f32
      %broadcast_in_dim3A_453 = vector.broadcast %jit3A_452 : f32 to vector<256x1024xf32>
      %select_n3A_454 = arith.select %gt3A_451, %get3A_344, %broadcast_in_dim3A_453 : vector<256x1024xi1>, vector<256x1024xf32>
      %reduce_min3A_455 = vector.shape_cast %select_n3A_454 : vector<256x1024xf32> to vector<1x256x1024xf32>
      %reduce_min3A_456 = arith.constant dense<0x7F800000> : vector<1xf32>
      %reduce_min3A_457 = vector.multi_reduction <minimumf>, %reduce_min3A_455, %reduce_min3A_456 [1, 2] : vector<1x256x1024xf32> to vector<1xf32>
      %reduce_min3A_458 = vector.shape_cast %reduce_min3A_457 : vector<1xf32> to vector<1x1x1xf32>
      %reduce_min3A_459 = vector.extract %reduce_min3A_458[0, 0, 0] : f32 from vector<1x1x1xf32>
      %gt3A_460 = vector.broadcast %min3A_335 : f32 to vector<256x1024xf32>
      %gt3A_461 = arith.cmpf ogt, %get3A_347, %gt3A_460 : vector<256x1024xf32>
      %jit3A_462 = arith.constant 0x7F800000 : f32
      %broadcast_in_dim3A_463 = vector.broadcast %jit3A_462 : f32 to vector<256x1024xf32>
      %select_n3A_464 = arith.select %gt3A_461, %get3A_347, %broadcast_in_dim3A_463 : vector<256x1024xi1>, vector<256x1024xf32>
      %reduce_min3A_465 = vector.shape_cast %select_n3A_464 : vector<256x1024xf32> to vector<1x256x1024xf32>
      %reduce_min3A_466 = arith.constant dense<0x7F800000> : vector<1xf32>
      %reduce_min3A_467 = vector.multi_reduction <minimumf>, %reduce_min3A_465, %reduce_min3A_466 [1, 2] : vector<1x256x1024xf32> to vector<1xf32>
      %reduce_min3A_468 = vector.shape_cast %reduce_min3A_467 : vector<1xf32> to vector<1x1x1xf32>
      %reduce_min3A_469 = vector.extract %reduce_min3A_468[0, 0, 0] : f32 from vector<1x1x1xf32>
      %gt3A_470 = vector.broadcast %min3A_335 : f32 to vector<256x1024xf32>
      %gt3A_471 = arith.cmpf ogt, %get3A_350, %gt3A_470 : vector<256x1024xf32>
      %jit3A_472 = arith.constant 0x7F800000 : f32
      %broadcast_in_dim3A_473 = vector.broadcast %jit3A_472 : f32 to vector<256x1024xf32>
      %select_n3A_474 = arith.select %gt3A_471, %get3A_350, %broadcast_in_dim3A_473 : vector<256x1024xi1>, vector<256x1024xf32>
      %reduce_min3A_475 = vector.shape_cast %select_n3A_474 : vector<256x1024xf32> to vector<1x256x1024xf32>
      %reduce_min3A_476 = arith.constant dense<0x7F800000> : vector<1xf32>
      %reduce_min3A_477 = vector.multi_reduction <minimumf>, %reduce_min3A_475, %reduce_min3A_476 [1, 2] : vector<1x256x1024xf32> to vector<1xf32>
      %reduce_min3A_478 = vector.shape_cast %reduce_min3A_477 : vector<1xf32> to vector<1x1x1xf32>
      %reduce_min3A_479 = vector.extract %reduce_min3A_478[0, 0, 0] : f32 from vector<1x1x1xf32>
      %gt3A_480 = vector.broadcast %min3A_335 : f32 to vector<256x1024xf32>
      %gt3A_481 = arith.cmpf ogt, %get3A_353, %gt3A_480 : vector<256x1024xf32>
      %jit3A_482 = arith.constant 0x7F800000 : f32
      %broadcast_in_dim3A_483 = vector.broadcast %jit3A_482 : f32 to vector<256x1024xf32>
      %select_n3A_484 = arith.select %gt3A_481, %get3A_353, %broadcast_in_dim3A_483 : vector<256x1024xi1>, vector<256x1024xf32>
      %reduce_min3A_485 = vector.shape_cast %select_n3A_484 : vector<256x1024xf32> to vector<1x256x1024xf32>
      %reduce_min3A_486 = arith.constant dense<0x7F800000> : vector<1xf32>
      %reduce_min3A_487 = vector.multi_reduction <minimumf>, %reduce_min3A_485, %reduce_min3A_486 [1, 2] : vector<1x256x1024xf32> to vector<1xf32>
      %reduce_min3A_488 = vector.shape_cast %reduce_min3A_487 : vector<1xf32> to vector<1x1x1xf32>
      %reduce_min3A_489 = vector.extract %reduce_min3A_488[0, 0, 0] : f32 from vector<1x1x1xf32>
      %gt3A_490 = vector.broadcast %min3A_335 : f32 to vector<256x1024xf32>
      %gt3A_491 = arith.cmpf ogt, %get3A_356, %gt3A_490 : vector<256x1024xf32>
      %jit3A_492 = arith.constant 0x7F800000 : f32
      %broadcast_in_dim3A_493 = vector.broadcast %jit3A_492 : f32 to vector<256x1024xf32>
      %select_n3A_494 = arith.select %gt3A_491, %get3A_356, %broadcast_in_dim3A_493 : vector<256x1024xi1>, vector<256x1024xf32>
      %reduce_min3A_495 = vector.shape_cast %select_n3A_494 : vector<256x1024xf32> to vector<1x256x1024xf32>
      %reduce_min3A_496 = arith.constant dense<0x7F800000> : vector<1xf32>
      %reduce_min3A_497 = vector.multi_reduction <minimumf>, %reduce_min3A_495, %reduce_min3A_496 [1, 2] : vector<1x256x1024xf32> to vector<1xf32>
      %reduce_min3A_498 = vector.shape_cast %reduce_min3A_497 : vector<1xf32> to vector<1x1x1xf32>
      %reduce_min3A_499 = vector.extract %reduce_min3A_498[0, 0, 0] : f32 from vector<1x1x1xf32>
      %gt3A_500 = vector.broadcast %min3A_335 : f32 to vector<256x1024xf32>
      %gt3A_501 = arith.cmpf ogt, %get3A_359, %gt3A_500 : vector<256x1024xf32>
      %jit3A_502 = arith.constant 0x7F800000 : f32
      %broadcast_in_dim3A_503 = vector.broadcast %jit3A_502 : f32 to vector<256x1024xf32>
      %select_n3A_504 = arith.select %gt3A_501, %get3A_359, %broadcast_in_dim3A_503 : vector<256x1024xi1>, vector<256x1024xf32>
      %reduce_min3A_505 = vector.shape_cast %select_n3A_504 : vector<256x1024xf32> to vector<1x256x1024xf32>
      %reduce_min3A_506 = arith.constant dense<0x7F800000> : vector<1xf32>
      %reduce_min3A_507 = vector.multi_reduction <minimumf>, %reduce_min3A_505, %reduce_min3A_506 [1, 2] : vector<1x256x1024xf32> to vector<1xf32>
      %reduce_min3A_508 = vector.shape_cast %reduce_min3A_507 : vector<1xf32> to vector<1x1x1xf32>
      %reduce_min3A_509 = vector.extract %reduce_min3A_508[0, 0, 0] : f32 from vector<1x1x1xf32>
      %min3A_510 = arith.minimumf %reduce_min3A_439, %reduce_min3A_449 : f32
      %min3A_511 = arith.minimumf %reduce_min3A_459, %reduce_min3A_469 : f32
      %min3A_512 = arith.minimumf %reduce_min3A_479, %reduce_min3A_489 : f32
      %min3A_513 = arith.minimumf %reduce_min3A_499, %reduce_min3A_509 : f32
      %min3A_514 = arith.minimumf %min3A_510, %min3A_511 : f32
      %min3A_515 = arith.minimumf %min3A_512, %min3A_513 : f32
      %min3A_516 = arith.minimumf %min3A_514, %min3A_515 : f32
      %ge3A_517 = arith.constant 2 : i32
      %ge3A_518 = arith.cmpi sge, %add3A_430, %ge3A_517 : i32
      %select_n3A_519 = arith.select %ge3A_518, %min3A_335, %min3A_516 : f32
      scf.yield %min3A_335, %select_n3A_519 : f32, f32
    } else {
      %add3A_219 = arith.constant 1 : i32
      %add3A_220 = arith.addi %cond3A, %add3A_219 : i32
      %eq3A_221 = arith.cmpi eq, %while3A_205#3, %add3A_220 : i32
      %convert_element_type3A_222 = arith.extui %eq3A_221 : i1 to i32
      %cond3A_223 = arith.constant 0 : i32
      %cond3A_224 = arith.cmpi ne, %convert_element_type3A_222, %cond3A_223 : i32
      %cond3A_225:2 = scf.if %cond3A_224 -> (f32, f32) {
        %bitcast_convert_type3A_226 = arith.bitcast %while3A_205#1 : i32 to f32
        %get3A_227 = arith.constant 0 : index
        %get3A_228 = arith.constant 0 : index
        %get3A_229 = vector.load %arg4[%get3A_227, %get3A_228] : memref<2048x1024xf32, #tpu.memory_space<vmem>>, vector<256x1024xf32>
        %get3A_230 = arith.constant 256 : index
        %get3A_231 = arith.constant 0 : index
        %get3A_232 = vector.load %arg4[%get3A_230, %get3A_231] : memref<2048x1024xf32, #tpu.memory_space<vmem>>, vector<256x1024xf32>
        %get3A_233 = arith.constant 512 : index
        %get3A_234 = arith.constant 0 : index
        %get3A_235 = vector.load %arg4[%get3A_233, %get3A_234] : memref<2048x1024xf32, #tpu.memory_space<vmem>>, vector<256x1024xf32>
        %get3A_236 = arith.constant 768 : index
        %get3A_237 = arith.constant 0 : index
        %get3A_238 = vector.load %arg4[%get3A_236, %get3A_237] : memref<2048x1024xf32, #tpu.memory_space<vmem>>, vector<256x1024xf32>
        %get3A_239 = arith.constant 1024 : index
        %get3A_240 = arith.constant 0 : index
        %get3A_241 = vector.load %arg4[%get3A_239, %get3A_240] : memref<2048x1024xf32, #tpu.memory_space<vmem>>, vector<256x1024xf32>
        %get3A_242 = arith.constant 1280 : index
        %get3A_243 = arith.constant 0 : index
        %get3A_244 = vector.load %arg4[%get3A_242, %get3A_243] : memref<2048x1024xf32, #tpu.memory_space<vmem>>, vector<256x1024xf32>
        %get3A_245 = arith.constant 1536 : index
        %get3A_246 = arith.constant 0 : index
        %get3A_247 = vector.load %arg4[%get3A_245, %get3A_246] : memref<2048x1024xf32, #tpu.memory_space<vmem>>, vector<256x1024xf32>
        %get3A_248 = arith.constant 1792 : index
        %get3A_249 = arith.constant 0 : index
        %get3A_250 = vector.load %arg4[%get3A_248, %get3A_249] : memref<2048x1024xf32, #tpu.memory_space<vmem>>, vector<256x1024xf32>
        %lt3A_251 = vector.broadcast %bitcast_convert_type3A_226 : f32 to vector<256x1024xf32>
        %lt3A_252 = arith.cmpf olt, %get3A_229, %lt3A_251 : vector<256x1024xf32>
        %jit3A_253 = arith.constant 0xFF800000 : f32
        %broadcast_in_dim3A = vector.broadcast %jit3A_253 : f32 to vector<256x1024xf32>
        %select_n3A_254 = arith.select %lt3A_252, %get3A_229, %broadcast_in_dim3A : vector<256x1024xi1>, vector<256x1024xf32>
        %reduce_max3A_255 = vector.shape_cast %select_n3A_254 : vector<256x1024xf32> to vector<1x256x1024xf32>
        %reduce_max3A_256 = arith.constant dense<0xFF800000> : vector<1xf32>
        %reduce_max3A_257 = vector.multi_reduction <maximumf>, %reduce_max3A_255, %reduce_max3A_256 [1, 2] : vector<1x256x1024xf32> to vector<1xf32>
        %reduce_max3A_258 = vector.shape_cast %reduce_max3A_257 : vector<1xf32> to vector<1x1x1xf32>
        %reduce_max3A_259 = vector.extract %reduce_max3A_258[0, 0, 0] : f32 from vector<1x1x1xf32>
        %lt3A_260 = vector.broadcast %bitcast_convert_type3A_226 : f32 to vector<256x1024xf32>
        %lt3A_261 = arith.cmpf olt, %get3A_232, %lt3A_260 : vector<256x1024xf32>
        %jit3A_262 = arith.constant 0xFF800000 : f32
        %broadcast_in_dim3A_263 = vector.broadcast %jit3A_262 : f32 to vector<256x1024xf32>
        %select_n3A_264 = arith.select %lt3A_261, %get3A_232, %broadcast_in_dim3A_263 : vector<256x1024xi1>, vector<256x1024xf32>
        %reduce_max3A_265 = vector.shape_cast %select_n3A_264 : vector<256x1024xf32> to vector<1x256x1024xf32>
        %reduce_max3A_266 = arith.constant dense<0xFF800000> : vector<1xf32>
        %reduce_max3A_267 = vector.multi_reduction <maximumf>, %reduce_max3A_265, %reduce_max3A_266 [1, 2] : vector<1x256x1024xf32> to vector<1xf32>
        %reduce_max3A_268 = vector.shape_cast %reduce_max3A_267 : vector<1xf32> to vector<1x1x1xf32>
        %reduce_max3A_269 = vector.extract %reduce_max3A_268[0, 0, 0] : f32 from vector<1x1x1xf32>
        %lt3A_270 = vector.broadcast %bitcast_convert_type3A_226 : f32 to vector<256x1024xf32>
        %lt3A_271 = arith.cmpf olt, %get3A_235, %lt3A_270 : vector<256x1024xf32>
        %jit3A_272 = arith.constant 0xFF800000 : f32
        %broadcast_in_dim3A_273 = vector.broadcast %jit3A_272 : f32 to vector<256x1024xf32>
        %select_n3A_274 = arith.select %lt3A_271, %get3A_235, %broadcast_in_dim3A_273 : vector<256x1024xi1>, vector<256x1024xf32>
        %reduce_max3A_275 = vector.shape_cast %select_n3A_274 : vector<256x1024xf32> to vector<1x256x1024xf32>
        %reduce_max3A_276 = arith.constant dense<0xFF800000> : vector<1xf32>
        %reduce_max3A_277 = vector.multi_reduction <maximumf>, %reduce_max3A_275, %reduce_max3A_276 [1, 2] : vector<1x256x1024xf32> to vector<1xf32>
        %reduce_max3A_278 = vector.shape_cast %reduce_max3A_277 : vector<1xf32> to vector<1x1x1xf32>
        %reduce_max3A_279 = vector.extract %reduce_max3A_278[0, 0, 0] : f32 from vector<1x1x1xf32>
        %lt3A_280 = vector.broadcast %bitcast_convert_type3A_226 : f32 to vector<256x1024xf32>
        %lt3A_281 = arith.cmpf olt, %get3A_238, %lt3A_280 : vector<256x1024xf32>
        %jit3A_282 = arith.constant 0xFF800000 : f32
        %broadcast_in_dim3A_283 = vector.broadcast %jit3A_282 : f32 to vector<256x1024xf32>
        %select_n3A_284 = arith.select %lt3A_281, %get3A_238, %broadcast_in_dim3A_283 : vector<256x1024xi1>, vector<256x1024xf32>
        %reduce_max3A_285 = vector.shape_cast %select_n3A_284 : vector<256x1024xf32> to vector<1x256x1024xf32>
        %reduce_max3A_286 = arith.constant dense<0xFF800000> : vector<1xf32>
        %reduce_max3A_287 = vector.multi_reduction <maximumf>, %reduce_max3A_285, %reduce_max3A_286 [1, 2] : vector<1x256x1024xf32> to vector<1xf32>
        %reduce_max3A_288 = vector.shape_cast %reduce_max3A_287 : vector<1xf32> to vector<1x1x1xf32>
        %reduce_max3A_289 = vector.extract %reduce_max3A_288[0, 0, 0] : f32 from vector<1x1x1xf32>
        %lt3A_290 = vector.broadcast %bitcast_convert_type3A_226 : f32 to vector<256x1024xf32>
        %lt3A_291 = arith.cmpf olt, %get3A_241, %lt3A_290 : vector<256x1024xf32>
        %jit3A_292 = arith.constant 0xFF800000 : f32
        %broadcast_in_dim3A_293 = vector.broadcast %jit3A_292 : f32 to vector<256x1024xf32>
        %select_n3A_294 = arith.select %lt3A_291, %get3A_241, %broadcast_in_dim3A_293 : vector<256x1024xi1>, vector<256x1024xf32>
        %reduce_max3A_295 = vector.shape_cast %select_n3A_294 : vector<256x1024xf32> to vector<1x256x1024xf32>
        %reduce_max3A_296 = arith.constant dense<0xFF800000> : vector<1xf32>
        %reduce_max3A_297 = vector.multi_reduction <maximumf>, %reduce_max3A_295, %reduce_max3A_296 [1, 2] : vector<1x256x1024xf32> to vector<1xf32>
        %reduce_max3A_298 = vector.shape_cast %reduce_max3A_297 : vector<1xf32> to vector<1x1x1xf32>
        %reduce_max3A_299 = vector.extract %reduce_max3A_298[0, 0, 0] : f32 from vector<1x1x1xf32>
        %lt3A_300 = vector.broadcast %bitcast_convert_type3A_226 : f32 to vector<256x1024xf32>
        %lt3A_301 = arith.cmpf olt, %get3A_244, %lt3A_300 : vector<256x1024xf32>
        %jit3A_302 = arith.constant 0xFF800000 : f32
        %broadcast_in_dim3A_303 = vector.broadcast %jit3A_302 : f32 to vector<256x1024xf32>
        %select_n3A_304 = arith.select %lt3A_301, %get3A_244, %broadcast_in_dim3A_303 : vector<256x1024xi1>, vector<256x1024xf32>
        %reduce_max3A_305 = vector.shape_cast %select_n3A_304 : vector<256x1024xf32> to vector<1x256x1024xf32>
        %reduce_max3A_306 = arith.constant dense<0xFF800000> : vector<1xf32>
        %reduce_max3A_307 = vector.multi_reduction <maximumf>, %reduce_max3A_305, %reduce_max3A_306 [1, 2] : vector<1x256x1024xf32> to vector<1xf32>
        %reduce_max3A_308 = vector.shape_cast %reduce_max3A_307 : vector<1xf32> to vector<1x1x1xf32>
        %reduce_max3A_309 = vector.extract %reduce_max3A_308[0, 0, 0] : f32 from vector<1x1x1xf32>
        %lt3A_310 = vector.broadcast %bitcast_convert_type3A_226 : f32 to vector<256x1024xf32>
        %lt3A_311 = arith.cmpf olt, %get3A_247, %lt3A_310 : vector<256x1024xf32>
        %jit3A_312 = arith.constant 0xFF800000 : f32
        %broadcast_in_dim3A_313 = vector.broadcast %jit3A_312 : f32 to vector<256x1024xf32>
        %select_n3A_314 = arith.select %lt3A_311, %get3A_247, %broadcast_in_dim3A_313 : vector<256x1024xi1>, vector<256x1024xf32>
        %reduce_max3A_315 = vector.shape_cast %select_n3A_314 : vector<256x1024xf32> to vector<1x256x1024xf32>
        %reduce_max3A_316 = arith.constant dense<0xFF800000> : vector<1xf32>
        %reduce_max3A_317 = vector.multi_reduction <maximumf>, %reduce_max3A_315, %reduce_max3A_316 [1, 2] : vector<1x256x1024xf32> to vector<1xf32>
        %reduce_max3A_318 = vector.shape_cast %reduce_max3A_317 : vector<1xf32> to vector<1x1x1xf32>
        %reduce_max3A_319 = vector.extract %reduce_max3A_318[0, 0, 0] : f32 from vector<1x1x1xf32>
        %lt3A_320 = vector.broadcast %bitcast_convert_type3A_226 : f32 to vector<256x1024xf32>
        %lt3A_321 = arith.cmpf olt, %get3A_250, %lt3A_320 : vector<256x1024xf32>
        %jit3A_322 = arith.constant 0xFF800000 : f32
        %broadcast_in_dim3A_323 = vector.broadcast %jit3A_322 : f32 to vector<256x1024xf32>
        %select_n3A_324 = arith.select %lt3A_321, %get3A_250, %broadcast_in_dim3A_323 : vector<256x1024xi1>, vector<256x1024xf32>
        %reduce_max3A_325 = vector.shape_cast %select_n3A_324 : vector<256x1024xf32> to vector<1x256x1024xf32>
        %reduce_max3A_326 = arith.constant dense<0xFF800000> : vector<1xf32>
        %reduce_max3A_327 = vector.multi_reduction <maximumf>, %reduce_max3A_325, %reduce_max3A_326 [1, 2] : vector<1x256x1024xf32> to vector<1xf32>
        %reduce_max3A_328 = vector.shape_cast %reduce_max3A_327 : vector<1xf32> to vector<1x1x1xf32>
        %reduce_max3A_329 = vector.extract %reduce_max3A_328[0, 0, 0] : f32 from vector<1x1x1xf32>
        %max3A_330 = arith.maximumf %reduce_max3A_259, %reduce_max3A_269 : f32
        %max3A_331 = arith.maximumf %reduce_max3A_279, %reduce_max3A_289 : f32
        %max3A_332 = arith.maximumf %reduce_max3A_299, %reduce_max3A_309 : f32
        %max3A_333 = arith.maximumf %reduce_max3A_319, %reduce_max3A_329 : f32
        %max3A_334 = arith.maximumf %max3A_330, %max3A_331 : f32
        %max3A_335 = arith.maximumf %max3A_332, %max3A_333 : f32
        %max3A_336 = arith.maximumf %max3A_334, %max3A_335 : f32
        %ge3A = vector.broadcast %bitcast_convert_type3A_226 : f32 to vector<256x1024xf32>
        %ge3A_337 = arith.cmpf oge, %get3A_229, %ge3A : vector<256x1024xf32>
        %jit3A_338 = arith.constant 0x7F800000 : f32
        %broadcast_in_dim3A_339 = vector.broadcast %jit3A_338 : f32 to vector<256x1024xf32>
        %select_n3A_340 = arith.select %ge3A_337, %get3A_229, %broadcast_in_dim3A_339 : vector<256x1024xi1>, vector<256x1024xf32>
        %reduce_min3A_341 = vector.shape_cast %select_n3A_340 : vector<256x1024xf32> to vector<1x256x1024xf32>
        %reduce_min3A_342 = arith.constant dense<0x7F800000> : vector<1xf32>
        %reduce_min3A_343 = vector.multi_reduction <minimumf>, %reduce_min3A_341, %reduce_min3A_342 [1, 2] : vector<1x256x1024xf32> to vector<1xf32>
        %reduce_min3A_344 = vector.shape_cast %reduce_min3A_343 : vector<1xf32> to vector<1x1x1xf32>
        %reduce_min3A_345 = vector.extract %reduce_min3A_344[0, 0, 0] : f32 from vector<1x1x1xf32>
        %ge3A_346 = vector.broadcast %bitcast_convert_type3A_226 : f32 to vector<256x1024xf32>
        %ge3A_347 = arith.cmpf oge, %get3A_232, %ge3A_346 : vector<256x1024xf32>
        %jit3A_348 = arith.constant 0x7F800000 : f32
        %broadcast_in_dim3A_349 = vector.broadcast %jit3A_348 : f32 to vector<256x1024xf32>
        %select_n3A_350 = arith.select %ge3A_347, %get3A_232, %broadcast_in_dim3A_349 : vector<256x1024xi1>, vector<256x1024xf32>
        %reduce_min3A_351 = vector.shape_cast %select_n3A_350 : vector<256x1024xf32> to vector<1x256x1024xf32>
        %reduce_min3A_352 = arith.constant dense<0x7F800000> : vector<1xf32>
        %reduce_min3A_353 = vector.multi_reduction <minimumf>, %reduce_min3A_351, %reduce_min3A_352 [1, 2] : vector<1x256x1024xf32> to vector<1xf32>
        %reduce_min3A_354 = vector.shape_cast %reduce_min3A_353 : vector<1xf32> to vector<1x1x1xf32>
        %reduce_min3A_355 = vector.extract %reduce_min3A_354[0, 0, 0] : f32 from vector<1x1x1xf32>
        %ge3A_356 = vector.broadcast %bitcast_convert_type3A_226 : f32 to vector<256x1024xf32>
        %ge3A_357 = arith.cmpf oge, %get3A_235, %ge3A_356 : vector<256x1024xf32>
        %jit3A_358 = arith.constant 0x7F800000 : f32
        %broadcast_in_dim3A_359 = vector.broadcast %jit3A_358 : f32 to vector<256x1024xf32>
        %select_n3A_360 = arith.select %ge3A_357, %get3A_235, %broadcast_in_dim3A_359 : vector<256x1024xi1>, vector<256x1024xf32>
        %reduce_min3A_361 = vector.shape_cast %select_n3A_360 : vector<256x1024xf32> to vector<1x256x1024xf32>
        %reduce_min3A_362 = arith.constant dense<0x7F800000> : vector<1xf32>
        %reduce_min3A_363 = vector.multi_reduction <minimumf>, %reduce_min3A_361, %reduce_min3A_362 [1, 2] : vector<1x256x1024xf32> to vector<1xf32>
        %reduce_min3A_364 = vector.shape_cast %reduce_min3A_363 : vector<1xf32> to vector<1x1x1xf32>
        %reduce_min3A_365 = vector.extract %reduce_min3A_364[0, 0, 0] : f32 from vector<1x1x1xf32>
        %ge3A_366 = vector.broadcast %bitcast_convert_type3A_226 : f32 to vector<256x1024xf32>
        %ge3A_367 = arith.cmpf oge, %get3A_238, %ge3A_366 : vector<256x1024xf32>
        %jit3A_368 = arith.constant 0x7F800000 : f32
        %broadcast_in_dim3A_369 = vector.broadcast %jit3A_368 : f32 to vector<256x1024xf32>
        %select_n3A_370 = arith.select %ge3A_367, %get3A_238, %broadcast_in_dim3A_369 : vector<256x1024xi1>, vector<256x1024xf32>
        %reduce_min3A_371 = vector.shape_cast %select_n3A_370 : vector<256x1024xf32> to vector<1x256x1024xf32>
        %reduce_min3A_372 = arith.constant dense<0x7F800000> : vector<1xf32>
        %reduce_min3A_373 = vector.multi_reduction <minimumf>, %reduce_min3A_371, %reduce_min3A_372 [1, 2] : vector<1x256x1024xf32> to vector<1xf32>
        %reduce_min3A_374 = vector.shape_cast %reduce_min3A_373 : vector<1xf32> to vector<1x1x1xf32>
        %reduce_min3A_375 = vector.extract %reduce_min3A_374[0, 0, 0] : f32 from vector<1x1x1xf32>
        %ge3A_376 = vector.broadcast %bitcast_convert_type3A_226 : f32 to vector<256x1024xf32>
        %ge3A_377 = arith.cmpf oge, %get3A_241, %ge3A_376 : vector<256x1024xf32>
        %jit3A_378 = arith.constant 0x7F800000 : f32
        %broadcast_in_dim3A_379 = vector.broadcast %jit3A_378 : f32 to vector<256x1024xf32>
        %select_n3A_380 = arith.select %ge3A_377, %get3A_241, %broadcast_in_dim3A_379 : vector<256x1024xi1>, vector<256x1024xf32>
        %reduce_min3A_381 = vector.shape_cast %select_n3A_380 : vector<256x1024xf32> to vector<1x256x1024xf32>
        %reduce_min3A_382 = arith.constant dense<0x7F800000> : vector<1xf32>
        %reduce_min3A_383 = vector.multi_reduction <minimumf>, %reduce_min3A_381, %reduce_min3A_382 [1, 2] : vector<1x256x1024xf32> to vector<1xf32>
        %reduce_min3A_384 = vector.shape_cast %reduce_min3A_383 : vector<1xf32> to vector<1x1x1xf32>
        %reduce_min3A_385 = vector.extract %reduce_min3A_384[0, 0, 0] : f32 from vector<1x1x1xf32>
        %ge3A_386 = vector.broadcast %bitcast_convert_type3A_226 : f32 to vector<256x1024xf32>
        %ge3A_387 = arith.cmpf oge, %get3A_244, %ge3A_386 : vector<256x1024xf32>
        %jit3A_388 = arith.constant 0x7F800000 : f32
        %broadcast_in_dim3A_389 = vector.broadcast %jit3A_388 : f32 to vector<256x1024xf32>
        %select_n3A_390 = arith.select %ge3A_387, %get3A_244, %broadcast_in_dim3A_389 : vector<256x1024xi1>, vector<256x1024xf32>
        %reduce_min3A_391 = vector.shape_cast %select_n3A_390 : vector<256x1024xf32> to vector<1x256x1024xf32>
        %reduce_min3A_392 = arith.constant dense<0x7F800000> : vector<1xf32>
        %reduce_min3A_393 = vector.multi_reduction <minimumf>, %reduce_min3A_391, %reduce_min3A_392 [1, 2] : vector<1x256x1024xf32> to vector<1xf32>
        %reduce_min3A_394 = vector.shape_cast %reduce_min3A_393 : vector<1xf32> to vector<1x1x1xf32>
        %reduce_min3A_395 = vector.extract %reduce_min3A_394[0, 0, 0] : f32 from vector<1x1x1xf32>
        %ge3A_396 = vector.broadcast %bitcast_convert_type3A_226 : f32 to vector<256x1024xf32>
        %ge3A_397 = arith.cmpf oge, %get3A_247, %ge3A_396 : vector<256x1024xf32>
        %jit3A_398 = arith.constant 0x7F800000 : f32
        %broadcast_in_dim3A_399 = vector.broadcast %jit3A_398 : f32 to vector<256x1024xf32>
        %select_n3A_400 = arith.select %ge3A_397, %get3A_247, %broadcast_in_dim3A_399 : vector<256x1024xi1>, vector<256x1024xf32>
        %reduce_min3A_401 = vector.shape_cast %select_n3A_400 : vector<256x1024xf32> to vector<1x256x1024xf32>
        %reduce_min3A_402 = arith.constant dense<0x7F800000> : vector<1xf32>
        %reduce_min3A_403 = vector.multi_reduction <minimumf>, %reduce_min3A_401, %reduce_min3A_402 [1, 2] : vector<1x256x1024xf32> to vector<1xf32>
        %reduce_min3A_404 = vector.shape_cast %reduce_min3A_403 : vector<1xf32> to vector<1x1x1xf32>
        %reduce_min3A_405 = vector.extract %reduce_min3A_404[0, 0, 0] : f32 from vector<1x1x1xf32>
        %ge3A_406 = vector.broadcast %bitcast_convert_type3A_226 : f32 to vector<256x1024xf32>
        %ge3A_407 = arith.cmpf oge, %get3A_250, %ge3A_406 : vector<256x1024xf32>
        %jit3A_408 = arith.constant 0x7F800000 : f32
        %broadcast_in_dim3A_409 = vector.broadcast %jit3A_408 : f32 to vector<256x1024xf32>
        %select_n3A_410 = arith.select %ge3A_407, %get3A_250, %broadcast_in_dim3A_409 : vector<256x1024xi1>, vector<256x1024xf32>
        %reduce_min3A_411 = vector.shape_cast %select_n3A_410 : vector<256x1024xf32> to vector<1x256x1024xf32>
        %reduce_min3A_412 = arith.constant dense<0x7F800000> : vector<1xf32>
        %reduce_min3A_413 = vector.multi_reduction <minimumf>, %reduce_min3A_411, %reduce_min3A_412 [1, 2] : vector<1x256x1024xf32> to vector<1xf32>
        %reduce_min3A_414 = vector.shape_cast %reduce_min3A_413 : vector<1xf32> to vector<1x1x1xf32>
        %reduce_min3A_415 = vector.extract %reduce_min3A_414[0, 0, 0] : f32 from vector<1x1x1xf32>
        %min3A_416 = arith.minimumf %reduce_min3A_345, %reduce_min3A_355 : f32
        %min3A_417 = arith.minimumf %reduce_min3A_365, %reduce_min3A_375 : f32
        %min3A_418 = arith.minimumf %reduce_min3A_385, %reduce_min3A_395 : f32
        %min3A_419 = arith.minimumf %reduce_min3A_405, %reduce_min3A_415 : f32
        %min3A_420 = arith.minimumf %min3A_416, %min3A_417 : f32
        %min3A_421 = arith.minimumf %min3A_418, %min3A_419 : f32
        %min3A_422 = arith.minimumf %min3A_420, %min3A_421 : f32
        scf.yield %max3A_336, %min3A_422 : f32, f32
      } else {
        %bitcast_convert_type3A_226 = arith.bitcast %while3A_205#0 : i32 to f32
        %get3A_227 = arith.constant 0 : index
        %get3A_228 = arith.constant 0 : index
        %get3A_229 = vector.load %arg4[%get3A_227, %get3A_228] : memref<2048x1024xf32, #tpu.memory_space<vmem>>, vector<256x1024xf32>
        %get3A_230 = arith.constant 256 : index
        %get3A_231 = arith.constant 0 : index
        %get3A_232 = vector.load %arg4[%get3A_230, %get3A_231] : memref<2048x1024xf32, #tpu.memory_space<vmem>>, vector<256x1024xf32>
        %get3A_233 = arith.constant 512 : index
        %get3A_234 = arith.constant 0 : index
        %get3A_235 = vector.load %arg4[%get3A_233, %get3A_234] : memref<2048x1024xf32, #tpu.memory_space<vmem>>, vector<256x1024xf32>
        %get3A_236 = arith.constant 768 : index
        %get3A_237 = arith.constant 0 : index
        %get3A_238 = vector.load %arg4[%get3A_236, %get3A_237] : memref<2048x1024xf32, #tpu.memory_space<vmem>>, vector<256x1024xf32>
        %get3A_239 = arith.constant 1024 : index
        %get3A_240 = arith.constant 0 : index
        %get3A_241 = vector.load %arg4[%get3A_239, %get3A_240] : memref<2048x1024xf32, #tpu.memory_space<vmem>>, vector<256x1024xf32>
        %get3A_242 = arith.constant 1280 : index
        %get3A_243 = arith.constant 0 : index
        %get3A_244 = vector.load %arg4[%get3A_242, %get3A_243] : memref<2048x1024xf32, #tpu.memory_space<vmem>>, vector<256x1024xf32>
        %get3A_245 = arith.constant 1536 : index
        %get3A_246 = arith.constant 0 : index
        %get3A_247 = vector.load %arg4[%get3A_245, %get3A_246] : memref<2048x1024xf32, #tpu.memory_space<vmem>>, vector<256x1024xf32>
        %get3A_248 = arith.constant 1792 : index
        %get3A_249 = arith.constant 0 : index
        %get3A_250 = vector.load %arg4[%get3A_248, %get3A_249] : memref<2048x1024xf32, #tpu.memory_space<vmem>>, vector<256x1024xf32>
        %eq3A_251 = vector.broadcast %bitcast_convert_type3A_226 : f32 to vector<256x1024xf32>
        %eq3A_252 = arith.cmpf oeq, %get3A_229, %eq3A_251 : vector<256x1024xf32>
        %convert_element_type3A_253 = arith.extui %eq3A_252 : vector<256x1024xi1> to vector<256x1024xi32>
        %reduce_sum3A_254 = vector.shape_cast %convert_element_type3A_253 : vector<256x1024xi32> to vector<1x256x1024xi32>
        %reduce_sum3A_255 = arith.constant dense<0> : vector<1xi32>
        %reduce_sum3A_256 = vector.multi_reduction <add>, %reduce_sum3A_254, %reduce_sum3A_255 [1, 2] : vector<1x256x1024xi32> to vector<1xi32>
        %reduce_sum3A_257 = vector.shape_cast %reduce_sum3A_256 : vector<1xi32> to vector<1x1x1xi32>
        %reduce_sum3A_258 = vector.extract %reduce_sum3A_257[0, 0, 0] : i32 from vector<1x1x1xi32>
        %eq3A_259 = vector.broadcast %bitcast_convert_type3A_226 : f32 to vector<256x1024xf32>
        %eq3A_260 = arith.cmpf oeq, %get3A_232, %eq3A_259 : vector<256x1024xf32>
        %convert_element_type3A_261 = arith.extui %eq3A_260 : vector<256x1024xi1> to vector<256x1024xi32>
        %reduce_sum3A_262 = vector.shape_cast %convert_element_type3A_261 : vector<256x1024xi32> to vector<1x256x1024xi32>
        %reduce_sum3A_263 = arith.constant dense<0> : vector<1xi32>
        %reduce_sum3A_264 = vector.multi_reduction <add>, %reduce_sum3A_262, %reduce_sum3A_263 [1, 2] : vector<1x256x1024xi32> to vector<1xi32>
        %reduce_sum3A_265 = vector.shape_cast %reduce_sum3A_264 : vector<1xi32> to vector<1x1x1xi32>
        %reduce_sum3A_266 = vector.extract %reduce_sum3A_265[0, 0, 0] : i32 from vector<1x1x1xi32>
        %eq3A_267 = vector.broadcast %bitcast_convert_type3A_226 : f32 to vector<256x1024xf32>
        %eq3A_268 = arith.cmpf oeq, %get3A_235, %eq3A_267 : vector<256x1024xf32>
        %convert_element_type3A_269 = arith.extui %eq3A_268 : vector<256x1024xi1> to vector<256x1024xi32>
        %reduce_sum3A_270 = vector.shape_cast %convert_element_type3A_269 : vector<256x1024xi32> to vector<1x256x1024xi32>
        %reduce_sum3A_271 = arith.constant dense<0> : vector<1xi32>
        %reduce_sum3A_272 = vector.multi_reduction <add>, %reduce_sum3A_270, %reduce_sum3A_271 [1, 2] : vector<1x256x1024xi32> to vector<1xi32>
        %reduce_sum3A_273 = vector.shape_cast %reduce_sum3A_272 : vector<1xi32> to vector<1x1x1xi32>
        %reduce_sum3A_274 = vector.extract %reduce_sum3A_273[0, 0, 0] : i32 from vector<1x1x1xi32>
        %eq3A_275 = vector.broadcast %bitcast_convert_type3A_226 : f32 to vector<256x1024xf32>
        %eq3A_276 = arith.cmpf oeq, %get3A_238, %eq3A_275 : vector<256x1024xf32>
        %convert_element_type3A_277 = arith.extui %eq3A_276 : vector<256x1024xi1> to vector<256x1024xi32>
        %reduce_sum3A_278 = vector.shape_cast %convert_element_type3A_277 : vector<256x1024xi32> to vector<1x256x1024xi32>
        %reduce_sum3A_279 = arith.constant dense<0> : vector<1xi32>
        %reduce_sum3A_280 = vector.multi_reduction <add>, %reduce_sum3A_278, %reduce_sum3A_279 [1, 2] : vector<1x256x1024xi32> to vector<1xi32>
        %reduce_sum3A_281 = vector.shape_cast %reduce_sum3A_280 : vector<1xi32> to vector<1x1x1xi32>
        %reduce_sum3A_282 = vector.extract %reduce_sum3A_281[0, 0, 0] : i32 from vector<1x1x1xi32>
        %eq3A_283 = vector.broadcast %bitcast_convert_type3A_226 : f32 to vector<256x1024xf32>
        %eq3A_284 = arith.cmpf oeq, %get3A_241, %eq3A_283 : vector<256x1024xf32>
        %convert_element_type3A_285 = arith.extui %eq3A_284 : vector<256x1024xi1> to vector<256x1024xi32>
        %reduce_sum3A_286 = vector.shape_cast %convert_element_type3A_285 : vector<256x1024xi32> to vector<1x256x1024xi32>
        %reduce_sum3A_287 = arith.constant dense<0> : vector<1xi32>
        %reduce_sum3A_288 = vector.multi_reduction <add>, %reduce_sum3A_286, %reduce_sum3A_287 [1, 2] : vector<1x256x1024xi32> to vector<1xi32>
        %reduce_sum3A_289 = vector.shape_cast %reduce_sum3A_288 : vector<1xi32> to vector<1x1x1xi32>
        %reduce_sum3A_290 = vector.extract %reduce_sum3A_289[0, 0, 0] : i32 from vector<1x1x1xi32>
        %eq3A_291 = vector.broadcast %bitcast_convert_type3A_226 : f32 to vector<256x1024xf32>
        %eq3A_292 = arith.cmpf oeq, %get3A_244, %eq3A_291 : vector<256x1024xf32>
        %convert_element_type3A_293 = arith.extui %eq3A_292 : vector<256x1024xi1> to vector<256x1024xi32>
        %reduce_sum3A_294 = vector.shape_cast %convert_element_type3A_293 : vector<256x1024xi32> to vector<1x256x1024xi32>
        %reduce_sum3A_295 = arith.constant dense<0> : vector<1xi32>
        %reduce_sum3A_296 = vector.multi_reduction <add>, %reduce_sum3A_294, %reduce_sum3A_295 [1, 2] : vector<1x256x1024xi32> to vector<1xi32>
        %reduce_sum3A_297 = vector.shape_cast %reduce_sum3A_296 : vector<1xi32> to vector<1x1x1xi32>
        %reduce_sum3A_298 = vector.extract %reduce_sum3A_297[0, 0, 0] : i32 from vector<1x1x1xi32>
        %eq3A_299 = vector.broadcast %bitcast_convert_type3A_226 : f32 to vector<256x1024xf32>
        %eq3A_300 = arith.cmpf oeq, %get3A_247, %eq3A_299 : vector<256x1024xf32>
        %convert_element_type3A_301 = arith.extui %eq3A_300 : vector<256x1024xi1> to vector<256x1024xi32>
        %reduce_sum3A_302 = vector.shape_cast %convert_element_type3A_301 : vector<256x1024xi32> to vector<1x256x1024xi32>
        %reduce_sum3A_303 = arith.constant dense<0> : vector<1xi32>
        %reduce_sum3A_304 = vector.multi_reduction <add>, %reduce_sum3A_302, %reduce_sum3A_303 [1, 2] : vector<1x256x1024xi32> to vector<1xi32>
        %reduce_sum3A_305 = vector.shape_cast %reduce_sum3A_304 : vector<1xi32> to vector<1x1x1xi32>
        %reduce_sum3A_306 = vector.extract %reduce_sum3A_305[0, 0, 0] : i32 from vector<1x1x1xi32>
        %eq3A_307 = vector.broadcast %bitcast_convert_type3A_226 : f32 to vector<256x1024xf32>
        %eq3A_308 = arith.cmpf oeq, %get3A_250, %eq3A_307 : vector<256x1024xf32>
        %convert_element_type3A_309 = arith.extui %eq3A_308 : vector<256x1024xi1> to vector<256x1024xi32>
        %reduce_sum3A_310 = vector.shape_cast %convert_element_type3A_309 : vector<256x1024xi32> to vector<1x256x1024xi32>
        %reduce_sum3A_311 = arith.constant dense<0> : vector<1xi32>
        %reduce_sum3A_312 = vector.multi_reduction <add>, %reduce_sum3A_310, %reduce_sum3A_311 [1, 2] : vector<1x256x1024xi32> to vector<1xi32>
        %reduce_sum3A_313 = vector.shape_cast %reduce_sum3A_312 : vector<1xi32> to vector<1x1x1xi32>
        %reduce_sum3A_314 = vector.extract %reduce_sum3A_313[0, 0, 0] : i32 from vector<1x1x1xi32>
        %add3A_315 = arith.addi %reduce_sum3A_258, %reduce_sum3A_266 : i32
        %add3A_316 = arith.addi %reduce_sum3A_274, %reduce_sum3A_282 : i32
        %add3A_317 = arith.addi %reduce_sum3A_290, %reduce_sum3A_298 : i32
        %add3A_318 = arith.addi %reduce_sum3A_306, %reduce_sum3A_314 : i32
        %add3A_319 = arith.addi %add3A_315, %add3A_316 : i32
        %add3A_320 = arith.addi %add3A_317, %add3A_318 : i32
        %add3A_321 = arith.addi %add3A_319, %add3A_320 : i32
        %gt3A = vector.broadcast %bitcast_convert_type3A_226 : f32 to vector<256x1024xf32>
        %gt3A_322 = arith.cmpf ogt, %get3A_229, %gt3A : vector<256x1024xf32>
        %jit3A_323 = arith.constant 0x7F800000 : f32
        %broadcast_in_dim3A = vector.broadcast %jit3A_323 : f32 to vector<256x1024xf32>
        %select_n3A_324 = arith.select %gt3A_322, %get3A_229, %broadcast_in_dim3A : vector<256x1024xi1>, vector<256x1024xf32>
        %reduce_min3A_325 = vector.shape_cast %select_n3A_324 : vector<256x1024xf32> to vector<1x256x1024xf32>
        %reduce_min3A_326 = arith.constant dense<0x7F800000> : vector<1xf32>
        %reduce_min3A_327 = vector.multi_reduction <minimumf>, %reduce_min3A_325, %reduce_min3A_326 [1, 2] : vector<1x256x1024xf32> to vector<1xf32>
        %reduce_min3A_328 = vector.shape_cast %reduce_min3A_327 : vector<1xf32> to vector<1x1x1xf32>
        %reduce_min3A_329 = vector.extract %reduce_min3A_328[0, 0, 0] : f32 from vector<1x1x1xf32>
        %gt3A_330 = vector.broadcast %bitcast_convert_type3A_226 : f32 to vector<256x1024xf32>
        %gt3A_331 = arith.cmpf ogt, %get3A_232, %gt3A_330 : vector<256x1024xf32>
        %jit3A_332 = arith.constant 0x7F800000 : f32
        %broadcast_in_dim3A_333 = vector.broadcast %jit3A_332 : f32 to vector<256x1024xf32>
        %select_n3A_334 = arith.select %gt3A_331, %get3A_232, %broadcast_in_dim3A_333 : vector<256x1024xi1>, vector<256x1024xf32>
        %reduce_min3A_335 = vector.shape_cast %select_n3A_334 : vector<256x1024xf32> to vector<1x256x1024xf32>
        %reduce_min3A_336 = arith.constant dense<0x7F800000> : vector<1xf32>
        %reduce_min3A_337 = vector.multi_reduction <minimumf>, %reduce_min3A_335, %reduce_min3A_336 [1, 2] : vector<1x256x1024xf32> to vector<1xf32>
        %reduce_min3A_338 = vector.shape_cast %reduce_min3A_337 : vector<1xf32> to vector<1x1x1xf32>
        %reduce_min3A_339 = vector.extract %reduce_min3A_338[0, 0, 0] : f32 from vector<1x1x1xf32>
        %gt3A_340 = vector.broadcast %bitcast_convert_type3A_226 : f32 to vector<256x1024xf32>
        %gt3A_341 = arith.cmpf ogt, %get3A_235, %gt3A_340 : vector<256x1024xf32>
        %jit3A_342 = arith.constant 0x7F800000 : f32
        %broadcast_in_dim3A_343 = vector.broadcast %jit3A_342 : f32 to vector<256x1024xf32>
        %select_n3A_344 = arith.select %gt3A_341, %get3A_235, %broadcast_in_dim3A_343 : vector<256x1024xi1>, vector<256x1024xf32>
        %reduce_min3A_345 = vector.shape_cast %select_n3A_344 : vector<256x1024xf32> to vector<1x256x1024xf32>
        %reduce_min3A_346 = arith.constant dense<0x7F800000> : vector<1xf32>
        %reduce_min3A_347 = vector.multi_reduction <minimumf>, %reduce_min3A_345, %reduce_min3A_346 [1, 2] : vector<1x256x1024xf32> to vector<1xf32>
        %reduce_min3A_348 = vector.shape_cast %reduce_min3A_347 : vector<1xf32> to vector<1x1x1xf32>
        %reduce_min3A_349 = vector.extract %reduce_min3A_348[0, 0, 0] : f32 from vector<1x1x1xf32>
        %gt3A_350 = vector.broadcast %bitcast_convert_type3A_226 : f32 to vector<256x1024xf32>
        %gt3A_351 = arith.cmpf ogt, %get3A_238, %gt3A_350 : vector<256x1024xf32>
        %jit3A_352 = arith.constant 0x7F800000 : f32
        %broadcast_in_dim3A_353 = vector.broadcast %jit3A_352 : f32 to vector<256x1024xf32>
        %select_n3A_354 = arith.select %gt3A_351, %get3A_238, %broadcast_in_dim3A_353 : vector<256x1024xi1>, vector<256x1024xf32>
        %reduce_min3A_355 = vector.shape_cast %select_n3A_354 : vector<256x1024xf32> to vector<1x256x1024xf32>
        %reduce_min3A_356 = arith.constant dense<0x7F800000> : vector<1xf32>
        %reduce_min3A_357 = vector.multi_reduction <minimumf>, %reduce_min3A_355, %reduce_min3A_356 [1, 2] : vector<1x256x1024xf32> to vector<1xf32>
        %reduce_min3A_358 = vector.shape_cast %reduce_min3A_357 : vector<1xf32> to vector<1x1x1xf32>
        %reduce_min3A_359 = vector.extract %reduce_min3A_358[0, 0, 0] : f32 from vector<1x1x1xf32>
        %gt3A_360 = vector.broadcast %bitcast_convert_type3A_226 : f32 to vector<256x1024xf32>
        %gt3A_361 = arith.cmpf ogt, %get3A_241, %gt3A_360 : vector<256x1024xf32>
        %jit3A_362 = arith.constant 0x7F800000 : f32
        %broadcast_in_dim3A_363 = vector.broadcast %jit3A_362 : f32 to vector<256x1024xf32>
        %select_n3A_364 = arith.select %gt3A_361, %get3A_241, %broadcast_in_dim3A_363 : vector<256x1024xi1>, vector<256x1024xf32>
        %reduce_min3A_365 = vector.shape_cast %select_n3A_364 : vector<256x1024xf32> to vector<1x256x1024xf32>
        %reduce_min3A_366 = arith.constant dense<0x7F800000> : vector<1xf32>
        %reduce_min3A_367 = vector.multi_reduction <minimumf>, %reduce_min3A_365, %reduce_min3A_366 [1, 2] : vector<1x256x1024xf32> to vector<1xf32>
        %reduce_min3A_368 = vector.shape_cast %reduce_min3A_367 : vector<1xf32> to vector<1x1x1xf32>
        %reduce_min3A_369 = vector.extract %reduce_min3A_368[0, 0, 0] : f32 from vector<1x1x1xf32>
        %gt3A_370 = vector.broadcast %bitcast_convert_type3A_226 : f32 to vector<256x1024xf32>
        %gt3A_371 = arith.cmpf ogt, %get3A_244, %gt3A_370 : vector<256x1024xf32>
        %jit3A_372 = arith.constant 0x7F800000 : f32
        %broadcast_in_dim3A_373 = vector.broadcast %jit3A_372 : f32 to vector<256x1024xf32>
        %select_n3A_374 = arith.select %gt3A_371, %get3A_244, %broadcast_in_dim3A_373 : vector<256x1024xi1>, vector<256x1024xf32>
        %reduce_min3A_375 = vector.shape_cast %select_n3A_374 : vector<256x1024xf32> to vector<1x256x1024xf32>
        %reduce_min3A_376 = arith.constant dense<0x7F800000> : vector<1xf32>
        %reduce_min3A_377 = vector.multi_reduction <minimumf>, %reduce_min3A_375, %reduce_min3A_376 [1, 2] : vector<1x256x1024xf32> to vector<1xf32>
        %reduce_min3A_378 = vector.shape_cast %reduce_min3A_377 : vector<1xf32> to vector<1x1x1xf32>
        %reduce_min3A_379 = vector.extract %reduce_min3A_378[0, 0, 0] : f32 from vector<1x1x1xf32>
        %gt3A_380 = vector.broadcast %bitcast_convert_type3A_226 : f32 to vector<256x1024xf32>
        %gt3A_381 = arith.cmpf ogt, %get3A_247, %gt3A_380 : vector<256x1024xf32>
        %jit3A_382 = arith.constant 0x7F800000 : f32
        %broadcast_in_dim3A_383 = vector.broadcast %jit3A_382 : f32 to vector<256x1024xf32>
        %select_n3A_384 = arith.select %gt3A_381, %get3A_247, %broadcast_in_dim3A_383 : vector<256x1024xi1>, vector<256x1024xf32>
        %reduce_min3A_385 = vector.shape_cast %select_n3A_384 : vector<256x1024xf32> to vector<1x256x1024xf32>
        %reduce_min3A_386 = arith.constant dense<0x7F800000> : vector<1xf32>
        %reduce_min3A_387 = vector.multi_reduction <minimumf>, %reduce_min3A_385, %reduce_min3A_386 [1, 2] : vector<1x256x1024xf32> to vector<1xf32>
        %reduce_min3A_388 = vector.shape_cast %reduce_min3A_387 : vector<1xf32> to vector<1x1x1xf32>
        %reduce_min3A_389 = vector.extract %reduce_min3A_388[0, 0, 0] : f32 from vector<1x1x1xf32>
        %gt3A_390 = vector.broadcast %bitcast_convert_type3A_226 : f32 to vector<256x1024xf32>
        %gt3A_391 = arith.cmpf ogt, %get3A_250, %gt3A_390 : vector<256x1024xf32>
        %jit3A_392 = arith.constant 0x7F800000 : f32
        %broadcast_in_dim3A_393 = vector.broadcast %jit3A_392 : f32 to vector<256x1024xf32>
        %select_n3A_394 = arith.select %gt3A_391, %get3A_250, %broadcast_in_dim3A_393 : vector<256x1024xi1>, vector<256x1024xf32>
        %reduce_min3A_395 = vector.shape_cast %select_n3A_394 : vector<256x1024xf32> to vector<1x256x1024xf32>
        %reduce_min3A_396 = arith.constant dense<0x7F800000> : vector<1xf32>
        %reduce_min3A_397 = vector.multi_reduction <minimumf>, %reduce_min3A_395, %reduce_min3A_396 [1, 2] : vector<1x256x1024xf32> to vector<1xf32>
        %reduce_min3A_398 = vector.shape_cast %reduce_min3A_397 : vector<1xf32> to vector<1x1x1xf32>
        %reduce_min3A_399 = vector.extract %reduce_min3A_398[0, 0, 0] : f32 from vector<1x1x1xf32>
        %min3A_400 = arith.minimumf %reduce_min3A_329, %reduce_min3A_339 : f32
        %min3A_401 = arith.minimumf %reduce_min3A_349, %reduce_min3A_359 : f32
        %min3A_402 = arith.minimumf %reduce_min3A_369, %reduce_min3A_379 : f32
        %min3A_403 = arith.minimumf %reduce_min3A_389, %reduce_min3A_399 : f32
        %min3A_404 = arith.minimumf %min3A_400, %min3A_401 : f32
        %min3A_405 = arith.minimumf %min3A_402, %min3A_403 : f32
        %min3A_406 = arith.minimumf %min3A_404, %min3A_405 : f32
        %add3A_407 = arith.addi %while3A_205#2, %add3A_321 : i32
        %add3A_408 = arith.constant 2 : i32
        %add3A_409 = arith.addi %cond3A, %add3A_408 : i32
        %ge3A = arith.cmpi sge, %add3A_407, %add3A_409 : i32
        %select_n3A_410 = arith.select %ge3A, %bitcast_convert_type3A_226, %min3A_406 : f32
        scf.yield %bitcast_convert_type3A_226, %select_n3A_410 : f32, f32
      }
      scf.yield %cond3A_225#0, %cond3A_225#1 : f32, f32
    }
    %swap3A_212 = arith.constant 0 : index
    %swap3A_213 = memref.load %arg5[%swap3A_212] : memref<1xf32, #tpu.memory_space<smem>>
    memref.store %cond3A_211#0, %arg5[%swap3A_212] : memref<1xf32, #tpu.memory_space<smem>>
    %add3A_214 = arith.addf %cond3A_211#0, %cond3A_211#1 : f32
    %mul3A_215 = arith.constant 5.000000e-01 : f32
    %mul3A_216 = arith.mulf %add3A_214, %mul3A_215 : f32
    %swap3A_217 = arith.index_cast %arg0 : i32 to index
    %swap3A_218 = memref.load %arg3[%swap3A_217] : memref<8xf32, #tpu.memory_space<smem>>
    memref.store %mul3A_216, %arg3[%swap3A_217] : memref<8xf32, #tpu.memory_space<smem>>
    return
  }
  func.func @transform_0(%arg0: i32) -> i32 {
    %c0_i32 = arith.constant 0 : i32
    %c0_i32_0 = arith.constant 0 : i32
    return %c0_i32 : i32
  }
  func.func @transform_1(%arg0: i32) -> (i32, i32, i32) {
    %c0_i32 = arith.constant 0 : i32
    %c0_i32_0 = arith.constant 0 : i32
    %c0_i32_1 = arith.constant 0 : i32
    return %arg0, %c0_i32, %c0_i32_0 : i32, i32, i32
  }
  func.func @transform_2(%arg0: i32) -> i32 {
    %c0_i32 = arith.constant 0 : i32
    %c0_i32_0 = arith.constant 0 : i32
    return %c0_i32 : i32
  }
}

module attributes {stable_mosaic.version = 14 : i64} {
  func.func @_median_body(%arg0: i32, %arg1: memref<1xf32, #tpu.memory_space<smem>>, %arg2: memref<1x2048x1024xf32, #tpu.memory_space<vmem>>, %arg3: memref<8xf32, #tpu.memory_space<smem>>, %arg4: memref<2048x1024xf32, #tpu.memory_space<vmem>>, %arg5: memref<1xf32, #tpu.memory_space<smem>>) attributes {dimension_semantics = [#tpu.dimension_semantics<arbitrary>], iteration_bounds = array<i64: 8>, scalar_prefetch = 0 : i64, scratch_operands = 2 : i64, tpu.core_type = #tpu.core_type<tc>, window_params = [{transform_indices = @transform_0, window_bounds = array<i64: 1>}, {transform_indices = @transform_1, window_bounds = array<i64: 1, 2048, 1024>}, {transform_indices = @transform_2, window_bounds = array<i64: 8>}]} {
    %get3A = arith.constant 0 : index
    %get3A_0 = arith.constant 0 : index
    %get3A_1 = arith.constant 0 : index
    %get3A_2 = vector.load %arg2[%get3A, %get3A_0, %get3A_1] : memref<1x2048x1024xf32, #tpu.memory_space<vmem>>, vector<1x2048x1024xf32>
    %get3A_3 = vector.shape_cast %get3A_2 : vector<1x2048x1024xf32> to vector<2048x1024xf32>
    %abs3A = math.absf %get3A_3 : vector<2048x1024xf32>
    %swap3A = arith.constant 0 : index
    %swap3A_4 = arith.constant 0 : index
    %swap3A_5 = vector.load %arg4[%swap3A, %swap3A_4] : memref<2048x1024xf32, #tpu.memory_space<vmem>>, vector<2048x1024xf32>
    tpu.vector_store %arg4[%swap3A, %swap3A_4], %abs3A {strides = array<i32>} : memref<2048x1024xf32, #tpu.memory_space<vmem>>, vector<2048x1024xf32>,
    %eq3A = arith.constant 0 : i32
    %eq3A_6 = arith.cmpi eq, %arg0, %eq3A : i32
    %get3A_7 = arith.constant 0 : index
    %get3A_8 = memref.load %arg1[%get3A_7] : memref<1xf32, #tpu.memory_space<smem>>
    %get3A_9 = arith.constant 0 : index
    %get3A_10 = memref.load %arg5[%get3A_9] : memref<1xf32, #tpu.memory_space<smem>>
    %select_n3A = arith.select %eq3A_6, %get3A_8, %get3A_10 : f32
    %get3A_11 = arith.constant 0 : index
    %get3A_12 = arith.constant 0 : index
    %get3A_13 = vector.load %arg4[%get3A_11, %get3A_12] : memref<2048x1024xf32, #tpu.memory_space<vmem>>, vector<256x1024xf32>
    %get3A_14 = arith.constant 256 : index
    %get3A_15 = arith.constant 0 : index
    %get3A_16 = vector.load %arg4[%get3A_14, %get3A_15] : memref<2048x1024xf32, #tpu.memory_space<vmem>>, vector<256x1024xf32>
    %get3A_17 = arith.constant 512 : index
    %get3A_18 = arith.constant 0 : index
    %get3A_19 = vector.load %arg4[%get3A_17, %get3A_18] : memref<2048x1024xf32, #tpu.memory_space<vmem>>, vector<256x1024xf32>
    %get3A_20 = arith.constant 768 : index
    %get3A_21 = arith.constant 0 : index
    %get3A_22 = vector.load %arg4[%get3A_20, %get3A_21] : memref<2048x1024xf32, #tpu.memory_space<vmem>>, vector<256x1024xf32>
    %get3A_23 = arith.constant 1024 : index
    %get3A_24 = arith.constant 0 : index
    %get3A_25 = vector.load %arg4[%get3A_23, %get3A_24] : memref<2048x1024xf32, #tpu.memory_space<vmem>>, vector<256x1024xf32>
    %get3A_26 = arith.constant 1280 : index
    %get3A_27 = arith.constant 0 : index
    %get3A_28 = vector.load %arg4[%get3A_26, %get3A_27] : memref<2048x1024xf32, #tpu.memory_space<vmem>>, vector<256x1024xf32>
    %get3A_29 = arith.constant 1536 : index
    %get3A_30 = arith.constant 0 : index
    %get3A_31 = vector.load %arg4[%get3A_29, %get3A_30] : memref<2048x1024xf32, #tpu.memory_space<vmem>>, vector<256x1024xf32>
    %get3A_32 = arith.constant 1792 : index
    %get3A_33 = arith.constant 0 : index
    %get3A_34 = vector.load %arg4[%get3A_32, %get3A_33] : memref<2048x1024xf32, #tpu.memory_space<vmem>>, vector<256x1024xf32>
    %reduce_min3A = vector.shape_cast %get3A_13 : vector<256x1024xf32> to vector<1x256x1024xf32>
    %reduce_min3A_35 = arith.constant dense<0x7F800000> : vector<1xf32>
    %reduce_min3A_36 = vector.multi_reduction <minimumf>, %reduce_min3A, %reduce_min3A_35 [1, 2] : vector<1x256x1024xf32> to vector<1xf32>
    %reduce_min3A_37 = vector.shape_cast %reduce_min3A_36 : vector<1xf32> to vector<1x1x1xf32>
    %reduce_min3A_38 = vector.extract %reduce_min3A_37[0, 0, 0] : f32 from vector<1x1x1xf32>
    %reduce_min3A_39 = vector.shape_cast %get3A_16 : vector<256x1024xf32> to vector<1x256x1024xf32>
    %reduce_min3A_40 = arith.constant dense<0x7F800000> : vector<1xf32>
    %reduce_min3A_41 = vector.multi_reduction <minimumf>, %reduce_min3A_39, %reduce_min3A_40 [1, 2] : vector<1x256x1024xf32> to vector<1xf32>
    %reduce_min3A_42 = vector.shape_cast %reduce_min3A_41 : vector<1xf32> to vector<1x1x1xf32>
    %reduce_min3A_43 = vector.extract %reduce_min3A_42[0, 0, 0] : f32 from vector<1x1x1xf32>
    %reduce_min3A_44 = vector.shape_cast %get3A_19 : vector<256x1024xf32> to vector<1x256x1024xf32>
    %reduce_min3A_45 = arith.constant dense<0x7F800000> : vector<1xf32>
    %reduce_min3A_46 = vector.multi_reduction <minimumf>, %reduce_min3A_44, %reduce_min3A_45 [1, 2] : vector<1x256x1024xf32> to vector<1xf32>
    %reduce_min3A_47 = vector.shape_cast %reduce_min3A_46 : vector<1xf32> to vector<1x1x1xf32>
    %reduce_min3A_48 = vector.extract %reduce_min3A_47[0, 0, 0] : f32 from vector<1x1x1xf32>
    %reduce_min3A_49 = vector.shape_cast %get3A_22 : vector<256x1024xf32> to vector<1x256x1024xf32>
    %reduce_min3A_50 = arith.constant dense<0x7F800000> : vector<1xf32>
    %reduce_min3A_51 = vector.multi_reduction <minimumf>, %reduce_min3A_49, %reduce_min3A_50 [1, 2] : vector<1x256x1024xf32> to vector<1xf32>
    %reduce_min3A_52 = vector.shape_cast %reduce_min3A_51 : vector<1xf32> to vector<1x1x1xf32>
    %reduce_min3A_53 = vector.extract %reduce_min3A_52[0, 0, 0] : f32 from vector<1x1x1xf32>
    %reduce_min3A_54 = vector.shape_cast %get3A_25 : vector<256x1024xf32> to vector<1x256x1024xf32>
    %reduce_min3A_55 = arith.constant dense<0x7F800000> : vector<1xf32>
    %reduce_min3A_56 = vector.multi_reduction <minimumf>, %reduce_min3A_54, %reduce_min3A_55 [1, 2] : vector<1x256x1024xf32> to vector<1xf32>
    %reduce_min3A_57 = vector.shape_cast %reduce_min3A_56 : vector<1xf32> to vector<1x1x1xf32>
    %reduce_min3A_58 = vector.extract %reduce_min3A_57[0, 0, 0] : f32 from vector<1x1x1xf32>
    %reduce_min3A_59 = vector.shape_cast %get3A_28 : vector<256x1024xf32> to vector<1x256x1024xf32>
    %reduce_min3A_60 = arith.constant dense<0x7F800000> : vector<1xf32>
    %reduce_min3A_61 = vector.multi_reduction <minimumf>, %reduce_min3A_59, %reduce_min3A_60 [1, 2] : vector<1x256x1024xf32> to vector<1xf32>
    %reduce_min3A_62 = vector.shape_cast %reduce_min3A_61 : vector<1xf32> to vector<1x1x1xf32>
    %reduce_min3A_63 = vector.extract %reduce_min3A_62[0, 0, 0] : f32 from vector<1x1x1xf32>
    %reduce_min3A_64 = vector.shape_cast %get3A_31 : vector<256x1024xf32> to vector<1x256x1024xf32>
    %reduce_min3A_65 = arith.constant dense<0x7F800000> : vector<1xf32>
    %reduce_min3A_66 = vector.multi_reduction <minimumf>, %reduce_min3A_64, %reduce_min3A_65 [1, 2] : vector<1x256x1024xf32> to vector<1xf32>
    %reduce_min3A_67 = vector.shape_cast %reduce_min3A_66 : vector<1xf32> to vector<1x1x1xf32>
    %reduce_min3A_68 = vector.extract %reduce_min3A_67[0, 0, 0] : f32 from vector<1x1x1xf32>
    %reduce_min3A_69 = vector.shape_cast %get3A_34 : vector<256x1024xf32> to vector<1x256x1024xf32>
    %reduce_min3A_70 = arith.constant dense<0x7F800000> : vector<1xf32>
    %reduce_min3A_71 = vector.multi_reduction <minimumf>, %reduce_min3A_69, %reduce_min3A_70 [1, 2] : vector<1x256x1024xf32> to vector<1xf32>
    %reduce_min3A_72 = vector.shape_cast %reduce_min3A_71 : vector<1xf32> to vector<1x1x1xf32>
    %reduce_min3A_73 = vector.extract %reduce_min3A_72[0, 0, 0] : f32 from vector<1x1x1xf32>
    %min3A = arith.minimumf %reduce_min3A_38, %reduce_min3A_43 : f32
    %min3A_74 = arith.minimumf %reduce_min3A_48, %reduce_min3A_53 : f32
    %min3A_75 = arith.minimumf %reduce_min3A_58, %reduce_min3A_63 : f32
    %min3A_76 = arith.minimumf %reduce_min3A_68, %reduce_min3A_73 : f32
    %min3A_77 = arith.minimumf %min3A, %min3A_74 : f32
    %min3A_78 = arith.minimumf %min3A_75, %min3A_76 : f32
    %min3A_79 = arith.minimumf %min3A_77, %min3A_78 : f32
    %reduce_max3A = vector.shape_cast %get3A_13 : vector<256x1024xf32> to vector<1x256x1024xf32>
    %reduce_max3A_80 = arith.constant dense<0xFF800000> : vector<1xf32>
    %reduce_max3A_81 = vector.multi_reduction <maximumf>, %reduce_max3A, %reduce_max3A_80 [1, 2] : vector<1x256x1024xf32> to vector<1xf32>
    %reduce_max3A_82 = vector.shape_cast %reduce_max3A_81 : vector<1xf32> to vector<1x1x1xf32>
    %reduce_max3A_83 = vector.extract %reduce_max3A_82[0, 0, 0] : f32 from vector<1x1x1xf32>
    %reduce_max3A_84 = vector.shape_cast %get3A_16 : vector<256x1024xf32> to vector<1x256x1024xf32>
    %reduce_max3A_85 = arith.constant dense<0xFF800000> : vector<1xf32>
    %reduce_max3A_86 = vector.multi_reduction <maximumf>, %reduce_max3A_84, %reduce_max3A_85 [1, 2] : vector<1x256x1024xf32> to vector<1xf32>
    %reduce_max3A_87 = vector.shape_cast %reduce_max3A_86 : vector<1xf32> to vector<1x1x1xf32>
    %reduce_max3A_88 = vector.extract %reduce_max3A_87[0, 0, 0] : f32 from vector<1x1x1xf32>
    %reduce_max3A_89 = vector.shape_cast %get3A_19 : vector<256x1024xf32> to vector<1x256x1024xf32>
    %reduce_max3A_90 = arith.constant dense<0xFF800000> : vector<1xf32>
    %reduce_max3A_91 = vector.multi_reduction <maximumf>, %reduce_max3A_89, %reduce_max3A_90 [1, 2] : vector<1x256x1024xf32> to vector<1xf32>
    %reduce_max3A_92 = vector.shape_cast %reduce_max3A_91 : vector<1xf32> to vector<1x1x1xf32>
    %reduce_max3A_93 = vector.extract %reduce_max3A_92[0, 0, 0] : f32 from vector<1x1x1xf32>
    %reduce_max3A_94 = vector.shape_cast %get3A_22 : vector<256x1024xf32> to vector<1x256x1024xf32>
    %reduce_max3A_95 = arith.constant dense<0xFF800000> : vector<1xf32>
    %reduce_max3A_96 = vector.multi_reduction <maximumf>, %reduce_max3A_94, %reduce_max3A_95 [1, 2] : vector<1x256x1024xf32> to vector<1xf32>
    %reduce_max3A_97 = vector.shape_cast %reduce_max3A_96 : vector<1xf32> to vector<1x1x1xf32>
    %reduce_max3A_98 = vector.extract %reduce_max3A_97[0, 0, 0] : f32 from vector<1x1x1xf32>
    %reduce_max3A_99 = vector.shape_cast %get3A_25 : vector<256x1024xf32> to vector<1x256x1024xf32>
    %reduce_max3A_100 = arith.constant dense<0xFF800000> : vector<1xf32>
    %reduce_max3A_101 = vector.multi_reduction <maximumf>, %reduce_max3A_99, %reduce_max3A_100 [1, 2] : vector<1x256x1024xf32> to vector<1xf32>
    %reduce_max3A_102 = vector.shape_cast %reduce_max3A_101 : vector<1xf32> to vector<1x1x1xf32>
    %reduce_max3A_103 = vector.extract %reduce_max3A_102[0, 0, 0] : f32 from vector<1x1x1xf32>
    %reduce_max3A_104 = vector.shape_cast %get3A_28 : vector<256x1024xf32> to vector<1x256x1024xf32>
    %reduce_max3A_105 = arith.constant dense<0xFF800000> : vector<1xf32>
    %reduce_max3A_106 = vector.multi_reduction <maximumf>, %reduce_max3A_104, %reduce_max3A_105 [1, 2] : vector<1x256x1024xf32> to vector<1xf32>
    %reduce_max3A_107 = vector.shape_cast %reduce_max3A_106 : vector<1xf32> to vector<1x1x1xf32>
    %reduce_max3A_108 = vector.extract %reduce_max3A_107[0, 0, 0] : f32 from vector<1x1x1xf32>
    %reduce_max3A_109 = vector.shape_cast %get3A_31 : vector<256x1024xf32> to vector<1x256x1024xf32>
    %reduce_max3A_110 = arith.constant dense<0xFF800000> : vector<1xf32>
    %reduce_max3A_111 = vector.multi_reduction <maximumf>, %reduce_max3A_109, %reduce_max3A_110 [1, 2] : vector<1x256x1024xf32> to vector<1xf32>
    %reduce_max3A_112 = vector.shape_cast %reduce_max3A_111 : vector<1xf32> to vector<1x1x1xf32>
    %reduce_max3A_113 = vector.extract %reduce_max3A_112[0, 0, 0] : f32 from vector<1x1x1xf32>
    %reduce_max3A_114 = vector.shape_cast %get3A_34 : vector<256x1024xf32> to vector<1x256x1024xf32>
    %reduce_max3A_115 = arith.constant dense<0xFF800000> : vector<1xf32>
    %reduce_max3A_116 = vector.multi_reduction <maximumf>, %reduce_max3A_114, %reduce_max3A_115 [1, 2] : vector<1x256x1024xf32> to vector<1xf32>
    %reduce_max3A_117 = vector.shape_cast %reduce_max3A_116 : vector<1xf32> to vector<1x1x1xf32>
    %reduce_max3A_118 = vector.extract %reduce_max3A_117[0, 0, 0] : f32 from vector<1x1x1xf32>
    %max3A = arith.maximumf %reduce_max3A_83, %reduce_max3A_88 : f32
    %max3A_119 = arith.maximumf %reduce_max3A_93, %reduce_max3A_98 : f32
    %max3A_120 = arith.maximumf %reduce_max3A_103, %reduce_max3A_108 : f32
    %max3A_121 = arith.maximumf %reduce_max3A_113, %reduce_max3A_118 : f32
    %max3A_122 = arith.maximumf %max3A, %max3A_119 : f32
    %max3A_123 = arith.maximumf %max3A_120, %max3A_121 : f32
    %max3A_124 = arith.maximumf %max3A_122, %max3A_123 : f32
    %lt3A = vector.broadcast %select_n3A : f32 to vector<256x1024xf32>
    %lt3A_125 = arith.cmpf olt, %get3A_13, %lt3A : vector<256x1024xf32>
    %convert_element_type3A = arith.extui %lt3A_125 : vector<256x1024xi1> to vector<256x1024xi32>
    %reduce_sum3A = vector.shape_cast %convert_element_type3A : vector<256x1024xi32> to vector<1x256x1024xi32>
    %reduce_sum3A_126 = arith.constant dense<0> : vector<1xi32>
    %reduce_sum3A_127 = vector.multi_reduction <add>, %reduce_sum3A, %reduce_sum3A_126 [1, 2] : vector<1x256x1024xi32> to vector<1xi32>
    %reduce_sum3A_128 = vector.shape_cast %reduce_sum3A_127 : vector<1xi32> to vector<1x1x1xi32>
    %reduce_sum3A_129 = vector.extract %reduce_sum3A_128[0, 0, 0] : i32 from vector<1x1x1xi32>
    %lt3A_130 = vector.broadcast %select_n3A : f32 to vector<256x1024xf32>
    %lt3A_131 = arith.cmpf olt, %get3A_16, %lt3A_130 : vector<256x1024xf32>
    %convert_element_type3A_132 = arith.extui %lt3A_131 : vector<256x1024xi1> to vector<256x1024xi32>
    %reduce_sum3A_133 = vector.shape_cast %convert_element_type3A_132 : vector<256x1024xi32> to vector<1x256x1024xi32>
    %reduce_sum3A_134 = arith.constant dense<0> : vector<1xi32>
    %reduce_sum3A_135 = vector.multi_reduction <add>, %reduce_sum3A_133, %reduce_sum3A_134 [1, 2] : vector<1x256x1024xi32> to vector<1xi32>
    %reduce_sum3A_136 = vector.shape_cast %reduce_sum3A_135 : vector<1xi32> to vector<1x1x1xi32>
    %reduce_sum3A_137 = vector.extract %reduce_sum3A_136[0, 0, 0] : i32 from vector<1x1x1xi32>
    %lt3A_138 = vector.broadcast %select_n3A : f32 to vector<256x1024xf32>
    %lt3A_139 = arith.cmpf olt, %get3A_19, %lt3A_138 : vector<256x1024xf32>
    %convert_element_type3A_140 = arith.extui %lt3A_139 : vector<256x1024xi1> to vector<256x1024xi32>
    %reduce_sum3A_141 = vector.shape_cast %convert_element_type3A_140 : vector<256x1024xi32> to vector<1x256x1024xi32>
    %reduce_sum3A_142 = arith.constant dense<0> : vector<1xi32>
    %reduce_sum3A_143 = vector.multi_reduction <add>, %reduce_sum3A_141, %reduce_sum3A_142 [1, 2] : vector<1x256x1024xi32> to vector<1xi32>
    %reduce_sum3A_144 = vector.shape_cast %reduce_sum3A_143 : vector<1xi32> to vector<1x1x1xi32>
    %reduce_sum3A_145 = vector.extract %reduce_sum3A_144[0, 0, 0] : i32 from vector<1x1x1xi32>
    %lt3A_146 = vector.broadcast %select_n3A : f32 to vector<256x1024xf32>
    %lt3A_147 = arith.cmpf olt, %get3A_22, %lt3A_146 : vector<256x1024xf32>
    %convert_element_type3A_148 = arith.extui %lt3A_147 : vector<256x1024xi1> to vector<256x1024xi32>
    %reduce_sum3A_149 = vector.shape_cast %convert_element_type3A_148 : vector<256x1024xi32> to vector<1x256x1024xi32>
    %reduce_sum3A_150 = arith.constant dense<0> : vector<1xi32>
    %reduce_sum3A_151 = vector.multi_reduction <add>, %reduce_sum3A_149, %reduce_sum3A_150 [1, 2] : vector<1x256x1024xi32> to vector<1xi32>
    %reduce_sum3A_152 = vector.shape_cast %reduce_sum3A_151 : vector<1xi32> to vector<1x1x1xi32>
    %reduce_sum3A_153 = vector.extract %reduce_sum3A_152[0, 0, 0] : i32 from vector<1x1x1xi32>
    %lt3A_154 = vector.broadcast %select_n3A : f32 to vector<256x1024xf32>
    %lt3A_155 = arith.cmpf olt, %get3A_25, %lt3A_154 : vector<256x1024xf32>
    %convert_element_type3A_156 = arith.extui %lt3A_155 : vector<256x1024xi1> to vector<256x1024xi32>
    %reduce_sum3A_157 = vector.shape_cast %convert_element_type3A_156 : vector<256x1024xi32> to vector<1x256x1024xi32>
    %reduce_sum3A_158 = arith.constant dense<0> : vector<1xi32>
    %reduce_sum3A_159 = vector.multi_reduction <add>, %reduce_sum3A_157, %reduce_sum3A_158 [1, 2] : vector<1x256x1024xi32> to vector<1xi32>
    %reduce_sum3A_160 = vector.shape_cast %reduce_sum3A_159 : vector<1xi32> to vector<1x1x1xi32>
    %reduce_sum3A_161 = vector.extract %reduce_sum3A_160[0, 0, 0] : i32 from vector<1x1x1xi32>
    %lt3A_162 = vector.broadcast %select_n3A : f32 to vector<256x1024xf32>
    %lt3A_163 = arith.cmpf olt, %get3A_28, %lt3A_162 : vector<256x1024xf32>
    %convert_element_type3A_164 = arith.extui %lt3A_163 : vector<256x1024xi1> to vector<256x1024xi32>
    %reduce_sum3A_165 = vector.shape_cast %convert_element_type3A_164 : vector<256x1024xi32> to vector<1x256x1024xi32>
    %reduce_sum3A_166 = arith.constant dense<0> : vector<1xi32>
    %reduce_sum3A_167 = vector.multi_reduction <add>, %reduce_sum3A_165, %reduce_sum3A_166 [1, 2] : vector<1x256x1024xi32> to vector<1xi32>
    %reduce_sum3A_168 = vector.shape_cast %reduce_sum3A_167 : vector<1xi32> to vector<1x1x1xi32>
    %reduce_sum3A_169 = vector.extract %reduce_sum3A_168[0, 0, 0] : i32 from vector<1x1x1xi32>
    %lt3A_170 = vector.broadcast %select_n3A : f32 to vector<256x1024xf32>
    %lt3A_171 = arith.cmpf olt, %get3A_31, %lt3A_170 : vector<256x1024xf32>
    %convert_element_type3A_172 = arith.extui %lt3A_171 : vector<256x1024xi1> to vector<256x1024xi32>
    %reduce_sum3A_173 = vector.shape_cast %convert_element_type3A_172 : vector<256x1024xi32> to vector<1x256x1024xi32>
    %reduce_sum3A_174 = arith.constant dense<0> : vector<1xi32>
    %reduce_sum3A_175 = vector.multi_reduction <add>, %reduce_sum3A_173, %reduce_sum3A_174 [1, 2] : vector<1x256x1024xi32> to vector<1xi32>
    %reduce_sum3A_176 = vector.shape_cast %reduce_sum3A_175 : vector<1xi32> to vector<1x1x1xi32>
    %reduce_sum3A_177 = vector.extract %reduce_sum3A_176[0, 0, 0] : i32 from vector<1x1x1xi32>
    %lt3A_178 = vector.broadcast %select_n3A : f32 to vector<256x1024xf32>
    %lt3A_179 = arith.cmpf olt, %get3A_34, %lt3A_178 : vector<256x1024xf32>
    %convert_element_type3A_180 = arith.extui %lt3A_179 : vector<256x1024xi1> to vector<256x1024xi32>
    %reduce_sum3A_181 = vector.shape_cast %convert_element_type3A_180 : vector<256x1024xi32> to vector<1x256x1024xi32>
    %reduce_sum3A_182 = arith.constant dense<0> : vector<1xi32>
    %reduce_sum3A_183 = vector.multi_reduction <add>, %reduce_sum3A_181, %reduce_sum3A_182 [1, 2] : vector<1x256x1024xi32> to vector<1xi32>
    %reduce_sum3A_184 = vector.shape_cast %reduce_sum3A_183 : vector<1xi32> to vector<1x1x1xi32>
    %reduce_sum3A_185 = vector.extract %reduce_sum3A_184[0, 0, 0] : i32 from vector<1x1x1xi32>
    %add3A = arith.addi %reduce_sum3A_129, %reduce_sum3A_137 : i32
    %add3A_186 = arith.addi %reduce_sum3A_145, %reduce_sum3A_153 : i32
    %add3A_187 = arith.addi %reduce_sum3A_161, %reduce_sum3A_169 : i32
    %add3A_188 = arith.addi %reduce_sum3A_177, %reduce_sum3A_185 : i32
    %add3A_189 = arith.addi %add3A, %add3A_186 : i32
    %add3A_190 = arith.addi %add3A_187, %add3A_188 : i32
    %add3A_191 = arith.addi %add3A_189, %add3A_190 : i32
    %bitcast_convert_type3A = arith.bitcast %select_n3A : f32 to i32
    %le3A = arith.constant 1048575 : i32
    %le3A_192 = arith.cmpi sle, %add3A_191, %le3A : i32
    %bitcast_convert_type3A_193 = arith.bitcast %min3A_79 : f32 to i32
    %select_n3A_194 = arith.select %le3A_192, %bitcast_convert_type3A, %bitcast_convert_type3A_193 : i32
    %jit3A = arith.constant 0 : i32
    %select_n3A_195 = arith.select %le3A_192, %add3A_191, %jit3A : i32
    %bitcast_convert_type3A_196 = arith.bitcast %max3A_124 : f32 to i32
    %add3A_197 = arith.constant 1 : i32
    %add3A_198 = arith.addi %bitcast_convert_type3A_196, %add3A_197 : i32
    %select_n3A_199 = arith.select %le3A_192, %add3A_198, %bitcast_convert_type3A : i32
    %jit3A_200 = arith.constant 2097152 : i32
    %select_n3A_201 = arith.select %le3A_192, %jit3A_200, %add3A_191 : i32
    %mul3A = arith.constant 0.192307696 : f32
    %mul3A_202 = arith.mulf %max3A_124, %mul3A : f32
    %while3A = arith.constant 1048575 : i32
    %while3A_203 = arith.constant 1048575 : i32
    %while3A_204 = arith.constant 1 : i32
    %while3A_205:7 = scf.while (%while3A_219 = %select_n3A_194, %while3A_220 = %select_n3A_199, %while3A_221 = %select_n3A_195, %while3A_222 = %select_n3A_201, %while3A_223 = %bitcast_convert_type3A, %while3A_224 = %add3A_191, %while3A_225 = %while3A_204) : (i32, i32, i32, i32, i32, i32, i32) -> (i32, i32, i32, i32, i32, i32, i32) {
      %sub3A = arith.subi %while3A_220, %while3A_219 : i32
      %gt3A = arith.constant 1 : i32
      %gt3A_226 = arith.cmpi sgt, %sub3A, %gt3A : i32
      %ne3A = arith.cmpi ne, %while3A_221, %while3A : i32
      %and3A = arith.andi %gt3A_226, %ne3A : i1
      %add3A_227 = arith.constant 1 : i32
      %add3A_228 = arith.addi %while3A, %add3A_227 : i32
      %ne3A_229 = arith.cmpi ne, %while3A_222, %add3A_228 : i32
      %and3A_230 = arith.andi %and3A, %ne3A_229 : i1
      scf.condition(%and3A_230) %while3A_219, %while3A_220, %while3A_221, %while3A_222, %while3A_223, %while3A_224, %while3A_225 : i32, i32, i32, i32, i32, i32, i32
    } do {
    ^bb0(%while3A_219: i32, %while3A_220: i32, %while3A_221: i32, %while3A_222: i32, %while3A_223: i32, %while3A_224: i32, %while3A_225: i32):
      %bitcast_convert_type3A_226 = arith.bitcast %while3A_223 : i32 to f32
      %convert_element_type3A_227 = arith.sitofp %while3A_203 : i32 to f32
      %add3A_228 = arith.constant 5.000000e-01 : f32
      %add3A_229 = arith.addf %convert_element_type3A_227, %add3A_228 : f32
      %convert_element_type3A_230 = arith.sitofp %while3A_224 : i32 to f32
      %sub3A = arith.subf %add3A_229, %convert_element_type3A_230 : f32
      %mul3A_231 = arith.mulf %sub3A, %mul3A_202 : f32
      %mul3A_232 = arith.constant 7.50924642E-7 : f32
      %mul3A_233 = arith.mulf %mul3A_231, %mul3A_232 : f32
      %add3A_234 = arith.addf %bitcast_convert_type3A_226, %mul3A_233 : f32
      %bitcast_convert_type3A_235 = arith.bitcast %add3A_234 : f32 to i32
      %bitcast_convert_type3A_236 = arith.bitcast %while3A_219 : i32 to f32
      %bitcast_convert_type3A_237 = arith.bitcast %while3A_220 : i32 to f32
      %convert_element_type3A_238 = arith.sitofp %while3A_203 : i32 to f32
      %add3A_239 = arith.constant 5.000000e-01 : f32
      %add3A_240 = arith.addf %convert_element_type3A_238, %add3A_239 : f32
      %convert_element_type3A_241 = arith.sitofp %while3A_221 : i32 to f32
      %sub3A_242 = arith.subf %add3A_240, %convert_element_type3A_241 : f32
      %convert_element_type3A_243 = arith.sitofp %while3A_222 : i32 to f32
      %convert_element_type3A_244 = arith.sitofp %while3A_221 : i32 to f32
      %sub3A_245 = arith.subf %convert_element_type3A_243, %convert_element_type3A_244 : f32
      %div3A = arith.divf %sub3A_242, %sub3A_245 : f32
      %sub3A_246 = arith.subf %bitcast_convert_type3A_237, %bitcast_convert_type3A_236 : f32
      %mul3A_247 = arith.mulf %sub3A_246, %div3A : f32
      %add3A_248 = arith.addf %bitcast_convert_type3A_236, %mul3A_247 : f32
      %bitcast_convert_type3A_249 = arith.bitcast %add3A_248 : f32 to i32
      %sub3A_250 = arith.subi %while3A_220, %while3A_219 : i32
      %jit3A_251 = arith.constant 2 : i32
      %div3A_252 = arith.divsi %sub3A_250, %jit3A_251 : i32
      %sign3A = arith.constant 0 : i32
      %sign3A_253 = arith.cmpi sgt, %sub3A_250, %sign3A : i32
      %sign3A_254 = arith.extui %sign3A_253 : i1 to i32
      %sign3A_255 = arith.constant 0 : i32
      %sign3A_256 = arith.cmpi slt, %sub3A_250, %sign3A_255 : i32
      %sign3A_257 = arith.extui %sign3A_256 : i1 to i32
      %sign3A_258 = arith.subi %sign3A_254, %sign3A_257 : i32
      %sign3A_259 = arith.constant 0 : i32
      %sign3A_260 = arith.cmpi sgt, %jit3A_251, %sign3A_259 : i32
      %sign3A_261 = arith.extui %sign3A_260 : i1 to i32
      %sign3A_262 = arith.constant 0 : i32
      %sign3A_263 = arith.cmpi slt, %jit3A_251, %sign3A_262 : i32
      %sign3A_264 = arith.extui %sign3A_263 : i1 to i32
      %sign3A_265 = arith.subi %sign3A_261, %sign3A_264 : i32
      %ne3A = arith.cmpi ne, %sign3A_258, %sign3A_265 : i32
      %rem3A = arith.remsi %sub3A_250, %jit3A_251 : i32
      %ne3A_266 = arith.constant 0 : i32
      %ne3A_267 = arith.cmpi ne, %rem3A, %ne3A_266 : i32
      %and3A = arith.andi %ne3A, %ne3A_267 : i1
      %sub3A_268 = arith.constant 1 : i32
      %sub3A_269 = arith.subi %div3A_252, %sub3A_268 : i32
      %select_n3A_270 = arith.select %and3A, %sub3A_269, %div3A_252 : i32
      %add3A_271 = arith.addi %while3A_219, %select_n3A_270 : i32
      %eq3A_272 = arith.constant 1 : i32
      %eq3A_273 = arith.cmpi eq, %while3A_225, %eq3A_272 : i32
      %lt3A_274 = arith.constant 12 : i32
      %lt3A_275 = arith.cmpi slt, %while3A_225, %lt3A_274 : i32
      %jit3A_276 = arith.constant 2 : i32
      %eq3A_277 = arith.constant 0 : i32
      %eq3A_278 = arith.cmpi eq, %jit3A_276, %eq3A_277 : i32
      %jit3A_279 = arith.constant 1 : i32
      %select_n3A_280 = arith.select %eq3A_278, %jit3A_279, %jit3A_276 : i32
      %rem3A_281 = arith.remsi %while3A_225, %select_n3A_280 : i32
      %ne3A_282 = arith.constant 0 : i32
      %ne3A_283 = arith.cmpi ne, %rem3A_281, %ne3A_282 : i32
      %lt3A_284 = arith.constant 0 : i32
      %lt3A_285 = arith.cmpi slt, %rem3A_281, %lt3A_284 : i32
      %lt3A_286 = arith.constant 0 : i32
      %lt3A_287 = arith.cmpi slt, %select_n3A_280, %lt3A_286 : i32
      %ne3A_288 = arith.xori %lt3A_285, %lt3A_287 : i1
      %and3A_289 = arith.andi %ne3A_288, %ne3A_283 : i1
      %add3A_290 = arith.addi %rem3A_281, %select_n3A_280 : i32
      %select_n3A_291 = arith.select %and3A_289, %add3A_290, %rem3A_281 : i32
      %eq3A_292 = arith.constant 0 : i32
      %eq3A_293 = arith.cmpi eq, %select_n3A_291, %eq3A_292 : i32
      %or3A = arith.ori %lt3A_275, %eq3A_293 : i1
      %select_n3A_294 = arith.select %or3A, %bitcast_convert_type3A_249, %add3A_271 : i32
      %select_n3A_295 = arith.select %eq3A_273, %bitcast_convert_type3A_235, %select_n3A_294 : i32
      %add3A_296 = arith.constant 1 : i32
      %add3A_297 = arith.addi %while3A_219, %add3A_296 : i32
      %sub3A_298 = arith.constant 1 : i32
      %sub3A_299 = arith.subi %while3A_220, %sub3A_298 : i32
      %max3A_300 = arith.maxsi %add3A_297, %select_n3A_295 : i32
      %min3A_301 = arith.minsi %sub3A_299, %max3A_300 : i32
      %bitcast_convert_type3A_302 = arith.bitcast %min3A_301 : i32 to f32
      %get3A_303 = arith.constant 0 : index
      %get3A_304 = arith.constant 0 : index
      %get3A_305 = vector.load %arg4[%get3A_303, %get3A_304] : memref<2048x1024xf32, #tpu.memory_space<vmem>>, vector<256x1024xf32>
      %get3A_306 = arith.constant 256 : index
      %get3A_307 = arith.constant 0 : index
      %get3A_308 = vector.load %arg4[%get3A_306, %get3A_307] : memref<2048x1024xf32, #tpu.memory_space<vmem>>, vector<256x1024xf32>
      %get3A_309 = arith.constant 512 : index
      %get3A_310 = arith.constant 0 : index
      %get3A_311 = vector.load %arg4[%get3A_309, %get3A_310] : memref<2048x1024xf32, #tpu.memory_space<vmem>>, vector<256x1024xf32>
      %get3A_312 = arith.constant 768 : index
      %get3A_313 = arith.constant 0 : index
      %get3A_314 = vector.load %arg4[%get3A_312, %get3A_313] : memref<2048x1024xf32, #tpu.memory_space<vmem>>, vector<256x1024xf32>
      %get3A_315 = arith.constant 1024 : index
      %get3A_316 = arith.constant 0 : index
      %get3A_317 = vector.load %arg4[%get3A_315, %get3A_316] : memref<2048x1024xf32, #tpu.memory_space<vmem>>, vector<256x1024xf32>
      %get3A_318 = arith.constant 1280 : index
      %get3A_319 = arith.constant 0 : index
      %get3A_320 = vector.load %arg4[%get3A_318, %get3A_319] : memref<2048x1024xf32, #tpu.memory_space<vmem>>, vector<256x1024xf32>
      %get3A_321 = arith.constant 1536 : index
      %get3A_322 = arith.constant 0 : index
      %get3A_323 = vector.load %arg4[%get3A_321, %get3A_322] : memref<2048x1024xf32, #tpu.memory_space<vmem>>, vector<256x1024xf32>
      %get3A_324 = arith.constant 1792 : index
      %get3A_325 = arith.constant 0 : index
      %get3A_326 = vector.load %arg4[%get3A_324, %get3A_325] : memref<2048x1024xf32, #tpu.memory_space<vmem>>, vector<256x1024xf32>
      %lt3A_327 = vector.broadcast %bitcast_convert_type3A_302 : f32 to vector<256x1024xf32>
      %lt3A_328 = arith.cmpf olt, %get3A_305, %lt3A_327 : vector<256x1024xf32>
      %convert_element_type3A_329 = arith.extui %lt3A_328 : vector<256x1024xi1> to vector<256x1024xi32>
      %reduce_sum3A_330 = vector.shape_cast %convert_element_type3A_329 : vector<256x1024xi32> to vector<1x256x1024xi32>
      %reduce_sum3A_331 = arith.constant dense<0> : vector<1xi32>
      %reduce_sum3A_332 = vector.multi_reduction <add>, %reduce_sum3A_330, %reduce_sum3A_331 [1, 2] : vector<1x256x1024xi32> to vector<1xi32>
      %reduce_sum3A_333 = vector.shape_cast %reduce_sum3A_332 : vector<1xi32> to vector<1x1x1xi32>
      %reduce_sum3A_334 = vector.extract %reduce_sum3A_333[0, 0, 0] : i32 from vector<1x1x1xi32>
      %lt3A_335 = vector.broadcast %bitcast_convert_type3A_302 : f32 to vector<256x1024xf32>
      %lt3A_336 = arith.cmpf olt, %get3A_308, %lt3A_335 : vector<256x1024xf32>
      %convert_element_type3A_337 = arith.extui %lt3A_336 : vector<256x1024xi1> to vector<256x1024xi32>
      %reduce_sum3A_338 = vector.shape_cast %convert_element_type3A_337 : vector<256x1024xi32> to vector<1x256x1024xi32>
      %reduce_sum3A_339 = arith.constant dense<0> : vector<1xi32>
      %reduce_sum3A_340 = vector.multi_reduction <add>, %reduce_sum3A_338, %reduce_sum3A_339 [1, 2] : vector<1x256x1024xi32> to vector<1xi32>
      %reduce_sum3A_341 = vector.shape_cast %reduce_sum3A_340 : vector<1xi32> to vector<1x1x1xi32>
      %reduce_sum3A_342 = vector.extract %reduce_sum3A_341[0, 0, 0] : i32 from vector<1x1x1xi32>
      %lt3A_343 = vector.broadcast %bitcast_convert_type3A_302 : f32 to vector<256x1024xf32>
      %lt3A_344 = arith.cmpf olt, %get3A_311, %lt3A_343 : vector<256x1024xf32>
      %convert_element_type3A_345 = arith.extui %lt3A_344 : vector<256x1024xi1> to vector<256x1024xi32>
      %reduce_sum3A_346 = vector.shape_cast %convert_element_type3A_345 : vector<256x1024xi32> to vector<1x256x1024xi32>
      %reduce_sum3A_347 = arith.constant dense<0> : vector<1xi32>
      %reduce_sum3A_348 = vector.multi_reduction <add>, %reduce_sum3A_346, %reduce_sum3A_347 [1, 2] : vector<1x256x1024xi32> to vector<1xi32>
      %reduce_sum3A_349 = vector.shape_cast %reduce_sum3A_348 : vector<1xi32> to vector<1x1x1xi32>
      %reduce_sum3A_350 = vector.extract %reduce_sum3A_349[0, 0, 0] : i32 from vector<1x1x1xi32>
      %lt3A_351 = vector.broadcast %bitcast_convert_type3A_302 : f32 to vector<256x1024xf32>
      %lt3A_352 = arith.cmpf olt, %get3A_314, %lt3A_351 : vector<256x1024xf32>
      %convert_element_type3A_353 = arith.extui %lt3A_352 : vector<256x1024xi1> to vector<256x1024xi32>
      %reduce_sum3A_354 = vector.shape_cast %convert_element_type3A_353 : vector<256x1024xi32> to vector<1x256x1024xi32>
      %reduce_sum3A_355 = arith.constant dense<0> : vector<1xi32>
      %reduce_sum3A_356 = vector.multi_reduction <add>, %reduce_sum3A_354, %reduce_sum3A_355 [1, 2] : vector<1x256x1024xi32> to vector<1xi32>
      %reduce_sum3A_357 = vector.shape_cast %reduce_sum3A_356 : vector<1xi32> to vector<1x1x1xi32>
      %reduce_sum3A_358 = vector.extract %reduce_sum3A_357[0, 0, 0] : i32 from vector<1x1x1xi32>
      %lt3A_359 = vector.broadcast %bitcast_convert_type3A_302 : f32 to vector<256x1024xf32>
      %lt3A_360 = arith.cmpf olt, %get3A_317, %lt3A_359 : vector<256x1024xf32>
      %convert_element_type3A_361 = arith.extui %lt3A_360 : vector<256x1024xi1> to vector<256x1024xi32>
      %reduce_sum3A_362 = vector.shape_cast %convert_element_type3A_361 : vector<256x1024xi32> to vector<1x256x1024xi32>
      %reduce_sum3A_363 = arith.constant dense<0> : vector<1xi32>
      %reduce_sum3A_364 = vector.multi_reduction <add>, %reduce_sum3A_362, %reduce_sum3A_363 [1, 2] : vector<1x256x1024xi32> to vector<1xi32>
      %reduce_sum3A_365 = vector.shape_cast %reduce_sum3A_364 : vector<1xi32> to vector<1x1x1xi32>
      %reduce_sum3A_366 = vector.extract %reduce_sum3A_365[0, 0, 0] : i32 from vector<1x1x1xi32>
      %lt3A_367 = vector.broadcast %bitcast_convert_type3A_302 : f32 to vector<256x1024xf32>
      %lt3A_368 = arith.cmpf olt, %get3A_320, %lt3A_367 : vector<256x1024xf32>
      %convert_element_type3A_369 = arith.extui %lt3A_368 : vector<256x1024xi1> to vector<256x1024xi32>
      %reduce_sum3A_370 = vector.shape_cast %convert_element_type3A_369 : vector<256x1024xi32> to vector<1x256x1024xi32>
      %reduce_sum3A_371 = arith.constant dense<0> : vector<1xi32>
      %reduce_sum3A_372 = vector.multi_reduction <add>, %reduce_sum3A_370, %reduce_sum3A_371 [1, 2] : vector<1x256x1024xi32> to vector<1xi32>
      %reduce_sum3A_373 = vector.shape_cast %reduce_sum3A_372 : vector<1xi32> to vector<1x1x1xi32>
      %reduce_sum3A_374 = vector.extract %reduce_sum3A_373[0, 0, 0] : i32 from vector<1x1x1xi32>
      %lt3A_375 = vector.broadcast %bitcast_convert_type3A_302 : f32 to vector<256x1024xf32>
      %lt3A_376 = arith.cmpf olt, %get3A_323, %lt3A_375 : vector<256x1024xf32>
      %convert_element_type3A_377 = arith.extui %lt3A_376 : vector<256x1024xi1> to vector<256x1024xi32>
      %reduce_sum3A_378 = vector.shape_cast %convert_element_type3A_377 : vector<256x1024xi32> to vector<1x256x1024xi32>
      %reduce_sum3A_379 = arith.constant dense<0> : vector<1xi32>
      %reduce_sum3A_380 = vector.multi_reduction <add>, %reduce_sum3A_378, %reduce_sum3A_379 [1, 2] : vector<1x256x1024xi32> to vector<1xi32>
      %reduce_sum3A_381 = vector.shape_cast %reduce_sum3A_380 : vector<1xi32> to vector<1x1x1xi32>
      %reduce_sum3A_382 = vector.extract %reduce_sum3A_381[0, 0, 0] : i32 from vector<1x1x1xi32>
      %lt3A_383 = vector.broadcast %bitcast_convert_type3A_302 : f32 to vector<256x1024xf32>
      %lt3A_384 = arith.cmpf olt, %get3A_326, %lt3A_383 : vector<256x1024xf32>
      %convert_element_type3A_385 = arith.extui %lt3A_384 : vector<256x1024xi1> to vector<256x1024xi32>
      %reduce_sum3A_386 = vector.shape_cast %convert_element_type3A_385 : vector<256x1024xi32> to vector<1x256x1024xi32>
      %reduce_sum3A_387 = arith.constant dense<0> : vector<1xi32>
      %reduce_sum3A_388 = vector.multi_reduction <add>, %reduce_sum3A_386, %reduce_sum3A_387 [1, 2] : vector<1x256x1024xi32> to vector<1xi32>
      %reduce_sum3A_389 = vector.shape_cast %reduce_sum3A_388 : vector<1xi32> to vector<1x1x1xi32>
      %reduce_sum3A_390 = vector.extract %reduce_sum3A_389[0, 0, 0] : i32 from vector<1x1x1xi32>
      %add3A_391 = arith.addi %reduce_sum3A_334, %reduce_sum3A_342 : i32
      %add3A_392 = arith.addi %reduce_sum3A_350, %reduce_sum3A_358 : i32
      %add3A_393 = arith.addi %reduce_sum3A_366, %reduce_sum3A_374 : i32
      %add3A_394 = arith.addi %reduce_sum3A_382, %reduce_sum3A_390 : i32
      %add3A_395 = arith.addi %add3A_391, %add3A_392 : i32
      %add3A_396 = arith.addi %add3A_393, %add3A_394 : i32
      %add3A_397 = arith.addi %add3A_395, %add3A_396 : i32
      %le3A_398 = arith.cmpi sle, %add3A_397, %while3A_203 : i32
      %select_n3A_399 = arith.select %le3A_398, %min3A_301, %while3A_219 : i32
      %select_n3A_400 = arith.select %le3A_398, %while3A_220, %min3A_301 : i32
      %select_n3A_401 = arith.select %le3A_398, %add3A_397, %while3A_221 : i32
      %select_n3A_402 = arith.select %le3A_398, %while3A_222, %add3A_397 : i32
      %add3A_403 = arith.constant 1 : i32
      %add3A_404 = arith.addi %while3A_225, %add3A_403 : i32
      scf.yield %select_n3A_399, %select_n3A_400, %select_n3A_401, %select_n3A_402, %min3A_301, %add3A_397, %add3A_404 : i32, i32, i32, i32, i32, i32, i32
    }
    %eq3A_206 = arith.constant 1048575 : i32
    %eq3A_207 = arith.cmpi eq, %while3A_205#2, %eq3A_206 : i32
    %convert_element_type3A_208 = arith.extui %eq3A_207 : i1 to i32
    %cond3A = arith.constant 1048575 : i32
    %cond3A_209 = arith.constant 0 : i32
    %cond3A_210 = arith.cmpi ne, %convert_element_type3A_208, %cond3A_209 : i32
    %cond3A_211:2 = scf.if %cond3A_210 -> (f32, f32) {
      %get3A_219 = arith.constant 0 : index
      %get3A_220 = arith.constant 0 : index
      %get3A_221 = vector.load %arg4[%get3A_219, %get3A_220] : memref<2048x1024xf32, #tpu.memory_space<vmem>>, vector<256x1024xf32>
      %get3A_222 = arith.constant 256 : index
      %get3A_223 = arith.constant 0 : index
      %get3A_224 = vector.load %arg4[%get3A_222, %get3A_223] : memref<2048x1024xf32, #tpu.memory_space<vmem>>, vector<256x1024xf32>
      %get3A_225 = arith.constant 512 : index
      %get3A_226 = arith.constant 0 : index
      %get3A_227 = vector.load %arg4[%get3A_225, %get3A_226] : memref<2048x1024xf32, #tpu.memory_space<vmem>>, vector<256x1024xf32>
      %get3A_228 = arith.constant 768 : index
      %get3A_229 = arith.constant 0 : index
      %get3A_230 = vector.load %arg4[%get3A_228, %get3A_229] : memref<2048x1024xf32, #tpu.memory_space<vmem>>, vector<256x1024xf32>
      %get3A_231 = arith.constant 1024 : index
      %get3A_232 = arith.constant 0 : index
      %get3A_233 = vector.load %arg4[%get3A_231, %get3A_232] : memref<2048x1024xf32, #tpu.memory_space<vmem>>, vector<256x1024xf32>
      %get3A_234 = arith.constant 1280 : index
      %get3A_235 = arith.constant 0 : index
      %get3A_236 = vector.load %arg4[%get3A_234, %get3A_235] : memref<2048x1024xf32, #tpu.memory_space<vmem>>, vector<256x1024xf32>
      %get3A_237 = arith.constant 1536 : index
      %get3A_238 = arith.constant 0 : index
      %get3A_239 = vector.load %arg4[%get3A_237, %get3A_238] : memref<2048x1024xf32, #tpu.memory_space<vmem>>, vector<256x1024xf32>
      %get3A_240 = arith.constant 1792 : index
      %get3A_241 = arith.constant 0 : index
      %get3A_242 = vector.load %arg4[%get3A_240, %get3A_241] : memref<2048x1024xf32, #tpu.memory_space<vmem>>, vector<256x1024xf32>
      %bitcast_convert_type3A_243 = arith.bitcast %while3A_205#0 : i32 to f32
      %ge3A = vector.broadcast %bitcast_convert_type3A_243 : f32 to vector<256x1024xf32>
      %ge3A_244 = arith.cmpf oge, %get3A_221, %ge3A : vector<256x1024xf32>
      %jit3A_245 = arith.constant 0x7F800000 : f32
      %broadcast_in_dim3A = vector.broadcast %jit3A_245 : f32 to vector<256x1024xf32>
      %select_n3A_246 = arith.select %ge3A_244, %get3A_221, %broadcast_in_dim3A : vector<256x1024xi1>, vector<256x1024xf32>
      %reduce_min3A_247 = vector.shape_cast %select_n3A_246 : vector<256x1024xf32> to vector<1x256x1024xf32>
      %reduce_min3A_248 = arith.constant dense<0x7F800000> : vector<1xf32>
      %reduce_min3A_249 = vector.multi_reduction <minimumf>, %reduce_min3A_247, %reduce_min3A_248 [1, 2] : vector<1x256x1024xf32> to vector<1xf32>
      %reduce_min3A_250 = vector.shape_cast %reduce_min3A_249 : vector<1xf32> to vector<1x1x1xf32>
      %reduce_min3A_251 = vector.extract %reduce_min3A_250[0, 0, 0] : f32 from vector<1x1x1xf32>
      %bitcast_convert_type3A_252 = arith.bitcast %while3A_205#0 : i32 to f32
      %ge3A_253 = vector.broadcast %bitcast_convert_type3A_252 : f32 to vector<256x1024xf32>
      %ge3A_254 = arith.cmpf oge, %get3A_224, %ge3A_253 : vector<256x1024xf32>
      %jit3A_255 = arith.constant 0x7F800000 : f32
      %broadcast_in_dim3A_256 = vector.broadcast %jit3A_255 : f32 to vector<256x1024xf32>
      %select_n3A_257 = arith.select %ge3A_254, %get3A_224, %broadcast_in_dim3A_256 : vector<256x1024xi1>, vector<256x1024xf32>
      %reduce_min3A_258 = vector.shape_cast %select_n3A_257 : vector<256x1024xf32> to vector<1x256x1024xf32>
      %reduce_min3A_259 = arith.constant dense<0x7F800000> : vector<1xf32>
      %reduce_min3A_260 = vector.multi_reduction <minimumf>, %reduce_min3A_258, %reduce_min3A_259 [1, 2] : vector<1x256x1024xf32> to vector<1xf32>
      %reduce_min3A_261 = vector.shape_cast %reduce_min3A_260 : vector<1xf32> to vector<1x1x1xf32>
      %reduce_min3A_262 = vector.extract %reduce_min3A_261[0, 0, 0] : f32 from vector<1x1x1xf32>
      %bitcast_convert_type3A_263 = arith.bitcast %while3A_205#0 : i32 to f32
      %ge3A_264 = vector.broadcast %bitcast_convert_type3A_263 : f32 to vector<256x1024xf32>
      %ge3A_265 = arith.cmpf oge, %get3A_227, %ge3A_264 : vector<256x1024xf32>
      %jit3A_266 = arith.constant 0x7F800000 : f32
      %broadcast_in_dim3A_267 = vector.broadcast %jit3A_266 : f32 to vector<256x1024xf32>
      %select_n3A_268 = arith.select %ge3A_265, %get3A_227, %broadcast_in_dim3A_267 : vector<256x1024xi1>, vector<256x1024xf32>
      %reduce_min3A_269 = vector.shape_cast %select_n3A_268 : vector<256x1024xf32> to vector<1x256x1024xf32>
      %reduce_min3A_270 = arith.constant dense<0x7F800000> : vector<1xf32>
      %reduce_min3A_271 = vector.multi_reduction <minimumf>, %reduce_min3A_269, %reduce_min3A_270 [1, 2] : vector<1x256x1024xf32> to vector<1xf32>
      %reduce_min3A_272 = vector.shape_cast %reduce_min3A_271 : vector<1xf32> to vector<1x1x1xf32>
      %reduce_min3A_273 = vector.extract %reduce_min3A_272[0, 0, 0] : f32 from vector<1x1x1xf32>
      %bitcast_convert_type3A_274 = arith.bitcast %while3A_205#0 : i32 to f32
      %ge3A_275 = vector.broadcast %bitcast_convert_type3A_274 : f32 to vector<256x1024xf32>
      %ge3A_276 = arith.cmpf oge, %get3A_230, %ge3A_275 : vector<256x1024xf32>
      %jit3A_277 = arith.constant 0x7F800000 : f32
      %broadcast_in_dim3A_278 = vector.broadcast %jit3A_277 : f32 to vector<256x1024xf32>
      %select_n3A_279 = arith.select %ge3A_276, %get3A_230, %broadcast_in_dim3A_278 : vector<256x1024xi1>, vector<256x1024xf32>
      %reduce_min3A_280 = vector.shape_cast %select_n3A_279 : vector<256x1024xf32> to vector<1x256x1024xf32>
      %reduce_min3A_281 = arith.constant dense<0x7F800000> : vector<1xf32>
      %reduce_min3A_282 = vector.multi_reduction <minimumf>, %reduce_min3A_280, %reduce_min3A_281 [1, 2] : vector<1x256x1024xf32> to vector<1xf32>
      %reduce_min3A_283 = vector.shape_cast %reduce_min3A_282 : vector<1xf32> to vector<1x1x1xf32>
      %reduce_min3A_284 = vector.extract %reduce_min3A_283[0, 0, 0] : f32 from vector<1x1x1xf32>
      %bitcast_convert_type3A_285 = arith.bitcast %while3A_205#0 : i32 to f32
      %ge3A_286 = vector.broadcast %bitcast_convert_type3A_285 : f32 to vector<256x1024xf32>
      %ge3A_287 = arith.cmpf oge, %get3A_233, %ge3A_286 : vector<256x1024xf32>
      %jit3A_288 = arith.constant 0x7F800000 : f32
      %broadcast_in_dim3A_289 = vector.broadcast %jit3A_288 : f32 to vector<256x1024xf32>
      %select_n3A_290 = arith.select %ge3A_287, %get3A_233, %broadcast_in_dim3A_289 : vector<256x1024xi1>, vector<256x1024xf32>
      %reduce_min3A_291 = vector.shape_cast %select_n3A_290 : vector<256x1024xf32> to vector<1x256x1024xf32>
      %reduce_min3A_292 = arith.constant dense<0x7F800000> : vector<1xf32>
      %reduce_min3A_293 = vector.multi_reduction <minimumf>, %reduce_min3A_291, %reduce_min3A_292 [1, 2] : vector<1x256x1024xf32> to vector<1xf32>
      %reduce_min3A_294 = vector.shape_cast %reduce_min3A_293 : vector<1xf32> to vector<1x1x1xf32>
      %reduce_min3A_295 = vector.extract %reduce_min3A_294[0, 0, 0] : f32 from vector<1x1x1xf32>
      %bitcast_convert_type3A_296 = arith.bitcast %while3A_205#0 : i32 to f32
      %ge3A_297 = vector.broadcast %bitcast_convert_type3A_296 : f32 to vector<256x1024xf32>
      %ge3A_298 = arith.cmpf oge, %get3A_236, %ge3A_297 : vector<256x1024xf32>
      %jit3A_299 = arith.constant 0x7F800000 : f32
      %broadcast_in_dim3A_300 = vector.broadcast %jit3A_299 : f32 to vector<256x1024xf32>
      %select_n3A_301 = arith.select %ge3A_298, %get3A_236, %broadcast_in_dim3A_300 : vector<256x1024xi1>, vector<256x1024xf32>
      %reduce_min3A_302 = vector.shape_cast %select_n3A_301 : vector<256x1024xf32> to vector<1x256x1024xf32>
      %reduce_min3A_303 = arith.constant dense<0x7F800000> : vector<1xf32>
      %reduce_min3A_304 = vector.multi_reduction <minimumf>, %reduce_min3A_302, %reduce_min3A_303 [1, 2] : vector<1x256x1024xf32> to vector<1xf32>
      %reduce_min3A_305 = vector.shape_cast %reduce_min3A_304 : vector<1xf32> to vector<1x1x1xf32>
      %reduce_min3A_306 = vector.extract %reduce_min3A_305[0, 0, 0] : f32 from vector<1x1x1xf32>
      %bitcast_convert_type3A_307 = arith.bitcast %while3A_205#0 : i32 to f32
      %ge3A_308 = vector.broadcast %bitcast_convert_type3A_307 : f32 to vector<256x1024xf32>
      %ge3A_309 = arith.cmpf oge, %get3A_239, %ge3A_308 : vector<256x1024xf32>
      %jit3A_310 = arith.constant 0x7F800000 : f32
      %broadcast_in_dim3A_311 = vector.broadcast %jit3A_310 : f32 to vector<256x1024xf32>
      %select_n3A_312 = arith.select %ge3A_309, %get3A_239, %broadcast_in_dim3A_311 : vector<256x1024xi1>, vector<256x1024xf32>
      %reduce_min3A_313 = vector.shape_cast %select_n3A_312 : vector<256x1024xf32> to vector<1x256x1024xf32>
      %reduce_min3A_314 = arith.constant dense<0x7F800000> : vector<1xf32>
      %reduce_min3A_315 = vector.multi_reduction <minimumf>, %reduce_min3A_313, %reduce_min3A_314 [1, 2] : vector<1x256x1024xf32> to vector<1xf32>
      %reduce_min3A_316 = vector.shape_cast %reduce_min3A_315 : vector<1xf32> to vector<1x1x1xf32>
      %reduce_min3A_317 = vector.extract %reduce_min3A_316[0, 0, 0] : f32 from vector<1x1x1xf32>
      %bitcast_convert_type3A_318 = arith.bitcast %while3A_205#0 : i32 to f32
      %ge3A_319 = vector.broadcast %bitcast_convert_type3A_318 : f32 to vector<256x1024xf32>
      %ge3A_320 = arith.cmpf oge, %get3A_242, %ge3A_319 : vector<256x1024xf32>
      %jit3A_321 = arith.constant 0x7F800000 : f32
      %broadcast_in_dim3A_322 = vector.broadcast %jit3A_321 : f32 to vector<256x1024xf32>
      %select_n3A_323 = arith.select %ge3A_320, %get3A_242, %broadcast_in_dim3A_322 : vector<256x1024xi1>, vector<256x1024xf32>
      %reduce_min3A_324 = vector.shape_cast %select_n3A_323 : vector<256x1024xf32> to vector<1x256x1024xf32>
      %reduce_min3A_325 = arith.constant dense<0x7F800000> : vector<1xf32>
      %reduce_min3A_326 = vector.multi_reduction <minimumf>, %reduce_min3A_324, %reduce_min3A_325 [1, 2] : vector<1x256x1024xf32> to vector<1xf32>
      %reduce_min3A_327 = vector.shape_cast %reduce_min3A_326 : vector<1xf32> to vector<1x1x1xf32>
      %reduce_min3A_328 = vector.extract %reduce_min3A_327[0, 0, 0] : f32 from vector<1x1x1xf32>
      %min3A_329 = arith.minimumf %reduce_min3A_251, %reduce_min3A_262 : f32
      %min3A_330 = arith.minimumf %reduce_min3A_273, %reduce_min3A_284 : f32
      %min3A_331 = arith.minimumf %reduce_min3A_295, %reduce_min3A_306 : f32
      %min3A_332 = arith.minimumf %reduce_min3A_317, %reduce_min3A_328 : f32
      %min3A_333 = arith.minimumf %min3A_329, %min3A_330 : f32
      %min3A_334 = arith.minimumf %min3A_331, %min3A_332 : f32
      %min3A_335 = arith.minimumf %min3A_333, %min3A_334 : f32
      %get3A_336 = arith.constant 0 : index
      %get3A_337 = arith.constant 0 : index
      %get3A_338 = vector.load %arg4[%get3A_336, %get3A_337] : memref<2048x1024xf32, #tpu.memory_space<vmem>>, vector<256x1024xf32>
      %get3A_339 = arith.constant 256 : index
      %get3A_340 = arith.constant 0 : index
      %get3A_341 = vector.load %arg4[%get3A_339, %get3A_340] : memref<2048x1024xf32, #tpu.memory_space<vmem>>, vector<256x1024xf32>
      %get3A_342 = arith.constant 512 : index
      %get3A_343 = arith.constant 0 : index
      %get3A_344 = vector.load %arg4[%get3A_342, %get3A_343] : memref<2048x1024xf32, #tpu.memory_space<vmem>>, vector<256x1024xf32>
      %get3A_345 = arith.constant 768 : index
      %get3A_346 = arith.constant 0 : index
      %get3A_347 = vector.load %arg4[%get3A_345, %get3A_346] : memref<2048x1024xf32, #tpu.memory_space<vmem>>, vector<256x1024xf32>
      %get3A_348 = arith.constant 1024 : index
      %get3A_349 = arith.constant 0 : index
      %get3A_350 = vector.load %arg4[%get3A_348, %get3A_349] : memref<2048x1024xf32, #tpu.memory_space<vmem>>, vector<256x1024xf32>
      %get3A_351 = arith.constant 1280 : index
      %get3A_352 = arith.constant 0 : index
      %get3A_353 = vector.load %arg4[%get3A_351, %get3A_352] : memref<2048x1024xf32, #tpu.memory_space<vmem>>, vector<256x1024xf32>
      %get3A_354 = arith.constant 1536 : index
      %get3A_355 = arith.constant 0 : index
      %get3A_356 = vector.load %arg4[%get3A_354, %get3A_355] : memref<2048x1024xf32, #tpu.memory_space<vmem>>, vector<256x1024xf32>
      %get3A_357 = arith.constant 1792 : index
      %get3A_358 = arith.constant 0 : index
      %get3A_359 = vector.load %arg4[%get3A_357, %get3A_358] : memref<2048x1024xf32, #tpu.memory_space<vmem>>, vector<256x1024xf32>
      %eq3A_360 = vector.broadcast %min3A_335 : f32 to vector<256x1024xf32>
      %eq3A_361 = arith.cmpf oeq, %get3A_338, %eq3A_360 : vector<256x1024xf32>
      %convert_element_type3A_362 = arith.extui %eq3A_361 : vector<256x1024xi1> to vector<256x1024xi32>
      %reduce_sum3A_363 = vector.shape_cast %convert_element_type3A_362 : vector<256x1024xi32> to vector<1x256x1024xi32>
      %reduce_sum3A_364 = arith.constant dense<0> : vector<1xi32>
      %reduce_sum3A_365 = vector.multi_reduction <add>, %reduce_sum3A_363, %reduce_sum3A_364 [1, 2] : vector<1x256x1024xi32> to vector<1xi32>
      %reduce_sum3A_366 = vector.shape_cast %reduce_sum3A_365 : vector<1xi32> to vector<1x1x1xi32>
      %reduce_sum3A_367 = vector.extract %reduce_sum3A_366[0, 0, 0] : i32 from vector<1x1x1xi32>
      %eq3A_368 = vector.broadcast %min3A_335 : f32 to vector<256x1024xf32>
      %eq3A_369 = arith.cmpf oeq, %get3A_341, %eq3A_368 : vector<256x1024xf32>
      %convert_element_type3A_370 = arith.extui %eq3A_369 : vector<256x1024xi1> to vector<256x1024xi32>
      %reduce_sum3A_371 = vector.shape_cast %convert_element_type3A_370 : vector<256x1024xi32> to vector<1x256x1024xi32>
      %reduce_sum3A_372 = arith.constant dense<0> : vector<1xi32>
      %reduce_sum3A_373 = vector.multi_reduction <add>, %reduce_sum3A_371, %reduce_sum3A_372 [1, 2] : vector<1x256x1024xi32> to vector<1xi32>
      %reduce_sum3A_374 = vector.shape_cast %reduce_sum3A_373 : vector<1xi32> to vector<1x1x1xi32>
      %reduce_sum3A_375 = vector.extract %reduce_sum3A_374[0, 0, 0] : i32 from vector<1x1x1xi32>
      %eq3A_376 = vector.broadcast %min3A_335 : f32 to vector<256x1024xf32>
      %eq3A_377 = arith.cmpf oeq, %get3A_344, %eq3A_376 : vector<256x1024xf32>
      %convert_element_type3A_378 = arith.extui %eq3A_377 : vector<256x1024xi1> to vector<256x1024xi32>
      %reduce_sum3A_379 = vector.shape_cast %convert_element_type3A_378 : vector<256x1024xi32> to vector<1x256x1024xi32>
      %reduce_sum3A_380 = arith.constant dense<0> : vector<1xi32>
      %reduce_sum3A_381 = vector.multi_reduction <add>, %reduce_sum3A_379, %reduce_sum3A_380 [1, 2] : vector<1x256x1024xi32> to vector<1xi32>
      %reduce_sum3A_382 = vector.shape_cast %reduce_sum3A_381 : vector<1xi32> to vector<1x1x1xi32>
      %reduce_sum3A_383 = vector.extract %reduce_sum3A_382[0, 0, 0] : i32 from vector<1x1x1xi32>
      %eq3A_384 = vector.broadcast %min3A_335 : f32 to vector<256x1024xf32>
      %eq3A_385 = arith.cmpf oeq, %get3A_347, %eq3A_384 : vector<256x1024xf32>
      %convert_element_type3A_386 = arith.extui %eq3A_385 : vector<256x1024xi1> to vector<256x1024xi32>
      %reduce_sum3A_387 = vector.shape_cast %convert_element_type3A_386 : vector<256x1024xi32> to vector<1x256x1024xi32>
      %reduce_sum3A_388 = arith.constant dense<0> : vector<1xi32>
      %reduce_sum3A_389 = vector.multi_reduction <add>, %reduce_sum3A_387, %reduce_sum3A_388 [1, 2] : vector<1x256x1024xi32> to vector<1xi32>
      %reduce_sum3A_390 = vector.shape_cast %reduce_sum3A_389 : vector<1xi32> to vector<1x1x1xi32>
      %reduce_sum3A_391 = vector.extract %reduce_sum3A_390[0, 0, 0] : i32 from vector<1x1x1xi32>
      %eq3A_392 = vector.broadcast %min3A_335 : f32 to vector<256x1024xf32>
      %eq3A_393 = arith.cmpf oeq, %get3A_350, %eq3A_392 : vector<256x1024xf32>
      %convert_element_type3A_394 = arith.extui %eq3A_393 : vector<256x1024xi1> to vector<256x1024xi32>
      %reduce_sum3A_395 = vector.shape_cast %convert_element_type3A_394 : vector<256x1024xi32> to vector<1x256x1024xi32>
      %reduce_sum3A_396 = arith.constant dense<0> : vector<1xi32>
      %reduce_sum3A_397 = vector.multi_reduction <add>, %reduce_sum3A_395, %reduce_sum3A_396 [1, 2] : vector<1x256x1024xi32> to vector<1xi32>
      %reduce_sum3A_398 = vector.shape_cast %reduce_sum3A_397 : vector<1xi32> to vector<1x1x1xi32>
      %reduce_sum3A_399 = vector.extract %reduce_sum3A_398[0, 0, 0] : i32 from vector<1x1x1xi32>
      %eq3A_400 = vector.broadcast %min3A_335 : f32 to vector<256x1024xf32>
      %eq3A_401 = arith.cmpf oeq, %get3A_353, %eq3A_400 : vector<256x1024xf32>
      %convert_element_type3A_402 = arith.extui %eq3A_401 : vector<256x1024xi1> to vector<256x1024xi32>
      %reduce_sum3A_403 = vector.shape_cast %convert_element_type3A_402 : vector<256x1024xi32> to vector<1x256x1024xi32>
      %reduce_sum3A_404 = arith.constant dense<0> : vector<1xi32>
      %reduce_sum3A_405 = vector.multi_reduction <add>, %reduce_sum3A_403, %reduce_sum3A_404 [1, 2] : vector<1x256x1024xi32> to vector<1xi32>
      %reduce_sum3A_406 = vector.shape_cast %reduce_sum3A_405 : vector<1xi32> to vector<1x1x1xi32>
      %reduce_sum3A_407 = vector.extract %reduce_sum3A_406[0, 0, 0] : i32 from vector<1x1x1xi32>
      %eq3A_408 = vector.broadcast %min3A_335 : f32 to vector<256x1024xf32>
      %eq3A_409 = arith.cmpf oeq, %get3A_356, %eq3A_408 : vector<256x1024xf32>
      %convert_element_type3A_410 = arith.extui %eq3A_409 : vector<256x1024xi1> to vector<256x1024xi32>
      %reduce_sum3A_411 = vector.shape_cast %convert_element_type3A_410 : vector<256x1024xi32> to vector<1x256x1024xi32>
      %reduce_sum3A_412 = arith.constant dense<0> : vector<1xi32>
      %reduce_sum3A_413 = vector.multi_reduction <add>, %reduce_sum3A_411, %reduce_sum3A_412 [1, 2] : vector<1x256x1024xi32> to vector<1xi32>
      %reduce_sum3A_414 = vector.shape_cast %reduce_sum3A_413 : vector<1xi32> to vector<1x1x1xi32>
      %reduce_sum3A_415 = vector.extract %reduce_sum3A_414[0, 0, 0] : i32 from vector<1x1x1xi32>
      %eq3A_416 = vector.broadcast %min3A_335 : f32 to vector<256x1024xf32>
      %eq3A_417 = arith.cmpf oeq, %get3A_359, %eq3A_416 : vector<256x1024xf32>
      %convert_element_type3A_418 = arith.extui %eq3A_417 : vector<256x1024xi1> to vector<256x1024xi32>
      %reduce_sum3A_419 = vector.shape_cast %convert_element_type3A_418 : vector<256x1024xi32> to vector<1x256x1024xi32>
      %reduce_sum3A_420 = arith.constant dense<0> : vector<1xi32>
      %reduce_sum3A_421 = vector.multi_reduction <add>, %reduce_sum3A_419, %reduce_sum3A_420 [1, 2] : vector<1x256x1024xi32> to vector<1xi32>
      %reduce_sum3A_422 = vector.shape_cast %reduce_sum3A_421 : vector<1xi32> to vector<1x1x1xi32>
      %reduce_sum3A_423 = vector.extract %reduce_sum3A_422[0, 0, 0] : i32 from vector<1x1x1xi32>
      %add3A_424 = arith.addi %reduce_sum3A_367, %reduce_sum3A_375 : i32
      %add3A_425 = arith.addi %reduce_sum3A_383, %reduce_sum3A_391 : i32
      %add3A_426 = arith.addi %reduce_sum3A_399, %reduce_sum3A_407 : i32
      %add3A_427 = arith.addi %reduce_sum3A_415, %reduce_sum3A_423 : i32
      %add3A_428 = arith.addi %add3A_424, %add3A_425 : i32
      %add3A_429 = arith.addi %add3A_426, %add3A_427 : i32
      %add3A_430 = arith.addi %add3A_428, %add3A_429 : i32
      %gt3A = vector.broadcast %min3A_335 : f32 to vector<256x1024xf32>
      %gt3A_431 = arith.cmpf ogt, %get3A_338, %gt3A : vector<256x1024xf32>
      %jit3A_432 = arith.constant 0x7F800000 : f32
      %broadcast_in_dim3A_433 = vector.broadcast %jit3A_432 : f32 to vector<256x1024xf32>
      %select_n3A_434 = arith.select %gt3A_431, %get3A_338, %broadcast_in_dim3A_433 : vector<256x1024xi1>, vector<256x1024xf32>
      %reduce_min3A_435 = vector.shape_cast %select_n3A_434 : vector<256x1024xf32> to vector<1x256x1024xf32>
      %reduce_min3A_436 = arith.constant dense<0x7F800000> : vector<1xf32>
      %reduce_min3A_437 = vector.multi_reduction <minimumf>, %reduce_min3A_435, %reduce_min3A_436 [1, 2] : vector<1x256x1024xf32> to vector<1xf32>
      %reduce_min3A_438 = vector.shape_cast %reduce_min3A_437 : vector<1xf32> to vector<1x1x1xf32>
      %reduce_min3A_439 = vector.extract %reduce_min3A_438[0, 0, 0] : f32 from vector<1x1x1xf32>
      %gt3A_440 = vector.broadcast %min3A_335 : f32 to vector<256x1024xf32>
      %gt3A_441 = arith.cmpf ogt, %get3A_341, %gt3A_440 : vector<256x1024xf32>
      %jit3A_442 = arith.constant 0x7F800000 : f32
      %broadcast_in_dim3A_443 = vector.broadcast %jit3A_442 : f32 to vector<256x1024xf32>
      %select_n3A_444 = arith.select %gt3A_441, %get3A_341, %broadcast_in_dim3A_443 : vector<256x1024xi1>, vector<256x1024xf32>
      %reduce_min3A_445 = vector.shape_cast %select_n3A_444 : vector<256x1024xf32> to vector<1x256x1024xf32>
      %reduce_min3A_446 = arith.constant dense<0x7F800000> : vector<1xf32>
      %reduce_min3A_447 = vector.multi_reduction <minimumf>, %reduce_min3A_445, %reduce_min3A_446 [1, 2] : vector<1x256x1024xf32> to vector<1xf32>
      %reduce_min3A_448 = vector.shape_cast %reduce_min3A_447 : vector<1xf32> to vector<1x1x1xf32>
      %reduce_min3A_449 = vector.extract %reduce_min3A_448[0, 0, 0] : f32 from vector<1x1x1xf32>
      %gt3A_450 = vector.broadcast %min3A_335 : f32 to vector<256x1024xf32>
      %gt3A_451 = arith.cmpf ogt, %get3A_344, %gt3A_450 : vector<256x1024xf32>
      %jit3A_452 = arith.constant 0x7F800000 : f32
      %broadcast_in_dim3A_453 = vector.broadcast %jit3A_452 : f32 to vector<256x1024xf32>
      %select_n3A_454 = arith.select %gt3A_451, %get3A_344, %broadcast_in_dim3A_453 : vector<256x1024xi1>, vector<256x1024xf32>
      %reduce_min3A_455 = vector.shape_cast %select_n3A_454 : vector<256x1024xf32> to vector<1x256x1024xf32>
      %reduce_min3A_456 = arith.constant dense<0x7F800000> : vector<1xf32>
      %reduce_min3A_457 = vector.multi_reduction <minimumf>, %reduce_min3A_455, %reduce_min3A_456 [1, 2] : vector<1x256x1024xf32> to vector<1xf32>
      %reduce_min3A_458 = vector.shape_cast %reduce_min3A_457 : vector<1xf32> to vector<1x1x1xf32>
      %reduce_min3A_459 = vector.extract %reduce_min3A_458[0, 0, 0] : f32 from vector<1x1x1xf32>
      %gt3A_460 = vector.broadcast %min3A_335 : f32 to vector<256x1024xf32>
      %gt3A_461 = arith.cmpf ogt, %get3A_347, %gt3A_460 : vector<256x1024xf32>
      %jit3A_462 = arith.constant 0x7F800000 : f32
      %broadcast_in_dim3A_463 = vector.broadcast %jit3A_462 : f32 to vector<256x1024xf32>
      %select_n3A_464 = arith.select %gt3A_461, %get3A_347, %broadcast_in_dim3A_463 : vector<256x1024xi1>, vector<256x1024xf32>
      %reduce_min3A_465 = vector.shape_cast %select_n3A_464 : vector<256x1024xf32> to vector<1x256x1024xf32>
      %reduce_min3A_466 = arith.constant dense<0x7F800000> : vector<1xf32>
      %reduce_min3A_467 = vector.multi_reduction <minimumf>, %reduce_min3A_465, %reduce_min3A_466 [1, 2] : vector<1x256x1024xf32> to vector<1xf32>
      %reduce_min3A_468 = vector.shape_cast %reduce_min3A_467 : vector<1xf32> to vector<1x1x1xf32>
      %reduce_min3A_469 = vector.extract %reduce_min3A_468[0, 0, 0] : f32 from vector<1x1x1xf32>
      %gt3A_470 = vector.broadcast %min3A_335 : f32 to vector<256x1024xf32>
      %gt3A_471 = arith.cmpf ogt, %get3A_350, %gt3A_470 : vector<256x1024xf32>
      %jit3A_472 = arith.constant 0x7F800000 : f32
      %broadcast_in_dim3A_473 = vector.broadcast %jit3A_472 : f32 to vector<256x1024xf32>
      %select_n3A_474 = arith.select %gt3A_471, %get3A_350, %broadcast_in_dim3A_473 : vector<256x1024xi1>, vector<256x1024xf32>
      %reduce_min3A_475 = vector.shape_cast %select_n3A_474 : vector<256x1024xf32> to vector<1x256x1024xf32>
      %reduce_min3A_476 = arith.constant dense<0x7F800000> : vector<1xf32>
      %reduce_min3A_477 = vector.multi_reduction <minimumf>, %reduce_min3A_475, %reduce_min3A_476 [1, 2] : vector<1x256x1024xf32> to vector<1xf32>
      %reduce_min3A_478 = vector.shape_cast %reduce_min3A_477 : vector<1xf32> to vector<1x1x1xf32>
      %reduce_min3A_479 = vector.extract %reduce_min3A_478[0, 0, 0] : f32 from vector<1x1x1xf32>
      %gt3A_480 = vector.broadcast %min3A_335 : f32 to vector<256x1024xf32>
      %gt3A_481 = arith.cmpf ogt, %get3A_353, %gt3A_480 : vector<256x1024xf32>
      %jit3A_482 = arith.constant 0x7F800000 : f32
      %broadcast_in_dim3A_483 = vector.broadcast %jit3A_482 : f32 to vector<256x1024xf32>
      %select_n3A_484 = arith.select %gt3A_481, %get3A_353, %broadcast_in_dim3A_483 : vector<256x1024xi1>, vector<256x1024xf32>
      %reduce_min3A_485 = vector.shape_cast %select_n3A_484 : vector<256x1024xf32> to vector<1x256x1024xf32>
      %reduce_min3A_486 = arith.constant dense<0x7F800000> : vector<1xf32>
      %reduce_min3A_487 = vector.multi_reduction <minimumf>, %reduce_min3A_485, %reduce_min3A_486 [1, 2] : vector<1x256x1024xf32> to vector<1xf32>
      %reduce_min3A_488 = vector.shape_cast %reduce_min3A_487 : vector<1xf32> to vector<1x1x1xf32>
      %reduce_min3A_489 = vector.extract %reduce_min3A_488[0, 0, 0] : f32 from vector<1x1x1xf32>
      %gt3A_490 = vector.broadcast %min3A_335 : f32 to vector<256x1024xf32>
      %gt3A_491 = arith.cmpf ogt, %get3A_356, %gt3A_490 : vector<256x1024xf32>
      %jit3A_492 = arith.constant 0x7F800000 : f32
      %broadcast_in_dim3A_493 = vector.broadcast %jit3A_492 : f32 to vector<256x1024xf32>
      %select_n3A_494 = arith.select %gt3A_491, %get3A_356, %broadcast_in_dim3A_493 : vector<256x1024xi1>, vector<256x1024xf32>
      %reduce_min3A_495 = vector.shape_cast %select_n3A_494 : vector<256x1024xf32> to vector<1x256x1024xf32>
      %reduce_min3A_496 = arith.constant dense<0x7F800000> : vector<1xf32>
      %reduce_min3A_497 = vector.multi_reduction <minimumf>, %reduce_min3A_495, %reduce_min3A_496 [1, 2] : vector<1x256x1024xf32> to vector<1xf32>
      %reduce_min3A_498 = vector.shape_cast %reduce_min3A_497 : vector<1xf32> to vector<1x1x1xf32>
      %reduce_min3A_499 = vector.extract %reduce_min3A_498[0, 0, 0] : f32 from vector<1x1x1xf32>
      %gt3A_500 = vector.broadcast %min3A_335 : f32 to vector<256x1024xf32>
      %gt3A_501 = arith.cmpf ogt, %get3A_359, %gt3A_500 : vector<256x1024xf32>
      %jit3A_502 = arith.constant 0x7F800000 : f32
      %broadcast_in_dim3A_503 = vector.broadcast %jit3A_502 : f32 to vector<256x1024xf32>
      %select_n3A_504 = arith.select %gt3A_501, %get3A_359, %broadcast_in_dim3A_503 : vector<256x1024xi1>, vector<256x1024xf32>
      %reduce_min3A_505 = vector.shape_cast %select_n3A_504 : vector<256x1024xf32> to vector<1x256x1024xf32>
      %reduce_min3A_506 = arith.constant dense<0x7F800000> : vector<1xf32>
      %reduce_min3A_507 = vector.multi_reduction <minimumf>, %reduce_min3A_505, %reduce_min3A_506 [1, 2] : vector<1x256x1024xf32> to vector<1xf32>
      %reduce_min3A_508 = vector.shape_cast %reduce_min3A_507 : vector<1xf32> to vector<1x1x1xf32>
      %reduce_min3A_509 = vector.extract %reduce_min3A_508[0, 0, 0] : f32 from vector<1x1x1xf32>
      %min3A_510 = arith.minimumf %reduce_min3A_439, %reduce_min3A_449 : f32
      %min3A_511 = arith.minimumf %reduce_min3A_459, %reduce_min3A_469 : f32
      %min3A_512 = arith.minimumf %reduce_min3A_479, %reduce_min3A_489 : f32
      %min3A_513 = arith.minimumf %reduce_min3A_499, %reduce_min3A_509 : f32
      %min3A_514 = arith.minimumf %min3A_510, %min3A_511 : f32
      %min3A_515 = arith.minimumf %min3A_512, %min3A_513 : f32
      %min3A_516 = arith.minimumf %min3A_514, %min3A_515 : f32
      %ge3A_517 = arith.constant 2 : i32
      %ge3A_518 = arith.cmpi sge, %add3A_430, %ge3A_517 : i32
      %select_n3A_519 = arith.select %ge3A_518, %min3A_335, %min3A_516 : f32
      scf.yield %min3A_335, %select_n3A_519 : f32, f32
    } else {
      %add3A_219 = arith.constant 1 : i32
      %add3A_220 = arith.addi %cond3A, %add3A_219 : i32
      %eq3A_221 = arith.cmpi eq, %while3A_205#3, %add3A_220 : i32
      %convert_element_type3A_222 = arith.extui %eq3A_221 : i1 to i32
      %cond3A_223 = arith.constant 0 : i32
      %cond3A_224 = arith.cmpi ne, %convert_element_type3A_222, %cond3A_223 : i32
      %cond3A_225:2 = scf.if %cond3A_224 -> (f32, f32) {
        %bitcast_convert_type3A_226 = arith.bitcast %while3A_205#1 : i32 to f32
        %get3A_227 = arith.constant 0 : index
        %get3A_228 = arith.constant 0 : index
        %get3A_229 = vector.load %arg4[%get3A_227, %get3A_228] : memref<2048x1024xf32, #tpu.memory_space<vmem>>, vector<256x1024xf32>
        %get3A_230 = arith.constant 256 : index
        %get3A_231 = arith.constant 0 : index
        %get3A_232 = vector.load %arg4[%get3A_230, %get3A_231] : memref<2048x1024xf32, #tpu.memory_space<vmem>>, vector<256x1024xf32>
        %get3A_233 = arith.constant 512 : index
        %get3A_234 = arith.constant 0 : index
        %get3A_235 = vector.load %arg4[%get3A_233, %get3A_234] : memref<2048x1024xf32, #tpu.memory_space<vmem>>, vector<256x1024xf32>
        %get3A_236 = arith.constant 768 : index
        %get3A_237 = arith.constant 0 : index
        %get3A_238 = vector.load %arg4[%get3A_236, %get3A_237] : memref<2048x1024xf32, #tpu.memory_space<vmem>>, vector<256x1024xf32>
        %get3A_239 = arith.constant 1024 : index
        %get3A_240 = arith.constant 0 : index
        %get3A_241 = vector.load %arg4[%get3A_239, %get3A_240] : memref<2048x1024xf32, #tpu.memory_space<vmem>>, vector<256x1024xf32>
        %get3A_242 = arith.constant 1280 : index
        %get3A_243 = arith.constant 0 : index
        %get3A_244 = vector.load %arg4[%get3A_242, %get3A_243] : memref<2048x1024xf32, #tpu.memory_space<vmem>>, vector<256x1024xf32>
        %get3A_245 = arith.constant 1536 : index
        %get3A_246 = arith.constant 0 : index
        %get3A_247 = vector.load %arg4[%get3A_245, %get3A_246] : memref<2048x1024xf32, #tpu.memory_space<vmem>>, vector<256x1024xf32>
        %get3A_248 = arith.constant 1792 : index
        %get3A_249 = arith.constant 0 : index
        %get3A_250 = vector.load %arg4[%get3A_248, %get3A_249] : memref<2048x1024xf32, #tpu.memory_space<vmem>>, vector<256x1024xf32>
        %lt3A_251 = vector.broadcast %bitcast_convert_type3A_226 : f32 to vector<256x1024xf32>
        %lt3A_252 = arith.cmpf olt, %get3A_229, %lt3A_251 : vector<256x1024xf32>
        %jit3A_253 = arith.constant 0xFF800000 : f32
        %broadcast_in_dim3A = vector.broadcast %jit3A_253 : f32 to vector<256x1024xf32>
        %select_n3A_254 = arith.select %lt3A_252, %get3A_229, %broadcast_in_dim3A : vector<256x1024xi1>, vector<256x1024xf32>
        %reduce_max3A_255 = vector.shape_cast %select_n3A_254 : vector<256x1024xf32> to vector<1x256x1024xf32>
        %reduce_max3A_256 = arith.constant dense<0xFF800000> : vector<1xf32>
        %reduce_max3A_257 = vector.multi_reduction <maximumf>, %reduce_max3A_255, %reduce_max3A_256 [1, 2] : vector<1x256x1024xf32> to vector<1xf32>
        %reduce_max3A_258 = vector.shape_cast %reduce_max3A_257 : vector<1xf32> to vector<1x1x1xf32>
        %reduce_max3A_259 = vector.extract %reduce_max3A_258[0, 0, 0] : f32 from vector<1x1x1xf32>
        %lt3A_260 = vector.broadcast %bitcast_convert_type3A_226 : f32 to vector<256x1024xf32>
        %lt3A_261 = arith.cmpf olt, %get3A_232, %lt3A_260 : vector<256x1024xf32>
        %jit3A_262 = arith.constant 0xFF800000 : f32
        %broadcast_in_dim3A_263 = vector.broadcast %jit3A_262 : f32 to vector<256x1024xf32>
        %select_n3A_264 = arith.select %lt3A_261, %get3A_232, %broadcast_in_dim3A_263 : vector<256x1024xi1>, vector<256x1024xf32>
        %reduce_max3A_265 = vector.shape_cast %select_n3A_264 : vector<256x1024xf32> to vector<1x256x1024xf32>
        %reduce_max3A_266 = arith.constant dense<0xFF800000> : vector<1xf32>
        %reduce_max3A_267 = vector.multi_reduction <maximumf>, %reduce_max3A_265, %reduce_max3A_266 [1, 2] : vector<1x256x1024xf32> to vector<1xf32>
        %reduce_max3A_268 = vector.shape_cast %reduce_max3A_267 : vector<1xf32> to vector<1x1x1xf32>
        %reduce_max3A_269 = vector.extract %reduce_max3A_268[0, 0, 0] : f32 from vector<1x1x1xf32>
        %lt3A_270 = vector.broadcast %bitcast_convert_type3A_226 : f32 to vector<256x1024xf32>
        %lt3A_271 = arith.cmpf olt, %get3A_235, %lt3A_270 : vector<256x1024xf32>
        %jit3A_272 = arith.constant 0xFF800000 : f32
        %broadcast_in_dim3A_273 = vector.broadcast %jit3A_272 : f32 to vector<256x1024xf32>
        %select_n3A_274 = arith.select %lt3A_271, %get3A_235, %broadcast_in_dim3A_273 : vector<256x1024xi1>, vector<256x1024xf32>
        %reduce_max3A_275 = vector.shape_cast %select_n3A_274 : vector<256x1024xf32> to vector<1x256x1024xf32>
        %reduce_max3A_276 = arith.constant dense<0xFF800000> : vector<1xf32>
        %reduce_max3A_277 = vector.multi_reduction <maximumf>, %reduce_max3A_275, %reduce_max3A_276 [1, 2] : vector<1x256x1024xf32> to vector<1xf32>
        %reduce_max3A_278 = vector.shape_cast %reduce_max3A_277 : vector<1xf32> to vector<1x1x1xf32>
        %reduce_max3A_279 = vector.extract %reduce_max3A_278[0, 0, 0] : f32 from vector<1x1x1xf32>
        %lt3A_280 = vector.broadcast %bitcast_convert_type3A_226 : f32 to vector<256x1024xf32>
        %lt3A_281 = arith.cmpf olt, %get3A_238, %lt3A_280 : vector<256x1024xf32>
        %jit3A_282 = arith.constant 0xFF800000 : f32
        %broadcast_in_dim3A_283 = vector.broadcast %jit3A_282 : f32 to vector<256x1024xf32>
        %select_n3A_284 = arith.select %lt3A_281, %get3A_238, %broadcast_in_dim3A_283 : vector<256x1024xi1>, vector<256x1024xf32>
        %reduce_max3A_285 = vector.shape_cast %select_n3A_284 : vector<256x1024xf32> to vector<1x256x1024xf32>
        %reduce_max3A_286 = arith.constant dense<0xFF800000> : vector<1xf32>
        %reduce_max3A_287 = vector.multi_reduction <maximumf>, %reduce_max3A_285, %reduce_max3A_286 [1, 2] : vector<1x256x1024xf32> to vector<1xf32>
        %reduce_max3A_288 = vector.shape_cast %reduce_max3A_287 : vector<1xf32> to vector<1x1x1xf32>
        %reduce_max3A_289 = vector.extract %reduce_max3A_288[0, 0, 0] : f32 from vector<1x1x1xf32>
        %lt3A_290 = vector.broadcast %bitcast_convert_type3A_226 : f32 to vector<256x1024xf32>
        %lt3A_291 = arith.cmpf olt, %get3A_241, %lt3A_290 : vector<256x1024xf32>
        %jit3A_292 = arith.constant 0xFF800000 : f32
        %broadcast_in_dim3A_293 = vector.broadcast %jit3A_292 : f32 to vector<256x1024xf32>
        %select_n3A_294 = arith.select %lt3A_291, %get3A_241, %broadcast_in_dim3A_293 : vector<256x1024xi1>, vector<256x1024xf32>
        %reduce_max3A_295 = vector.shape_cast %select_n3A_294 : vector<256x1024xf32> to vector<1x256x1024xf32>
        %reduce_max3A_296 = arith.constant dense<0xFF800000> : vector<1xf32>
        %reduce_max3A_297 = vector.multi_reduction <maximumf>, %reduce_max3A_295, %reduce_max3A_296 [1, 2] : vector<1x256x1024xf32> to vector<1xf32>
        %reduce_max3A_298 = vector.shape_cast %reduce_max3A_297 : vector<1xf32> to vector<1x1x1xf32>
        %reduce_max3A_299 = vector.extract %reduce_max3A_298[0, 0, 0] : f32 from vector<1x1x1xf32>
        %lt3A_300 = vector.broadcast %bitcast_convert_type3A_226 : f32 to vector<256x1024xf32>
        %lt3A_301 = arith.cmpf olt, %get3A_244, %lt3A_300 : vector<256x1024xf32>
        %jit3A_302 = arith.constant 0xFF800000 : f32
        %broadcast_in_dim3A_303 = vector.broadcast %jit3A_302 : f32 to vector<256x1024xf32>
        %select_n3A_304 = arith.select %lt3A_301, %get3A_244, %broadcast_in_dim3A_303 : vector<256x1024xi1>, vector<256x1024xf32>
        %reduce_max3A_305 = vector.shape_cast %select_n3A_304 : vector<256x1024xf32> to vector<1x256x1024xf32>
        %reduce_max3A_306 = arith.constant dense<0xFF800000> : vector<1xf32>
        %reduce_max3A_307 = vector.multi_reduction <maximumf>, %reduce_max3A_305, %reduce_max3A_306 [1, 2] : vector<1x256x1024xf32> to vector<1xf32>
        %reduce_max3A_308 = vector.shape_cast %reduce_max3A_307 : vector<1xf32> to vector<1x1x1xf32>
        %reduce_max3A_309 = vector.extract %reduce_max3A_308[0, 0, 0] : f32 from vector<1x1x1xf32>
        %lt3A_310 = vector.broadcast %bitcast_convert_type3A_226 : f32 to vector<256x1024xf32>
        %lt3A_311 = arith.cmpf olt, %get3A_247, %lt3A_310 : vector<256x1024xf32>
        %jit3A_312 = arith.constant 0xFF800000 : f32
        %broadcast_in_dim3A_313 = vector.broadcast %jit3A_312 : f32 to vector<256x1024xf32>
        %select_n3A_314 = arith.select %lt3A_311, %get3A_247, %broadcast_in_dim3A_313 : vector<256x1024xi1>, vector<256x1024xf32>
        %reduce_max3A_315 = vector.shape_cast %select_n3A_314 : vector<256x1024xf32> to vector<1x256x1024xf32>
        %reduce_max3A_316 = arith.constant dense<0xFF800000> : vector<1xf32>
        %reduce_max3A_317 = vector.multi_reduction <maximumf>, %reduce_max3A_315, %reduce_max3A_316 [1, 2] : vector<1x256x1024xf32> to vector<1xf32>
        %reduce_max3A_318 = vector.shape_cast %reduce_max3A_317 : vector<1xf32> to vector<1x1x1xf32>
        %reduce_max3A_319 = vector.extract %reduce_max3A_318[0, 0, 0] : f32 from vector<1x1x1xf32>
        %lt3A_320 = vector.broadcast %bitcast_convert_type3A_226 : f32 to vector<256x1024xf32>
        %lt3A_321 = arith.cmpf olt, %get3A_250, %lt3A_320 : vector<256x1024xf32>
        %jit3A_322 = arith.constant 0xFF800000 : f32
        %broadcast_in_dim3A_323 = vector.broadcast %jit3A_322 : f32 to vector<256x1024xf32>
        %select_n3A_324 = arith.select %lt3A_321, %get3A_250, %broadcast_in_dim3A_323 : vector<256x1024xi1>, vector<256x1024xf32>
        %reduce_max3A_325 = vector.shape_cast %select_n3A_324 : vector<256x1024xf32> to vector<1x256x1024xf32>
        %reduce_max3A_326 = arith.constant dense<0xFF800000> : vector<1xf32>
        %reduce_max3A_327 = vector.multi_reduction <maximumf>, %reduce_max3A_325, %reduce_max3A_326 [1, 2] : vector<1x256x1024xf32> to vector<1xf32>
        %reduce_max3A_328 = vector.shape_cast %reduce_max3A_327 : vector<1xf32> to vector<1x1x1xf32>
        %reduce_max3A_329 = vector.extract %reduce_max3A_328[0, 0, 0] : f32 from vector<1x1x1xf32>
        %max3A_330 = arith.maximumf %reduce_max3A_259, %reduce_max3A_269 : f32
        %max3A_331 = arith.maximumf %reduce_max3A_279, %reduce_max3A_289 : f32
        %max3A_332 = arith.maximumf %reduce_max3A_299, %reduce_max3A_309 : f32
        %max3A_333 = arith.maximumf %reduce_max3A_319, %reduce_max3A_329 : f32
        %max3A_334 = arith.maximumf %max3A_330, %max3A_331 : f32
        %max3A_335 = arith.maximumf %max3A_332, %max3A_333 : f32
        %max3A_336 = arith.maximumf %max3A_334, %max3A_335 : f32
        %ge3A = vector.broadcast %bitcast_convert_type3A_226 : f32 to vector<256x1024xf32>
        %ge3A_337 = arith.cmpf oge, %get3A_229, %ge3A : vector<256x1024xf32>
        %jit3A_338 = arith.constant 0x7F800000 : f32
        %broadcast_in_dim3A_339 = vector.broadcast %jit3A_338 : f32 to vector<256x1024xf32>
        %select_n3A_340 = arith.select %ge3A_337, %get3A_229, %broadcast_in_dim3A_339 : vector<256x1024xi1>, vector<256x1024xf32>
        %reduce_min3A_341 = vector.shape_cast %select_n3A_340 : vector<256x1024xf32> to vector<1x256x1024xf32>
        %reduce_min3A_342 = arith.constant dense<0x7F800000> : vector<1xf32>
        %reduce_min3A_343 = vector.multi_reduction <minimumf>, %reduce_min3A_341, %reduce_min3A_342 [1, 2] : vector<1x256x1024xf32> to vector<1xf32>
        %reduce_min3A_344 = vector.shape_cast %reduce_min3A_343 : vector<1xf32> to vector<1x1x1xf32>
        %reduce_min3A_345 = vector.extract %reduce_min3A_344[0, 0, 0] : f32 from vector<1x1x1xf32>
        %ge3A_346 = vector.broadcast %bitcast_convert_type3A_226 : f32 to vector<256x1024xf32>
        %ge3A_347 = arith.cmpf oge, %get3A_232, %ge3A_346 : vector<256x1024xf32>
        %jit3A_348 = arith.constant 0x7F800000 : f32
        %broadcast_in_dim3A_349 = vector.broadcast %jit3A_348 : f32 to vector<256x1024xf32>
        %select_n3A_350 = arith.select %ge3A_347, %get3A_232, %broadcast_in_dim3A_349 : vector<256x1024xi1>, vector<256x1024xf32>
        %reduce_min3A_351 = vector.shape_cast %select_n3A_350 : vector<256x1024xf32> to vector<1x256x1024xf32>
        %reduce_min3A_352 = arith.constant dense<0x7F800000> : vector<1xf32>
        %reduce_min3A_353 = vector.multi_reduction <minimumf>, %reduce_min3A_351, %reduce_min3A_352 [1, 2] : vector<1x256x1024xf32> to vector<1xf32>
        %reduce_min3A_354 = vector.shape_cast %reduce_min3A_353 : vector<1xf32> to vector<1x1x1xf32>
        %reduce_min3A_355 = vector.extract %reduce_min3A_354[0, 0, 0] : f32 from vector<1x1x1xf32>
        %ge3A_356 = vector.broadcast %bitcast_convert_type3A_226 : f32 to vector<256x1024xf32>
        %ge3A_357 = arith.cmpf oge, %get3A_235, %ge3A_356 : vector<256x1024xf32>
        %jit3A_358 = arith.constant 0x7F800000 : f32
        %broadcast_in_dim3A_359 = vector.broadcast %jit3A_358 : f32 to vector<256x1024xf32>
        %select_n3A_360 = arith.select %ge3A_357, %get3A_235, %broadcast_in_dim3A_359 : vector<256x1024xi1>, vector<256x1024xf32>
        %reduce_min3A_361 = vector.shape_cast %select_n3A_360 : vector<256x1024xf32> to vector<1x256x1024xf32>
        %reduce_min3A_362 = arith.constant dense<0x7F800000> : vector<1xf32>
        %reduce_min3A_363 = vector.multi_reduction <minimumf>, %reduce_min3A_361, %reduce_min3A_362 [1, 2] : vector<1x256x1024xf32> to vector<1xf32>
        %reduce_min3A_364 = vector.shape_cast %reduce_min3A_363 : vector<1xf32> to vector<1x1x1xf32>
        %reduce_min3A_365 = vector.extract %reduce_min3A_364[0, 0, 0] : f32 from vector<1x1x1xf32>
        %ge3A_366 = vector.broadcast %bitcast_convert_type3A_226 : f32 to vector<256x1024xf32>
        %ge3A_367 = arith.cmpf oge, %get3A_238, %ge3A_366 : vector<256x1024xf32>
        %jit3A_368 = arith.constant 0x7F800000 : f32
        %broadcast_in_dim3A_369 = vector.broadcast %jit3A_368 : f32 to vector<256x1024xf32>
        %select_n3A_370 = arith.select %ge3A_367, %get3A_238, %broadcast_in_dim3A_369 : vector<256x1024xi1>, vector<256x1024xf32>
        %reduce_min3A_371 = vector.shape_cast %select_n3A_370 : vector<256x1024xf32> to vector<1x256x1024xf32>
        %reduce_min3A_372 = arith.constant dense<0x7F800000> : vector<1xf32>
        %reduce_min3A_373 = vector.multi_reduction <minimumf>, %reduce_min3A_371, %reduce_min3A_372 [1, 2] : vector<1x256x1024xf32> to vector<1xf32>
        %reduce_min3A_374 = vector.shape_cast %reduce_min3A_373 : vector<1xf32> to vector<1x1x1xf32>
        %reduce_min3A_375 = vector.extract %reduce_min3A_374[0, 0, 0] : f32 from vector<1x1x1xf32>
        %ge3A_376 = vector.broadcast %bitcast_convert_type3A_226 : f32 to vector<256x1024xf32>
        %ge3A_377 = arith.cmpf oge, %get3A_241, %ge3A_376 : vector<256x1024xf32>
        %jit3A_378 = arith.constant 0x7F800000 : f32
        %broadcast_in_dim3A_379 = vector.broadcast %jit3A_378 : f32 to vector<256x1024xf32>
        %select_n3A_380 = arith.select %ge3A_377, %get3A_241, %broadcast_in_dim3A_379 : vector<256x1024xi1>, vector<256x1024xf32>
        %reduce_min3A_381 = vector.shape_cast %select_n3A_380 : vector<256x1024xf32> to vector<1x256x1024xf32>
        %reduce_min3A_382 = arith.constant dense<0x7F800000> : vector<1xf32>
        %reduce_min3A_383 = vector.multi_reduction <minimumf>, %reduce_min3A_381, %reduce_min3A_382 [1, 2] : vector<1x256x1024xf32> to vector<1xf32>
        %reduce_min3A_384 = vector.shape_cast %reduce_min3A_383 : vector<1xf32> to vector<1x1x1xf32>
        %reduce_min3A_385 = vector.extract %reduce_min3A_384[0, 0, 0] : f32 from vector<1x1x1xf32>
        %ge3A_386 = vector.broadcast %bitcast_convert_type3A_226 : f32 to vector<256x1024xf32>
        %ge3A_387 = arith.cmpf oge, %get3A_244, %ge3A_386 : vector<256x1024xf32>
        %jit3A_388 = arith.constant 0x7F800000 : f32
        %broadcast_in_dim3A_389 = vector.broadcast %jit3A_388 : f32 to vector<256x1024xf32>
        %select_n3A_390 = arith.select %ge3A_387, %get3A_244, %broadcast_in_dim3A_389 : vector<256x1024xi1>, vector<256x1024xf32>
        %reduce_min3A_391 = vector.shape_cast %select_n3A_390 : vector<256x1024xf32> to vector<1x256x1024xf32>
        %reduce_min3A_392 = arith.constant dense<0x7F800000> : vector<1xf32>
        %reduce_min3A_393 = vector.multi_reduction <minimumf>, %reduce_min3A_391, %reduce_min3A_392 [1, 2] : vector<1x256x1024xf32> to vector<1xf32>
        %reduce_min3A_394 = vector.shape_cast %reduce_min3A_393 : vector<1xf32> to vector<1x1x1xf32>
        %reduce_min3A_395 = vector.extract %reduce_min3A_394[0, 0, 0] : f32 from vector<1x1x1xf32>
        %ge3A_396 = vector.broadcast %bitcast_convert_type3A_226 : f32 to vector<256x1024xf32>
        %ge3A_397 = arith.cmpf oge, %get3A_247, %ge3A_396 : vector<256x1024xf32>
        %jit3A_398 = arith.constant 0x7F800000 : f32
        %broadcast_in_dim3A_399 = vector.broadcast %jit3A_398 : f32 to vector<256x1024xf32>
        %select_n3A_400 = arith.select %ge3A_397, %get3A_247, %broadcast_in_dim3A_399 : vector<256x1024xi1>, vector<256x1024xf32>
        %reduce_min3A_401 = vector.shape_cast %select_n3A_400 : vector<256x1024xf32> to vector<1x256x1024xf32>
        %reduce_min3A_402 = arith.constant dense<0x7F800000> : vector<1xf32>
        %reduce_min3A_403 = vector.multi_reduction <minimumf>, %reduce_min3A_401, %reduce_min3A_402 [1, 2] : vector<1x256x1024xf32> to vector<1xf32>
        %reduce_min3A_404 = vector.shape_cast %reduce_min3A_403 : vector<1xf32> to vector<1x1x1xf32>
        %reduce_min3A_405 = vector.extract %reduce_min3A_404[0, 0, 0] : f32 from vector<1x1x1xf32>
        %ge3A_406 = vector.broadcast %bitcast_convert_type3A_226 : f32 to vector<256x1024xf32>
        %ge3A_407 = arith.cmpf oge, %get3A_250, %ge3A_406 : vector<256x1024xf32>
        %jit3A_408 = arith.constant 0x7F800000 : f32
        %broadcast_in_dim3A_409 = vector.broadcast %jit3A_408 : f32 to vector<256x1024xf32>
        %select_n3A_410 = arith.select %ge3A_407, %get3A_250, %broadcast_in_dim3A_409 : vector<256x1024xi1>, vector<256x1024xf32>
        %reduce_min3A_411 = vector.shape_cast %select_n3A_410 : vector<256x1024xf32> to vector<1x256x1024xf32>
        %reduce_min3A_412 = arith.constant dense<0x7F800000> : vector<1xf32>
        %reduce_min3A_413 = vector.multi_reduction <minimumf>, %reduce_min3A_411, %reduce_min3A_412 [1, 2] : vector<1x256x1024xf32> to vector<1xf32>
        %reduce_min3A_414 = vector.shape_cast %reduce_min3A_413 : vector<1xf32> to vector<1x1x1xf32>
        %reduce_min3A_415 = vector.extract %reduce_min3A_414[0, 0, 0] : f32 from vector<1x1x1xf32>
        %min3A_416 = arith.minimumf %reduce_min3A_345, %reduce_min3A_355 : f32
        %min3A_417 = arith.minimumf %reduce_min3A_365, %reduce_min3A_375 : f32
        %min3A_418 = arith.minimumf %reduce_min3A_385, %reduce_min3A_395 : f32
        %min3A_419 = arith.minimumf %reduce_min3A_405, %reduce_min3A_415 : f32
        %min3A_420 = arith.minimumf %min3A_416, %min3A_417 : f32
        %min3A_421 = arith.minimumf %min3A_418, %min3A_419 : f32
        %min3A_422 = arith.minimumf %min3A_420, %min3A_421 : f32
        scf.yield %max3A_336, %min3A_422 : f32, f32
      } else {
        %bitcast_convert_type3A_226 = arith.bitcast %while3A_205#0 : i32 to f32
        %get3A_227 = arith.constant 0 : index
        %get3A_228 = arith.constant 0 : index
        %get3A_229 = vector.load %arg4[%get3A_227, %get3A_228] : memref<2048x1024xf32, #tpu.memory_space<vmem>>, vector<256x1024xf32>
        %get3A_230 = arith.constant 256 : index
        %get3A_231 = arith.constant 0 : index
        %get3A_232 = vector.load %arg4[%get3A_230, %get3A_231] : memref<2048x1024xf32, #tpu.memory_space<vmem>>, vector<256x1024xf32>
        %get3A_233 = arith.constant 512 : index
        %get3A_234 = arith.constant 0 : index
        %get3A_235 = vector.load %arg4[%get3A_233, %get3A_234] : memref<2048x1024xf32, #tpu.memory_space<vmem>>, vector<256x1024xf32>
        %get3A_236 = arith.constant 768 : index
        %get3A_237 = arith.constant 0 : index
        %get3A_238 = vector.load %arg4[%get3A_236, %get3A_237] : memref<2048x1024xf32, #tpu.memory_space<vmem>>, vector<256x1024xf32>
        %get3A_239 = arith.constant 1024 : index
        %get3A_240 = arith.constant 0 : index
        %get3A_241 = vector.load %arg4[%get3A_239, %get3A_240] : memref<2048x1024xf32, #tpu.memory_space<vmem>>, vector<256x1024xf32>
        %get3A_242 = arith.constant 1280 : index
        %get3A_243 = arith.constant 0 : index
        %get3A_244 = vector.load %arg4[%get3A_242, %get3A_243] : memref<2048x1024xf32, #tpu.memory_space<vmem>>, vector<256x1024xf32>
        %get3A_245 = arith.constant 1536 : index
        %get3A_246 = arith.constant 0 : index
        %get3A_247 = vector.load %arg4[%get3A_245, %get3A_246] : memref<2048x1024xf32, #tpu.memory_space<vmem>>, vector<256x1024xf32>
        %get3A_248 = arith.constant 1792 : index
        %get3A_249 = arith.constant 0 : index
        %get3A_250 = vector.load %arg4[%get3A_248, %get3A_249] : memref<2048x1024xf32, #tpu.memory_space<vmem>>, vector<256x1024xf32>
        %eq3A_251 = vector.broadcast %bitcast_convert_type3A_226 : f32 to vector<256x1024xf32>
        %eq3A_252 = arith.cmpf oeq, %get3A_229, %eq3A_251 : vector<256x1024xf32>
        %convert_element_type3A_253 = arith.extui %eq3A_252 : vector<256x1024xi1> to vector<256x1024xi32>
        %reduce_sum3A_254 = vector.shape_cast %convert_element_type3A_253 : vector<256x1024xi32> to vector<1x256x1024xi32>
        %reduce_sum3A_255 = arith.constant dense<0> : vector<1xi32>
        %reduce_sum3A_256 = vector.multi_reduction <add>, %reduce_sum3A_254, %reduce_sum3A_255 [1, 2] : vector<1x256x1024xi32> to vector<1xi32>
        %reduce_sum3A_257 = vector.shape_cast %reduce_sum3A_256 : vector<1xi32> to vector<1x1x1xi32>
        %reduce_sum3A_258 = vector.extract %reduce_sum3A_257[0, 0, 0] : i32 from vector<1x1x1xi32>
        %eq3A_259 = vector.broadcast %bitcast_convert_type3A_226 : f32 to vector<256x1024xf32>
        %eq3A_260 = arith.cmpf oeq, %get3A_232, %eq3A_259 : vector<256x1024xf32>
        %convert_element_type3A_261 = arith.extui %eq3A_260 : vector<256x1024xi1> to vector<256x1024xi32>
        %reduce_sum3A_262 = vector.shape_cast %convert_element_type3A_261 : vector<256x1024xi32> to vector<1x256x1024xi32>
        %reduce_sum3A_263 = arith.constant dense<0> : vector<1xi32>
        %reduce_sum3A_264 = vector.multi_reduction <add>, %reduce_sum3A_262, %reduce_sum3A_263 [1, 2] : vector<1x256x1024xi32> to vector<1xi32>
        %reduce_sum3A_265 = vector.shape_cast %reduce_sum3A_264 : vector<1xi32> to vector<1x1x1xi32>
        %reduce_sum3A_266 = vector.extract %reduce_sum3A_265[0, 0, 0] : i32 from vector<1x1x1xi32>
        %eq3A_267 = vector.broadcast %bitcast_convert_type3A_226 : f32 to vector<256x1024xf32>
        %eq3A_268 = arith.cmpf oeq, %get3A_235, %eq3A_267 : vector<256x1024xf32>
        %convert_element_type3A_269 = arith.extui %eq3A_268 : vector<256x1024xi1> to vector<256x1024xi32>
        %reduce_sum3A_270 = vector.shape_cast %convert_element_type3A_269 : vector<256x1024xi32> to vector<1x256x1024xi32>
        %reduce_sum3A_271 = arith.constant dense<0> : vector<1xi32>
        %reduce_sum3A_272 = vector.multi_reduction <add>, %reduce_sum3A_270, %reduce_sum3A_271 [1, 2] : vector<1x256x1024xi32> to vector<1xi32>
        %reduce_sum3A_273 = vector.shape_cast %reduce_sum3A_272 : vector<1xi32> to vector<1x1x1xi32>
        %reduce_sum3A_274 = vector.extract %reduce_sum3A_273[0, 0, 0] : i32 from vector<1x1x1xi32>
        %eq3A_275 = vector.broadcast %bitcast_convert_type3A_226 : f32 to vector<256x1024xf32>
        %eq3A_276 = arith.cmpf oeq, %get3A_238, %eq3A_275 : vector<256x1024xf32>
        %convert_element_type3A_277 = arith.extui %eq3A_276 : vector<256x1024xi1> to vector<256x1024xi32>
        %reduce_sum3A_278 = vector.shape_cast %convert_element_type3A_277 : vector<256x1024xi32> to vector<1x256x1024xi32>
        %reduce_sum3A_279 = arith.constant dense<0> : vector<1xi32>
        %reduce_sum3A_280 = vector.multi_reduction <add>, %reduce_sum3A_278, %reduce_sum3A_279 [1, 2] : vector<1x256x1024xi32> to vector<1xi32>
        %reduce_sum3A_281 = vector.shape_cast %reduce_sum3A_280 : vector<1xi32> to vector<1x1x1xi32>
        %reduce_sum3A_282 = vector.extract %reduce_sum3A_281[0, 0, 0] : i32 from vector<1x1x1xi32>
        %eq3A_283 = vector.broadcast %bitcast_convert_type3A_226 : f32 to vector<256x1024xf32>
        %eq3A_284 = arith.cmpf oeq, %get3A_241, %eq3A_283 : vector<256x1024xf32>
        %convert_element_type3A_285 = arith.extui %eq3A_284 : vector<256x1024xi1> to vector<256x1024xi32>
        %reduce_sum3A_286 = vector.shape_cast %convert_element_type3A_285 : vector<256x1024xi32> to vector<1x256x1024xi32>
        %reduce_sum3A_287 = arith.constant dense<0> : vector<1xi32>
        %reduce_sum3A_288 = vector.multi_reduction <add>, %reduce_sum3A_286, %reduce_sum3A_287 [1, 2] : vector<1x256x1024xi32> to vector<1xi32>
        %reduce_sum3A_289 = vector.shape_cast %reduce_sum3A_288 : vector<1xi32> to vector<1x1x1xi32>
        %reduce_sum3A_290 = vector.extract %reduce_sum3A_289[0, 0, 0] : i32 from vector<1x1x1xi32>
        %eq3A_291 = vector.broadcast %bitcast_convert_type3A_226 : f32 to vector<256x1024xf32>
        %eq3A_292 = arith.cmpf oeq, %get3A_244, %eq3A_291 : vector<256x1024xf32>
        %convert_element_type3A_293 = arith.extui %eq3A_292 : vector<256x1024xi1> to vector<256x1024xi32>
        %reduce_sum3A_294 = vector.shape_cast %convert_element_type3A_293 : vector<256x1024xi32> to vector<1x256x1024xi32>
        %reduce_sum3A_295 = arith.constant dense<0> : vector<1xi32>
        %reduce_sum3A_296 = vector.multi_reduction <add>, %reduce_sum3A_294, %reduce_sum3A_295 [1, 2] : vector<1x256x1024xi32> to vector<1xi32>
        %reduce_sum3A_297 = vector.shape_cast %reduce_sum3A_296 : vector<1xi32> to vector<1x1x1xi32>
        %reduce_sum3A_298 = vector.extract %reduce_sum3A_297[0, 0, 0] : i32 from vector<1x1x1xi32>
        %eq3A_299 = vector.broadcast %bitcast_convert_type3A_226 : f32 to vector<256x1024xf32>
        %eq3A_300 = arith.cmpf oeq, %get3A_247, %eq3A_299 : vector<256x1024xf32>
        %convert_element_type3A_301 = arith.extui %eq3A_300 : vector<256x1024xi1> to vector<256x1024xi32>
        %reduce_sum3A_302 = vector.shape_cast %convert_element_type3A_301 : vector<256x1024xi32> to vector<1x256x1024xi32>
        %reduce_sum3A_303 = arith.constant dense<0> : vector<1xi32>
        %reduce_sum3A_304 = vector.multi_reduction <add>, %reduce_sum3A_302, %reduce_sum3A_303 [1, 2] : vector<1x256x1024xi32> to vector<1xi32>
        %reduce_sum3A_305 = vector.shape_cast %reduce_sum3A_304 : vector<1xi32> to vector<1x1x1xi32>
        %reduce_sum3A_306 = vector.extract %reduce_sum3A_305[0, 0, 0] : i32 from vector<1x1x1xi32>
        %eq3A_307 = vector.broadcast %bitcast_convert_type3A_226 : f32 to vector<256x1024xf32>
        %eq3A_308 = arith.cmpf oeq, %get3A_250, %eq3A_307 : vector<256x1024xf32>
        %convert_element_type3A_309 = arith.extui %eq3A_308 : vector<256x1024xi1> to vector<256x1024xi32>
        %reduce_sum3A_310 = vector.shape_cast %convert_element_type3A_309 : vector<256x1024xi32> to vector<1x256x1024xi32>
        %reduce_sum3A_311 = arith.constant dense<0> : vector<1xi32>
        %reduce_sum3A_312 = vector.multi_reduction <add>, %reduce_sum3A_310, %reduce_sum3A_311 [1, 2] : vector<1x256x1024xi32> to vector<1xi32>
        %reduce_sum3A_313 = vector.shape_cast %reduce_sum3A_312 : vector<1xi32> to vector<1x1x1xi32>
        %reduce_sum3A_314 = vector.extract %reduce_sum3A_313[0, 0, 0] : i32 from vector<1x1x1xi32>
        %add3A_315 = arith.addi %reduce_sum3A_258, %reduce_sum3A_266 : i32
        %add3A_316 = arith.addi %reduce_sum3A_274, %reduce_sum3A_282 : i32
        %add3A_317 = arith.addi %reduce_sum3A_290, %reduce_sum3A_298 : i32
        %add3A_318 = arith.addi %reduce_sum3A_306, %reduce_sum3A_314 : i32
        %add3A_319 = arith.addi %add3A_315, %add3A_316 : i32
        %add3A_320 = arith.addi %add3A_317, %add3A_318 : i32
        %add3A_321 = arith.addi %add3A_319, %add3A_320 : i32
        %gt3A = vector.broadcast %bitcast_convert_type3A_226 : f32 to vector<256x1024xf32>
        %gt3A_322 = arith.cmpf ogt, %get3A_229, %gt3A : vector<256x1024xf32>
        %jit3A_323 = arith.constant 0x7F800000 : f32
        %broadcast_in_dim3A = vector.broadcast %jit3A_323 : f32 to vector<256x1024xf32>
        %select_n3A_324 = arith.select %gt3A_322, %get3A_229, %broadcast_in_dim3A : vector<256x1024xi1>, vector<256x1024xf32>
        %reduce_min3A_325 = vector.shape_cast %select_n3A_324 : vector<256x1024xf32> to vector<1x256x1024xf32>
        %reduce_min3A_326 = arith.constant dense<0x7F800000> : vector<1xf32>
        %reduce_min3A_327 = vector.multi_reduction <minimumf>, %reduce_min3A_325, %reduce_min3A_326 [1, 2] : vector<1x256x1024xf32> to vector<1xf32>
        %reduce_min3A_328 = vector.shape_cast %reduce_min3A_327 : vector<1xf32> to vector<1x1x1xf32>
        %reduce_min3A_329 = vector.extract %reduce_min3A_328[0, 0, 0] : f32 from vector<1x1x1xf32>
        %gt3A_330 = vector.broadcast %bitcast_convert_type3A_226 : f32 to vector<256x1024xf32>
        %gt3A_331 = arith.cmpf ogt, %get3A_232, %gt3A_330 : vector<256x1024xf32>
        %jit3A_332 = arith.constant 0x7F800000 : f32
        %broadcast_in_dim3A_333 = vector.broadcast %jit3A_332 : f32 to vector<256x1024xf32>
        %select_n3A_334 = arith.select %gt3A_331, %get3A_232, %broadcast_in_dim3A_333 : vector<256x1024xi1>, vector<256x1024xf32>
        %reduce_min3A_335 = vector.shape_cast %select_n3A_334 : vector<256x1024xf32> to vector<1x256x1024xf32>
        %reduce_min3A_336 = arith.constant dense<0x7F800000> : vector<1xf32>
        %reduce_min3A_337 = vector.multi_reduction <minimumf>, %reduce_min3A_335, %reduce_min3A_336 [1, 2] : vector<1x256x1024xf32> to vector<1xf32>
        %reduce_min3A_338 = vector.shape_cast %reduce_min3A_337 : vector<1xf32> to vector<1x1x1xf32>
        %reduce_min3A_339 = vector.extract %reduce_min3A_338[0, 0, 0] : f32 from vector<1x1x1xf32>
        %gt3A_340 = vector.broadcast %bitcast_convert_type3A_226 : f32 to vector<256x1024xf32>
        %gt3A_341 = arith.cmpf ogt, %get3A_235, %gt3A_340 : vector<256x1024xf32>
        %jit3A_342 = arith.constant 0x7F800000 : f32
        %broadcast_in_dim3A_343 = vector.broadcast %jit3A_342 : f32 to vector<256x1024xf32>
        %select_n3A_344 = arith.select %gt3A_341, %get3A_235, %broadcast_in_dim3A_343 : vector<256x1024xi1>, vector<256x1024xf32>
        %reduce_min3A_345 = vector.shape_cast %select_n3A_344 : vector<256x1024xf32> to vector<1x256x1024xf32>
        %reduce_min3A_346 = arith.constant dense<0x7F800000> : vector<1xf32>
        %reduce_min3A_347 = vector.multi_reduction <minimumf>, %reduce_min3A_345, %reduce_min3A_346 [1, 2] : vector<1x256x1024xf32> to vector<1xf32>
        %reduce_min3A_348 = vector.shape_cast %reduce_min3A_347 : vector<1xf32> to vector<1x1x1xf32>
        %reduce_min3A_349 = vector.extract %reduce_min3A_348[0, 0, 0] : f32 from vector<1x1x1xf32>
        %gt3A_350 = vector.broadcast %bitcast_convert_type3A_226 : f32 to vector<256x1024xf32>
        %gt3A_351 = arith.cmpf ogt, %get3A_238, %gt3A_350 : vector<256x1024xf32>
        %jit3A_352 = arith.constant 0x7F800000 : f32
        %broadcast_in_dim3A_353 = vector.broadcast %jit3A_352 : f32 to vector<256x1024xf32>
        %select_n3A_354 = arith.select %gt3A_351, %get3A_238, %broadcast_in_dim3A_353 : vector<256x1024xi1>, vector<256x1024xf32>
        %reduce_min3A_355 = vector.shape_cast %select_n3A_354 : vector<256x1024xf32> to vector<1x256x1024xf32>
        %reduce_min3A_356 = arith.constant dense<0x7F800000> : vector<1xf32>
        %reduce_min3A_357 = vector.multi_reduction <minimumf>, %reduce_min3A_355, %reduce_min3A_356 [1, 2] : vector<1x256x1024xf32> to vector<1xf32>
        %reduce_min3A_358 = vector.shape_cast %reduce_min3A_357 : vector<1xf32> to vector<1x1x1xf32>
        %reduce_min3A_359 = vector.extract %reduce_min3A_358[0, 0, 0] : f32 from vector<1x1x1xf32>
        %gt3A_360 = vector.broadcast %bitcast_convert_type3A_226 : f32 to vector<256x1024xf32>
        %gt3A_361 = arith.cmpf ogt, %get3A_241, %gt3A_360 : vector<256x1024xf32>
        %jit3A_362 = arith.constant 0x7F800000 : f32
        %broadcast_in_dim3A_363 = vector.broadcast %jit3A_362 : f32 to vector<256x1024xf32>
        %select_n3A_364 = arith.select %gt3A_361, %get3A_241, %broadcast_in_dim3A_363 : vector<256x1024xi1>, vector<256x1024xf32>
        %reduce_min3A_365 = vector.shape_cast %select_n3A_364 : vector<256x1024xf32> to vector<1x256x1024xf32>
        %reduce_min3A_366 = arith.constant dense<0x7F800000> : vector<1xf32>
        %reduce_min3A_367 = vector.multi_reduction <minimumf>, %reduce_min3A_365, %reduce_min3A_366 [1, 2] : vector<1x256x1024xf32> to vector<1xf32>
        %reduce_min3A_368 = vector.shape_cast %reduce_min3A_367 : vector<1xf32> to vector<1x1x1xf32>
        %reduce_min3A_369 = vector.extract %reduce_min3A_368[0, 0, 0] : f32 from vector<1x1x1xf32>
        %gt3A_370 = vector.broadcast %bitcast_convert_type3A_226 : f32 to vector<256x1024xf32>
        %gt3A_371 = arith.cmpf ogt, %get3A_244, %gt3A_370 : vector<256x1024xf32>
        %jit3A_372 = arith.constant 0x7F800000 : f32
        %broadcast_in_dim3A_373 = vector.broadcast %jit3A_372 : f32 to vector<256x1024xf32>
        %select_n3A_374 = arith.select %gt3A_371, %get3A_244, %broadcast_in_dim3A_373 : vector<256x1024xi1>, vector<256x1024xf32>
        %reduce_min3A_375 = vector.shape_cast %select_n3A_374 : vector<256x1024xf32> to vector<1x256x1024xf32>
        %reduce_min3A_376 = arith.constant dense<0x7F800000> : vector<1xf32>
        %reduce_min3A_377 = vector.multi_reduction <minimumf>, %reduce_min3A_375, %reduce_min3A_376 [1, 2] : vector<1x256x1024xf32> to vector<1xf32>
        %reduce_min3A_378 = vector.shape_cast %reduce_min3A_377 : vector<1xf32> to vector<1x1x1xf32>
        %reduce_min3A_379 = vector.extract %reduce_min3A_378[0, 0, 0] : f32 from vector<1x1x1xf32>
        %gt3A_380 = vector.broadcast %bitcast_convert_type3A_226 : f32 to vector<256x1024xf32>
        %gt3A_381 = arith.cmpf ogt, %get3A_247, %gt3A_380 : vector<256x1024xf32>
        %jit3A_382 = arith.constant 0x7F800000 : f32
        %broadcast_in_dim3A_383 = vector.broadcast %jit3A_382 : f32 to vector<256x1024xf32>
        %select_n3A_384 = arith.select %gt3A_381, %get3A_247, %broadcast_in_dim3A_383 : vector<256x1024xi1>, vector<256x1024xf32>
        %reduce_min3A_385 = vector.shape_cast %select_n3A_384 : vector<256x1024xf32> to vector<1x256x1024xf32>
        %reduce_min3A_386 = arith.constant dense<0x7F800000> : vector<1xf32>
        %reduce_min3A_387 = vector.multi_reduction <minimumf>, %reduce_min3A_385, %reduce_min3A_386 [1, 2] : vector<1x256x1024xf32> to vector<1xf32>
        %reduce_min3A_388 = vector.shape_cast %reduce_min3A_387 : vector<1xf32> to vector<1x1x1xf32>
        %reduce_min3A_389 = vector.extract %reduce_min3A_388[0, 0, 0] : f32 from vector<1x1x1xf32>
        %gt3A_390 = vector.broadcast %bitcast_convert_type3A_226 : f32 to vector<256x1024xf32>
        %gt3A_391 = arith.cmpf ogt, %get3A_250, %gt3A_390 : vector<256x1024xf32>
        %jit3A_392 = arith.constant 0x7F800000 : f32
        %broadcast_in_dim3A_393 = vector.broadcast %jit3A_392 : f32 to vector<256x1024xf32>
        %select_n3A_394 = arith.select %gt3A_391, %get3A_250, %broadcast_in_dim3A_393 : vector<256x1024xi1>, vector<256x1024xf32>
        %reduce_min3A_395 = vector.shape_cast %select_n3A_394 : vector<256x1024xf32> to vector<1x256x1024xf32>
        %reduce_min3A_396 = arith.constant dense<0x7F800000> : vector<1xf32>
        %reduce_min3A_397 = vector.multi_reduction <minimumf>, %reduce_min3A_395, %reduce_min3A_396 [1, 2] : vector<1x256x1024xf32> to vector<1xf32>
        %reduce_min3A_398 = vector.shape_cast %reduce_min3A_397 : vector<1xf32> to vector<1x1x1xf32>
        %reduce_min3A_399 = vector.extract %reduce_min3A_398[0, 0, 0] : f32 from vector<1x1x1xf32>
        %min3A_400 = arith.minimumf %reduce_min3A_329, %reduce_min3A_339 : f32
        %min3A_401 = arith.minimumf %reduce_min3A_349, %reduce_min3A_359 : f32
        %min3A_402 = arith.minimumf %reduce_min3A_369, %reduce_min3A_379 : f32
        %min3A_403 = arith.minimumf %reduce_min3A_389, %reduce_min3A_399 : f32
        %min3A_404 = arith.minimumf %min3A_400, %min3A_401 : f32
        %min3A_405 = arith.minimumf %min3A_402, %min3A_403 : f32
        %min3A_406 = arith.minimumf %min3A_404, %min3A_405 : f32
        %add3A_407 = arith.addi %while3A_205#2, %add3A_321 : i32
        %add3A_408 = arith.constant 2 : i32
        %add3A_409 = arith.addi %cond3A, %add3A_408 : i32
        %ge3A = arith.cmpi sge, %add3A_407, %add3A_409 : i32
        %select_n3A_410 = arith.select %ge3A, %bitcast_convert_type3A_226, %min3A_406 : f32
        scf.yield %bitcast_convert_type3A_226, %select_n3A_410 : f32, f32
      }
      scf.yield %cond3A_225#0, %cond3A_225#1 : f32, f32
    }
    %swap3A_212 = arith.constant 0 : index
    %swap3A_213 = memref.load %arg5[%swap3A_212] : memref<1xf32, #tpu.memory_space<smem>>
    memref.store %cond3A_211#0, %arg5[%swap3A_212] : memref<1xf32, #tpu.memory_space<smem>>
    %add3A_214 = arith.addf %cond3A_211#0, %cond3A_211#1 : f32
    %mul3A_215 = arith.constant 5.000000e-01 : f32
    %mul3A_216 = arith.mulf %add3A_214, %mul3A_215 : f32
    %swap3A_217 = arith.index_cast %arg0 : i32 to index
    %swap3A_218 = memref.load %arg3[%swap3A_217] : memref<8xf32, #tpu.memory_space<smem>>
    memref.store %mul3A_216, %arg3[%swap3A_217] : memref<8xf32, #tpu.memory_space<smem>>
    return
  }
  func.func @transform_0(%arg0: i32) -> i32 {
    %c0_i32 = arith.constant 0 : i32
    %c0_i32_0 = arith.constant 0 : i32
    return %c0_i32 : i32
  }
  func.func @transform_1(%arg0: i32) -> (i32, i32, i32) {
    %c0_i32 = arith.constant 0 : i32
    %c0_i32_0 = arith.constant 0 : i32
    %c0_i32_1 = arith.constant 0 : i32
    return %arg0, %c0_i32, %c0_i32_0 : i32, i32, i32
  }
  func.func @transform_2(%arg0: i32) -> i32 {
    %c0_i32 = arith.constant 0 : i32
    %c0_i32_0 = arith.constant 0 : i32
    return %c0_i32 : i32
  }
}

module attributes {stable_mosaic.version = 14 : i64} {
  func.func @_ffn_body(%arg0: i32, %arg1: i32, %arg2: memref<3x8xf32, #tpu.memory_space<smem>>, %arg3: memref<512x1024xf32, #tpu.memory_space<vmem>>, %arg4: memref<512x8xf32, #tpu.memory_space<vmem>>, %arg5: memref<1x1024x1024xf32, #tpu.memory_space<vmem>>, %arg6: memref<1x1024x1024xf32, #tpu.memory_space<vmem>>, %arg7: memref<1x1024x1024xf32, #tpu.memory_space<vmem>>, %arg8: memref<512x1024xf32, #tpu.memory_space<vmem>>) attributes {dimension_semantics = [#tpu.dimension_semantics<arbitrary>, #tpu.dimension_semantics<arbitrary>], iteration_bounds = array<i64: 8, 2>, scalar_prefetch = 0 : i64, scratch_operands = 0 : i64, tpu.core_type = #tpu.core_type<tc>, window_params = [{transform_indices = @transform_0, window_bounds = array<i64: 3, 8>}, {pipeline_mode = #tpu.pipeline_mode<synchronous>, transform_indices = @transform_1, window_bounds = array<i64: 512, 1024>}, {pipeline_mode = #tpu.pipeline_mode<synchronous>, transform_indices = @transform_2, window_bounds = array<i64: 512, 8>}, {transform_indices = @transform_3, window_bounds = array<i64: 1, 1024, 1024>}, {transform_indices = @transform_4, window_bounds = array<i64: 1, 1024, 1024>}, {transform_indices = @transform_5, window_bounds = array<i64: 1, 1024, 1024>}, {pipeline_mode = #tpu.pipeline_mode<synchronous>, transform_indices = @transform_6, window_bounds = array<i64: 512, 1024>}]} {
    %get3A = arith.constant 0 : index
    %get3A_0 = arith.constant 0 : index
    %get3A_1 = vector.load %arg3[%get3A, %get3A_0] : memref<512x1024xf32, #tpu.memory_space<vmem>>, vector<512x1024xf32>
    %get3A_2 = arith.constant 0 : index
    %get3A_3 = arith.index_cast %arg0 : i32 to index
    %get3A_4 = memref.load %arg2[%get3A_2, %get3A_3] : memref<3x8xf32, #tpu.memory_space<smem>>
    %get3A_5 = arith.constant 1 : index
    %get3A_6 = arith.index_cast %arg0 : i32 to index
    %get3A_7 = memref.load %arg2[%get3A_5, %get3A_6] : memref<3x8xf32, #tpu.memory_space<smem>>
    %get3A_8 = arith.constant 2 : index
    %get3A_9 = arith.index_cast %arg0 : i32 to index
    %get3A_10 = memref.load %arg2[%get3A_8, %get3A_9] : memref<3x8xf32, #tpu.memory_space<smem>>
    %get3A_11 = arith.constant 0 : index
    %get3A_12 = arith.constant 0 : index
    %get3A_13 = arith.constant 0 : index
    %get3A_14 = vector.load %arg5[%get3A_11, %get3A_12, %get3A_13] : memref<1x1024x1024xf32, #tpu.memory_space<vmem>>, vector<1x1024x1024xf32>
    %get3A_15 = vector.shape_cast %get3A_14 : vector<1x1024x1024xf32> to vector<1024x1024xf32>
    %gt3A = vector.broadcast %get3A_4 : f32 to vector<1024x1024xf32>
    %gt3A_16 = arith.cmpf ogt, %get3A_15, %gt3A : vector<1024x1024xf32>
    %neg3A = arith.constant 0.000000e+00 : f32
    %neg3A_17 = arith.subf %neg3A, %get3A_4 : f32
    %lt3A = vector.broadcast %neg3A_17 : f32 to vector<1024x1024xf32>
    %lt3A_18 = arith.cmpf olt, %get3A_15, %lt3A : vector<1024x1024xf32>
    %jit3A = arith.constant -1.000000e+00 : f32
    %jit3A_19 = arith.constant 0.000000e+00 : f32
    %broadcast_in_dim3A = vector.broadcast %jit3A : f32 to vector<1024x1024xf32>
    %broadcast_in_dim3A_20 = vector.broadcast %jit3A_19 : f32 to vector<1024x1024xf32>
    %select_n3A = arith.select %lt3A_18, %broadcast_in_dim3A, %broadcast_in_dim3A_20 : vector<1024x1024xi1>, vector<1024x1024xf32>
    %jit3A_21 = arith.constant 1.000000e+00 : f32
    %broadcast_in_dim3A_22 = vector.broadcast %jit3A_21 : f32 to vector<1024x1024xf32>
    %select_n3A_23 = arith.select %gt3A_16, %broadcast_in_dim3A_22, %select_n3A : vector<1024x1024xi1>, vector<1024x1024xf32>
    %get3A_24 = arith.constant 0 : index
    %get3A_25 = arith.constant 0 : index
    %get3A_26 = arith.constant 0 : index
    %get3A_27 = vector.load %arg6[%get3A_24, %get3A_25, %get3A_26] : memref<1x1024x1024xf32, #tpu.memory_space<vmem>>, vector<1x1024x1024xf32>
    %get3A_28 = vector.shape_cast %get3A_27 : vector<1x1024x1024xf32> to vector<1024x1024xf32>
    %gt3A_29 = vector.broadcast %get3A_7 : f32 to vector<1024x1024xf32>
    %gt3A_30 = arith.cmpf ogt, %get3A_28, %gt3A_29 : vector<1024x1024xf32>
    %neg3A_31 = arith.constant 0.000000e+00 : f32
    %neg3A_32 = arith.subf %neg3A_31, %get3A_7 : f32
    %lt3A_33 = vector.broadcast %neg3A_32 : f32 to vector<1024x1024xf32>
    %lt3A_34 = arith.cmpf olt, %get3A_28, %lt3A_33 : vector<1024x1024xf32>
    %jit3A_35 = arith.constant -1.000000e+00 : f32
    %jit3A_36 = arith.constant 0.000000e+00 : f32
    %broadcast_in_dim3A_37 = vector.broadcast %jit3A_35 : f32 to vector<1024x1024xf32>
    %broadcast_in_dim3A_38 = vector.broadcast %jit3A_36 : f32 to vector<1024x1024xf32>
    %select_n3A_39 = arith.select %lt3A_34, %broadcast_in_dim3A_37, %broadcast_in_dim3A_38 : vector<1024x1024xi1>, vector<1024x1024xf32>
    %jit3A_40 = arith.constant 1.000000e+00 : f32
    %broadcast_in_dim3A_41 = vector.broadcast %jit3A_40 : f32 to vector<1024x1024xf32>
    %select_n3A_42 = arith.select %gt3A_30, %broadcast_in_dim3A_41, %select_n3A_39 : vector<1024x1024xi1>, vector<1024x1024xf32>
    %get3A_43 = arith.constant 0 : index
    %get3A_44 = arith.constant 0 : index
    %get3A_45 = arith.constant 0 : index
    %get3A_46 = vector.load %arg7[%get3A_43, %get3A_44, %get3A_45] : memref<1x1024x1024xf32, #tpu.memory_space<vmem>>, vector<1x1024x1024xf32>
    %get3A_47 = vector.shape_cast %get3A_46 : vector<1x1024x1024xf32> to vector<1024x1024xf32>
    %gt3A_48 = vector.broadcast %get3A_10 : f32 to vector<1024x1024xf32>
    %gt3A_49 = arith.cmpf ogt, %get3A_47, %gt3A_48 : vector<1024x1024xf32>
    %neg3A_50 = arith.constant 0.000000e+00 : f32
    %neg3A_51 = arith.subf %neg3A_50, %get3A_10 : f32
    %lt3A_52 = vector.broadcast %neg3A_51 : f32 to vector<1024x1024xf32>
    %lt3A_53 = arith.cmpf olt, %get3A_47, %lt3A_52 : vector<1024x1024xf32>
    %jit3A_54 = arith.constant -1.000000e+00 : f32
    %jit3A_55 = arith.constant 0.000000e+00 : f32
    %broadcast_in_dim3A_56 = vector.broadcast %jit3A_54 : f32 to vector<1024x1024xf32>
    %broadcast_in_dim3A_57 = vector.broadcast %jit3A_55 : f32 to vector<1024x1024xf32>
    %select_n3A_58 = arith.select %lt3A_53, %broadcast_in_dim3A_56, %broadcast_in_dim3A_57 : vector<1024x1024xi1>, vector<1024x1024xf32>
    %jit3A_59 = arith.constant 1.000000e+00 : f32
    %broadcast_in_dim3A_60 = vector.broadcast %jit3A_59 : f32 to vector<1024x1024xf32>
    %select_n3A_61 = arith.select %gt3A_49, %broadcast_in_dim3A_60, %select_n3A_58 : vector<1024x1024xi1>, vector<1024x1024xf32>
    %dot_general3A = arith.constant dense<0.000000e+00> : vector<512x1024xf32>
    %dot_general3A_62 = tpu.matmul %get3A_1, %select_n3A_23, %dot_general3A {dimension_numbers = #tpu.dot_dimension_numbers<[1], [1], [0], [0], [0, 0, 1, 0], [], []>, transpose_lhs_hint = false} : vector<512x1024xf32>, vector<1024x1024xf32>, vector<512x1024xf32> -> vector<512x1024xf32>
    %dot_general3A_63 = arith.constant dense<0.000000e+00> : vector<512x1024xf32>
    %dot_general3A_64 = tpu.matmul %get3A_1, %select_n3A_42, %dot_general3A_63 {dimension_numbers = #tpu.dot_dimension_numbers<[1], [1], [0], [0], [0, 0, 1, 0], [], []>, transpose_lhs_hint = false} : vector<512x1024xf32>, vector<1024x1024xf32>, vector<512x1024xf32> -> vector<512x1024xf32>
    %logistic3A = arith.negf %dot_general3A_62 : vector<512x1024xf32>
    %logistic3A_65 = math.exp %logistic3A : vector<512x1024xf32>
    %logistic3A_66 = arith.constant 1.000000e+00 : f32
    %logistic3A_67 = vector.broadcast %logistic3A_66 : f32 to vector<512x1024xf32>
    %logistic3A_68 = arith.addf %logistic3A_67, %logistic3A_65 : vector<512x1024xf32>
    %logistic3A_69 = arith.divf %logistic3A_67, %logistic3A_68 : vector<512x1024xf32>
    %mul3A = arith.mulf %dot_general3A_62, %logistic3A_69 : vector<512x1024xf32>
    %mul3A_70 = arith.mulf %mul3A, %dot_general3A_64 : vector<512x1024xf32>
    %dot_general3A_71 = arith.constant dense<0.000000e+00> : vector<512x1024xf32>
    %dot_general3A_72 = tpu.matmul %mul3A_70, %select_n3A_61, %dot_general3A_71 {dimension_numbers = #tpu.dot_dimension_numbers<[1], [1], [0], [0], [0, 0, 1, 0], [], []>, transpose_lhs_hint = false} : vector<512x1024xf32>, vector<1024x1024xf32>, vector<512x1024xf32> -> vector<512x1024xf32>
    %iota3A = tpu.iota {dimensions = array<i32: 1>} : vector<512x8xi32>
    %eq3A = vector.broadcast %arg0 : i32 to vector<512x8xi32>
    %eq3A_73 = arith.cmpi eq, %iota3A, %eq3A : vector<512x8xi32>
    %get3A_74 = arith.constant 0 : index
    %get3A_75 = arith.constant 0 : index
    %get3A_76 = vector.load %arg4[%get3A_74, %get3A_75] : memref<512x8xf32, #tpu.memory_space<vmem>>, vector<512x8xf32>
    %jit3A_77 = arith.constant 0.000000e+00 : f32
    %broadcast_in_dim3A_78 = vector.broadcast %jit3A_77 : f32 to vector<512x8xf32>
    %select_n3A_79 = arith.select %eq3A_73, %get3A_76, %broadcast_in_dim3A_78 : vector<512x8xi1>, vector<512x8xf32>
    %reduce_sum3A = arith.constant dense<0.000000e+00> : vector<512xf32>
    %reduce_sum3A_80 = vector.multi_reduction <add>, %select_n3A_79, %reduce_sum3A [1] : vector<512x8xf32> to vector<512xf32>
    %broadcast_in_dim3A_81 = vector.shape_cast %reduce_sum3A_80 : vector<512xf32> to vector<512x1xf32>
    %eq3A_82 = arith.constant 0 : i32
    %eq3A_83 = arith.cmpi eq, %arg0, %eq3A_82 : i32
    %eq3A_84 = arith.constant 0 : i32
    %eq3A_85 = arith.cmpi eq, %arg1, %eq3A_84 : i32
    %and3A = arith.andi %eq3A_83, %eq3A_85 : i1
    %convert_element_type3A = arith.extui %and3A : i1 to i32
    %cond3A = arith.constant 0 : i32
    %cond3A_86 = arith.cmpi ne, %convert_element_type3A, %cond3A : i32
    scf.if %cond3A_86 {
      %broadcast_in_dim3A_94 = arith.constant 0.000000e+00 : f32
      %broadcast_in_dim3A_95 = vector.broadcast %broadcast_in_dim3A_94 : f32 to vector<512x1024xf32>
      %swap3A_96 = arith.constant 0 : index
      %swap3A_97 = arith.constant 0 : index
      %swap3A_98 = vector.load %arg8[%swap3A_96, %swap3A_97] : memref<512x1024xf32, #tpu.memory_space<vmem>>, vector<512x1024xf32>
      tpu.vector_store %arg8[%swap3A_96, %swap3A_97], %broadcast_in_dim3A_95 {strides = array<i32>} : memref<512x1024xf32, #tpu.memory_space<vmem>>, vector<512x1024xf32>,
    } else {
    }
    %get3A_87 = arith.constant 0 : index
    %get3A_88 = arith.constant 0 : index
    %get3A_89 = vector.load %arg8[%get3A_87, %get3A_88] : memref<512x1024xf32, #tpu.memory_space<vmem>>, vector<512x1024xf32>
    %mul3A_90 = vector.broadcast %broadcast_in_dim3A_81 : vector<512x1xf32> to vector<512x1024xf32>
    %mul3A_91 = arith.mulf %dot_general3A_72, %mul3A_90 : vector<512x1024xf32>
    %add3A = arith.addf %get3A_89, %mul3A_91 : vector<512x1024xf32>
    %swap3A = arith.constant 0 : index
    %swap3A_92 = arith.constant 0 : index
    %swap3A_93 = vector.load %arg8[%swap3A, %swap3A_92] : memref<512x1024xf32, #tpu.memory_space<vmem>>, vector<512x1024xf32>
    tpu.vector_store %arg8[%swap3A, %swap3A_92], %add3A {strides = array<i32>} : memref<512x1024xf32, #tpu.memory_space<vmem>>, vector<512x1024xf32>,
    return
  }
  func.func @transform_0(%arg0: i32, %arg1: i32) -> (i32, i32) {
    %c0_i32 = arith.constant 0 : i32
    %c0_i32_0 = arith.constant 0 : i32
    %c0_i32_1 = arith.constant 0 : i32
    return %c0_i32, %c0_i32_0 : i32, i32
  }
  func.func @transform_1(%arg0: i32, %arg1: i32) -> (i32, i32) {
    %c0_i32 = arith.constant 0 : i32
    %c0_i32_0 = arith.constant 0 : i32
    %c0_i32_1 = arith.constant 0 : i32
    return %c0_i32, %c0_i32_0 : i32, i32
  }
  func.func @transform_2(%arg0: i32, %arg1: i32) -> (i32, i32) {
    %c0_i32 = arith.constant 0 : i32
    %c0_i32_0 = arith.constant 0 : i32
    %c0_i32_1 = arith.constant 0 : i32
    return %c0_i32, %c0_i32_0 : i32, i32
  }
  func.func @transform_3(%arg0: i32, %arg1: i32) -> (i32, i32, i32) {
    %c0_i32 = arith.constant 0 : i32
    %c0_i32_0 = arith.constant 0 : i32
    return %arg0, %arg1, %c0_i32 : i32, i32, i32
  }
  func.func @transform_4(%arg0: i32, %arg1: i32) -> (i32, i32, i32) {
    %c0_i32 = arith.constant 0 : i32
    %c0_i32_0 = arith.constant 0 : i32
    return %arg0, %arg1, %c0_i32 : i32, i32, i32
  }
  func.func @transform_5(%arg0: i32, %arg1: i32) -> (i32, i32, i32) {
    %c0_i32 = arith.constant 0 : i32
    %c0_i32_0 = arith.constant 0 : i32
    return %arg0, %c0_i32, %arg1 : i32, i32, i32
  }
  func.func @transform_6(%arg0: i32, %arg1: i32) -> (i32, i32) {
    %c0_i32 = arith.constant 0 : i32
    %c0_i32_0 = arith.constant 0 : i32
    %c0_i32_1 = arith.constant 0 : i32
    return %c0_i32, %c0_i32_0 : i32, i32
  }
}

</mosaic_0001>

<sc_bundles>
// kernel: kernel.8.cloned.1.call-start
scs
__scs_entry_jumppad:
0x0: {  	(pc) =	sbr.rel $0x88, $3  }
0x1: {  	(tag) =	ssettag $0x0;
	lr =	simm.s32 $0x1  }
0x2: {  	[smem:$0x3F9C] =	sst lr;
	_ =	strace $0xD0000000  }
0x3: {  	_ = 	snop  }
0x4: {  	_ = 	snop  }
0x5: {  	_ = 	snop  }
0x6: {  	_ = 	snop  }
0x7: {  	_ = 	snop  }
__scs_overlays_trampoline_lowered:
0x8: {  	[smem:$0x3FAB] =	sst s0  }
0x9: {  	[smem:$0x3FAC] =	sst s1  }
0xa: {  	[smem:$0x3FAD] =	sst s2  }
0xb: {  	[smem:$0x3FAE] =	sst s3  }
0xc: {  	[smem:$0x3FAF] =	sst s4  }
0xd: {  	[smem:$0x3FB0] =	sst s5  }
0xe: {  	[smem:$0x3FB1] =	sst s6  }
0xf: {  	[smem:$0x3FB2] =	sst s7  }
0x10: {  	[smem:$0x3FB3] =	sst s8  }
0x11: {  	[smem:$0x3FB4] =	sst s9;
	s0 =	simm.s32 @!p0 $0x0  }
0x12: {  	s1 =	sld [smem:$0x3F9A];
	s0 =	simm.s32 @p0 $0x1  }
0x13: {  	[smem:$0x3FB5] =	sst s0;
	s0 =	simm.s32 @!p1 $0x0  }
0x14: {  	s2 =	sld [smem:$0x3F99];
	s0 =	simm.s32 @p1 $0x1  }
0x15: {  	[smem:$0x3FB6] =	sst s0;
	s0 =	simm.s32 @!p2 $0x0  }
0x16: {  	s3 =	sld [smem:$0x3FDB];
	s0 =	simm.s32 @p2 $0x1  }
0x17: {  	s4 =	simm.s32 $0x1BF5;
	[smem:$0x3FB8] =	sst s0  }
0x18: {  	s0 =	sld [smem:$0x3F9B];
	_ =	swait.ge [sflag:s4], $0x0  }
0x19: {  	s7 =	sld [smem:$0x3F9C]  }
0x1a: {  	s8 =	sadd.s32 $0xFFFFE003, lr  }
0x1b: {  	s9 =	sadd.s32 $0xFFFFFEF7, lr;
	s5 =	simm.s32 $0xFFFFFFFF;
	p2 =	slt.u32 s8, $0xFFFFF086  }
0x1c: {  	p1 =	slt.u32 s9, $0xF7A;
	s5 =	simm.s32 @!p2 $0x0  }
0x1d: {  	s5 =	simm.s32 @p1 $0x1;
	p0 =	seq.s32 s7, s2  }
0x1e: {  	s7 =	smul.u32 @!p0 $0xF7A, s2;
	p2 =	seq.s32 @!p0 s5, $0x0  }
0x1f: {  	s9 =	smul.u32 $0xF7A, s1;
	s8 =	simm.s32 @!p0 $0x1BF5;
	p2 =	por !p2, p0  }
0x20: {  	[sflag:s8] =	ssyncset.s32 @!p0 $0xFFFFF086;
	s6 =	sadd.s32 @!p0 s3, s7;
	s7 =	simm.s32 @!p0 $0x108  }
0x21: {  	s3 =	sadd.s32 s3, s9;
	s6 =	sadd.s32 @!p0 $0x88, s6;
	s7 =	simm.s32 @p2 $0x1082  }
0x22: {  	[simem:s7], [sflag:s8] =	dma.local @!p0 [hbm:s6], $0xF7A  }
0x23: {  	s9 =	sor.u32 $0xD0000000, s2;
	s6 =	simm.s32 $0x108;
	_ =	swait.ge @!p0 [sflag:s8], $0x0  }
0x24: {  	s3 =	sadd.s32 $0x88, s3;
	s6 =	simm.s32 @!p1 $0x1082;
	[sflag:s4] =	ssyncset.s32 $0xFFFFF086  }
0x25: {  	[simem:s6], [sflag:s4] =	dma.local [hbm:s3], $0xF7A  }
0x26: {  	[smem:$0x3F9C] =	sst s1;
	(tag) =	ssettag s2;
	_ =	strace s9  }
0x27: {  	s1 =	sld [smem:$0x3FAC]  }
0x28: {  	s2 =	sld [smem:$0x3FAD]  }
0x29: {  	s4 =	sld [smem:$0x3FAF]  }
0x2a: {  	p0 =	seq.s32 s5, $0x0;
	s5 =	sld [smem:$0x3FB0]  }
0x2b: {  	s6 =	sld [smem:$0x3FB1]  }
0x2c: {  	s7 =	sld [smem:$0x3FB2]  }
0x2d: {  	s3 =	simm.s32 $0x108;
	s8 =	sld [smem:$0x3FB3]  }
0x2e: {  	s3 =	simm.s32 @!p0 $0x1082;
	s9 =	sld [smem:$0x3FB4]  }
0x2f: {  	lr =	sadd.s32 s0, s3;
	s0 =	sld [smem:$0x3FAB]  }
0x30: {  	s3 =	sld [smem:$0x3FAE]  }
0x31: {  	[smem:$0x3FB7] =	sst s10  }
0x32: {  	s10 =	sld [smem:$0x3FB5];
	_ =	sdelay $0x3  }
0x33: {  	p0 =	seq.s32 s10, $0x1;
	s10 =	sld [smem:$0x3FB7];
	_ =	sdelay $0x3  }
0x34: {  	[smem:$0x3FB7] =	sst s10  }
0x35: {  	s10 =	sld [smem:$0x3FB6];
	_ =	sdelay $0x3  }
0x36: {  	p1 =	seq.s32 s10, $0x1;
	s10 =	sld [smem:$0x3FB7];
	_ =	sdelay $0x3  }
0x37: {  	[smem:$0x3FB7] =	sst s10  }
0x38: {  	s10 =	sld [smem:$0x3FB8]  }
0x39: {  	_ = 	snop;
	(pc) =	sbr.ind lr, $3  }
0x3a: {  	_ = 	snop  }
0x3b: {  	_ = 	snop  }
0x3c: {  	p2 =	seq.s32 s10, $0x1;
	s10 =	sld [smem:$0x3FB7]  }
0x3d: {  	_ =	shalt  }
0x3e: {  	_ =	shalt  }
0x3f: {  	_ =	shalt  }
0x40: {  	_ =	shalt  }
0x41: {  	_ =	shalt  }
0x42: {  	_ =	shalt  }
0x43: {  	_ =	shalt  }
0x44: {  	_ =	shalt  }
0x45: {  	_ =	shalt  }
0x46: {  	_ =	shalt  }
0x47: {  	_ =	shalt  }
0x48: {  	_ =	shalt  }
0x49: {  	_ =	shalt  }
0x4a: {  	_ =	shalt  }
0x4b: {  	_ =	shalt  }
0x4c: {  	_ =	shalt  }
0x4d: {  	_ =	shalt  }
0x4e: {  	_ =	shalt  }
0x4f: {  	_ =	shalt  }
0x50: {  	_ =	shalt  }
0x51: {  	_ =	shalt  }
0x52: {  	_ =	shalt  }
0x53: {  	_ =	shalt  }
0x54: {  	_ =	shalt  }
0x55: {  	_ =	shalt  }
0x56: {  	_ =	shalt  }
0x57: {  	_ =	shalt  }
0x58: {  	_ =	shalt  }
0x59: {  	_ =	shalt  }
0x5a: {  	_ =	shalt  }
0x5b: {  	_ =	shalt  }
0x5c: {  	_ =	shalt  }
0x5d: {  	_ =	shalt  }
0x5e: {  	_ =	shalt  }
0x5f: {  	_ =	shalt  }
0x60: {  	_ =	shalt  }
0x61: {  	_ =	shalt  }
0x62: {  	_ =	shalt  }
0x63: {  	_ =	shalt  }
0x64: {  	_ =	shalt  }
0x65: {  	_ =	shalt  }
0x66: {  	_ =	shalt  }
0x67: {  	_ =	shalt  }
0x68: {  	_ =	shalt  }
0x69: {  	_ =	shalt  }
0x6a: {  	_ =	shalt  }
0x6b: {  	_ =	shalt  }
0x6c: {  	_ =	shalt  }
0x6d: {  	_ =	shalt  }
0x6e: {  	_ =	shalt  }
0x6f: {  	_ =	shalt  }
0x70: {  	_ =	shalt  }
0x71: {  	_ =	shalt  }
0x72: {  	_ =	shalt  }
0x73: {  	_ =	shalt  }
0x74: {  	_ =	shalt  }
0x75: {  	_ =	shalt  }
0x76: {  	_ =	shalt  }
0x77: {  	_ =	shalt  }
0x78: {  	_ =	shalt  }
0x79: {  	_ =	shalt  }
0x7a: {  	_ =	shalt  }
0x7b: {  	_ =	shalt  }
0x7c: {  	_ =	shalt  }
0x7d: {  	_ =	shalt  }
0x7e: {  	_ =	shalt  }
0x7f: {  	_ =	shalt  }
0x80: {  	_ =	shalt  }
0x81: {  	_ =	shalt  }
0x82: {  	_ =	shalt  }
0x83: {  	_ =	shalt  }
0x84: {  	_ =	shalt  }
0x85: {  	_ =	shalt  }
0x86: {  	_ =	shalt  }
0x87: {  	_ =	shalt  }
.Lfunc_end0:
.L_simem_size_0:
called_computation_lowered:
.L_overlay_start_0:
0x88: {  	s2 =	sld [smem:$0x3FD9]  }
0x89: {  	s3 =	sld [smem:$0x3FFE];
	_ =	sdelay $0x1  }
0x8a: {  	s1 =	srdreg.scid  }
0x8b: {  	s0 =	sand.u32 $0x1, s1  }
0x8c: {  	s17 =	sshll.u32 s0, $0xA;
	s2 =	sadd.s32 s3, s2  }
0x8d: {  	s2 =	sadd.s32 s2, s17  }
0x8e: {  	[smem:$0x3FC3] =	sst s2  }
0x8f: {  	_ = 	snop  }
0x90: {  	s2 =	sld [smem:$0x3FD0];
	(tm) =	ssettm $0x1  }
0x91: {  	s18 =	sld [smem:$0x3FFB];
	_ =	sdelay $0x3  }
0x92: {  	_ =	strace s18  }
0x93: {  	s3 =	sld [smem:$0x3FFC];
	_ =	sdelay $0x3  }
0x94: {  	_ =	strace s3  }
0x95: {  	s3 =	sld [smem:$0x3FFD];
	_ =	sdelay $0x3  }
0x96: {  	_ =	strace s3  }
0x97: {  	_ =	strace $0x8FFFFFFF  }
0x98: {  	s19 =	sld [smem:$0x3FDB];
	_ =	sdelay $0x1  }
0x99: {  	s4 =	simm.s32 $_scs_section_size  }
0x9a: {  	s5 =	simm.s32 $_size__tile_overlayer_lowered;
	s6 =	simm.s32 $_tile_overlayer_lowered  }
0x9b: {  	s22 =	simm.s32 $0x1BFF;
	s21 =	sshll.u32 s6, $0x1;
	s3 =	sadd.s32 s4, s19  }
0x9c: {  	s7 =	simm.s32 $0x0;
	s20 =	sshll.u32 s5, $0x1;
	s5 =	sadd.s32 s21, s3  }
0x9d: {  	[timem:s7], [sflag:s22] =	dma.local [hbm:s5], s20  }
0x9e: {  	_ =	swait.ge [sflag:s22], s20  }
0x9f: {  	s4 =	ssub.s32 $0x0, s20;
	[sflag:s22] =	ssyncset.done $0x0  }
0xa0: {  	[sflag:s22] =	ssyncadd.s32 s4;
	_ =	sdelay $0x1  }
0xa1: {  	s23 =	simm.s32 $0x1B8B  }
0xa2: {  	_ =	swait.ge [sflag:s23], $0x1  }
0xa3: {  	[sflag:s23] =	ssyncset.done $0x0  }
0xa4: {  	s25 =	simm.s32 $0x1B8E;
	s24 =	sld [smem:$0x3FFE];
	[sflag:s23] =	ssyncadd.s32 $0xFFFFFFFF  }
0xa5: {  	s26 =	simm.s32 $execute0_lowered;
	[smem:$0x3FD2] =	sst s25  }
0xa6: {  	s5 =	sshll.u32 s26, $0x1;
	_ =	strace $0x80000046;
	[dreg:$0x1] =	wrdreg $0xFFFFFFFF  }
0xa7: {  	s28 =	simm.s32 $_size_execute0_lowered;
	s3 =	sadd.s32 s3, s5;
	[dreg:$0x0] =	wrdreg $0x0  }
0xa8: {  	s5 =	sshll.u32 s28, $0x1;
	[dreg:$0x2] =	wrdreg s3  }
0xa9: {  	[dreg:$0x3] =	wrdreg s5  }
0xaa: {  	[dreg:$0x4] =	wrdreg $0xC0  }
0xab: {  	_ =	task [dreg:s7], $0x5FFFF  }
0xac: {  	[dreg:$0x1] =	wrdreg $0xFFFFFFFF  }
0xad: {  	[dreg:$0x0] =	wrdreg $0x60  }
0xae: {  	[dreg:$0x2] =	wrdreg s2  }
0xaf: {  	[dreg:$0x3] =	wrdreg s24  }
0xb0: {  	[dreg:$0x4] =	wrdreg $0x9  }
0xb1: {  	_ =	task.clear_ibuf [dreg:s7], $0x5FFFF;
	_ =	strace $0x90000046  }
0xb2: {  	s29 =	simm.s32 $0x9;
	_ =	strace $0x80000048  }
0xb3: {  	_ =	swait.ge [sflag:s29], $0x1  }
0xb4: {  	[sflag:s29] =	ssyncadd.s32 $0xFFFFFFFF  }
0xb5: {  	_ =	strace $0x90000048  }
0xb6: {  	_ =	sfence  }
0xb7: {  	s30 =	sld [smem:$0x0];
	_ =	sdelay $0x2  }
0xb8: {  	s31 =	sshll.u32 s1, $0xD;
	s1 =	sshrl.u32 s1, $0x2  }
0xb9: {  	s3 =	sand.u32 $0x4000, s31;
	s1 =	sadd.s32 s1, s30  }
0xba: {  	s0 =	sor.u32 s3, s0;
	s1 =	sshll.u32 s1, $0x11  }
0xbb: {  	s0 =	sor.u32 s1, s0  }
0xbc: {  	s0 =	sadd.s32 $0x8F2B, s0  }
0xbd: {  	[sflag:s0] =	ssyncadd.remote.s32 $0x1  }
0xbe: {  	_ =	sfence.sel $0xFFFF  }
0xbf: {  	[dreg:$0x0] =	wrdreg $0xFFFFFFFF;
	(pc) =	sbr.abs _section_cstart, $3  }
0xc0: {  	[dreg:$0x1] =	wrdreg $0xFFFFFFFF  }
0xc1: {  	_ =	task.clear_ibuf [dreg:s7], $0x2FFFF;
	_ =	strace $0x9FFFFFFF  }
0xc2: {  	(tm) =	ssettm $0x7FFFFFFF  }
0xc3: {  	_ =	shalt  }
tec
execute0_lowered:
.L_overlay_start_1:
0x0: {  	(tag) =	ssettag $0x1  }
0x1: {  	s1 =	srdreg.scid;
	s0 =	stileid.u32  }
0x2: {  	s1 =	sand.u32 $0x1, s1;
	s14 =	sshll.u32 s0, $0x5  }
0x3: {  	s4 =	sshll.u32 s0, $0x8;
	s2 =	sshll.u32 s1, $0x4;
	s3 =	sand.u32 $0x60, s14  }
0x4: {  	s9 =	sand.u32 $0xC00, s4;
	s12 =	sor.u32 s2, s3  }
0x5: {  	s13 =	rddreg [dreg:$0x0];
	s3 =	sor.u32 s9, s12  }
0x6: {  	s15 =	rddreg [dreg:$0x1];
	s2 =	simm.s32 $0x0;
	s16 =	sshrl.u32 s3, $0x3  }
0x7: {  	[smem:$0x7FF] =	sst s2;
	s3 =	sadd.s32 s13, s16;
	s17 =	sor.u32 $0x10, s16  }
0x8: {  	_ =	strace $0x80000047;
	[dreg:$0x3] =	wrdreg s3;
	s10 =	sadd.s32 s13, s17  }
0x9: {  	s18 =	sor.u32 $0x20, s16;
	[dreg:$0x4] =	wrdreg s10  }
0xa: {  	s19 =	sor.u32 $0x30, s16;
	s11 =	sadd.s32 s13, s18;
	s20 =	rddreg [dreg:$0x3]  }
0xb: {  	s21 =	sadd.s32 s13, s19;
	[dreg:$0x5] =	wrdreg s11  }
0xc: {  	s3 =	simm.s32 $0x1;
	[dreg:$0x6] =	wrdreg s21  }
0xd: {  	[tilespmem:s2], [sflag:$0x1] =	stream.linear.gather [hbm4b:s20+s2], $0x10, $0x38;
	[tilespmem:$0x800] =	vst v63  }
0xe: {  	_ =	swait.ge [sflag:s3], $0x10  }
0xf: {  	[sflag:s3] =	ssyncset.done $0x0  }
0x10: {  	s4 =	simm.s32 $0x80;
	s5 =	rddreg [dreg:$0x4];
	[sflag:s3] =	ssyncadd.s32 $0xFFFFFFF0  }
0x11: {  	[tilespmem:s4], [sflag:$0x1] =	stream.linear.gather [hbm4b:s5+s2], $0x10, $0x38;
	[tilespmem:$0x800] =	vst v63  }
0x12: {  	_ =	swait.ge [sflag:s3], $0x10  }
0x13: {  	[sflag:s3] =	ssyncset.done $0x0  }
0x14: {  	s5 =	simm.s32 $0x100;
	s6 =	rddreg [dreg:$0x5];
	[sflag:s3] =	ssyncadd.s32 $0xFFFFFFF0  }
0x15: {  	[tilespmem:s5], [sflag:$0x1] =	stream.linear.gather [hbm4b:s6+s2], $0x10, $0x38;
	[tilespmem:$0x800] =	vst v63  }
0x16: {  	_ =	swait.ge [sflag:s3], $0x10  }
0x17: {  	[sflag:s3] =	ssyncset.done $0x0  }
0x18: {  	s6 =	simm.s32 $0x180;
	s7 =	rddreg [dreg:$0x6];
	[sflag:s3] =	ssyncadd.s32 $0xFFFFFFF0  }
0x19: {  	[tilespmem:s6], [sflag:$0x1] =	stream.linear.gather [hbm4b:s7+s2], $0x10, $0x38;
	[tilespmem:$0x800] =	vst v63  }
0x1a: {  	_ =	swait.ge [sflag:s3], $0x10  }
0x1b: {  	s23 =	sor.u32 $0x40, s16;
	[sflag:s3] =	ssyncset.done $0x0  }
0x1c: {  	s8 =	simm.s32 $0x200;
	s7 =	sadd.s32 s13, s23;
	[sflag:s3] =	ssyncadd.s32 $0xFFFFFFF0  }
0x1d: {  	[tilespmem:s8], [sflag:$0x1] =	stream.linear.gather [hbm4b:s7+s2], $0x10, $0x38;
	[tilespmem:$0x800] =	vst v63  }
0x1e: {  	_ =	swait.ge [sflag:s3], $0x10  }
0x1f: {  	s24 =	sor.u32 $0x50, s16;
	[sflag:s3] =	ssyncset.done $0x0  }
0x20: {  	s9 =	sadd.s32 s13, s24;
	s10 =	simm.s32 $0x280;
	[sflag:s3] =	ssyncadd.s32 $0xFFFFFFF0  }
0x21: {  	[tilespmem:s10], [sflag:$0x1] =	stream.linear.gather [hbm4b:s9+s2], $0x10, $0x38;
	[tilespmem:$0x800] =	vst v63  }
0x22: {  	s25 =	sor.u32 $0x60, s16;
	_ =	swait.ge [sflag:s3], $0x10  }
0x23: {  	s11 =	sadd.s32 s13, s25;
	[sflag:s3] =	ssyncset.done $0x0  }
0x24: {  	s20 =	sshrl.u32 s12, $0x3;
	s12 =	simm.s32 $0x300;
	[sflag:s3] =	ssyncadd.s32 $0xFFFFFFF0  }
0x25: {  	[tilespmem:s12], [sflag:$0x1] =	stream.linear.gather [hbm4b:s11+s2], $0x10, $0x38;
	[tilespmem:$0x800] =	vst v63  }
0x26: {  	s14 =	sor.u32 s20, s14;
	_ =	swait.ge [sflag:s3], $0x10  }
0x27: {  	s26 =	sor.u32 $0x70, s14;
	[sflag:s3] =	ssyncset.done $0x0  }
0x28: {  	s14 =	simm.s32 $0x380;
	s13 =	sadd.s32 s13, s26;
	[sflag:s3] =	ssyncadd.s32 $0xFFFFFFF0  }
0x29: {  	[tilespmem:s14], [sflag:$0x1] =	stream.linear.gather [hbm4b:s13+s2], $0x10, $0x38;
	[tilespmem:$0x800] =	vst v63  }
0x2a: {  	_ =	swait.ge [sflag:s3], $0x10  }
0x2b: {  	[sflag:s3] =	ssyncset.done $0x0  }
0x2c: {  	[sflag:s3] =	ssyncadd.s32 $0xFFFFFFF0  }
0x2d: {  	v1 =	vld [tilespmem:$0x0]  }
0x2e: {  	v2 =	vld [tilespmem:$0x80]  }
0x2f: {  	v3 =	vld [tilespmem:$0x100]  }
0x30: {  	v4 =	vld [tilespmem:$0x180]  }
0x31: {  	v5 =	vld [tilespmem:$0x200]  }
0x32: {  	v6 =	vld [tilespmem:$0x280]  }
0x33: {  	v7 =	vld [tilespmem:$0x300];
	v0 =	vmax.f32 v1, v2  }
0x34: {  	v8 =	vld [tilespmem:$0x380];
	v0 =	vmax.f32 v0, v3  }
0x35: {  	v0 =	vmax.f32 v0, v4  }
0x36: {  	v0 =	vmax.f32 v0, v5  }
0x37: {  	v0 =	vmax.f32 v0, v6  }
0x38: {  	v0 =	vmax.f32 v0, v7  }
0x39: {  	v9 =	vmax.f32 v0, v8  }
0x3a: {  	v0 =	vimm.s32 $0x7;
	vm0 =	veq.f32 v7, v9  }
0x3b: {  	v10 =	vsel vm0, $0x6, v0;
	vm0 =	veq.f32 v6, v9  }
0x3c: {  	v10 =	vsel vm0, $0x5, v10;
	vm0 =	veq.f32 v5, v9  }
0x3d: {  	v10 =	vsel vm0, $0x4, v10;
	vm0 =	veq.f32 v4, v9  }
0x3e: {  	vm1 =	veq.f32 v3, v9;
	v10 =	vsel vm0, $0x3, v10  }
0x3f: {  	vm0 =	veq.f32 v2, v9;
	v10 =	vsel vm1, $0x2, v10  }
0x40: {  	vm1 =	vne.f32 v1, v9;
	v10 =	vsel vm0, $0x1, v10  }
0x41: {  	vm0 =	vmand vm1, vm0;
	v10 =	vnsel vm1, $0x0, v10  }
0x42: {  	v1 =	vnsel vm1, $0xFF800000, v1;
	v11 =	vsel vm0, $0xFF800000, v2;
	vm6 =	veq.s32 v10, $0x2  }
0x43: {  	vm5 =	veq.s32 v10, $0x3;
	v2 =	vsel vm6, $0xFF800000, v3;
	v3 =	vmax.f32 v1, v11  }
0x44: {  	vm4 =	veq.s32 v10, $0x4;
	v4 =	vsel vm5, $0xFF800000, v4;
	v3 =	vmax.f32 v3, v2  }
0x45: {  	vm3 =	veq.s32 v10, $0x5;
	v5 =	vsel vm4, $0xFF800000, v5;
	v3 =	vmax.f32 v3, v4  }
0x46: {  	vm2 =	veq.s32 v10, $0x6;
	v6 =	vsel vm3, $0xFF800000, v6;
	v3 =	vmax.f32 v3, v5  }
0x47: {  	v7 =	vsel vm2, $0xFF800000, v7;
	v3 =	vmax.f32 v3, v6  }
0x48: {  	v3 =	vmax.f32 v3, v7  }
0x49: {  	vm7 =	veq.s32 v10, $0x7;
	v8 =	vmax.f32 v3, v8  }
0x4a: {  	v3 =	vsel vm7, v3, v8  }
0x4b: {  	v8 =	vsub.f32 v3, v9;
	_ =	sdelay $0x1  }
0x4c: {  	v8 =	vmul.f32 $1.442695020e+00, v8;
	_ =	sdelay $0x1  }
0x4d: {  	(erf) = vpow2.f32 v8;
	_ =	sdelay $0x2  }
0x4e: {  	s1 =	ssub.s32 $0x2, s1  }
0x4f: {  	s22 =	sshrl.u32 s1, $0x1  }
0x50: {  	s1 =	ssub.s32 s1, s22;
	vm8 =	veq.f32 v7, v3  }
0x51: {  	s28 =	simm.s32 $0x400;
	s29 =	simm.s32 $0x480;
	s1 =	smax.u32 s1, $0x1;
	vm9 =	veq.f32 v6, v3;
	v60 =	vsel vm8, $0x6, v0  }
0x52: {  	s31 =	simm.s32 $0x500;
	s15 =	sadd.s32 $0xC00, s15;
	p0 =	sne.s32 s1, $0x1;
	vm8 =	veq.f32 v5, v3;
	v61 =	vsel vm9, $0x5, v60  }
.Ltmp0:
0x53: {  	s30 =	simm.s32 $0x580;
	s22 =	sadd.s32 s15, s16;
	vm9 =	veq.f32 v4, v3;
	v62 =	vsel vm8, $0x4, v61;
	(pc) =	sbr.rel @!p0 .LBB2_2-.Ltmp0, $4  }
0x54: {  	s1 =	sadd.s32 $0xFFFFFFFF, s1;
	s19 =	sadd.s32 s15, s19;
	s16 =	sadd.s32 s15, s25;
	vm8 =	veq.f32 v2, v3;
	v4 =	vsel vm9, $0x3, v62;
	v2 =	vpop (erf)  }
0x55: {  	s21 =	sadd.s32 s15, s17;
	s17 =	sadd.s32 s15, s24;
	s25 =	simm.s32 $0x600;
	vm9 =	veq.f32 v11, v3;
	v4 =	vsel vm8, $0x2, v4;
	v63 =	vadd.f32 $1.000000000e+00, v2  }
0x56: {  	s24 =	simm.s32 $0x700;
	s20 =	sadd.s32 s15, s18;
	s18 =	sadd.s32 s15, s23;
	vm8 =	vne.f32 v1, v3;
	v4 =	vsel vm9, $0x1, v4  }
0x57: {  	s15 =	sadd.s32 s15, s26;
	s26 =	simm.s32 $0x680;
	s23 =	simm.s32 $0x780;
	vm9 =	vmand vm8, vm9;
	v1 =	vnsel vm8, $0x0, v4;
	(erf) = vrcp.f32 v63  }
.LBB2_1:
0x58: {  	_ =	sdelay $0x7  }
0x59: {  	v3 =	vpop (erf)  }
0x5a: {  	vm10 =	veq.s32 v1, $0x6;
	vm11 =	veq.s32 v1, $0x5;
	v2 =	vmul.f32 v3, v2  }
0x5b: {  	vm12 =	veq.s32 v1, $0x7;
	vm13 =	veq.s32 v1, $0x2;
	vm14 =	veq.s32 v1, $0x3  }
0x5c: {  	vm15 =	veq.s32 v1, $0x4;
	v1 =	vsel vm8, $0x0, v2;
	v5 =	vnsel vm13, $0x0, v2  }
0x5d: {  	v4 =	vnsel vm9, $0x0, v2;
	v6 =	vnsel vm14, $0x0, v2;
	v5 =	vsel vm6, v3, v5  }
0x5e: {  	v7 =	vnsel vm15, $0x0, v2;
	v56 =	vnsel vm12, $0x0, v2;
	v54 =	vsel vm5, v3, v6;
	[tilespmem:$0x500] =	vst v5  }
0x5f: {  	v57 =	vnsel vm11, $0x0, v2;
	v2 =	vnsel vm10, $0x0, v2;
	v55 =	vsel vm4, v3, v7;
	[tilespmem:$0x580] =	vst v54  }
0x60: {  	v2 =	vsel vm2, v3, v2;
	[tilespmem:$0x600] =	vst v55  }
0x61: {  	v7 =	vsel vm7, v3, v56;
	[tilespmem:$0x700] =	vst v2  }
0x62: {  	v1 =	vsel vm1, v1, v3;
	[tilespmem:$0x780] =	vst v7  }
0x63: {  	v4 =	vsel vm0, v3, v4;
	[tilespmem:$0x400] =	vst v1  }
0x64: {  	v5 =	vsel vm3, v3, v57;
	[tilespmem:$0x480] =	vst v4  }
0x65: {  	[tilespmem:$0x680] =	vst v5  }
0x66: {  	[hbm4b:s22+s2] =	stream.linear.scatter [tilespmem:s28], [sflag:$0x1], $0x10, $0x38;
	[tilespmem:$0x800] =	vst v63  }
0x67: {  	_ =	swait.ge [sflag:s3], $0x10  }
0x68: {  	[sflag:s3] =	ssyncset.done $0x0  }
0x69: {  	[sflag:s3] =	ssyncadd.s32 $0xFFFFFFF0  }
0x6a: {  	[hbm4b:s21+s2] =	stream.linear.scatter [tilespmem:s29], [sflag:$0x1], $0x10, $0x38;
	[tilespmem:$0x800] =	vst v63  }
0x6b: {  	_ =	swait.ge [sflag:s3], $0x10  }
0x6c: {  	[sflag:s3] =	ssyncset.done $0x0  }
0x6d: {  	[sflag:s3] =	ssyncadd.s32 $0xFFFFFFF0  }
0x6e: {  	[hbm4b:s20+s2] =	stream.linear.scatter [tilespmem:s31], [sflag:$0x1], $0x10, $0x38;
	[tilespmem:$0x800] =	vst v63  }
0x6f: {  	_ =	swait.ge [sflag:s3], $0x10  }
0x70: {  	[sflag:s3] =	ssyncset.done $0x0  }
0x71: {  	[sflag:s3] =	ssyncadd.s32 $0xFFFFFFF0  }
0x72: {  	[hbm4b:s19+s2] =	stream.linear.scatter [tilespmem:s30], [sflag:$0x1], $0x10, $0x38;
	[tilespmem:$0x800] =	vst v63  }
0x73: {  	_ =	swait.ge [sflag:s3], $0x10  }
0x74: {  	[sflag:s3] =	ssyncset.done $0x0  }
0x75: {  	[sflag:s3] =	ssyncadd.s32 $0xFFFFFFF0  }
0x76: {  	[hbm4b:s18+s2] =	stream.linear.scatter [tilespmem:s25], [sflag:$0x1], $0x10, $0x38;
	[tilespmem:$0x800] =	vst v63  }
0x77: {  	_ =	swait.ge [sflag:s3], $0x10  }
0x78: {  	[sflag:s3] =	ssyncset.done $0x0  }
0x79: {  	[sflag:s3] =	ssyncadd.s32 $0xFFFFFFF0  }
0x7a: {  	[hbm4b:s17+s2] =	stream.linear.scatter [tilespmem:s26], [sflag:$0x1], $0x10, $0x38;
	[tilespmem:$0x800] =	vst v63  }
0x7b: {  	_ =	swait.ge [sflag:s3], $0x10  }
0x7c: {  	[sflag:s3] =	ssyncset.done $0x0  }
0x7d: {  	[sflag:s3] =	ssyncadd.s32 $0xFFFFFFF0  }
0x7e: {  	[hbm4b:s16+s2] =	stream.linear.scatter [tilespmem:s24], [sflag:$0x1], $0x10, $0x38;
	[tilespmem:$0x800] =	vst v63  }
0x7f: {  	_ =	swait.ge [sflag:s3], $0x10  }
0x80: {  	[sflag:s3] =	ssyncset.done $0x0  }
0x81: {  	[sflag:s3] =	ssyncadd.s32 $0xFFFFFFF0  }
0x82: {  	[hbm4b:s15+s2] =	stream.linear.scatter [tilespmem:s23], [sflag:$0x1], $0x10, $0x38;
	[tilespmem:$0x800] =	vst v63  }
0x83: {  	_ =	swait.ge [sflag:s3], $0x10  }
0x84: {  	[sflag:s3] =	ssyncset.done $0x0  }
0x85: {  	s0 =	rddreg [dreg:$0x3];
	[sflag:s3] =	ssyncadd.s32 $0xFFFFFFF0  }
0x86: {  	[tilespmem:s2], [sflag:$0x1] =	stream.linear.gather [hbm4b:s0+s2], $0x10, $0x38;
	[tilespmem:$0x800] =	vst v63  }
0x87: {  	_ =	swait.ge [sflag:s3], $0x10  }
0x88: {  	[sflag:s3] =	ssyncset.done $0x0  }
0x89: {  	s0 =	rddreg [dreg:$0x4];
	[sflag:s3] =	ssyncadd.s32 $0xFFFFFFF0  }
0x8a: {  	[tilespmem:s4], [sflag:$0x1] =	stream.linear.gather [hbm4b:s0+s2], $0x10, $0x38;
	[tilespmem:$0x800] =	vst v63  }
0x8b: {  	_ =	swait.ge [sflag:s3], $0x10  }
0x8c: {  	[sflag:s3] =	ssyncset.done $0x0  }
0x8d: {  	s0 =	rddreg [dreg:$0x5];
	[sflag:s3] =	ssyncadd.s32 $0xFFFFFFF0  }
0x8e: {  	[tilespmem:s5], [sflag:$0x1] =	stream.linear.gather [hbm4b:s0+s2], $0x10, $0x38;
	[tilespmem:$0x800] =	vst v63  }
0x8f: {  	_ =	swait.ge [sflag:s3], $0x10  }
0x90: {  	[sflag:s3] =	ssyncset.done $0x0  }
0x91: {  	s0 =	rddreg [dreg:$0x6];
	[sflag:s3] =	ssyncadd.s32 $0xFFFFFFF0  }
0x92: {  	[tilespmem:s6], [sflag:$0x1] =	stream.linear.gather [hbm4b:s0+s2], $0x10, $0x38;
	[tilespmem:$0x800] =	vst v63  }
0x93: {  	_ =	swait.ge [sflag:s3], $0x10  }
0x94: {  	[sflag:s3] =	ssyncset.done $0x0  }
0x95: {  	[sflag:s3] =	ssyncadd.s32 $0xFFFFFFF0  }
0x96: {  	[tilespmem:s8], [sflag:$0x1] =	stream.linear.gather [hbm4b:s7+s2], $0x10, $0x38;
	[tilespmem:$0x800] =	vst v63  }
0x97: {  	_ =	swait.ge [sflag:s3], $0x10  }
0x98: {  	[sflag:s3] =	ssyncset.done $0x0  }
0x99: {  	[sflag:s3] =	ssyncadd.s32 $0xFFFFFFF0  }
0x9a: {  	[tilespmem:s10], [sflag:$0x1] =	stream.linear.gather [hbm4b:s9+s2], $0x10, $0x38;
	[tilespmem:$0x800] =	vst v63  }
0x9b: {  	_ =	swait.ge [sflag:s3], $0x10  }
0x9c: {  	[sflag:s3] =	ssyncset.done $0x0  }
0x9d: {  	[sflag:s3] =	ssyncadd.s32 $0xFFFFFFF0  }
0x9e: {  	[tilespmem:s12], [sflag:$0x1] =	stream.linear.gather [hbm4b:s11+s2], $0x10, $0x38;
	[tilespmem:$0x800] =	vst v63  }
0x9f: {  	_ =	swait.ge [sflag:s3], $0x10  }
0xa0: {  	[sflag:s3] =	ssyncset.done $0x0  }
0xa1: {  	[sflag:s3] =	ssyncadd.s32 $0xFFFFFFF0  }
0xa2: {  	[tilespmem:s14], [sflag:$0x1] =	stream.linear.gather [hbm4b:s13+s2], $0x10, $0x38;
	[tilespmem:$0x800] =	vst v63  }
0xa3: {  	_ =	swait.ge [sflag:s3], $0x10  }
0xa4: {  	[sflag:s3] =	ssyncset.done $0x0  }
0xa5: {  	[sflag:s3] =	ssyncadd.s32 $0xFFFFFFF0  }
0xa6: {  	v1 =	vld [tilespmem:$0x0]  }
0xa7: {  	v2 =	vld [tilespmem:$0x80]  }
0xa8: {  	v3 =	vld [tilespmem:$0x100]  }
0xa9: {  	v58 =	vld [tilespmem:$0x180]  }
0xaa: {  	v59 =	vld [tilespmem:$0x200]  }
0xab: {  	v60 =	vld [tilespmem:$0x280]  }
0xac: {  	v61 =	vld [tilespmem:$0x300];
	v8 =	vmax.f32 v1, v2  }
0xad: {  	v9 =	vld [tilespmem:$0x380];
	v8 =	vmax.f32 v8, v3  }
0xae: {  	v8 =	vmax.f32 v8, v58  }
0xaf: {  	v8 =	vmax.f32 v8, v59  }
0xb0: {  	v8 =	vmax.f32 v8, v60  }
0xb1: {  	v8 =	vmax.f32 v8, v61  }
0xb2: {  	v8 =	vmax.f32 v8, v9  }
0xb3: {  	vm0 =	veq.f32 v61, v8  }
0xb4: {  	vm3 =	veq.f32 v60, v8;
	v10 =	vsel vm0, $0x6, v0  }
0xb5: {  	v10 =	vsel vm3, $0x5, v10;
	vm3 =	veq.f32 v59, v8  }
0xb6: {  	v10 =	vsel vm3, $0x4, v10;
	vm3 =	veq.f32 v58, v8  }
0xb7: {  	vm4 =	veq.f32 v3, v8;
	v10 =	vsel vm3, $0x3, v10  }
0xb8: {  	vm2 =	veq.f32 v2, v8;
	v10 =	vsel vm4, $0x2, v10  }
0xb9: {  	vm1 =	vne.f32 v1, v8;
	v10 =	vsel vm2, $0x1, v10  }
0xba: {  	vm0 =	vmand vm1, vm2;
	v10 =	vnsel vm1, $0x0, v10  }
0xbb: {  	v1 =	vnsel vm1, $0xFF800000, v1;
	v2 =	vsel vm0, $0xFF800000, v2;
	vm6 =	veq.s32 v10, $0x2  }
0xbc: {  	v11 =	vmax.f32 v1, v2;
	vm5 =	veq.s32 v10, $0x3;
	v3 =	vsel vm6, $0xFF800000, v3  }
0xbd: {  	vm4 =	veq.s32 v10, $0x4;
	v4 =	vsel vm5, $0xFF800000, v58;
	v11 =	vmax.f32 v11, v3  }
0xbe: {  	vm3 =	veq.s32 v10, $0x5;
	v5 =	vsel vm4, $0xFF800000, v59;
	v11 =	vmax.f32 v11, v4  }
0xbf: {  	vm2 =	veq.s32 v10, $0x6;
	v6 =	vsel vm3, $0xFF800000, v60;
	v11 =	vmax.f32 v11, v5  }
0xc0: {  	v7 =	vsel vm2, $0xFF800000, v61;
	v11 =	vmax.f32 v11, v6  }
0xc1: {  	v11 =	vmax.f32 v11, v7  }
0xc2: {  	vm7 =	veq.s32 v10, $0x7;
	v9 =	vmax.f32 v11, v9  }
0xc3: {  	v9 =	vsel vm7, v11, v9  }
0xc4: {  	vm8 =	veq.f32 v7, v9;
	v62 =	vsub.f32 v9, v8  }
0xc5: {  	vm9 =	veq.f32 v6, v9;
	v7 =	vsel vm8, $0x6, v0  }
0xc6: {  	v63 =	vsel vm9, $0x5, v7;
	vm9 =	veq.f32 v3, v9;
	v3 =	vmul.f32 $1.442695020e+00, v62;
	_ =	sdelay $0x1  }
0xc7: {  	(erf) = vpow2.f32 v3;
	_ =	sdelay $0x1  }
0xc8: {  	vm8 =	veq.f32 v5, v9  }
0xc9: {  	vm10 =	veq.f32 v4, v9;
	v4 =	vsel vm8, $0x4, v63  }
0xca: {  	vm11 =	veq.f32 v2, v9;
	v2 =	vsel vm10, $0x3, v4  }
0xcb: {  	v2 =	vsel vm9, $0x2, v2  }
0xcc: {  	v2 =	vsel vm11, $0x1, v2  }
0xcd: {  	p0 =	sne.s32 s1, $0x1  }
.Ltmp1:
0xce: {  	vm8 =	vne.f32 v1, v9;
	(pc) =	sbr.rel @p0 .LBB2_1-.Ltmp1, $3  }
0xcf: {  	v1 =	vnsel vm8, $0x0, v2;
	v2 =	vpop (erf)  }
0xd0: {  	v3 =	vadd.f32 $1.000000000e+00, v2;
	_ =	sdelay $0x1  }
0xd1: {  	s1 =	sadd.s32 $0xFFFFFFFF, s1;
	vm9 =	vmand vm8, vm11;
	(erf) = vrcp.f32 v3  }
.LBB2_2:
0xd2: {  	_ =	sdelay $0x7  }
0xd3: {  	v0 =	vpop (erf)  }
0xd4: {  	v2 =	vmul.f32 v0, v2  }
0xd5: {  	vm10 =	veq.s32 v1, $0x2  }
0xd6: {  	vm11 =	veq.s32 v1, $0x3;
	v3 =	vnsel vm10, $0x0, v2  }
0xd7: {  	vm12 =	veq.s32 v1, $0x4;
	v4 =	vnsel vm11, $0x0, v2;
	v3 =	vsel vm6, v0, v3  }
0xd8: {  	vm13 =	veq.s32 v1, $0x5;
	v5 =	vnsel vm12, $0x0, v2;
	v54 =	vsel vm5, v0, v4;
	[tilespmem:$0x500] =	vst v3  }
0xd9: {  	vm14 =	veq.s32 v1, $0x6;
	v56 =	vnsel vm13, $0x0, v2;
	v55 =	vsel vm4, v0, v5;
	[tilespmem:$0x580] =	vst v54  }
0xda: {  	vm15 =	veq.s32 v1, $0x7;
	v58 =	vnsel vm14, $0x0, v2;
	v57 =	vsel vm3, v0, v56;
	[tilespmem:$0x600] =	vst v55  }
0xdb: {  	v59 =	vnsel vm15, $0x0, v2;
	v60 =	vsel vm2, v0, v58;
	[tilespmem:$0x680] =	vst v57  }
0xdc: {  	v61 =	vsel vm8, $0x0, v2;
	v4 =	vsel vm7, v0, v59;
	[tilespmem:$0x700] =	vst v60  }
0xdd: {  	v62 =	vnsel vm9, $0x0, v2;
	v63 =	vsel vm1, v61, v0;
	[tilespmem:$0x780] =	vst v4  }
0xde: {  	v0 =	vsel vm0, v0, v62;
	[tilespmem:$0x400] =	vst v63  }
0xdf: {  	[tilespmem:$0x480] =	vst v0  }
0xe0: {  	[hbm4b:s22+s2] =	stream.linear.scatter [tilespmem:s28], [sflag:$0x1], $0x10, $0x38;
	[tilespmem:$0x800] =	vst v63  }
0xe1: {  	_ =	swait.ge [sflag:s3], $0x10  }
0xe2: {  	[sflag:s3] =	ssyncset.done $0x0  }
0xe3: {  	[sflag:s3] =	ssyncadd.s32 $0xFFFFFFF0  }
0xe4: {  	[hbm4b:s21+s2] =	stream.linear.scatter [tilespmem:s29], [sflag:$0x1], $0x10, $0x38;
	[tilespmem:$0x800] =	vst v63  }
0xe5: {  	_ =	swait.ge [sflag:s3], $0x10  }
0xe6: {  	[sflag:s3] =	ssyncset.done $0x0  }
0xe7: {  	[sflag:s3] =	ssyncadd.s32 $0xFFFFFFF0  }
0xe8: {  	[hbm4b:s20+s2] =	stream.linear.scatter [tilespmem:s31], [sflag:$0x1], $0x10, $0x38;
	[tilespmem:$0x800] =	vst v63  }
0xe9: {  	_ =	swait.ge [sflag:s3], $0x10  }
0xea: {  	[sflag:s3] =	ssyncset.done $0x0  }
0xeb: {  	[sflag:s3] =	ssyncadd.s32 $0xFFFFFFF0  }
0xec: {  	[hbm4b:s19+s2] =	stream.linear.scatter [tilespmem:s30], [sflag:$0x1], $0x10, $0x38;
	[tilespmem:$0x800] =	vst v63  }
0xed: {  	_ =	swait.ge [sflag:s3], $0x10  }
0xee: {  	[sflag:s3] =	ssyncset.done $0x0  }
0xef: {  	[sflag:s3] =	ssyncadd.s32 $0xFFFFFFF0  }
0xf0: {  	[hbm4b:s18+s2] =	stream.linear.scatter [tilespmem:s25], [sflag:$0x1], $0x10, $0x38;
	[tilespmem:$0x800] =	vst v63  }
0xf1: {  	_ =	swait.ge [sflag:s3], $0x10  }
0xf2: {  	[sflag:s3] =	ssyncset.done $0x0  }
0xf3: {  	[sflag:s3] =	ssyncadd.s32 $0xFFFFFFF0  }
0xf4: {  	[hbm4b:s17+s2] =	stream.linear.scatter [tilespmem:s26], [sflag:$0x1], $0x10, $0x38;
	[tilespmem:$0x800] =	vst v63  }
0xf5: {  	_ =	swait.ge [sflag:s3], $0x10  }
0xf6: {  	[sflag:s3] =	ssyncset.done $0x0  }
0xf7: {  	[sflag:s3] =	ssyncadd.s32 $0xFFFFFFF0  }
0xf8: {  	[hbm4b:s16+s2] =	stream.linear.scatter [tilespmem:s24], [sflag:$0x1], $0x10, $0x38;
	[tilespmem:$0x800] =	vst v63  }
0xf9: {  	_ =	swait.ge [sflag:s3], $0x10  }
0xfa: {  	[sflag:s3] =	ssyncset.done $0x0  }
0xfb: {  	[sflag:s3] =	ssyncadd.s32 $0xFFFFFFF0  }
0xfc: {  	[hbm4b:s15+s2] =	stream.linear.scatter [tilespmem:s23], [sflag:$0x1], $0x10, $0x38;
	[tilespmem:$0x800] =	vst v63  }
0xfd: {  	_ =	swait.ge [sflag:s3], $0x10  }
0xfe: {  	[sflag:s3] =	ssyncset.done $0x0  }
0xff: {  	[sflag:s3] =	ssyncadd.s32 $0xFFFFFFF0  }
0x100: {  	_ =	sfence.sel $0x180000  }
0x101: {  	[bflag:$0x0] =	sbarrier.arrive $0xFFFF  }
0x102: {  	_ =	strace $0x90000047  }
0x103: {  	s0 =	stileid.u32;
	[bflag:$0x2] =	sbarrier.arrive $0xFFFF  }
0x104: {  	p0 =	sne.s32 s0, $0x0;
	s0 =	rddreg [dreg:$0x2]  }
0x105: {  	s0 =	sadd.s32 @!p0 $0x100000, s0  }
0x106: {  	[sflag:s0] =	ssyncadd.tile.s32 @!p0 $0x1;
	_ =	shalt  }
.Lfunc_end2:
_tile_overlayer_lowered:
.L_overlay_start_2:
0x107: {  	(tag) =	ssettag $0x2  }
0x108: {  	s0 =	rddreg [dreg:$0x0];
	s2 =	stileid.u32  }
0x109: {  	s1 =	rddreg [dreg:$0x1];
	p0 =	sne.s32 s2, $0x0  }
0x10a: {  	s3 =	rddreg [dreg:$0x2];
	[bflag:$0x3] =	sbarrier.arrive $0xFFFF;
	s2 =	simm.s32 @!p0 $0x1C01  }
0x10b: {  	[timem:s3], [sflag:s2] =	dma.local @!p0 [hbm:s0], s1  }
0x10c: {  	s0 =	simm.s32 @!p0 $0x1  }
0x10d: {  	_ =	swait.ge @!p0 [sflag:s0], s1  }
0x10e: {  	s1 =	ssub.s32 @!p0 $0x0, s1;
	[sflag:s0] =	ssyncset.done @!p0 $0x0  }
0x10f: {  	[sflag:s0] =	ssyncadd.s32 @!p0 s1  }
0x110: {  	[bflag:$0x3] =	sbarrier.arrive $0xFFFF  }
0x111: {  	_ =	shalt  }

</sc_bundles>
